<compile_context>
chip_gen: v7x
topology: tpu7x:2x2x1
jax: 0.10.2.dev20260603
libtpu: 0.0.44.dev20260713+nightly
codegen_flags: <defaults>
</compile_context>

<pallas_src>
import functools

import jax
import jax.numpy as jnp
from jax import lax
from jax.experimental import pallas as pl
from jax.experimental.pallas import tpu as pltpu
from jax.experimental.pallas import tpu_sc as plsc

N_NODES = 10000
NP = 10240
D = 128
KD = 128
KS = 128
NW = 32
ROWS_PER_TILE = NP // 16

_MESH = plsc.VectorSubcoreMesh(core_axis_name="c", subcore_axis_name="s")
CORE0_SHARE_NUM, CORE0_SHARE_DEN = 9, 10


def _sc_degree(col2d, w2d, chunks_per_tile):
    nbat = chunks_per_tile // 16

    @functools.partial(
        pl.kernel,
        mesh=_MESH,
        out_type=jax.ShapeDtypeStruct((2, NP), jnp.float32),
        compiler_params=pltpu.CompilerParams(needs_layout_passes=False),
        scratch_types=[
            pltpu.VMEM((8, KD), jnp.int32),
            pltpu.VMEM((8, KD), jnp.float32),
            pltpu.VMEM((8, KD), jnp.int32),
            pltpu.VMEM((8, KD), jnp.float32),
            pltpu.VMEM((ROWS_PER_TILE,), jnp.float32),
            pltpu.MemorySpace.VMEM_SHARED((NP,), jnp.float32),
            pltpu.SemaphoreType.DMA,
            pltpu.SemaphoreType.DMA,
        ],
    )
    def k(col_hbm, w_hbm, degp_hbm, cwA, wwA, cwB, wwB, zb, dacc, semA, semB):
        cid = lax.axis_index("c")
        sid = lax.axis_index("s")
        wid = sid * 2 + cid
        for i in range(ROWS_PER_TILE // 16):
            zb[pl.ds(i * 16, 16)] = jnp.zeros((16,), jnp.float32)
        pltpu.sync_copy(zb, dacc.at[pl.ds(sid * ROWS_PER_TILE, ROWS_PER_TILE)])
        plsc.subcore_barrier()

        def batch(it, carry):
            j0 = wid * chunks_per_tile + it * 16
            pltpu.sync_copy(col_hbm.at[pl.ds(j0, 8)], cwA)
            pltpu.sync_copy(w_hbm.at[pl.ds(j0, 8)], wwA)
            for jj in range(8):
                pltpu.async_copy(wwA.at[jj], dacc.at[cwA.at[jj]], semA, add=True)
            pltpu.sync_copy(col_hbm.at[pl.ds(j0 + 8, 8)], cwB)
            pltpu.sync_copy(w_hbm.at[pl.ds(j0 + 8, 8)], wwB)
            for jj in range(8):
                pltpu.async_copy(wwB.at[jj], dacc.at[cwB.at[jj]], semB, add=True)
            for jj in range(8):
                pltpu.make_async_copy(wwA.at[jj], dacc.at[cwA.at[jj]], semA).wait()
            for jj in range(8):
                pltpu.make_async_copy(wwB.at[jj], dacc.at[cwB.at[jj]], semB).wait()
            return carry

        lax.fori_loop(0, nbat, batch, 0)
        plsc.subcore_barrier()
        pltpu.sync_copy(
            dacc.at[pl.ds(sid * ROWS_PER_TILE, ROWS_PER_TILE)],
            degp_hbm.at[cid, pl.ds(sid * ROWS_PER_TILE, ROWS_PER_TILE)],
        )

    return k(col2d, w2d)


def _sc_scatter(hpp, ed3, cpt0, cpt1):
    NB = 2

    @functools.partial(
        pl.kernel,
        mesh=_MESH,
        out_type=jax.ShapeDtypeStruct((2, NP, D), jnp.float32),
        compiler_params=pltpu.CompilerParams(needs_layout_passes=False),
        scratch_types=(
            [pltpu.VMEM((3, KS), jnp.int32)] * NB
            + [pltpu.VMEM((KS, D), jnp.float32)] * NB
            + [pltpu.MemorySpace.VMEM_SHARED((NP, D), jnp.float32)]
            + [pltpu.SemaphoreType.DMA] * NB
        ),
    )
    def k(hpp_hbm, ed_hbm, sp_hbm, *sc):
        evs, bufs, acc, sems = sc[:NB], sc[NB:2 * NB], sc[2 * NB], sc[2 * NB + 1:]
        cid = lax.axis_index("c")
        sid = lax.axis_index("s")
        is0 = cid == 0
        base = jnp.where(is0, sid * cpt0, 16 * cpt0 + sid * cpt1)
        nit = jnp.where(is0, cpt0, cpt1) // NB
        def zrow(r, c):
            for v in range(D // 16):
                bufs[0][r, pl.ds(v * 16, 16)] = jnp.zeros((16,), jnp.float32)
            return c

        lax.fori_loop(0, KS, zrow, 0)
        for j in range(ROWS_PER_TILE // KS):
            pltpu.sync_copy(bufs[0], acc.at[pl.ds(sid * ROWS_PER_TILE + j * KS, KS)])
        plsc.subcore_barrier()

        def scale(buf, ev):
            def grp(g, c):
                for t in range(8):
                    e = g * 8 + t
                    wsi = plsc.load_gather(ev.at[2], [jnp.full((16,), e, jnp.int32)])
                    ws = plsc.bitcast(wsi, jnp.float32)
                    for v in range(D // 16):
                        buf[e, pl.ds(v * 16, 16)] = buf[e, pl.ds(v * 16, 16)] * ws
                return c

            lax.fori_loop(0, KS // 8, grp, 0)

        for s in range(NB):
            pltpu.sync_copy(ed_hbm.at[base + s], evs[s])
            pltpu.async_copy(hpp_hbm.at[evs[s].at[0]], bufs[s], sems[s])

        def body(it, carry):
            for s in range(NB):
                pltpu.make_async_copy(
                    hpp_hbm.at[evs[s].at[0]], bufs[s], sems[s]).wait()
                scale(bufs[s], evs[s])
                pltpu.sync_copy(bufs[s], acc.at[evs[s].at[1]], add=True)

                @pl.when(it < nit - 1)
                def _():
                    pltpu.sync_copy(ed_hbm.at[base + NB * it + s + NB], evs[s])
                    pltpu.async_copy(hpp_hbm.at[evs[s].at[0]], bufs[s], sems[s])

            return carry

        lax.fori_loop(0, nit, body, 0)
        plsc.subcore_barrier()
        pltpu.sync_copy(
            acc.at[pl.ds(sid * ROWS_PER_TILE, ROWS_PER_TILE)],
            sp_hbm.at[cid, pl.ds(sid * ROWS_PER_TILE, ROWS_PER_TILE)],
        )

    return k(hpp, ed3)


def _tc_linear(xp, W, degp3):
    blk = 2560
    grid = NP // blk

    def body(x_ref, w_ref, d_ref, hp_ref, dis_ref):
        deg = d_ref[0] + d_ref[1] + 1.0
        dis = lax.rsqrt(deg)
        h = lax.dot_general(x_ref[...], w_ref[...],
                            (((1,), (1,)), ((), ())),
                            preferred_element_type=jnp.float32)
        hp_ref[...] = h * dis
        dis_ref[...] = dis

    return pl.pallas_call(
        body,
        grid=(grid,),
        in_specs=[
            pl.BlockSpec((blk, D), lambda i: (i, 0)),
            pl.BlockSpec((D, D), lambda i: (0, 0)),
            pl.BlockSpec((2, blk, 1), lambda i: (0, i, 0)),
        ],
        out_specs=[
            pl.BlockSpec((blk, D), lambda i: (i, 0)),
            pl.BlockSpec((blk, 1), lambda i: (i, 0)),
        ],
        out_shape=[
            jax.ShapeDtypeStruct((NP, D), jnp.float32),
            jax.ShapeDtypeStruct((NP, 1), jnp.float32),
        ],
    )(xp, W, degp3)


def _tc_finish(sp, hp, dis, b2, a2):
    blk = 2560
    grid = NP // blk

    def body(sp_ref, hp_ref, dis_ref, b_ref, a_ref, out_ref):
        s = sp_ref[0] + sp_ref[1] + hp_ref[...]
        o = dis_ref[...] * s + b_ref[...]
        out_ref[...] = jnp.where(o > 0, o, a_ref[...] * o)

    return pl.pallas_call(
        body,
        grid=(grid,),
        in_specs=[
            pl.BlockSpec((2, blk, D), lambda i: (0, i, 0)),
            pl.BlockSpec((blk, D), lambda i: (i, 0)),
            pl.BlockSpec((blk, 1), lambda i: (i, 0)),
            pl.BlockSpec((1, D), lambda i: (0, 0)),
            pl.BlockSpec((1, D), lambda i: (0, 0)),
        ],
        out_specs=pl.BlockSpec((blk, D), lambda i: (i, 0)),
        out_shape=jax.ShapeDtypeStruct((NP, D), jnp.float32),
    )(sp, hp, dis, b2, a2)


def kernel(x, edge_index, edge_weight, W, b, prelu_a):
    n, d = x.shape
    e = edge_index.shape[1]
    cpt_deg = -(-e // (NW * KD))
    cpt_deg += cpt_deg % 2
    e_pad = NW * KD * cpt_deg
    cpt_sc = e_pad // (NW * KS)
    pad = e_pad - e

    row = edge_index[0].astype(jnp.int32)
    col = edge_index[1].astype(jnp.int32)
    w = edge_weight.astype(jnp.float32)
    if pad:
        row = jnp.concatenate([row, jnp.full((pad,), NP - 1, jnp.int32)])
        col = jnp.concatenate([col, jnp.full((pad,), NP - 1, jnp.int32)])
        w = jnp.concatenate([w, jnp.zeros((pad,), jnp.float32)])
    col2d = col.reshape(e_pad // KD, KD)
    w2d = w.reshape(e_pad // KD, KD)
    ed3 = jnp.stack(
        [row.reshape(e_pad // KS, KS), col.reshape(e_pad // KS, KS),
         lax.bitcast_convert_type(w.reshape(e_pad // KS, KS), jnp.int32)],
        axis=1)
    xp = jnp.concatenate([x, jnp.zeros((NP - n, d), x.dtype)])

    cpt0 = 2 * (cpt_sc * CORE0_SHARE_NUM // CORE0_SHARE_DEN)
    cpt1 = 2 * cpt_sc - cpt0

    degp = _sc_degree(col2d, w2d, cpt_deg)
    hp, dis = _tc_linear(xp, W, degp.reshape(2, NP, 1))
    sp = _sc_scatter(hp, ed3, cpt0, cpt1)
    out = _tc_finish(sp, hp, dis, b.reshape(1, d), prelu_a.reshape(1, d))
    return out[:n]

# --- scband reference (transcript-rebuilt; emitter-appended) ---
"""Pipeline reference for scband-poiencoder-1142461301191 (READ-ONLY COPY).

The authoritative reference and input builder live on the scoring server;
editing this copy changes nothing except your own understanding.
"""

import jax, jax.numpy as jnp
import numpy as np

N_NODES = 10000
N_EDGES = 320000
D_IN = 128
D_HID = 128


def setup_inputs(seed: int = 0) -> dict:
    key = jax.random.key(seed)
    k1, k2, k3, k4 = jax.random.split(key, 4)
    x = jax.random.normal(k1, (N_NODES, D_IN), dtype=jnp.float32)
    edge_index = jax.random.randint(k2, (2, N_EDGES), 0, N_NODES, dtype=jnp.int64)
    edge_weight = jax.random.uniform(k3, (N_EDGES,), dtype=jnp.float32)
    # learned params: GCNConv weight (glorot), bias (zeros), PReLU per-channel alpha (0.25)
    limit = jnp.sqrt(6.0 / (D_IN + D_HID))
    W = jax.random.uniform(k4, (D_HID, D_IN), dtype=jnp.float32, minval=-limit, maxval=limit)
    b = jnp.zeros((D_HID,), dtype=jnp.float32)
    prelu_a = jnp.full((D_HID,), 0.25, dtype=jnp.float32)
    return {"x": x, "edge_index": edge_index, "edge_weight": edge_weight, "W": W, "b": b, "prelu_a": prelu_a}


def reference(x, edge_index, edge_weight, W, b, prelu_a):
    N = x.shape[0]
    # add self-loops with weight 1 (PyG GCNConv default, add_self_loops=True)
    loop = jnp.arange(N, dtype=edge_index.dtype)
    row = jnp.concatenate([edge_index[0], loop])
    col = jnp.concatenate([edge_index[1], loop])
    w = jnp.concatenate([edge_weight, jnp.ones((N,), dtype=edge_weight.dtype)])
    # symmetric normalization: deg computed over destination (col)
    deg = jnp.zeros((N,), dtype=x.dtype).at[col].add(w)
    deg_inv_sqrt = jnp.where(deg > 0, jax.lax.rsqrt(jnp.where(deg > 0, deg, 1.0)), 0.0)
    norm = deg_inv_sqrt[row] * w * deg_inv_sqrt[col]
    # linear transform then propagate (gather from src, scatter-add to dst)
    h = x @ W.T
    msg = h[row] * norm[:, None]
    out = jnp.zeros((N, h.shape[1]), dtype=h.dtype).at[col].add(msg)
    out = out + b
    # PReLU with per-channel alpha
    out = jnp.where(out > 0, out, prelu_a * out)
    return out

if __name__ == "__main__":
    import jax
    _d = setup_inputs()
    print(jax.jit(kernel)(*tuple(_d.values())))

</pallas_src>

<mosaic_0001>
#map = affine_map<(d0, d1) -> (0, 0)>
#map1 = affine_map<(d0, d1) -> (0, 0, 0)>
module attributes {stable_mosaic.version = 14 : i64} {
  func.func @k(%arg0: i32, %arg1: i32, %arg2: memref<10240x128xf32, #tpu.memory_space<hbm>>, %arg3: memref<2560x3x128xi32, #tpu.memory_space<hbm>>, %arg4: memref<2x10240x128xf32, #tpu.memory_space<hbm>>, %arg5: memref<3x128xi32, #tpu.memory_space<vmem>>, %arg6: memref<3x128xi32, #tpu.memory_space<vmem>>, %arg7: memref<128x128xf32, #tpu.memory_space<vmem>>, %arg8: memref<128x128xf32, #tpu.memory_space<vmem>>, %arg9: memref<10240x128xf32, #tpu.memory_space<vmem_shared>>, %arg10: memref<!tpu.dma_semaphore, #tpu.memory_space<semaphore_mem>>, %arg11: memref<!tpu.dma_semaphore, #tpu.memory_space<semaphore_mem>>) attributes {dimension_semantics = [#tpu.dimension_semantics<core_parallel>, #tpu.dimension_semantics<subcore_parallel>], iteration_bounds = array<i64: 2, 16>, scalar_prefetch = 0 : i64, scratch_operands = 7 : i64, tpu.core_type = #tpu.core_type<sc_vector_subcore>, window_params = [{transform_indices = #map}, {transform_indices = #map1}, {transform_indices = #map1}]} {
    %eq3A = arith.constant 0 : i32
    %eq3A_0 = arith.cmpi eq, %arg0, %eq3A : i32
    %mul3A = arith.constant 144 : i32
    %mul3A_1 = arith.muli %arg1, %mul3A : i32
    %mul3A_2 = arith.constant 16 : i32
    %mul3A_3 = arith.muli %arg1, %mul3A_2 : i32
    %add3A = arith.constant 2304 : i32
    %add3A_4 = arith.addi %add3A, %mul3A_3 : i32
    %select_n3A = arith.select %eq3A_0, %mul3A_1, %add3A_4 : i32
    %jit3A = arith.constant 144 : i32
    %jit3A_5 = arith.constant 16 : i32
    %select_n3A_6 = arith.select %eq3A_0, %jit3A, %jit3A_5 : i32
    %jit3A_7 = arith.constant 2 : i32
    %div3A = arith.divsi %select_n3A_6, %jit3A_7 : i32
    %sign3A = arith.constant 0 : i32
    %sign3A_8 = arith.cmpi sgt, %select_n3A_6, %sign3A : i32
    %sign3A_9 = arith.extui %sign3A_8 : i1 to i32
    %sign3A_10 = arith.constant 0 : i32
    %sign3A_11 = arith.cmpi slt, %select_n3A_6, %sign3A_10 : i32
    %sign3A_12 = arith.extui %sign3A_11 : i1 to i32
    %sign3A_13 = arith.subi %sign3A_9, %sign3A_12 : i32
    %sign3A_14 = arith.constant 0 : i32
    %sign3A_15 = arith.cmpi sgt, %jit3A_7, %sign3A_14 : i32
    %sign3A_16 = arith.extui %sign3A_15 : i1 to i32
    %sign3A_17 = arith.constant 0 : i32
    %sign3A_18 = arith.cmpi slt, %jit3A_7, %sign3A_17 : i32
    %sign3A_19 = arith.extui %sign3A_18 : i1 to i32
    %sign3A_20 = arith.subi %sign3A_16, %sign3A_19 : i32
    %ne3A = arith.cmpi ne, %sign3A_13, %sign3A_20 : i32
    %rem3A = arith.remsi %select_n3A_6, %jit3A_7 : i32
    %ne3A_21 = arith.constant 0 : i32
    %ne3A_22 = arith.cmpi ne, %rem3A, %ne3A_21 : i32
    %and3A = arith.andi %ne3A, %ne3A_22 : i1
    %sub3A = arith.constant 1 : i32
    %sub3A_23 = arith.subi %div3A, %sub3A : i32
    %select_n3A_24 = arith.select %and3A, %sub3A_23, %div3A : i32
    %scan3A = arith.constant 0 : i32
    %scan3A_25 = arith.constant 0 : i32
    %scan3A_26 = arith.constant 128 : i32
    %scan3A_27 = arith.addi %scan3A_25, %scan3A_26 : i32
    %scan3A_28 = arith.constant 1 : i32
    scf.for %scan3A_81 = %scan3A_25 to %scan3A_27 step %scan3A_28  : i32 {
      %broadcast_in_dim3A = arith.constant 0.000000e+00 : f32
      %broadcast_in_dim3A_82 = vector.broadcast %broadcast_in_dim3A : f32 to vector<16xf32>
      %swap3A = arith.index_cast %scan3A_81 : i32 to index
      %swap3A_83 = arith.constant 0 : index
      %swap3A_84 = tpu.vector_load %arg7[%swap3A, %swap3A_83] {strides = array<i32>} : memref<128x128xf32, #tpu.memory_space<vmem>>, vector<16xf32>,
      tpu.vector_store %arg7[%swap3A, %swap3A_83], %broadcast_in_dim3A_82 {strides = array<i32>} : memref<128x128xf32, #tpu.memory_space<vmem>>, vector<16xf32>,
      %broadcast_in_dim3A_85 = arith.constant 0.000000e+00 : f32
      %broadcast_in_dim3A_86 = vector.broadcast %broadcast_in_dim3A_85 : f32 to vector<16xf32>
      %swap3A_87 = arith.index_cast %scan3A_81 : i32 to index
      %swap3A_88 = arith.constant 16 : index
      %swap3A_89 = tpu.vector_load %arg7[%swap3A_87, %swap3A_88] {strides = array<i32>} : memref<128x128xf32, #tpu.memory_space<vmem>>, vector<16xf32>,
      tpu.vector_store %arg7[%swap3A_87, %swap3A_88], %broadcast_in_dim3A_86 {strides = array<i32>} : memref<128x128xf32, #tpu.memory_space<vmem>>, vector<16xf32>,
      %broadcast_in_dim3A_90 = arith.constant 0.000000e+00 : f32
      %broadcast_in_dim3A_91 = vector.broadcast %broadcast_in_dim3A_90 : f32 to vector<16xf32>
      %swap3A_92 = arith.index_cast %scan3A_81 : i32 to index
      %swap3A_93 = arith.constant 32 : index
      %swap3A_94 = tpu.vector_load %arg7[%swap3A_92, %swap3A_93] {strides = array<i32>} : memref<128x128xf32, #tpu.memory_space<vmem>>, vector<16xf32>,
      tpu.vector_store %arg7[%swap3A_92, %swap3A_93], %broadcast_in_dim3A_91 {strides = array<i32>} : memref<128x128xf32, #tpu.memory_space<vmem>>, vector<16xf32>,
      %broadcast_in_dim3A_95 = arith.constant 0.000000e+00 : f32
      %broadcast_in_dim3A_96 = vector.broadcast %broadcast_in_dim3A_95 : f32 to vector<16xf32>
      %swap3A_97 = arith.index_cast %scan3A_81 : i32 to index
      %swap3A_98 = arith.constant 48 : index
      %swap3A_99 = tpu.vector_load %arg7[%swap3A_97, %swap3A_98] {strides = array<i32>} : memref<128x128xf32, #tpu.memory_space<vmem>>, vector<16xf32>,
      tpu.vector_store %arg7[%swap3A_97, %swap3A_98], %broadcast_in_dim3A_96 {strides = array<i32>} : memref<128x128xf32, #tpu.memory_space<vmem>>, vector<16xf32>,
      %broadcast_in_dim3A_100 = arith.constant 0.000000e+00 : f32
      %broadcast_in_dim3A_101 = vector.broadcast %broadcast_in_dim3A_100 : f32 to vector<16xf32>
      %swap3A_102 = arith.index_cast %scan3A_81 : i32 to index
      %swap3A_103 = arith.constant 64 : index
      %swap3A_104 = tpu.vector_load %arg7[%swap3A_102, %swap3A_103] {strides = array<i32>} : memref<128x128xf32, #tpu.memory_space<vmem>>, vector<16xf32>,
      tpu.vector_store %arg7[%swap3A_102, %swap3A_103], %broadcast_in_dim3A_101 {strides = array<i32>} : memref<128x128xf32, #tpu.memory_space<vmem>>, vector<16xf32>,
      %broadcast_in_dim3A_105 = arith.constant 0.000000e+00 : f32
      %broadcast_in_dim3A_106 = vector.broadcast %broadcast_in_dim3A_105 : f32 to vector<16xf32>
      %swap3A_107 = arith.index_cast %scan3A_81 : i32 to index
      %swap3A_108 = arith.constant 80 : index
      %swap3A_109 = tpu.vector_load %arg7[%swap3A_107, %swap3A_108] {strides = array<i32>} : memref<128x128xf32, #tpu.memory_space<vmem>>, vector<16xf32>,
      tpu.vector_store %arg7[%swap3A_107, %swap3A_108], %broadcast_in_dim3A_106 {strides = array<i32>} : memref<128x128xf32, #tpu.memory_space<vmem>>, vector<16xf32>,
      %broadcast_in_dim3A_110 = arith.constant 0.000000e+00 : f32
      %broadcast_in_dim3A_111 = vector.broadcast %broadcast_in_dim3A_110 : f32 to vector<16xf32>
      %swap3A_112 = arith.index_cast %scan3A_81 : i32 to index
      %swap3A_113 = arith.constant 96 : index
      %swap3A_114 = tpu.vector_load %arg7[%swap3A_112, %swap3A_113] {strides = array<i32>} : memref<128x128xf32, #tpu.memory_space<vmem>>, vector<16xf32>,
      tpu.vector_store %arg7[%swap3A_112, %swap3A_113], %broadcast_in_dim3A_111 {strides = array<i32>} : memref<128x128xf32, #tpu.memory_space<vmem>>, vector<16xf32>,
      %broadcast_in_dim3A_115 = arith.constant 0.000000e+00 : f32
      %broadcast_in_dim3A_116 = vector.broadcast %broadcast_in_dim3A_115 : f32 to vector<16xf32>
      %swap3A_117 = arith.index_cast %scan3A_81 : i32 to index
      %swap3A_118 = arith.constant 112 : index
      %swap3A_119 = tpu.vector_load %arg7[%swap3A_117, %swap3A_118] {strides = array<i32>} : memref<128x128xf32, #tpu.memory_space<vmem>>, vector<16xf32>,
      tpu.vector_store %arg7[%swap3A_117, %swap3A_118], %broadcast_in_dim3A_116 {strides = array<i32>} : memref<128x128xf32, #tpu.memory_space<vmem>>, vector<16xf32>,
    }
    %scan3A_29 = arith.constant 128 : i32
    %mul3A_30 = arith.constant 640 : i32
    %mul3A_31 = arith.muli %arg1, %mul3A_30 : i32
    %add3A_32 = arith.constant 0 : i32
    %add3A_33 = arith.addi %mul3A_31, %add3A_32 : i32
    "tpu.region"() ({
      %run_scoped3A = tpu.sem_alloc : memref<!tpu.dma_semaphore, #tpu.memory_space<semaphore_mem>>
      %dma_start3A_81 = arith.constant 0 : i32
      %dma_start3A_82 = tpu.memref_slice %arg9[%add3A_33, %dma_start3A_81] : memref<10240x128xf32, #tpu.memory_space<vmem_shared>> -> memref<128x128xf32, #tpu.memory_space<vmem_shared>>
      %dma_start3A_83 = arith.constant 0 : i32
      %dma_start3A_84 = tpu.memref_slice %arg9[%add3A_33, %dma_start3A_83] : memref<10240x128xf32, #tpu.memory_space<vmem_shared>> -> memref<128x128xf32, #tpu.memory_space<vmem_shared>>
      tpu.enqueue_dma source(%arg7 : memref<128x128xf32, #tpu.memory_space<vmem>>) target(%dma_start3A_84 : memref<128x128xf32, #tpu.memory_space<vmem_shared>>) target_semaphore(%run_scoped3A : memref<!tpu.dma_semaphore, #tpu.memory_space<semaphore_mem>>)
      %dma_wait3A = arith.constant 0 : i32
      %dma_wait3A_85 = tpu.memref_slice %arg9[%add3A_33, %dma_wait3A] : memref<10240x128xf32, #tpu.memory_space<vmem_shared>> -> memref<128x128xf32, #tpu.memory_space<vmem_shared>>
      %dma_wait3A_86 = arith.constant 0 : i32
      %dma_wait3A_87 = tpu.memref_slice %arg9[%add3A_33, %dma_wait3A_86] : memref<10240x128xf32, #tpu.memory_space<vmem_shared>> -> memref<128x128xf32, #tpu.memory_space<vmem_shared>>
      tpu.wait_dma2 semaphore(%run_scoped3A : memref<!tpu.dma_semaphore, #tpu.memory_space<semaphore_mem>>) src(%arg7 : memref<128x128xf32, #tpu.memory_space<vmem>>) dst(%dma_wait3A_87 : memref<128x128xf32, #tpu.memory_space<vmem_shared>>)
      tpu.yield
    }) : () -> ()
    %mul3A_34 = arith.constant 640 : i32
    %mul3A_35 = arith.muli %arg1, %mul3A_34 : i32
    %add3A_36 = arith.constant 128 : i32
    %add3A_37 = arith.addi %mul3A_35, %add3A_36 : i32
    "tpu.region"() ({
      %run_scoped3A = tpu.sem_alloc : memref<!tpu.dma_semaphore, #tpu.memory_space<semaphore_mem>>
      %dma_start3A_81 = arith.constant 0 : i32
      %dma_start3A_82 = tpu.memref_slice %arg9[%add3A_37, %dma_start3A_81] : memref<10240x128xf32, #tpu.memory_space<vmem_shared>> -> memref<128x128xf32, #tpu.memory_space<vmem_shared>>
      %dma_start3A_83 = arith.constant 0 : i32
      %dma_start3A_84 = tpu.memref_slice %arg9[%add3A_37, %dma_start3A_83] : memref<10240x128xf32, #tpu.memory_space<vmem_shared>> -> memref<128x128xf32, #tpu.memory_space<vmem_shared>>
      tpu.enqueue_dma source(%arg7 : memref<128x128xf32, #tpu.memory_space<vmem>>) target(%dma_start3A_84 : memref<128x128xf32, #tpu.memory_space<vmem_shared>>) target_semaphore(%run_scoped3A : memref<!tpu.dma_semaphore, #tpu.memory_space<semaphore_mem>>)
      %dma_wait3A = arith.constant 0 : i32
      %dma_wait3A_85 = tpu.memref_slice %arg9[%add3A_37, %dma_wait3A] : memref<10240x128xf32, #tpu.memory_space<vmem_shared>> -> memref<128x128xf32, #tpu.memory_space<vmem_shared>>
      %dma_wait3A_86 = arith.constant 0 : i32
      %dma_wait3A_87 = tpu.memref_slice %arg9[%add3A_37, %dma_wait3A_86] : memref<10240x128xf32, #tpu.memory_space<vmem_shared>> -> memref<128x128xf32, #tpu.memory_space<vmem_shared>>
      tpu.wait_dma2 semaphore(%run_scoped3A : memref<!tpu.dma_semaphore, #tpu.memory_space<semaphore_mem>>) src(%arg7 : memref<128x128xf32, #tpu.memory_space<vmem>>) dst(%dma_wait3A_87 : memref<128x128xf32, #tpu.memory_space<vmem_shared>>)
      tpu.yield
    }) : () -> ()
    %mul3A_38 = arith.constant 640 : i32
    %mul3A_39 = arith.muli %arg1, %mul3A_38 : i32
    %add3A_40 = arith.constant 256 : i32
    %add3A_41 = arith.addi %mul3A_39, %add3A_40 : i32
    "tpu.region"() ({
      %run_scoped3A = tpu.sem_alloc : memref<!tpu.dma_semaphore, #tpu.memory_space<semaphore_mem>>
      %dma_start3A_81 = arith.constant 0 : i32
      %dma_start3A_82 = tpu.memref_slice %arg9[%add3A_41, %dma_start3A_81] : memref<10240x128xf32, #tpu.memory_space<vmem_shared>> -> memref<128x128xf32, #tpu.memory_space<vmem_shared>>
      %dma_start3A_83 = arith.constant 0 : i32
      %dma_start3A_84 = tpu.memref_slice %arg9[%add3A_41, %dma_start3A_83] : memref<10240x128xf32, #tpu.memory_space<vmem_shared>> -> memref<128x128xf32, #tpu.memory_space<vmem_shared>>
      tpu.enqueue_dma source(%arg7 : memref<128x128xf32, #tpu.memory_space<vmem>>) target(%dma_start3A_84 : memref<128x128xf32, #tpu.memory_space<vmem_shared>>) target_semaphore(%run_scoped3A : memref<!tpu.dma_semaphore, #tpu.memory_space<semaphore_mem>>)
      %dma_wait3A = arith.constant 0 : i32
      %dma_wait3A_85 = tpu.memref_slice %arg9[%add3A_41, %dma_wait3A] : memref<10240x128xf32, #tpu.memory_space<vmem_shared>> -> memref<128x128xf32, #tpu.memory_space<vmem_shared>>
      %dma_wait3A_86 = arith.constant 0 : i32
      %dma_wait3A_87 = tpu.memref_slice %arg9[%add3A_41, %dma_wait3A_86] : memref<10240x128xf32, #tpu.memory_space<vmem_shared>> -> memref<128x128xf32, #tpu.memory_space<vmem_shared>>
      tpu.wait_dma2 semaphore(%run_scoped3A : memref<!tpu.dma_semaphore, #tpu.memory_space<semaphore_mem>>) src(%arg7 : memref<128x128xf32, #tpu.memory_space<vmem>>) dst(%dma_wait3A_87 : memref<128x128xf32, #tpu.memory_space<vmem_shared>>)
      tpu.yield
    }) : () -> ()
    %mul3A_42 = arith.constant 640 : i32
    %mul3A_43 = arith.muli %arg1, %mul3A_42 : i32
    %add3A_44 = arith.constant 384 : i32
    %add3A_45 = arith.addi %mul3A_43, %add3A_44 : i32
    "tpu.region"() ({
      %run_scoped3A = tpu.sem_alloc : memref<!tpu.dma_semaphore, #tpu.memory_space<semaphore_mem>>
      %dma_start3A_81 = arith.constant 0 : i32
      %dma_start3A_82 = tpu.memref_slice %arg9[%add3A_45, %dma_start3A_81] : memref<10240x128xf32, #tpu.memory_space<vmem_shared>> -> memref<128x128xf32, #tpu.memory_space<vmem_shared>>
      %dma_start3A_83 = arith.constant 0 : i32
      %dma_start3A_84 = tpu.memref_slice %arg9[%add3A_45, %dma_start3A_83] : memref<10240x128xf32, #tpu.memory_space<vmem_shared>> -> memref<128x128xf32, #tpu.memory_space<vmem_shared>>
      tpu.enqueue_dma source(%arg7 : memref<128x128xf32, #tpu.memory_space<vmem>>) target(%dma_start3A_84 : memref<128x128xf32, #tpu.memory_space<vmem_shared>>) target_semaphore(%run_scoped3A : memref<!tpu.dma_semaphore, #tpu.memory_space<semaphore_mem>>)
      %dma_wait3A = arith.constant 0 : i32
      %dma_wait3A_85 = tpu.memref_slice %arg9[%add3A_45, %dma_wait3A] : memref<10240x128xf32, #tpu.memory_space<vmem_shared>> -> memref<128x128xf32, #tpu.memory_space<vmem_shared>>
      %dma_wait3A_86 = arith.constant 0 : i32
      %dma_wait3A_87 = tpu.memref_slice %arg9[%add3A_45, %dma_wait3A_86] : memref<10240x128xf32, #tpu.memory_space<vmem_shared>> -> memref<128x128xf32, #tpu.memory_space<vmem_shared>>
      tpu.wait_dma2 semaphore(%run_scoped3A : memref<!tpu.dma_semaphore, #tpu.memory_space<semaphore_mem>>) src(%arg7 : memref<128x128xf32, #tpu.memory_space<vmem>>) dst(%dma_wait3A_87 : memref<128x128xf32, #tpu.memory_space<vmem_shared>>)
      tpu.yield
    }) : () -> ()
    %mul3A_46 = arith.constant 640 : i32
    %mul3A_47 = arith.muli %arg1, %mul3A_46 : i32
    %add3A_48 = arith.constant 512 : i32
    %add3A_49 = arith.addi %mul3A_47, %add3A_48 : i32
    "tpu.region"() ({
      %run_scoped3A = tpu.sem_alloc : memref<!tpu.dma_semaphore, #tpu.memory_space<semaphore_mem>>
      %dma_start3A_81 = arith.constant 0 : i32
      %dma_start3A_82 = tpu.memref_slice %arg9[%add3A_49, %dma_start3A_81] : memref<10240x128xf32, #tpu.memory_space<vmem_shared>> -> memref<128x128xf32, #tpu.memory_space<vmem_shared>>
      %dma_start3A_83 = arith.constant 0 : i32
      %dma_start3A_84 = tpu.memref_slice %arg9[%add3A_49, %dma_start3A_83] : memref<10240x128xf32, #tpu.memory_space<vmem_shared>> -> memref<128x128xf32, #tpu.memory_space<vmem_shared>>
      tpu.enqueue_dma source(%arg7 : memref<128x128xf32, #tpu.memory_space<vmem>>) target(%dma_start3A_84 : memref<128x128xf32, #tpu.memory_space<vmem_shared>>) target_semaphore(%run_scoped3A : memref<!tpu.dma_semaphore, #tpu.memory_space<semaphore_mem>>)
      %dma_wait3A = arith.constant 0 : i32
      %dma_wait3A_85 = tpu.memref_slice %arg9[%add3A_49, %dma_wait3A] : memref<10240x128xf32, #tpu.memory_space<vmem_shared>> -> memref<128x128xf32, #tpu.memory_space<vmem_shared>>
      %dma_wait3A_86 = arith.constant 0 : i32
      %dma_wait3A_87 = tpu.memref_slice %arg9[%add3A_49, %dma_wait3A_86] : memref<10240x128xf32, #tpu.memory_space<vmem_shared>> -> memref<128x128xf32, #tpu.memory_space<vmem_shared>>
      tpu.wait_dma2 semaphore(%run_scoped3A : memref<!tpu.dma_semaphore, #tpu.memory_space<semaphore_mem>>) src(%arg7 : memref<128x128xf32, #tpu.memory_space<vmem>>) dst(%dma_wait3A_87 : memref<128x128xf32, #tpu.memory_space<vmem_shared>>)
      tpu.yield
    }) : () -> ()
    %barrier3A = arith.constant 0 : index
    tpu.barrier barrier_id(%barrier3A)
    %add3A_50 = arith.constant 0 : i32
    %add3A_51 = arith.addi %select_n3A, %add3A_50 : i32
    "tpu.region"() ({
      %run_scoped3A = tpu.sem_alloc : memref<!tpu.dma_semaphore, #tpu.memory_space<semaphore_mem>>
      %dma_start3A_81 = arith.constant 0 : i32
      %dma_start3A_82 = arith.constant 0 : i32
      %dma_start3A_83 = tpu.memref_slice %arg3[%add3A_51, %dma_start3A_81, %dma_start3A_82] : memref<2560x3x128xi32, #tpu.memory_space<hbm>> -> memref<1x3x128xi32, #tpu.memory_space<hbm>>
      %dma_start3A_84 = tpu.memref_squeeze %dma_start3A_83 : memref<1x3x128xi32, #tpu.memory_space<hbm>> -> memref<3x128xi32, #tpu.memory_space<hbm>>
      %dma_start3A_85 = arith.constant 0 : i32
      %dma_start3A_86 = arith.constant 0 : i32
      %dma_start3A_87 = tpu.memref_slice %arg3[%add3A_51, %dma_start3A_85, %dma_start3A_86] : memref<2560x3x128xi32, #tpu.memory_space<hbm>> -> memref<1x3x128xi32, #tpu.memory_space<hbm>>
      %dma_start3A_88 = tpu.memref_squeeze %dma_start3A_87 : memref<1x3x128xi32, #tpu.memory_space<hbm>> -> memref<3x128xi32, #tpu.memory_space<hbm>>
      tpu.enqueue_dma source(%dma_start3A_88 : memref<3x128xi32, #tpu.memory_space<hbm>>) target(%arg5 : memref<3x128xi32, #tpu.memory_space<vmem>>) target_semaphore(%run_scoped3A : memref<!tpu.dma_semaphore, #tpu.memory_space<semaphore_mem>>)
      %dma_wait3A = arith.constant 0 : i32
      %dma_wait3A_89 = arith.constant 0 : i32
      %dma_wait3A_90 = tpu.memref_slice %arg3[%add3A_51, %dma_wait3A, %dma_wait3A_89] : memref<2560x3x128xi32, #tpu.memory_space<hbm>> -> memref<1x3x128xi32, #tpu.memory_space<hbm>>
      %dma_wait3A_91 = tpu.memref_squeeze %dma_wait3A_90 : memref<1x3x128xi32, #tpu.memory_space<hbm>> -> memref<3x128xi32, #tpu.memory_space<hbm>>
      %dma_wait3A_92 = arith.constant 0 : i32
      %dma_wait3A_93 = arith.constant 0 : i32
      %dma_wait3A_94 = tpu.memref_slice %arg3[%add3A_51, %dma_wait3A_92, %dma_wait3A_93] : memref<2560x3x128xi32, #tpu.memory_space<hbm>> -> memref<1x3x128xi32, #tpu.memory_space<hbm>>
      %dma_wait3A_95 = tpu.memref_squeeze %dma_wait3A_94 : memref<1x3x128xi32, #tpu.memory_space<hbm>> -> memref<3x128xi32, #tpu.memory_space<hbm>>
      tpu.wait_dma2 semaphore(%run_scoped3A : memref<!tpu.dma_semaphore, #tpu.memory_space<semaphore_mem>>) src(%dma_wait3A_95 : memref<3x128xi32, #tpu.memory_space<hbm>>) dst(%arg5 : memref<3x128xi32, #tpu.memory_space<vmem>>)
      tpu.yield
    }) : () -> ()
    %dma_start3A = arith.constant 0 : i32
    %dma_start3A_52 = arith.constant 0 : i32
    %dma_start3A_53 = tpu.memref_slice %arg5[%dma_start3A, %dma_start3A_52] : memref<3x128xi32, #tpu.memory_space<vmem>> -> memref<1x128xi32, #tpu.memory_space<vmem>>
    %dma_start3A_54 = tpu.memref_squeeze %dma_start3A_53 : memref<1x128xi32, #tpu.memory_space<vmem>> -> memref<128xi32, #tpu.memory_space<vmem>>
    %dma_start3A_55 = arith.constant 0 : i32
    %dma_start3A_56 = arith.constant 0 : i32
    %dma_start3A_57 = tpu.memref_slice %arg2[%dma_start3A_55, %dma_start3A_56] : memref<10240x128xf32, #tpu.memory_space<hbm>> -> memref<10240x128xf32, #tpu.memory_space<hbm>>
    tpu.enqueue_indirect_dma source(%dma_start3A_57 : memref<10240x128xf32, #tpu.memory_space<hbm>>) target(%arg7 : memref<128x128xf32, #tpu.memory_space<vmem>>) offsets(%dma_start3A_54 : memref<128xi32, #tpu.memory_space<vmem>>) semaphore(%arg10 : memref<!tpu.dma_semaphore, #tpu.memory_space<semaphore_mem>>)
    %add3A_58 = arith.constant 1 : i32
    %add3A_59 = arith.addi %select_n3A, %add3A_58 : i32
    "tpu.region"() ({
      %run_scoped3A = tpu.sem_alloc : memref<!tpu.dma_semaphore, #tpu.memory_space<semaphore_mem>>
      %dma_start3A_81 = arith.constant 0 : i32
      %dma_start3A_82 = arith.constant 0 : i32
      %dma_start3A_83 = tpu.memref_slice %arg3[%add3A_59, %dma_start3A_81, %dma_start3A_82] : memref<2560x3x128xi32, #tpu.memory_space<hbm>> -> memref<1x3x128xi32, #tpu.memory_space<hbm>>
      %dma_start3A_84 = tpu.memref_squeeze %dma_start3A_83 : memref<1x3x128xi32, #tpu.memory_space<hbm>> -> memref<3x128xi32, #tpu.memory_space<hbm>>
      %dma_start3A_85 = arith.constant 0 : i32
      %dma_start3A_86 = arith.constant 0 : i32
      %dma_start3A_87 = tpu.memref_slice %arg3[%add3A_59, %dma_start3A_85, %dma_start3A_86] : memref<2560x3x128xi32, #tpu.memory_space<hbm>> -> memref<1x3x128xi32, #tpu.memory_space<hbm>>
      %dma_start3A_88 = tpu.memref_squeeze %dma_start3A_87 : memref<1x3x128xi32, #tpu.memory_space<hbm>> -> memref<3x128xi32, #tpu.memory_space<hbm>>
      tpu.enqueue_dma source(%dma_start3A_88 : memref<3x128xi32, #tpu.memory_space<hbm>>) target(%arg6 : memref<3x128xi32, #tpu.memory_space<vmem>>) target_semaphore(%run_scoped3A : memref<!tpu.dma_semaphore, #tpu.memory_space<semaphore_mem>>)
      %dma_wait3A = arith.constant 0 : i32
      %dma_wait3A_89 = arith.constant 0 : i32
      %dma_wait3A_90 = tpu.memref_slice %arg3[%add3A_59, %dma_wait3A, %dma_wait3A_89] : memref<2560x3x128xi32, #tpu.memory_space<hbm>> -> memref<1x3x128xi32, #tpu.memory_space<hbm>>
      %dma_wait3A_91 = tpu.memref_squeeze %dma_wait3A_90 : memref<1x3x128xi32, #tpu.memory_space<hbm>> -> memref<3x128xi32, #tpu.memory_space<hbm>>
      %dma_wait3A_92 = arith.constant 0 : i32
      %dma_wait3A_93 = arith.constant 0 : i32
      %dma_wait3A_94 = tpu.memref_slice %arg3[%add3A_59, %dma_wait3A_92, %dma_wait3A_93] : memref<2560x3x128xi32, #tpu.memory_space<hbm>> -> memref<1x3x128xi32, #tpu.memory_space<hbm>>
      %dma_wait3A_95 = tpu.memref_squeeze %dma_wait3A_94 : memref<1x3x128xi32, #tpu.memory_space<hbm>> -> memref<3x128xi32, #tpu.memory_space<hbm>>
      tpu.wait_dma2 semaphore(%run_scoped3A : memref<!tpu.dma_semaphore, #tpu.memory_space<semaphore_mem>>) src(%dma_wait3A_95 : memref<3x128xi32, #tpu.memory_space<hbm>>) dst(%arg6 : memref<3x128xi32, #tpu.memory_space<vmem>>)
      tpu.yield
    }) : () -> ()
    %dma_start3A_60 = arith.constant 0 : i32
    %dma_start3A_61 = arith.constant 0 : i32
    %dma_start3A_62 = tpu.memref_slice %arg6[%dma_start3A_60, %dma_start3A_61] : memref<3x128xi32, #tpu.memory_space<vmem>> -> memref<1x128xi32, #tpu.memory_space<vmem>>
    %dma_start3A_63 = tpu.memref_squeeze %dma_start3A_62 : memref<1x128xi32, #tpu.memory_space<vmem>> -> memref<128xi32, #tpu.memory_space<vmem>>
    %dma_start3A_64 = arith.constant 0 : i32
    %dma_start3A_65 = arith.constant 0 : i32
    %dma_start3A_66 = tpu.memref_slice %arg2[%dma_start3A_64, %dma_start3A_65] : memref<10240x128xf32, #tpu.memory_space<hbm>> -> memref<10240x128xf32, #tpu.memory_space<hbm>>
    tpu.enqueue_indirect_dma source(%dma_start3A_66 : memref<10240x128xf32, #tpu.memory_space<hbm>>) target(%arg8 : memref<128x128xf32, #tpu.memory_space<vmem>>) offsets(%dma_start3A_63 : memref<128xi32, #tpu.memory_space<vmem>>) semaphore(%arg11 : memref<!tpu.dma_semaphore, #tpu.memory_space<semaphore_mem>>)
    %while3A = arith.constant 0 : i32
    %while3A_67 = arith.constant 0 : i32
    %while3A_68 = arith.subi %select_n3A_24, %while3A_67 : i32
    %while3A_69 = arith.addi %while3A_67, %while3A_68 : i32
    %while3A_70 = arith.constant 1 : i32
    %while3A_71 = arith.divsi %while3A_68, %while3A_70 : i32
    %while3A_72 = arith.muli %while3A_71, %while3A_70 : i32
    %while3A_73 = arith.addi %while3A_67, %while3A_72 : i32
    %while3A_74 = arith.constant 1 : i32
    scf.for %while3A_81 = %while3A_67 to %while3A_73 step %while3A_74  : i32 {
      %dma_wait3A = arith.constant 0 : i32
      %dma_wait3A_82 = arith.constant 0 : i32
      %dma_wait3A_83 = tpu.memref_slice %arg5[%dma_wait3A, %dma_wait3A_82] : memref<3x128xi32, #tpu.memory_space<vmem>> -> memref<1x128xi32, #tpu.memory_space<vmem>>
      %dma_wait3A_84 = tpu.memref_squeeze %dma_wait3A_83 : memref<1x128xi32, #tpu.memory_space<vmem>> -> memref<128xi32, #tpu.memory_space<vmem>>
      %dma_wait3A_85 = arith.constant 0 : i32
      %dma_wait3A_86 = arith.constant 0 : i32
      %dma_wait3A_87 = tpu.memref_slice %arg2[%dma_wait3A_85, %dma_wait3A_86] : memref<10240x128xf32, #tpu.memory_space<hbm>> -> memref<10240x128xf32, #tpu.memory_space<hbm>>
      tpu.wait_indirect_dma semaphore(%arg10 : memref<!tpu.dma_semaphore, #tpu.memory_space<semaphore_mem>>) src(%dma_wait3A_87 : memref<10240x128xf32, #tpu.memory_space<hbm>>) dst(%arg7 : memref<128x128xf32, #tpu.memory_space<vmem>>)
      %scan3A_88 = arith.constant 0 : i32
      %scan3A_89 = arith.constant 0 : i32
      %scan3A_90 = arith.constant 16 : i32
      %scan3A_91 = arith.addi %scan3A_89, %scan3A_90 : i32
      %scan3A_92 = arith.constant 1 : i32
      scf.for %scan3A_117 = %scan3A_89 to %scan3A_91 step %scan3A_92  : i32 {
        %mul3A_118 = arith.constant 8 : i32
        %mul3A_119 = arith.muli %scan3A_117, %mul3A_118 : i32
        %add3A_120 = arith.constant 0 : i32
        %add3A_121 = arith.addi %mul3A_119, %add3A_120 : i32
        %broadcast_in_dim3A = vector.broadcast %add3A_121 : i32 to vector<16xi32>
        %gather3A = arith.constant 2 : i32
        %gather3A_122 = arith.constant 0 : i32
        %gather3A_123 = tpu.memref_slice %arg5[%gather3A, %gather3A_122] : memref<3x128xi32, #tpu.memory_space<vmem>> -> memref<1x128xi32, #tpu.memory_space<vmem>>
        %gather3A_124 = tpu.memref_squeeze %gather3A_123 : memref<1x128xi32, #tpu.memory_space<vmem>> -> memref<128xi32, #tpu.memory_space<vmem>>
        %gather3A_125 = tpu.vector_load_idx %gather3A_124[%broadcast_in_dim3A] : memref<128xi32, #tpu.memory_space<vmem>>[vector<16xi32>], vector<16xi32>,
        %bitcast3A = vector.bitcast %gather3A_125 : vector<16xi32> to vector<16xf32>
        %get3A = arith.index_cast %add3A_121 : i32 to index
        %get3A_126 = arith.constant 0 : index
        %get3A_127 = tpu.vector_load %arg7[%get3A, %get3A_126] {strides = array<i32>} : memref<128x128xf32, #tpu.memory_space<vmem>>, vector<16xf32>,
        %mul3A_128 = arith.mulf %get3A_127, %bitcast3A : vector<16xf32>
        %swap3A = arith.index_cast %add3A_121 : i32 to index
        %swap3A_129 = arith.constant 0 : index
        %swap3A_130 = tpu.vector_load %arg7[%swap3A, %swap3A_129] {strides = array<i32>} : memref<128x128xf32, #tpu.memory_space<vmem>>, vector<16xf32>,
        tpu.vector_store %arg7[%swap3A, %swap3A_129], %mul3A_128 {strides = array<i32>} : memref<128x128xf32, #tpu.memory_space<vmem>>, vector<16xf32>,
        %get3A_131 = arith.index_cast %add3A_121 : i32 to index
        %get3A_132 = arith.constant 16 : index
        %get3A_133 = tpu.vector_load %arg7[%get3A_131, %get3A_132] {strides = array<i32>} : memref<128x128xf32, #tpu.memory_space<vmem>>, vector<16xf32>,
        %mul3A_134 = arith.mulf %get3A_133, %bitcast3A : vector<16xf32>
        %swap3A_135 = arith.index_cast %add3A_121 : i32 to index
        %swap3A_136 = arith.constant 16 : index
        %swap3A_137 = tpu.vector_load %arg7[%swap3A_135, %swap3A_136] {strides = array<i32>} : memref<128x128xf32, #tpu.memory_space<vmem>>, vector<16xf32>,
        tpu.vector_store %arg7[%swap3A_135, %swap3A_136], %mul3A_134 {strides = array<i32>} : memref<128x128xf32, #tpu.memory_space<vmem>>, vector<16xf32>,
        %get3A_138 = arith.index_cast %add3A_121 : i32 to index
        %get3A_139 = arith.constant 32 : index
        %get3A_140 = tpu.vector_load %arg7[%get3A_138, %get3A_139] {strides = array<i32>} : memref<128x128xf32, #tpu.memory_space<vmem>>, vector<16xf32>,
        %mul3A_141 = arith.mulf %get3A_140, %bitcast3A : vector<16xf32>
        %swap3A_142 = arith.index_cast %add3A_121 : i32 to index
        %swap3A_143 = arith.constant 32 : index
        %swap3A_144 = tpu.vector_load %arg7[%swap3A_142, %swap3A_143] {strides = array<i32>} : memref<128x128xf32, #tpu.memory_space<vmem>>, vector<16xf32>,
        tpu.vector_store %arg7[%swap3A_142, %swap3A_143], %mul3A_141 {strides = array<i32>} : memref<128x128xf32, #tpu.memory_space<vmem>>, vector<16xf32>,
        %get3A_145 = arith.index_cast %add3A_121 : i32 to index
        %get3A_146 = arith.constant 48 : index
        %get3A_147 = tpu.vector_load %arg7[%get3A_145, %get3A_146] {strides = array<i32>} : memref<128x128xf32, #tpu.memory_space<vmem>>, vector<16xf32>,
        %mul3A_148 = arith.mulf %get3A_147, %bitcast3A : vector<16xf32>
        %swap3A_149 = arith.index_cast %add3A_121 : i32 to index
        %swap3A_150 = arith.constant 48 : index
        %swap3A_151 = tpu.vector_load %arg7[%swap3A_149, %swap3A_150] {strides = array<i32>} : memref<128x128xf32, #tpu.memory_space<vmem>>, vector<16xf32>,
        tpu.vector_store %arg7[%swap3A_149, %swap3A_150], %mul3A_148 {strides = array<i32>} : memref<128x128xf32, #tpu.memory_space<vmem>>, vector<16xf32>,
        %get3A_152 = arith.index_cast %add3A_121 : i32 to index
        %get3A_153 = arith.constant 64 : index
        %get3A_154 = tpu.vector_load %arg7[%get3A_152, %get3A_153] {strides = array<i32>} : memref<128x128xf32, #tpu.memory_space<vmem>>, vector<16xf32>,
        %mul3A_155 = arith.mulf %get3A_154, %bitcast3A : vector<16xf32>
        %swap3A_156 = arith.index_cast %add3A_121 : i32 to index
        %swap3A_157 = arith.constant 64 : index
        %swap3A_158 = tpu.vector_load %arg7[%swap3A_156, %swap3A_157] {strides = array<i32>} : memref<128x128xf32, #tpu.memory_space<vmem>>, vector<16xf32>,
        tpu.vector_store %arg7[%swap3A_156, %swap3A_157], %mul3A_155 {strides = array<i32>} : memref<128x128xf32, #tpu.memory_space<vmem>>, vector<16xf32>,
        %get3A_159 = arith.index_cast %add3A_121 : i32 to index
        %get3A_160 = arith.constant 80 : index
        %get3A_161 = tpu.vector_load %arg7[%get3A_159, %get3A_160] {strides = array<i32>} : memref<128x128xf32, #tpu.memory_space<vmem>>, vector<16xf32>,
        %mul3A_162 = arith.mulf %get3A_161, %bitcast3A : vector<16xf32>
        %swap3A_163 = arith.index_cast %add3A_121 : i32 to index
        %swap3A_164 = arith.constant 80 : index
        %swap3A_165 = tpu.vector_load %arg7[%swap3A_163, %swap3A_164] {strides = array<i32>} : memref<128x128xf32, #tpu.memory_space<vmem>>, vector<16xf32>,
        tpu.vector_store %arg7[%swap3A_163, %swap3A_164], %mul3A_162 {strides = array<i32>} : memref<128x128xf32, #tpu.memory_space<vmem>>, vector<16xf32>,
        %get3A_166 = arith.index_cast %add3A_121 : i32 to index
        %get3A_167 = arith.constant 96 : index
        %get3A_168 = tpu.vector_load %arg7[%get3A_166, %get3A_167] {strides = array<i32>} : memref<128x128xf32, #tpu.memory_space<vmem>>, vector<16xf32>,
        %mul3A_169 = arith.mulf %get3A_168, %bitcast3A : vector<16xf32>
        %swap3A_170 = arith.index_cast %add3A_121 : i32 to index
        %swap3A_171 = arith.constant 96 : index
        %swap3A_172 = tpu.vector_load %arg7[%swap3A_170, %swap3A_171] {strides = array<i32>} : memref<128x128xf32, #tpu.memory_space<vmem>>, vector<16xf32>,
        tpu.vector_store %arg7[%swap3A_170, %swap3A_171], %mul3A_169 {strides = array<i32>} : memref<128x128xf32, #tpu.memory_space<vmem>>, vector<16xf32>,
        %get3A_173 = arith.index_cast %add3A_121 : i32 to index
        %get3A_174 = arith.constant 112 : index
        %get3A_175 = tpu.vector_load %arg7[%get3A_173, %get3A_174] {strides = array<i32>} : memref<128x128xf32, #tpu.memory_space<vmem>>, vector<16xf32>,
        %mul3A_176 = arith.mulf %get3A_175, %bitcast3A : vector<16xf32>
        %swap3A_177 = arith.index_cast %add3A_121 : i32 to index
        %swap3A_178 = arith.constant 112 : index
        %swap3A_179 = tpu.vector_load %arg7[%swap3A_177, %swap3A_178] {strides = array<i32>} : memref<128x128xf32, #tpu.memory_space<vmem>>, vector<16xf32>,
        tpu.vector_store %arg7[%swap3A_177, %swap3A_178], %mul3A_176 {strides = array<i32>} : memref<128x128xf32, #tpu.memory_space<vmem>>, vector<16xf32>,
        %mul3A_180 = arith.constant 8 : i32
        %mul3A_181 = arith.muli %scan3A_117, %mul3A_180 : i32
        %add3A_182 = arith.constant 1 : i32
        %add3A_183 = arith.addi %mul3A_181, %add3A_182 : i32
        %broadcast_in_dim3A_184 = vector.broadcast %add3A_183 : i32 to vector<16xi32>
        %gather3A_185 = arith.constant 2 : i32
        %gather3A_186 = arith.constant 0 : i32
        %gather3A_187 = tpu.memref_slice %arg5[%gather3A_185, %gather3A_186] : memref<3x128xi32, #tpu.memory_space<vmem>> -> memref<1x128xi32, #tpu.memory_space<vmem>>
        %gather3A_188 = tpu.memref_squeeze %gather3A_187 : memref<1x128xi32, #tpu.memory_space<vmem>> -> memref<128xi32, #tpu.memory_space<vmem>>
        %gather3A_189 = tpu.vector_load_idx %gather3A_188[%broadcast_in_dim3A_184] : memref<128xi32, #tpu.memory_space<vmem>>[vector<16xi32>], vector<16xi32>,
        %bitcast3A_190 = vector.bitcast %gather3A_189 : vector<16xi32> to vector<16xf32>
        %get3A_191 = arith.index_cast %add3A_183 : i32 to index
        %get3A_192 = arith.constant 0 : index
        %get3A_193 = tpu.vector_load %arg7[%get3A_191, %get3A_192] {strides = array<i32>} : memref<128x128xf32, #tpu.memory_space<vmem>>, vector<16xf32>,
        %mul3A_194 = arith.mulf %get3A_193, %bitcast3A_190 : vector<16xf32>
        %swap3A_195 = arith.index_cast %add3A_183 : i32 to index
        %swap3A_196 = arith.constant 0 : index
        %swap3A_197 = tpu.vector_load %arg7[%swap3A_195, %swap3A_196] {strides = array<i32>} : memref<128x128xf32, #tpu.memory_space<vmem>>, vector<16xf32>,
        tpu.vector_store %arg7[%swap3A_195, %swap3A_196], %mul3A_194 {strides = array<i32>} : memref<128x128xf32, #tpu.memory_space<vmem>>, vector<16xf32>,
        %get3A_198 = arith.index_cast %add3A_183 : i32 to index
        %get3A_199 = arith.constant 16 : index
        %get3A_200 = tpu.vector_load %arg7[%get3A_198, %get3A_199] {strides = array<i32>} : memref<128x128xf32, #tpu.memory_space<vmem>>, vector<16xf32>,
        %mul3A_201 = arith.mulf %get3A_200, %bitcast3A_190 : vector<16xf32>
        %swap3A_202 = arith.index_cast %add3A_183 : i32 to index
        %swap3A_203 = arith.constant 16 : index
        %swap3A_204 = tpu.vector_load %arg7[%swap3A_202, %swap3A_203] {strides = array<i32>} : memref<128x128xf32, #tpu.memory_space<vmem>>, vector<16xf32>,
        tpu.vector_store %arg7[%swap3A_202, %swap3A_203], %mul3A_201 {strides = array<i32>} : memref<128x128xf32, #tpu.memory_space<vmem>>, vector<16xf32>,
        %get3A_205 = arith.index_cast %add3A_183 : i32 to index
        %get3A_206 = arith.constant 32 : index
        %get3A_207 = tpu.vector_load %arg7[%get3A_205, %get3A_206] {strides = array<i32>} : memref<128x128xf32, #tpu.memory_space<vmem>>, vector<16xf32>,
        %mul3A_208 = arith.mulf %get3A_207, %bitcast3A_190 : vector<16xf32>
        %swap3A_209 = arith.index_cast %add3A_183 : i32 to index
        %swap3A_210 = arith.constant 32 : index
        %swap3A_211 = tpu.vector_load %arg7[%swap3A_209, %swap3A_210] {strides = array<i32>} : memref<128x128xf32, #tpu.memory_space<vmem>>, vector<16xf32>,
        tpu.vector_store %arg7[%swap3A_209, %swap3A_210], %mul3A_208 {strides = array<i32>} : memref<128x128xf32, #tpu.memory_space<vmem>>, vector<16xf32>,
        %get3A_212 = arith.index_cast %add3A_183 : i32 to index
        %get3A_213 = arith.constant 48 : index
        %get3A_214 = tpu.vector_load %arg7[%get3A_212, %get3A_213] {strides = array<i32>} : memref<128x128xf32, #tpu.memory_space<vmem>>, vector<16xf32>,
        %mul3A_215 = arith.mulf %get3A_214, %bitcast3A_190 : vector<16xf32>
        %swap3A_216 = arith.index_cast %add3A_183 : i32 to index
        %swap3A_217 = arith.constant 48 : index
        %swap3A_218 = tpu.vector_load %arg7[%swap3A_216, %swap3A_217] {strides = array<i32>} : memref<128x128xf32, #tpu.memory_space<vmem>>, vector<16xf32>,
        tpu.vector_store %arg7[%swap3A_216, %swap3A_217], %mul3A_215 {strides = array<i32>} : memref<128x128xf32, #tpu.memory_space<vmem>>, vector<16xf32>,
        %get3A_219 = arith.index_cast %add3A_183 : i32 to index
        %get3A_220 = arith.constant 64 : index
        %get3A_221 = tpu.vector_load %arg7[%get3A_219, %get3A_220] {strides = array<i32>} : memref<128x128xf32, #tpu.memory_space<vmem>>, vector<16xf32>,
        %mul3A_222 = arith.mulf %get3A_221, %bitcast3A_190 : vector<16xf32>
        %swap3A_223 = arith.index_cast %add3A_183 : i32 to index
        %swap3A_224 = arith.constant 64 : index
        %swap3A_225 = tpu.vector_load %arg7[%swap3A_223, %swap3A_224] {strides = array<i32>} : memref<128x128xf32, #tpu.memory_space<vmem>>, vector<16xf32>,
        tpu.vector_store %arg7[%swap3A_223, %swap3A_224], %mul3A_222 {strides = array<i32>} : memref<128x128xf32, #tpu.memory_space<vmem>>, vector<16xf32>,
        %get3A_226 = arith.index_cast %add3A_183 : i32 to index
        %get3A_227 = arith.constant 80 : index
        %get3A_228 = tpu.vector_load %arg7[%get3A_226, %get3A_227] {strides = array<i32>} : memref<128x128xf32, #tpu.memory_space<vmem>>, vector<16xf32>,
        %mul3A_229 = arith.mulf %get3A_228, %bitcast3A_190 : vector<16xf32>
        %swap3A_230 = arith.index_cast %add3A_183 : i32 to index
        %swap3A_231 = arith.constant 80 : index
        %swap3A_232 = tpu.vector_load %arg7[%swap3A_230, %swap3A_231] {strides = array<i32>} : memref<128x128xf32, #tpu.memory_space<vmem>>, vector<16xf32>,
        tpu.vector_store %arg7[%swap3A_230, %swap3A_231], %mul3A_229 {strides = array<i32>} : memref<128x128xf32, #tpu.memory_space<vmem>>, vector<16xf32>,
        %get3A_233 = arith.index_cast %add3A_183 : i32 to index
        %get3A_234 = arith.constant 96 : index
        %get3A_235 = tpu.vector_load %arg7[%get3A_233, %get3A_234] {strides = array<i32>} : memref<128x128xf32, #tpu.memory_space<vmem>>, vector<16xf32>,
        %mul3A_236 = arith.mulf %get3A_235, %bitcast3A_190 : vector<16xf32>
        %swap3A_237 = arith.index_cast %add3A_183 : i32 to index
        %swap3A_238 = arith.constant 96 : index
        %swap3A_239 = tpu.vector_load %arg7[%swap3A_237, %swap3A_238] {strides = array<i32>} : memref<128x128xf32, #tpu.memory_space<vmem>>, vector<16xf32>,
        tpu.vector_store %arg7[%swap3A_237, %swap3A_238], %mul3A_236 {strides = array<i32>} : memref<128x128xf32, #tpu.memory_space<vmem>>, vector<16xf32>,
        %get3A_240 = arith.index_cast %add3A_183 : i32 to index
        %get3A_241 = arith.constant 112 : index
        %get3A_242 = tpu.vector_load %arg7[%get3A_240, %get3A_241] {strides = array<i32>} : memref<128x128xf32, #tpu.memory_space<vmem>>, vector<16xf32>,
        %mul3A_243 = arith.mulf %get3A_242, %bitcast3A_190 : vector<16xf32>
        %swap3A_244 = arith.index_cast %add3A_183 : i32 to index
        %swap3A_245 = arith.constant 112 : index
        %swap3A_246 = tpu.vector_load %arg7[%swap3A_244, %swap3A_245] {strides = array<i32>} : memref<128x128xf32, #tpu.memory_space<vmem>>, vector<16xf32>,
        tpu.vector_store %arg7[%swap3A_244, %swap3A_245], %mul3A_243 {strides = array<i32>} : memref<128x128xf32, #tpu.memory_space<vmem>>, vector<16xf32>,
        %mul3A_247 = arith.constant 8 : i32
        %mul3A_248 = arith.muli %scan3A_117, %mul3A_247 : i32
        %add3A_249 = arith.constant 2 : i32
        %add3A_250 = arith.addi %mul3A_248, %add3A_249 : i32
        %broadcast_in_dim3A_251 = vector.broadcast %add3A_250 : i32 to vector<16xi32>
        %gather3A_252 = arith.constant 2 : i32
        %gather3A_253 = arith.constant 0 : i32
        %gather3A_254 = tpu.memref_slice %arg5[%gather3A_252, %gather3A_253] : memref<3x128xi32, #tpu.memory_space<vmem>> -> memref<1x128xi32, #tpu.memory_space<vmem>>
        %gather3A_255 = tpu.memref_squeeze %gather3A_254 : memref<1x128xi32, #tpu.memory_space<vmem>> -> memref<128xi32, #tpu.memory_space<vmem>>
        %gather3A_256 = tpu.vector_load_idx %gather3A_255[%broadcast_in_dim3A_251] : memref<128xi32, #tpu.memory_space<vmem>>[vector<16xi32>], vector<16xi32>,
        %bitcast3A_257 = vector.bitcast %gather3A_256 : vector<16xi32> to vector<16xf32>
        %get3A_258 = arith.index_cast %add3A_250 : i32 to index
        %get3A_259 = arith.constant 0 : index
        %get3A_260 = tpu.vector_load %arg7[%get3A_258, %get3A_259] {strides = array<i32>} : memref<128x128xf32, #tpu.memory_space<vmem>>, vector<16xf32>,
        %mul3A_261 = arith.mulf %get3A_260, %bitcast3A_257 : vector<16xf32>
        %swap3A_262 = arith.index_cast %add3A_250 : i32 to index
        %swap3A_263 = arith.constant 0 : index
        %swap3A_264 = tpu.vector_load %arg7[%swap3A_262, %swap3A_263] {strides = array<i32>} : memref<128x128xf32, #tpu.memory_space<vmem>>, vector<16xf32>,
        tpu.vector_store %arg7[%swap3A_262, %swap3A_263], %mul3A_261 {strides = array<i32>} : memref<128x128xf32, #tpu.memory_space<vmem>>, vector<16xf32>,
        %get3A_265 = arith.index_cast %add3A_250 : i32 to index
        %get3A_266 = arith.constant 16 : index
        %get3A_267 = tpu.vector_load %arg7[%get3A_265, %get3A_266] {strides = array<i32>} : memref<128x128xf32, #tpu.memory_space<vmem>>, vector<16xf32>,
        %mul3A_268 = arith.mulf %get3A_267, %bitcast3A_257 : vector<16xf32>
        %swap3A_269 = arith.index_cast %add3A_250 : i32 to index
        %swap3A_270 = arith.constant 16 : index
        %swap3A_271 = tpu.vector_load %arg7[%swap3A_269, %swap3A_270] {strides = array<i32>} : memref<128x128xf32, #tpu.memory_space<vmem>>, vector<16xf32>,
        tpu.vector_store %arg7[%swap3A_269, %swap3A_270], %mul3A_268 {strides = array<i32>} : memref<128x128xf32, #tpu.memory_space<vmem>>, vector<16xf32>,
        %get3A_272 = arith.index_cast %add3A_250 : i32 to index
        %get3A_273 = arith.constant 32 : index
        %get3A_274 = tpu.vector_load %arg7[%get3A_272, %get3A_273] {strides = array<i32>} : memref<128x128xf32, #tpu.memory_space<vmem>>, vector<16xf32>,
        %mul3A_275 = arith.mulf %get3A_274, %bitcast3A_257 : vector<16xf32>
        %swap3A_276 = arith.index_cast %add3A_250 : i32 to index
        %swap3A_277 = arith.constant 32 : index
        %swap3A_278 = tpu.vector_load %arg7[%swap3A_276, %swap3A_277] {strides = array<i32>} : memref<128x128xf32, #tpu.memory_space<vmem>>, vector<16xf32>,
        tpu.vector_store %arg7[%swap3A_276, %swap3A_277], %mul3A_275 {strides = array<i32>} : memref<128x128xf32, #tpu.memory_space<vmem>>, vector<16xf32>,
        %get3A_279 = arith.index_cast %add3A_250 : i32 to index
        %get3A_280 = arith.constant 48 : index
        %get3A_281 = tpu.vector_load %arg7[%get3A_279, %get3A_280] {strides = array<i32>} : memref<128x128xf32, #tpu.memory_space<vmem>>, vector<16xf32>,
        %mul3A_282 = arith.mulf %get3A_281, %bitcast3A_257 : vector<16xf32>
        %swap3A_283 = arith.index_cast %add3A_250 : i32 to index
        %swap3A_284 = arith.constant 48 : index
        %swap3A_285 = tpu.vector_load %arg7[%swap3A_283, %swap3A_284] {strides = array<i32>} : memref<128x128xf32, #tpu.memory_space<vmem>>, vector<16xf32>,
        tpu.vector_store %arg7[%swap3A_283, %swap3A_284], %mul3A_282 {strides = array<i32>} : memref<128x128xf32, #tpu.memory_space<vmem>>, vector<16xf32>,
        %get3A_286 = arith.index_cast %add3A_250 : i32 to index
        %get3A_287 = arith.constant 64 : index
        %get3A_288 = tpu.vector_load %arg7[%get3A_286, %get3A_287] {strides = array<i32>} : memref<128x128xf32, #tpu.memory_space<vmem>>, vector<16xf32>,
        %mul3A_289 = arith.mulf %get3A_288, %bitcast3A_257 : vector<16xf32>
        %swap3A_290 = arith.index_cast %add3A_250 : i32 to index
        %swap3A_291 = arith.constant 64 : index
        %swap3A_292 = tpu.vector_load %arg7[%swap3A_290, %swap3A_291] {strides = array<i32>} : memref<128x128xf32, #tpu.memory_space<vmem>>, vector<16xf32>,
        tpu.vector_store %arg7[%swap3A_290, %swap3A_291], %mul3A_289 {strides = array<i32>} : memref<128x128xf32, #tpu.memory_space<vmem>>, vector<16xf32>,
        %get3A_293 = arith.index_cast %add3A_250 : i32 to index
        %get3A_294 = arith.constant 80 : index
        %get3A_295 = tpu.vector_load %arg7[%get3A_293, %get3A_294] {strides = array<i32>} : memref<128x128xf32, #tpu.memory_space<vmem>>, vector<16xf32>,
        %mul3A_296 = arith.mulf %get3A_295, %bitcast3A_257 : vector<16xf32>
        %swap3A_297 = arith.index_cast %add3A_250 : i32 to index
        %swap3A_298 = arith.constant 80 : index
        %swap3A_299 = tpu.vector_load %arg7[%swap3A_297, %swap3A_298] {strides = array<i32>} : memref<128x128xf32, #tpu.memory_space<vmem>>, vector<16xf32>,
        tpu.vector_store %arg7[%swap3A_297, %swap3A_298], %mul3A_296 {strides = array<i32>} : memref<128x128xf32, #tpu.memory_space<vmem>>, vector<16xf32>,
        %get3A_300 = arith.index_cast %add3A_250 : i32 to index
        %get3A_301 = arith.constant 96 : index
        %get3A_302 = tpu.vector_load %arg7[%get3A_300, %get3A_301] {strides = array<i32>} : memref<128x128xf32, #tpu.memory_space<vmem>>, vector<16xf32>,
        %mul3A_303 = arith.mulf %get3A_302, %bitcast3A_257 : vector<16xf32>
        %swap3A_304 = arith.index_cast %add3A_250 : i32 to index
        %swap3A_305 = arith.constant 96 : index
        %swap3A_306 = tpu.vector_load %arg7[%swap3A_304, %swap3A_305] {strides = array<i32>} : memref<128x128xf32, #tpu.memory_space<vmem>>, vector<16xf32>,
        tpu.vector_store %arg7[%swap3A_304, %swap3A_305], %mul3A_303 {strides = array<i32>} : memref<128x128xf32, #tpu.memory_space<vmem>>, vector<16xf32>,
        %get3A_307 = arith.index_cast %add3A_250 : i32 to index
        %get3A_308 = arith.constant 112 : index
        %get3A_309 = tpu.vector_load %arg7[%get3A_307, %get3A_308] {strides = array<i32>} : memref<128x128xf32, #tpu.memory_space<vmem>>, vector<16xf32>,
        %mul3A_310 = arith.mulf %get3A_309, %bitcast3A_257 : vector<16xf32>
        %swap3A_311 = arith.index_cast %add3A_250 : i32 to index
        %swap3A_312 = arith.constant 112 : index
        %swap3A_313 = tpu.vector_load %arg7[%swap3A_311, %swap3A_312] {strides = array<i32>} : memref<128x128xf32, #tpu.memory_space<vmem>>, vector<16xf32>,
        tpu.vector_store %arg7[%swap3A_311, %swap3A_312], %mul3A_310 {strides = array<i32>} : memref<128x128xf32, #tpu.memory_space<vmem>>, vector<16xf32>,
        %mul3A_314 = arith.constant 8 : i32
        %mul3A_315 = arith.muli %scan3A_117, %mul3A_314 : i32
        %add3A_316 = arith.constant 3 : i32
        %add3A_317 = arith.addi %mul3A_315, %add3A_316 : i32
        %broadcast_in_dim3A_318 = vector.broadcast %add3A_317 : i32 to vector<16xi32>
        %gather3A_319 = arith.constant 2 : i32
        %gather3A_320 = arith.constant 0 : i32
        %gather3A_321 = tpu.memref_slice %arg5[%gather3A_319, %gather3A_320] : memref<3x128xi32, #tpu.memory_space<vmem>> -> memref<1x128xi32, #tpu.memory_space<vmem>>
        %gather3A_322 = tpu.memref_squeeze %gather3A_321 : memref<1x128xi32, #tpu.memory_space<vmem>> -> memref<128xi32, #tpu.memory_space<vmem>>
        %gather3A_323 = tpu.vector_load_idx %gather3A_322[%broadcast_in_dim3A_318] : memref<128xi32, #tpu.memory_space<vmem>>[vector<16xi32>], vector<16xi32>,
        %bitcast3A_324 = vector.bitcast %gather3A_323 : vector<16xi32> to vector<16xf32>
        %get3A_325 = arith.index_cast %add3A_317 : i32 to index
        %get3A_326 = arith.constant 0 : index
        %get3A_327 = tpu.vector_load %arg7[%get3A_325, %get3A_326] {strides = array<i32>} : memref<128x128xf32, #tpu.memory_space<vmem>>, vector<16xf32>,
        %mul3A_328 = arith.mulf %get3A_327, %bitcast3A_324 : vector<16xf32>
        %swap3A_329 = arith.index_cast %add3A_317 : i32 to index
        %swap3A_330 = arith.constant 0 : index
        %swap3A_331 = tpu.vector_load %arg7[%swap3A_329, %swap3A_330] {strides = array<i32>} : memref<128x128xf32, #tpu.memory_space<vmem>>, vector<16xf32>,
        tpu.vector_store %arg7[%swap3A_329, %swap3A_330], %mul3A_328 {strides = array<i32>} : memref<128x128xf32, #tpu.memory_space<vmem>>, vector<16xf32>,
        %get3A_332 = arith.index_cast %add3A_317 : i32 to index
        %get3A_333 = arith.constant 16 : index
        %get3A_334 = tpu.vector_load %arg7[%get3A_332, %get3A_333] {strides = array<i32>} : memref<128x128xf32, #tpu.memory_space<vmem>>, vector<16xf32>,
        %mul3A_335 = arith.mulf %get3A_334, %bitcast3A_324 : vector<16xf32>
        %swap3A_336 = arith.index_cast %add3A_317 : i32 to index
        %swap3A_337 = arith.constant 16 : index
        %swap3A_338 = tpu.vector_load %arg7[%swap3A_336, %swap3A_337] {strides = array<i32>} : memref<128x128xf32, #tpu.memory_space<vmem>>, vector<16xf32>,
        tpu.vector_store %arg7[%swap3A_336, %swap3A_337], %mul3A_335 {strides = array<i32>} : memref<128x128xf32, #tpu.memory_space<vmem>>, vector<16xf32>,
        %get3A_339 = arith.index_cast %add3A_317 : i32 to index
        %get3A_340 = arith.constant 32 : index
        %get3A_341 = tpu.vector_load %arg7[%get3A_339, %get3A_340] {strides = array<i32>} : memref<128x128xf32, #tpu.memory_space<vmem>>, vector<16xf32>,
        %mul3A_342 = arith.mulf %get3A_341, %bitcast3A_324 : vector<16xf32>
        %swap3A_343 = arith.index_cast %add3A_317 : i32 to index
        %swap3A_344 = arith.constant 32 : index
        %swap3A_345 = tpu.vector_load %arg7[%swap3A_343, %swap3A_344] {strides = array<i32>} : memref<128x128xf32, #tpu.memory_space<vmem>>, vector<16xf32>,
        tpu.vector_store %arg7[%swap3A_343, %swap3A_344], %mul3A_342 {strides = array<i32>} : memref<128x128xf32, #tpu.memory_space<vmem>>, vector<16xf32>,
        %get3A_346 = arith.index_cast %add3A_317 : i32 to index
        %get3A_347 = arith.constant 48 : index
        %get3A_348 = tpu.vector_load %arg7[%get3A_346, %get3A_347] {strides = array<i32>} : memref<128x128xf32, #tpu.memory_space<vmem>>, vector<16xf32>,
        %mul3A_349 = arith.mulf %get3A_348, %bitcast3A_324 : vector<16xf32>
        %swap3A_350 = arith.index_cast %add3A_317 : i32 to index
        %swap3A_351 = arith.constant 48 : index
        %swap3A_352 = tpu.vector_load %arg7[%swap3A_350, %swap3A_351] {strides = array<i32>} : memref<128x128xf32, #tpu.memory_space<vmem>>, vector<16xf32>,
        tpu.vector_store %arg7[%swap3A_350, %swap3A_351], %mul3A_349 {strides = array<i32>} : memref<128x128xf32, #tpu.memory_space<vmem>>, vector<16xf32>,
        %get3A_353 = arith.index_cast %add3A_317 : i32 to index
        %get3A_354 = arith.constant 64 : index
        %get3A_355 = tpu.vector_load %arg7[%get3A_353, %get3A_354] {strides = array<i32>} : memref<128x128xf32, #tpu.memory_space<vmem>>, vector<16xf32>,
        %mul3A_356 = arith.mulf %get3A_355, %bitcast3A_324 : vector<16xf32>
        %swap3A_357 = arith.index_cast %add3A_317 : i32 to index
        %swap3A_358 = arith.constant 64 : index
        %swap3A_359 = tpu.vector_load %arg7[%swap3A_357, %swap3A_358] {strides = array<i32>} : memref<128x128xf32, #tpu.memory_space<vmem>>, vector<16xf32>,
        tpu.vector_store %arg7[%swap3A_357, %swap3A_358], %mul3A_356 {strides = array<i32>} : memref<128x128xf32, #tpu.memory_space<vmem>>, vector<16xf32>,
        %get3A_360 = arith.index_cast %add3A_317 : i32 to index
        %get3A_361 = arith.constant 80 : index
        %get3A_362 = tpu.vector_load %arg7[%get3A_360, %get3A_361] {strides = array<i32>} : memref<128x128xf32, #tpu.memory_space<vmem>>, vector<16xf32>,
        %mul3A_363 = arith.mulf %get3A_362, %bitcast3A_324 : vector<16xf32>
        %swap3A_364 = arith.index_cast %add3A_317 : i32 to index
        %swap3A_365 = arith.constant 80 : index
        %swap3A_366 = tpu.vector_load %arg7[%swap3A_364, %swap3A_365] {strides = array<i32>} : memref<128x128xf32, #tpu.memory_space<vmem>>, vector<16xf32>,
        tpu.vector_store %arg7[%swap3A_364, %swap3A_365], %mul3A_363 {strides = array<i32>} : memref<128x128xf32, #tpu.memory_space<vmem>>, vector<16xf32>,
        %get3A_367 = arith.index_cast %add3A_317 : i32 to index
        %get3A_368 = arith.constant 96 : index
        %get3A_369 = tpu.vector_load %arg7[%get3A_367, %get3A_368] {strides = array<i32>} : memref<128x128xf32, #tpu.memory_space<vmem>>, vector<16xf32>,
        %mul3A_370 = arith.mulf %get3A_369, %bitcast3A_324 : vector<16xf32>
        %swap3A_371 = arith.index_cast %add3A_317 : i32 to index
        %swap3A_372 = arith.constant 96 : index
        %swap3A_373 = tpu.vector_load %arg7[%swap3A_371, %swap3A_372] {strides = array<i32>} : memref<128x128xf32, #tpu.memory_space<vmem>>, vector<16xf32>,
        tpu.vector_store %arg7[%swap3A_371, %swap3A_372], %mul3A_370 {strides = array<i32>} : memref<128x128xf32, #tpu.memory_space<vmem>>, vector<16xf32>,
        %get3A_374 = arith.index_cast %add3A_317 : i32 to index
        %get3A_375 = arith.constant 112 : index
        %get3A_376 = tpu.vector_load %arg7[%get3A_374, %get3A_375] {strides = array<i32>} : memref<128x128xf32, #tpu.memory_space<vmem>>, vector<16xf32>,
        %mul3A_377 = arith.mulf %get3A_376, %bitcast3A_324 : vector<16xf32>
        %swap3A_378 = arith.index_cast %add3A_317 : i32 to index
        %swap3A_379 = arith.constant 112 : index
        %swap3A_380 = tpu.vector_load %arg7[%swap3A_378, %swap3A_379] {strides = array<i32>} : memref<128x128xf32, #tpu.memory_space<vmem>>, vector<16xf32>,
        tpu.vector_store %arg7[%swap3A_378, %swap3A_379], %mul3A_377 {strides = array<i32>} : memref<128x128xf32, #tpu.memory_space<vmem>>, vector<16xf32>,
        %mul3A_381 = arith.constant 8 : i32
        %mul3A_382 = arith.muli %scan3A_117, %mul3A_381 : i32
        %add3A_383 = arith.constant 4 : i32
        %add3A_384 = arith.addi %mul3A_382, %add3A_383 : i32
        %broadcast_in_dim3A_385 = vector.broadcast %add3A_384 : i32 to vector<16xi32>
        %gather3A_386 = arith.constant 2 : i32
        %gather3A_387 = arith.constant 0 : i32
        %gather3A_388 = tpu.memref_slice %arg5[%gather3A_386, %gather3A_387] : memref<3x128xi32, #tpu.memory_space<vmem>> -> memref<1x128xi32, #tpu.memory_space<vmem>>
        %gather3A_389 = tpu.memref_squeeze %gather3A_388 : memref<1x128xi32, #tpu.memory_space<vmem>> -> memref<128xi32, #tpu.memory_space<vmem>>
        %gather3A_390 = tpu.vector_load_idx %gather3A_389[%broadcast_in_dim3A_385] : memref<128xi32, #tpu.memory_space<vmem>>[vector<16xi32>], vector<16xi32>,
        %bitcast3A_391 = vector.bitcast %gather3A_390 : vector<16xi32> to vector<16xf32>
        %get3A_392 = arith.index_cast %add3A_384 : i32 to index
        %get3A_393 = arith.constant 0 : index
        %get3A_394 = tpu.vector_load %arg7[%get3A_392, %get3A_393] {strides = array<i32>} : memref<128x128xf32, #tpu.memory_space<vmem>>, vector<16xf32>,
        %mul3A_395 = arith.mulf %get3A_394, %bitcast3A_391 : vector<16xf32>
        %swap3A_396 = arith.index_cast %add3A_384 : i32 to index
        %swap3A_397 = arith.constant 0 : index
        %swap3A_398 = tpu.vector_load %arg7[%swap3A_396, %swap3A_397] {strides = array<i32>} : memref<128x128xf32, #tpu.memory_space<vmem>>, vector<16xf32>,
        tpu.vector_store %arg7[%swap3A_396, %swap3A_397], %mul3A_395 {strides = array<i32>} : memref<128x128xf32, #tpu.memory_space<vmem>>, vector<16xf32>,
        %get3A_399 = arith.index_cast %add3A_384 : i32 to index
        %get3A_400 = arith.constant 16 : index
        %get3A_401 = tpu.vector_load %arg7[%get3A_399, %get3A_400] {strides = array<i32>} : memref<128x128xf32, #tpu.memory_space<vmem>>, vector<16xf32>,
        %mul3A_402 = arith.mulf %get3A_401, %bitcast3A_391 : vector<16xf32>
        %swap3A_403 = arith.index_cast %add3A_384 : i32 to index
        %swap3A_404 = arith.constant 16 : index
        %swap3A_405 = tpu.vector_load %arg7[%swap3A_403, %swap3A_404] {strides = array<i32>} : memref<128x128xf32, #tpu.memory_space<vmem>>, vector<16xf32>,
        tpu.vector_store %arg7[%swap3A_403, %swap3A_404], %mul3A_402 {strides = array<i32>} : memref<128x128xf32, #tpu.memory_space<vmem>>, vector<16xf32>,
        %get3A_406 = arith.index_cast %add3A_384 : i32 to index
        %get3A_407 = arith.constant 32 : index
        %get3A_408 = tpu.vector_load %arg7[%get3A_406, %get3A_407] {strides = array<i32>} : memref<128x128xf32, #tpu.memory_space<vmem>>, vector<16xf32>,
        %mul3A_409 = arith.mulf %get3A_408, %bitcast3A_391 : vector<16xf32>
        %swap3A_410 = arith.index_cast %add3A_384 : i32 to index
        %swap3A_411 = arith.constant 32 : index
        %swap3A_412 = tpu.vector_load %arg7[%swap3A_410, %swap3A_411] {strides = array<i32>} : memref<128x128xf32, #tpu.memory_space<vmem>>, vector<16xf32>,
        tpu.vector_store %arg7[%swap3A_410, %swap3A_411], %mul3A_409 {strides = array<i32>} : memref<128x128xf32, #tpu.memory_space<vmem>>, vector<16xf32>,
        %get3A_413 = arith.index_cast %add3A_384 : i32 to index
        %get3A_414 = arith.constant 48 : index
        %get3A_415 = tpu.vector_load %arg7[%get3A_413, %get3A_414] {strides = array<i32>} : memref<128x128xf32, #tpu.memory_space<vmem>>, vector<16xf32>,
        %mul3A_416 = arith.mulf %get3A_415, %bitcast3A_391 : vector<16xf32>
        %swap3A_417 = arith.index_cast %add3A_384 : i32 to index
        %swap3A_418 = arith.constant 48 : index
        %swap3A_419 = tpu.vector_load %arg7[%swap3A_417, %swap3A_418] {strides = array<i32>} : memref<128x128xf32, #tpu.memory_space<vmem>>, vector<16xf32>,
        tpu.vector_store %arg7[%swap3A_417, %swap3A_418], %mul3A_416 {strides = array<i32>} : memref<128x128xf32, #tpu.memory_space<vmem>>, vector<16xf32>,
        %get3A_420 = arith.index_cast %add3A_384 : i32 to index
        %get3A_421 = arith.constant 64 : index
        %get3A_422 = tpu.vector_load %arg7[%get3A_420, %get3A_421] {strides = array<i32>} : memref<128x128xf32, #tpu.memory_space<vmem>>, vector<16xf32>,
        %mul3A_423 = arith.mulf %get3A_422, %bitcast3A_391 : vector<16xf32>
        %swap3A_424 = arith.index_cast %add3A_384 : i32 to index
        %swap3A_425 = arith.constant 64 : index
        %swap3A_426 = tpu.vector_load %arg7[%swap3A_424, %swap3A_425] {strides = array<i32>} : memref<128x128xf32, #tpu.memory_space<vmem>>, vector<16xf32>,
        tpu.vector_store %arg7[%swap3A_424, %swap3A_425], %mul3A_423 {strides = array<i32>} : memref<128x128xf32, #tpu.memory_space<vmem>>, vector<16xf32>,
        %get3A_427 = arith.index_cast %add3A_384 : i32 to index
        %get3A_428 = arith.constant 80 : index
        %get3A_429 = tpu.vector_load %arg7[%get3A_427, %get3A_428] {strides = array<i32>} : memref<128x128xf32, #tpu.memory_space<vmem>>, vector<16xf32>,
        %mul3A_430 = arith.mulf %get3A_429, %bitcast3A_391 : vector<16xf32>
        %swap3A_431 = arith.index_cast %add3A_384 : i32 to index
        %swap3A_432 = arith.constant 80 : index
        %swap3A_433 = tpu.vector_load %arg7[%swap3A_431, %swap3A_432] {strides = array<i32>} : memref<128x128xf32, #tpu.memory_space<vmem>>, vector<16xf32>,
        tpu.vector_store %arg7[%swap3A_431, %swap3A_432], %mul3A_430 {strides = array<i32>} : memref<128x128xf32, #tpu.memory_space<vmem>>, vector<16xf32>,
        %get3A_434 = arith.index_cast %add3A_384 : i32 to index
        %get3A_435 = arith.constant 96 : index
        %get3A_436 = tpu.vector_load %arg7[%get3A_434, %get3A_435] {strides = array<i32>} : memref<128x128xf32, #tpu.memory_space<vmem>>, vector<16xf32>,
        %mul3A_437 = arith.mulf %get3A_436, %bitcast3A_391 : vector<16xf32>
        %swap3A_438 = arith.index_cast %add3A_384 : i32 to index
        %swap3A_439 = arith.constant 96 : index
        %swap3A_440 = tpu.vector_load %arg7[%swap3A_438, %swap3A_439] {strides = array<i32>} : memref<128x128xf32, #tpu.memory_space<vmem>>, vector<16xf32>,
        tpu.vector_store %arg7[%swap3A_438, %swap3A_439], %mul3A_437 {strides = array<i32>} : memref<128x128xf32, #tpu.memory_space<vmem>>, vector<16xf32>,
        %get3A_441 = arith.index_cast %add3A_384 : i32 to index
        %get3A_442 = arith.constant 112 : index
        %get3A_443 = tpu.vector_load %arg7[%get3A_441, %get3A_442] {strides = array<i32>} : memref<128x128xf32, #tpu.memory_space<vmem>>, vector<16xf32>,
        %mul3A_444 = arith.mulf %get3A_443, %bitcast3A_391 : vector<16xf32>
        %swap3A_445 = arith.index_cast %add3A_384 : i32 to index
        %swap3A_446 = arith.constant 112 : index
        %swap3A_447 = tpu.vector_load %arg7[%swap3A_445, %swap3A_446] {strides = array<i32>} : memref<128x128xf32, #tpu.memory_space<vmem>>, vector<16xf32>,
        tpu.vector_store %arg7[%swap3A_445, %swap3A_446], %mul3A_444 {strides = array<i32>} : memref<128x128xf32, #tpu.memory_space<vmem>>, vector<16xf32>,
        %mul3A_448 = arith.constant 8 : i32
        %mul3A_449 = arith.muli %scan3A_117, %mul3A_448 : i32
        %add3A_450 = arith.constant 5 : i32
        %add3A_451 = arith.addi %mul3A_449, %add3A_450 : i32
        %broadcast_in_dim3A_452 = vector.broadcast %add3A_451 : i32 to vector<16xi32>
        %gather3A_453 = arith.constant 2 : i32
        %gather3A_454 = arith.constant 0 : i32
        %gather3A_455 = tpu.memref_slice %arg5[%gather3A_453, %gather3A_454] : memref<3x128xi32, #tpu.memory_space<vmem>> -> memref<1x128xi32, #tpu.memory_space<vmem>>
        %gather3A_456 = tpu.memref_squeeze %gather3A_455 : memref<1x128xi32, #tpu.memory_space<vmem>> -> memref<128xi32, #tpu.memory_space<vmem>>
        %gather3A_457 = tpu.vector_load_idx %gather3A_456[%broadcast_in_dim3A_452] : memref<128xi32, #tpu.memory_space<vmem>>[vector<16xi32>], vector<16xi32>,
        %bitcast3A_458 = vector.bitcast %gather3A_457 : vector<16xi32> to vector<16xf32>
        %get3A_459 = arith.index_cast %add3A_451 : i32 to index
        %get3A_460 = arith.constant 0 : index
        %get3A_461 = tpu.vector_load %arg7[%get3A_459, %get3A_460] {strides = array<i32>} : memref<128x128xf32, #tpu.memory_space<vmem>>, vector<16xf32>,
        %mul3A_462 = arith.mulf %get3A_461, %bitcast3A_458 : vector<16xf32>
        %swap3A_463 = arith.index_cast %add3A_451 : i32 to index
        %swap3A_464 = arith.constant 0 : index
        %swap3A_465 = tpu.vector_load %arg7[%swap3A_463, %swap3A_464] {strides = array<i32>} : memref<128x128xf32, #tpu.memory_space<vmem>>, vector<16xf32>,
        tpu.vector_store %arg7[%swap3A_463, %swap3A_464], %mul3A_462 {strides = array<i32>} : memref<128x128xf32, #tpu.memory_space<vmem>>, vector<16xf32>,
        %get3A_466 = arith.index_cast %add3A_451 : i32 to index
        %get3A_467 = arith.constant 16 : index
        %get3A_468 = tpu.vector_load %arg7[%get3A_466, %get3A_467] {strides = array<i32>} : memref<128x128xf32, #tpu.memory_space<vmem>>, vector<16xf32>,
        %mul3A_469 = arith.mulf %get3A_468, %bitcast3A_458 : vector<16xf32>
        %swap3A_470 = arith.index_cast %add3A_451 : i32 to index
        %swap3A_471 = arith.constant 16 : index
        %swap3A_472 = tpu.vector_load %arg7[%swap3A_470, %swap3A_471] {strides = array<i32>} : memref<128x128xf32, #tpu.memory_space<vmem>>, vector<16xf32>,
        tpu.vector_store %arg7[%swap3A_470, %swap3A_471], %mul3A_469 {strides = array<i32>} : memref<128x128xf32, #tpu.memory_space<vmem>>, vector<16xf32>,
        %get3A_473 = arith.index_cast %add3A_451 : i32 to index
        %get3A_474 = arith.constant 32 : index
        %get3A_475 = tpu.vector_load %arg7[%get3A_473, %get3A_474] {strides = array<i32>} : memref<128x128xf32, #tpu.memory_space<vmem>>, vector<16xf32>,
        %mul3A_476 = arith.mulf %get3A_475, %bitcast3A_458 : vector<16xf32>
        %swap3A_477 = arith.index_cast %add3A_451 : i32 to index
        %swap3A_478 = arith.constant 32 : index
        %swap3A_479 = tpu.vector_load %arg7[%swap3A_477, %swap3A_478] {strides = array<i32>} : memref<128x128xf32, #tpu.memory_space<vmem>>, vector<16xf32>,
        tpu.vector_store %arg7[%swap3A_477, %swap3A_478], %mul3A_476 {strides = array<i32>} : memref<128x128xf32, #tpu.memory_space<vmem>>, vector<16xf32>,
        %get3A_480 = arith.index_cast %add3A_451 : i32 to index
        %get3A_481 = arith.constant 48 : index
        %get3A_482 = tpu.vector_load %arg7[%get3A_480, %get3A_481] {strides = array<i32>} : memref<128x128xf32, #tpu.memory_space<vmem>>, vector<16xf32>,
        %mul3A_483 = arith.mulf %get3A_482, %bitcast3A_458 : vector<16xf32>
        %swap3A_484 = arith.index_cast %add3A_451 : i32 to index
        %swap3A_485 = arith.constant 48 : index
        %swap3A_486 = tpu.vector_load %arg7[%swap3A_484, %swap3A_485] {strides = array<i32>} : memref<128x128xf32, #tpu.memory_space<vmem>>, vector<16xf32>,
        tpu.vector_store %arg7[%swap3A_484, %swap3A_485], %mul3A_483 {strides = array<i32>} : memref<128x128xf32, #tpu.memory_space<vmem>>, vector<16xf32>,
        %get3A_487 = arith.index_cast %add3A_451 : i32 to index
        %get3A_488 = arith.constant 64 : index
        %get3A_489 = tpu.vector_load %arg7[%get3A_487, %get3A_488] {strides = array<i32>} : memref<128x128xf32, #tpu.memory_space<vmem>>, vector<16xf32>,
        %mul3A_490 = arith.mulf %get3A_489, %bitcast3A_458 : vector<16xf32>
        %swap3A_491 = arith.index_cast %add3A_451 : i32 to index
        %swap3A_492 = arith.constant 64 : index
        %swap3A_493 = tpu.vector_load %arg7[%swap3A_491, %swap3A_492] {strides = array<i32>} : memref<128x128xf32, #tpu.memory_space<vmem>>, vector<16xf32>,
        tpu.vector_store %arg7[%swap3A_491, %swap3A_492], %mul3A_490 {strides = array<i32>} : memref<128x128xf32, #tpu.memory_space<vmem>>, vector<16xf32>,
        %get3A_494 = arith.index_cast %add3A_451 : i32 to index
        %get3A_495 = arith.constant 80 : index
        %get3A_496 = tpu.vector_load %arg7[%get3A_494, %get3A_495] {strides = array<i32>} : memref<128x128xf32, #tpu.memory_space<vmem>>, vector<16xf32>,
        %mul3A_497 = arith.mulf %get3A_496, %bitcast3A_458 : vector<16xf32>
        %swap3A_498 = arith.index_cast %add3A_451 : i32 to index
        %swap3A_499 = arith.constant 80 : index
        %swap3A_500 = tpu.vector_load %arg7[%swap3A_498, %swap3A_499] {strides = array<i32>} : memref<128x128xf32, #tpu.memory_space<vmem>>, vector<16xf32>,
        tpu.vector_store %arg7[%swap3A_498, %swap3A_499], %mul3A_497 {strides = array<i32>} : memref<128x128xf32, #tpu.memory_space<vmem>>, vector<16xf32>,
        %get3A_501 = arith.index_cast %add3A_451 : i32 to index
        %get3A_502 = arith.constant 96 : index
        %get3A_503 = tpu.vector_load %arg7[%get3A_501, %get3A_502] {strides = array<i32>} : memref<128x128xf32, #tpu.memory_space<vmem>>, vector<16xf32>,
        %mul3A_504 = arith.mulf %get3A_503, %bitcast3A_458 : vector<16xf32>
        %swap3A_505 = arith.index_cast %add3A_451 : i32 to index
        %swap3A_506 = arith.constant 96 : index
        %swap3A_507 = tpu.vector_load %arg7[%swap3A_505, %swap3A_506] {strides = array<i32>} : memref<128x128xf32, #tpu.memory_space<vmem>>, vector<16xf32>,
        tpu.vector_store %arg7[%swap3A_505, %swap3A_506], %mul3A_504 {strides = array<i32>} : memref<128x128xf32, #tpu.memory_space<vmem>>, vector<16xf32>,
        %get3A_508 = arith.index_cast %add3A_451 : i32 to index
        %get3A_509 = arith.constant 112 : index
        %get3A_510 = tpu.vector_load %arg7[%get3A_508, %get3A_509] {strides = array<i32>} : memref<128x128xf32, #tpu.memory_space<vmem>>, vector<16xf32>,
        %mul3A_511 = arith.mulf %get3A_510, %bitcast3A_458 : vector<16xf32>
        %swap3A_512 = arith.index_cast %add3A_451 : i32 to index
        %swap3A_513 = arith.constant 112 : index
        %swap3A_514 = tpu.vector_load %arg7[%swap3A_512, %swap3A_513] {strides = array<i32>} : memref<128x128xf32, #tpu.memory_space<vmem>>, vector<16xf32>,
        tpu.vector_store %arg7[%swap3A_512, %swap3A_513], %mul3A_511 {strides = array<i32>} : memref<128x128xf32, #tpu.memory_space<vmem>>, vector<16xf32>,
        %mul3A_515 = arith.constant 8 : i32
        %mul3A_516 = arith.muli %scan3A_117, %mul3A_515 : i32
        %add3A_517 = arith.constant 6 : i32
        %add3A_518 = arith.addi %mul3A_516, %add3A_517 : i32
        %broadcast_in_dim3A_519 = vector.broadcast %add3A_518 : i32 to vector<16xi32>
        %gather3A_520 = arith.constant 2 : i32
        %gather3A_521 = arith.constant 0 : i32
        %gather3A_522 = tpu.memref_slice %arg5[%gather3A_520, %gather3A_521] : memref<3x128xi32, #tpu.memory_space<vmem>> -> memref<1x128xi32, #tpu.memory_space<vmem>>
        %gather3A_523 = tpu.memref_squeeze %gather3A_522 : memref<1x128xi32, #tpu.memory_space<vmem>> -> memref<128xi32, #tpu.memory_space<vmem>>
        %gather3A_524 = tpu.vector_load_idx %gather3A_523[%broadcast_in_dim3A_519] : memref<128xi32, #tpu.memory_space<vmem>>[vector<16xi32>], vector<16xi32>,
        %bitcast3A_525 = vector.bitcast %gather3A_524 : vector<16xi32> to vector<16xf32>
        %get3A_526 = arith.index_cast %add3A_518 : i32 to index
        %get3A_527 = arith.constant 0 : index
        %get3A_528 = tpu.vector_load %arg7[%get3A_526, %get3A_527] {strides = array<i32>} : memref<128x128xf32, #tpu.memory_space<vmem>>, vector<16xf32>,
        %mul3A_529 = arith.mulf %get3A_528, %bitcast3A_525 : vector<16xf32>
        %swap3A_530 = arith.index_cast %add3A_518 : i32 to index
        %swap3A_531 = arith.constant 0 : index
        %swap3A_532 = tpu.vector_load %arg7[%swap3A_530, %swap3A_531] {strides = array<i32>} : memref<128x128xf32, #tpu.memory_space<vmem>>, vector<16xf32>,
        tpu.vector_store %arg7[%swap3A_530, %swap3A_531], %mul3A_529 {strides = array<i32>} : memref<128x128xf32, #tpu.memory_space<vmem>>, vector<16xf32>,
        %get3A_533 = arith.index_cast %add3A_518 : i32 to index
        %get3A_534 = arith.constant 16 : index
        %get3A_535 = tpu.vector_load %arg7[%get3A_533, %get3A_534] {strides = array<i32>} : memref<128x128xf32, #tpu.memory_space<vmem>>, vector<16xf32>,
        %mul3A_536 = arith.mulf %get3A_535, %bitcast3A_525 : vector<16xf32>
        %swap3A_537 = arith.index_cast %add3A_518 : i32 to index
        %swap3A_538 = arith.constant 16 : index
        %swap3A_539 = tpu.vector_load %arg7[%swap3A_537, %swap3A_538] {strides = array<i32>} : memref<128x128xf32, #tpu.memory_space<vmem>>, vector<16xf32>,
        tpu.vector_store %arg7[%swap3A_537, %swap3A_538], %mul3A_536 {strides = array<i32>} : memref<128x128xf32, #tpu.memory_space<vmem>>, vector<16xf32>,
        %get3A_540 = arith.index_cast %add3A_518 : i32 to index
        %get3A_541 = arith.constant 32 : index
        %get3A_542 = tpu.vector_load %arg7[%get3A_540, %get3A_541] {strides = array<i32>} : memref<128x128xf32, #tpu.memory_space<vmem>>, vector<16xf32>,
        %mul3A_543 = arith.mulf %get3A_542, %bitcast3A_525 : vector<16xf32>
        %swap3A_544 = arith.index_cast %add3A_518 : i32 to index
        %swap3A_545 = arith.constant 32 : index
        %swap3A_546 = tpu.vector_load %arg7[%swap3A_544, %swap3A_545] {strides = array<i32>} : memref<128x128xf32, #tpu.memory_space<vmem>>, vector<16xf32>,
        tpu.vector_store %arg7[%swap3A_544, %swap3A_545], %mul3A_543 {strides = array<i32>} : memref<128x128xf32, #tpu.memory_space<vmem>>, vector<16xf32>,
        %get3A_547 = arith.index_cast %add3A_518 : i32 to index
        %get3A_548 = arith.constant 48 : index
        %get3A_549 = tpu.vector_load %arg7[%get3A_547, %get3A_548] {strides = array<i32>} : memref<128x128xf32, #tpu.memory_space<vmem>>, vector<16xf32>,
        %mul3A_550 = arith.mulf %get3A_549, %bitcast3A_525 : vector<16xf32>
        %swap3A_551 = arith.index_cast %add3A_518 : i32 to index
        %swap3A_552 = arith.constant 48 : index
        %swap3A_553 = tpu.vector_load %arg7[%swap3A_551, %swap3A_552] {strides = array<i32>} : memref<128x128xf32, #tpu.memory_space<vmem>>, vector<16xf32>,
        tpu.vector_store %arg7[%swap3A_551, %swap3A_552], %mul3A_550 {strides = array<i32>} : memref<128x128xf32, #tpu.memory_space<vmem>>, vector<16xf32>,
        %get3A_554 = arith.index_cast %add3A_518 : i32 to index
        %get3A_555 = arith.constant 64 : index
        %get3A_556 = tpu.vector_load %arg7[%get3A_554, %get3A_555] {strides = array<i32>} : memref<128x128xf32, #tpu.memory_space<vmem>>, vector<16xf32>,
        %mul3A_557 = arith.mulf %get3A_556, %bitcast3A_525 : vector<16xf32>
        %swap3A_558 = arith.index_cast %add3A_518 : i32 to index
        %swap3A_559 = arith.constant 64 : index
        %swap3A_560 = tpu.vector_load %arg7[%swap3A_558, %swap3A_559] {strides = array<i32>} : memref<128x128xf32, #tpu.memory_space<vmem>>, vector<16xf32>,
        tpu.vector_store %arg7[%swap3A_558, %swap3A_559], %mul3A_557 {strides = array<i32>} : memref<128x128xf32, #tpu.memory_space<vmem>>, vector<16xf32>,
        %get3A_561 = arith.index_cast %add3A_518 : i32 to index
        %get3A_562 = arith.constant 80 : index
        %get3A_563 = tpu.vector_load %arg7[%get3A_561, %get3A_562] {strides = array<i32>} : memref<128x128xf32, #tpu.memory_space<vmem>>, vector<16xf32>,
        %mul3A_564 = arith.mulf %get3A_563, %bitcast3A_525 : vector<16xf32>
        %swap3A_565 = arith.index_cast %add3A_518 : i32 to index
        %swap3A_566 = arith.constant 80 : index
        %swap3A_567 = tpu.vector_load %arg7[%swap3A_565, %swap3A_566] {strides = array<i32>} : memref<128x128xf32, #tpu.memory_space<vmem>>, vector<16xf32>,
        tpu.vector_store %arg7[%swap3A_565, %swap3A_566], %mul3A_564 {strides = array<i32>} : memref<128x128xf32, #tpu.memory_space<vmem>>, vector<16xf32>,
        %get3A_568 = arith.index_cast %add3A_518 : i32 to index
        %get3A_569 = arith.constant 96 : index
        %get3A_570 = tpu.vector_load %arg7[%get3A_568, %get3A_569] {strides = array<i32>} : memref<128x128xf32, #tpu.memory_space<vmem>>, vector<16xf32>,
        %mul3A_571 = arith.mulf %get3A_570, %bitcast3A_525 : vector<16xf32>
        %swap3A_572 = arith.index_cast %add3A_518 : i32 to index
        %swap3A_573 = arith.constant 96 : index
        %swap3A_574 = tpu.vector_load %arg7[%swap3A_572, %swap3A_573] {strides = array<i32>} : memref<128x128xf32, #tpu.memory_space<vmem>>, vector<16xf32>,
        tpu.vector_store %arg7[%swap3A_572, %swap3A_573], %mul3A_571 {strides = array<i32>} : memref<128x128xf32, #tpu.memory_space<vmem>>, vector<16xf32>,
        %get3A_575 = arith.index_cast %add3A_518 : i32 to index
        %get3A_576 = arith.constant 112 : index
        %get3A_577 = tpu.vector_load %arg7[%get3A_575, %get3A_576] {strides = array<i32>} : memref<128x128xf32, #tpu.memory_space<vmem>>, vector<16xf32>,
        %mul3A_578 = arith.mulf %get3A_577, %bitcast3A_525 : vector<16xf32>
        %swap3A_579 = arith.index_cast %add3A_518 : i32 to index
        %swap3A_580 = arith.constant 112 : index
        %swap3A_581 = tpu.vector_load %arg7[%swap3A_579, %swap3A_580] {strides = array<i32>} : memref<128x128xf32, #tpu.memory_space<vmem>>, vector<16xf32>,
        tpu.vector_store %arg7[%swap3A_579, %swap3A_580], %mul3A_578 {strides = array<i32>} : memref<128x128xf32, #tpu.memory_space<vmem>>, vector<16xf32>,
        %mul3A_582 = arith.constant 8 : i32
        %mul3A_583 = arith.muli %scan3A_117, %mul3A_582 : i32
        %add3A_584 = arith.constant 7 : i32
        %add3A_585 = arith.addi %mul3A_583, %add3A_584 : i32
        %broadcast_in_dim3A_586 = vector.broadcast %add3A_585 : i32 to vector<16xi32>
        %gather3A_587 = arith.constant 2 : i32
        %gather3A_588 = arith.constant 0 : i32
        %gather3A_589 = tpu.memref_slice %arg5[%gather3A_587, %gather3A_588] : memref<3x128xi32, #tpu.memory_space<vmem>> -> memref<1x128xi32, #tpu.memory_space<vmem>>
        %gather3A_590 = tpu.memref_squeeze %gather3A_589 : memref<1x128xi32, #tpu.memory_space<vmem>> -> memref<128xi32, #tpu.memory_space<vmem>>
        %gather3A_591 = tpu.vector_load_idx %gather3A_590[%broadcast_in_dim3A_586] : memref<128xi32, #tpu.memory_space<vmem>>[vector<16xi32>], vector<16xi32>,
        %bitcast3A_592 = vector.bitcast %gather3A_591 : vector<16xi32> to vector<16xf32>
        %get3A_593 = arith.index_cast %add3A_585 : i32 to index
        %get3A_594 = arith.constant 0 : index
        %get3A_595 = tpu.vector_load %arg7[%get3A_593, %get3A_594] {strides = array<i32>} : memref<128x128xf32, #tpu.memory_space<vmem>>, vector<16xf32>,
        %mul3A_596 = arith.mulf %get3A_595, %bitcast3A_592 : vector<16xf32>
        %swap3A_597 = arith.index_cast %add3A_585 : i32 to index
        %swap3A_598 = arith.constant 0 : index
        %swap3A_599 = tpu.vector_load %arg7[%swap3A_597, %swap3A_598] {strides = array<i32>} : memref<128x128xf32, #tpu.memory_space<vmem>>, vector<16xf32>,
        tpu.vector_store %arg7[%swap3A_597, %swap3A_598], %mul3A_596 {strides = array<i32>} : memref<128x128xf32, #tpu.memory_space<vmem>>, vector<16xf32>,
        %get3A_600 = arith.index_cast %add3A_585 : i32 to index
        %get3A_601 = arith.constant 16 : index
        %get3A_602 = tpu.vector_load %arg7[%get3A_600, %get3A_601] {strides = array<i32>} : memref<128x128xf32, #tpu.memory_space<vmem>>, vector<16xf32>,
        %mul3A_603 = arith.mulf %get3A_602, %bitcast3A_592 : vector<16xf32>
        %swap3A_604 = arith.index_cast %add3A_585 : i32 to index
        %swap3A_605 = arith.constant 16 : index
        %swap3A_606 = tpu.vector_load %arg7[%swap3A_604, %swap3A_605] {strides = array<i32>} : memref<128x128xf32, #tpu.memory_space<vmem>>, vector<16xf32>,
        tpu.vector_store %arg7[%swap3A_604, %swap3A_605], %mul3A_603 {strides = array<i32>} : memref<128x128xf32, #tpu.memory_space<vmem>>, vector<16xf32>,
        %get3A_607 = arith.index_cast %add3A_585 : i32 to index
        %get3A_608 = arith.constant 32 : index
        %get3A_609 = tpu.vector_load %arg7[%get3A_607, %get3A_608] {strides = array<i32>} : memref<128x128xf32, #tpu.memory_space<vmem>>, vector<16xf32>,
        %mul3A_610 = arith.mulf %get3A_609, %bitcast3A_592 : vector<16xf32>
        %swap3A_611 = arith.index_cast %add3A_585 : i32 to index
        %swap3A_612 = arith.constant 32 : index
        %swap3A_613 = tpu.vector_load %arg7[%swap3A_611, %swap3A_612] {strides = array<i32>} : memref<128x128xf32, #tpu.memory_space<vmem>>, vector<16xf32>,
        tpu.vector_store %arg7[%swap3A_611, %swap3A_612], %mul3A_610 {strides = array<i32>} : memref<128x128xf32, #tpu.memory_space<vmem>>, vector<16xf32>,
        %get3A_614 = arith.index_cast %add3A_585 : i32 to index
        %get3A_615 = arith.constant 48 : index
        %get3A_616 = tpu.vector_load %arg7[%get3A_614, %get3A_615] {strides = array<i32>} : memref<128x128xf32, #tpu.memory_space<vmem>>, vector<16xf32>,
        %mul3A_617 = arith.mulf %get3A_616, %bitcast3A_592 : vector<16xf32>
        %swap3A_618 = arith.index_cast %add3A_585 : i32 to index
        %swap3A_619 = arith.constant 48 : index
        %swap3A_620 = tpu.vector_load %arg7[%swap3A_618, %swap3A_619] {strides = array<i32>} : memref<128x128xf32, #tpu.memory_space<vmem>>, vector<16xf32>,
        tpu.vector_store %arg7[%swap3A_618, %swap3A_619], %mul3A_617 {strides = array<i32>} : memref<128x128xf32, #tpu.memory_space<vmem>>, vector<16xf32>,
        %get3A_621 = arith.index_cast %add3A_585 : i32 to index
        %get3A_622 = arith.constant 64 : index
        %get3A_623 = tpu.vector_load %arg7[%get3A_621, %get3A_622] {strides = array<i32>} : memref<128x128xf32, #tpu.memory_space<vmem>>, vector<16xf32>,
        %mul3A_624 = arith.mulf %get3A_623, %bitcast3A_592 : vector<16xf32>
        %swap3A_625 = arith.index_cast %add3A_585 : i32 to index
        %swap3A_626 = arith.constant 64 : index
        %swap3A_627 = tpu.vector_load %arg7[%swap3A_625, %swap3A_626] {strides = array<i32>} : memref<128x128xf32, #tpu.memory_space<vmem>>, vector<16xf32>,
        tpu.vector_store %arg7[%swap3A_625, %swap3A_626], %mul3A_624 {strides = array<i32>} : memref<128x128xf32, #tpu.memory_space<vmem>>, vector<16xf32>,
        %get3A_628 = arith.index_cast %add3A_585 : i32 to index
        %get3A_629 = arith.constant 80 : index
        %get3A_630 = tpu.vector_load %arg7[%get3A_628, %get3A_629] {strides = array<i32>} : memref<128x128xf32, #tpu.memory_space<vmem>>, vector<16xf32>,
        %mul3A_631 = arith.mulf %get3A_630, %bitcast3A_592 : vector<16xf32>
        %swap3A_632 = arith.index_cast %add3A_585 : i32 to index
        %swap3A_633 = arith.constant 80 : index
        %swap3A_634 = tpu.vector_load %arg7[%swap3A_632, %swap3A_633] {strides = array<i32>} : memref<128x128xf32, #tpu.memory_space<vmem>>, vector<16xf32>,
        tpu.vector_store %arg7[%swap3A_632, %swap3A_633], %mul3A_631 {strides = array<i32>} : memref<128x128xf32, #tpu.memory_space<vmem>>, vector<16xf32>,
        %get3A_635 = arith.index_cast %add3A_585 : i32 to index
        %get3A_636 = arith.constant 96 : index
        %get3A_637 = tpu.vector_load %arg7[%get3A_635, %get3A_636] {strides = array<i32>} : memref<128x128xf32, #tpu.memory_space<vmem>>, vector<16xf32>,
        %mul3A_638 = arith.mulf %get3A_637, %bitcast3A_592 : vector<16xf32>
        %swap3A_639 = arith.index_cast %add3A_585 : i32 to index
        %swap3A_640 = arith.constant 96 : index
        %swap3A_641 = tpu.vector_load %arg7[%swap3A_639, %swap3A_640] {strides = array<i32>} : memref<128x128xf32, #tpu.memory_space<vmem>>, vector<16xf32>,
        tpu.vector_store %arg7[%swap3A_639, %swap3A_640], %mul3A_638 {strides = array<i32>} : memref<128x128xf32, #tpu.memory_space<vmem>>, vector<16xf32>,
        %get3A_642 = arith.index_cast %add3A_585 : i32 to index
        %get3A_643 = arith.constant 112 : index
        %get3A_644 = tpu.vector_load %arg7[%get3A_642, %get3A_643] {strides = array<i32>} : memref<128x128xf32, #tpu.memory_space<vmem>>, vector<16xf32>,
        %mul3A_645 = arith.mulf %get3A_644, %bitcast3A_592 : vector<16xf32>
        %swap3A_646 = arith.index_cast %add3A_585 : i32 to index
        %swap3A_647 = arith.constant 112 : index
        %swap3A_648 = tpu.vector_load %arg7[%swap3A_646, %swap3A_647] {strides = array<i32>} : memref<128x128xf32, #tpu.memory_space<vmem>>, vector<16xf32>,
        tpu.vector_store %arg7[%swap3A_646, %swap3A_647], %mul3A_645 {strides = array<i32>} : memref<128x128xf32, #tpu.memory_space<vmem>>, vector<16xf32>,
      }
      %scan3A_93 = arith.constant 16 : i32
      %run_scoped3A = arith.constant 1 : i32
      "tpu.region"() ({
        %run_scoped3A_117 = tpu.sem_alloc : memref<!tpu.dma_semaphore, #tpu.memory_space<semaphore_mem>>
        %dma_start3A_118 = arith.constant 0 : i32
        %dma_start3A_119 = tpu.memref_slice %arg5[%run_scoped3A, %dma_start3A_118] : memref<3x128xi32, #tpu.memory_space<vmem>> -> memref<1x128xi32, #tpu.memory_space<vmem>>
        %dma_start3A_120 = tpu.memref_squeeze %dma_start3A_119 : memref<1x128xi32, #tpu.memory_space<vmem>> -> memref<128xi32, #tpu.memory_space<vmem>>
        %dma_start3A_121 = arith.constant 0 : i32
        %dma_start3A_122 = arith.constant 0 : i32
        %dma_start3A_123 = tpu.memref_slice %arg9[%dma_start3A_121, %dma_start3A_122] : memref<10240x128xf32, #tpu.memory_space<vmem_shared>> -> memref<10240x128xf32, #tpu.memory_space<vmem_shared>>
        tpu.enqueue_indirect_dma source(%arg7 : memref<128x128xf32, #tpu.memory_space<vmem>>) target(%dma_start3A_123 : memref<10240x128xf32, #tpu.memory_space<vmem_shared>>) offsets(%dma_start3A_120 : memref<128xi32, #tpu.memory_space<vmem>>) semaphore(%run_scoped3A_117 : memref<!tpu.dma_semaphore, #tpu.memory_space<semaphore_mem>>) {add = true}
        %dma_wait3A_124 = arith.constant 0 : i32
        %dma_wait3A_125 = tpu.memref_slice %arg5[%run_scoped3A, %dma_wait3A_124] : memref<3x128xi32, #tpu.memory_space<vmem>> -> memref<1x128xi32, #tpu.memory_space<vmem>>
        %dma_wait3A_126 = tpu.memref_squeeze %dma_wait3A_125 : memref<1x128xi32, #tpu.memory_space<vmem>> -> memref<128xi32, #tpu.memory_space<vmem>>
        %dma_wait3A_127 = arith.constant 0 : i32
        %dma_wait3A_128 = arith.constant 0 : i32
        %dma_wait3A_129 = tpu.memref_slice %arg9[%dma_wait3A_127, %dma_wait3A_128] : memref<10240x128xf32, #tpu.memory_space<vmem_shared>> -> memref<10240x128xf32, #tpu.memory_space<vmem_shared>>
        tpu.wait_indirect_dma semaphore(%run_scoped3A_117 : memref<!tpu.dma_semaphore, #tpu.memory_space<semaphore_mem>>) src(%arg7 : memref<128x128xf32, #tpu.memory_space<vmem>>) dst(%dma_wait3A_129 : memref<10240x128xf32, #tpu.memory_space<vmem_shared>>)
        tpu.yield
      }) : () -> ()
      %sub3A_94 = arith.constant 1 : i32
      %sub3A_95 = arith.subi %select_n3A_24, %sub3A_94 : i32
      %lt3A = arith.cmpi slt, %while3A_81, %sub3A_95 : i32
      %convert_element_type3A = arith.extui %lt3A : i1 to i32
      %cond3A = arith.constant 0 : i32
      %cond3A_96 = arith.cmpi ne, %convert_element_type3A, %cond3A : i32
      scf.if %cond3A_96 {
        %mul3A_117 = arith.constant 2 : i32
        %mul3A_118 = arith.muli %mul3A_117, %while3A_81 : i32
        %add3A_119 = arith.addi %select_n3A, %mul3A_118 : i32
        %add3A_120 = arith.constant 0 : i32
        %add3A_121 = arith.addi %add3A_119, %add3A_120 : i32
        %add3A_122 = arith.constant 2 : i32
        %add3A_123 = arith.addi %add3A_121, %add3A_122 : i32
        "tpu.region"() ({
          %run_scoped3A_131 = tpu.sem_alloc : memref<!tpu.dma_semaphore, #tpu.memory_space<semaphore_mem>>
          %dma_start3A_132 = arith.constant 0 : i32
          %dma_start3A_133 = arith.constant 0 : i32
          %dma_start3A_134 = tpu.memref_slice %arg3[%add3A_123, %dma_start3A_132, %dma_start3A_133] : memref<2560x3x128xi32, #tpu.memory_space<hbm>> -> memref<1x3x128xi32, #tpu.memory_space<hbm>>
          %dma_start3A_135 = tpu.memref_squeeze %dma_start3A_134 : memref<1x3x128xi32, #tpu.memory_space<hbm>> -> memref<3x128xi32, #tpu.memory_space<hbm>>
          %dma_start3A_136 = arith.constant 0 : i32
          %dma_start3A_137 = arith.constant 0 : i32
          %dma_start3A_138 = tpu.memref_slice %arg3[%add3A_123, %dma_start3A_136, %dma_start3A_137] : memref<2560x3x128xi32, #tpu.memory_space<hbm>> -> memref<1x3x128xi32, #tpu.memory_space<hbm>>
          %dma_start3A_139 = tpu.memref_squeeze %dma_start3A_138 : memref<1x3x128xi32, #tpu.memory_space<hbm>> -> memref<3x128xi32, #tpu.memory_space<hbm>>
          tpu.enqueue_dma source(%dma_start3A_139 : memref<3x128xi32, #tpu.memory_space<hbm>>) target(%arg5 : memref<3x128xi32, #tpu.memory_space<vmem>>) target_semaphore(%run_scoped3A_131 : memref<!tpu.dma_semaphore, #tpu.memory_space<semaphore_mem>>)
          %dma_wait3A_140 = arith.constant 0 : i32
          %dma_wait3A_141 = arith.constant 0 : i32
          %dma_wait3A_142 = tpu.memref_slice %arg3[%add3A_123, %dma_wait3A_140, %dma_wait3A_141] : memref<2560x3x128xi32, #tpu.memory_space<hbm>> -> memref<1x3x128xi32, #tpu.memory_space<hbm>>
          %dma_wait3A_143 = tpu.memref_squeeze %dma_wait3A_142 : memref<1x3x128xi32, #tpu.memory_space<hbm>> -> memref<3x128xi32, #tpu.memory_space<hbm>>
          %dma_wait3A_144 = arith.constant 0 : i32
          %dma_wait3A_145 = arith.constant 0 : i32
          %dma_wait3A_146 = tpu.memref_slice %arg3[%add3A_123, %dma_wait3A_144, %dma_wait3A_145] : memref<2560x3x128xi32, #tpu.memory_space<hbm>> -> memref<1x3x128xi32, #tpu.memory_space<hbm>>
          %dma_wait3A_147 = tpu.memref_squeeze %dma_wait3A_146 : memref<1x3x128xi32, #tpu.memory_space<hbm>> -> memref<3x128xi32, #tpu.memory_space<hbm>>
          tpu.wait_dma2 semaphore(%run_scoped3A_131 : memref<!tpu.dma_semaphore, #tpu.memory_space<semaphore_mem>>) src(%dma_wait3A_147 : memref<3x128xi32, #tpu.memory_space<hbm>>) dst(%arg5 : memref<3x128xi32, #tpu.memory_space<vmem>>)
          tpu.yield
        }) : () -> ()
        %dma_start3A_124 = arith.constant 0 : i32
        %dma_start3A_125 = arith.constant 0 : i32
        %dma_start3A_126 = tpu.memref_slice %arg5[%dma_start3A_124, %dma_start3A_125] : memref<3x128xi32, #tpu.memory_space<vmem>> -> memref<1x128xi32, #tpu.memory_space<vmem>>
        %dma_start3A_127 = tpu.memref_squeeze %dma_start3A_126 : memref<1x128xi32, #tpu.memory_space<vmem>> -> memref<128xi32, #tpu.memory_space<vmem>>
        %dma_start3A_128 = arith.constant 0 : i32
        %dma_start3A_129 = arith.constant 0 : i32
        %dma_start3A_130 = tpu.memref_slice %arg2[%dma_start3A_128, %dma_start3A_129] : memref<10240x128xf32, #tpu.memory_space<hbm>> -> memref<10240x128xf32, #tpu.memory_space<hbm>>
        tpu.enqueue_indirect_dma source(%dma_start3A_130 : memref<10240x128xf32, #tpu.memory_space<hbm>>) target(%arg7 : memref<128x128xf32, #tpu.memory_space<vmem>>) offsets(%dma_start3A_127 : memref<128xi32, #tpu.memory_space<vmem>>) semaphore(%arg10 : memref<!tpu.dma_semaphore, #tpu.memory_space<semaphore_mem>>)
      } else {
      }
      %dma_wait3A_97 = arith.constant 0 : i32
      %dma_wait3A_98 = arith.constant 0 : i32
      %dma_wait3A_99 = tpu.memref_slice %arg6[%dma_wait3A_97, %dma_wait3A_98] : memref<3x128xi32, #tpu.memory_space<vmem>> -> memref<1x128xi32, #tpu.memory_space<vmem>>
      %dma_wait3A_100 = tpu.memref_squeeze %dma_wait3A_99 : memref<1x128xi32, #tpu.memory_space<vmem>> -> memref<128xi32, #tpu.memory_space<vmem>>
      %dma_wait3A_101 = arith.constant 0 : i32
      %dma_wait3A_102 = arith.constant 0 : i32
      %dma_wait3A_103 = tpu.memref_slice %arg2[%dma_wait3A_101, %dma_wait3A_102] : memref<10240x128xf32, #tpu.memory_space<hbm>> -> memref<10240x128xf32, #tpu.memory_space<hbm>>
      tpu.wait_indirect_dma semaphore(%arg11 : memref<!tpu.dma_semaphore, #tpu.memory_space<semaphore_mem>>) src(%dma_wait3A_103 : memref<10240x128xf32, #tpu.memory_space<hbm>>) dst(%arg8 : memref<128x128xf32, #tpu.memory_space<vmem>>)
      %scan3A_104 = arith.constant 0 : i32
      %scan3A_105 = arith.constant 0 : i32
      %scan3A_106 = arith.constant 16 : i32
      %scan3A_107 = arith.addi %scan3A_105, %scan3A_106 : i32
      %scan3A_108 = arith.constant 1 : i32
      scf.for %scan3A_117 = %scan3A_105 to %scan3A_107 step %scan3A_108  : i32 {
        %mul3A_118 = arith.constant 8 : i32
        %mul3A_119 = arith.muli %scan3A_117, %mul3A_118 : i32
        %add3A_120 = arith.constant 0 : i32
        %add3A_121 = arith.addi %mul3A_119, %add3A_120 : i32
        %broadcast_in_dim3A = vector.broadcast %add3A_121 : i32 to vector<16xi32>
        %gather3A = arith.constant 2 : i32
        %gather3A_122 = arith.constant 0 : i32
        %gather3A_123 = tpu.memref_slice %arg6[%gather3A, %gather3A_122] : memref<3x128xi32, #tpu.memory_space<vmem>> -> memref<1x128xi32, #tpu.memory_space<vmem>>
        %gather3A_124 = tpu.memref_squeeze %gather3A_123 : memref<1x128xi32, #tpu.memory_space<vmem>> -> memref<128xi32, #tpu.memory_space<vmem>>
        %gather3A_125 = tpu.vector_load_idx %gather3A_124[%broadcast_in_dim3A] : memref<128xi32, #tpu.memory_space<vmem>>[vector<16xi32>], vector<16xi32>,
        %bitcast3A = vector.bitcast %gather3A_125 : vector<16xi32> to vector<16xf32>
        %get3A = arith.index_cast %add3A_121 : i32 to index
        %get3A_126 = arith.constant 0 : index
        %get3A_127 = tpu.vector_load %arg8[%get3A, %get3A_126] {strides = array<i32>} : memref<128x128xf32, #tpu.memory_space<vmem>>, vector<16xf32>,
        %mul3A_128 = arith.mulf %get3A_127, %bitcast3A : vector<16xf32>
        %swap3A = arith.index_cast %add3A_121 : i32 to index
        %swap3A_129 = arith.constant 0 : index
        %swap3A_130 = tpu.vector_load %arg8[%swap3A, %swap3A_129] {strides = array<i32>} : memref<128x128xf32, #tpu.memory_space<vmem>>, vector<16xf32>,
        tpu.vector_store %arg8[%swap3A, %swap3A_129], %mul3A_128 {strides = array<i32>} : memref<128x128xf32, #tpu.memory_space<vmem>>, vector<16xf32>,
        %get3A_131 = arith.index_cast %add3A_121 : i32 to index
        %get3A_132 = arith.constant 16 : index
        %get3A_133 = tpu.vector_load %arg8[%get3A_131, %get3A_132] {strides = array<i32>} : memref<128x128xf32, #tpu.memory_space<vmem>>, vector<16xf32>,
        %mul3A_134 = arith.mulf %get3A_133, %bitcast3A : vector<16xf32>
        %swap3A_135 = arith.index_cast %add3A_121 : i32 to index
        %swap3A_136 = arith.constant 16 : index
        %swap3A_137 = tpu.vector_load %arg8[%swap3A_135, %swap3A_136] {strides = array<i32>} : memref<128x128xf32, #tpu.memory_space<vmem>>, vector<16xf32>,
        tpu.vector_store %arg8[%swap3A_135, %swap3A_136], %mul3A_134 {strides = array<i32>} : memref<128x128xf32, #tpu.memory_space<vmem>>, vector<16xf32>,
        %get3A_138 = arith.index_cast %add3A_121 : i32 to index
        %get3A_139 = arith.constant 32 : index
        %get3A_140 = tpu.vector_load %arg8[%get3A_138, %get3A_139] {strides = array<i32>} : memref<128x128xf32, #tpu.memory_space<vmem>>, vector<16xf32>,
        %mul3A_141 = arith.mulf %get3A_140, %bitcast3A : vector<16xf32>
        %swap3A_142 = arith.index_cast %add3A_121 : i32 to index
        %swap3A_143 = arith.constant 32 : index
        %swap3A_144 = tpu.vector_load %arg8[%swap3A_142, %swap3A_143] {strides = array<i32>} : memref<128x128xf32, #tpu.memory_space<vmem>>, vector<16xf32>,
        tpu.vector_store %arg8[%swap3A_142, %swap3A_143], %mul3A_141 {strides = array<i32>} : memref<128x128xf32, #tpu.memory_space<vmem>>, vector<16xf32>,
        %get3A_145 = arith.index_cast %add3A_121 : i32 to index
        %get3A_146 = arith.constant 48 : index
        %get3A_147 = tpu.vector_load %arg8[%get3A_145, %get3A_146] {strides = array<i32>} : memref<128x128xf32, #tpu.memory_space<vmem>>, vector<16xf32>,
        %mul3A_148 = arith.mulf %get3A_147, %bitcast3A : vector<16xf32>
        %swap3A_149 = arith.index_cast %add3A_121 : i32 to index
        %swap3A_150 = arith.constant 48 : index
        %swap3A_151 = tpu.vector_load %arg8[%swap3A_149, %swap3A_150] {strides = array<i32>} : memref<128x128xf32, #tpu.memory_space<vmem>>, vector<16xf32>,
        tpu.vector_store %arg8[%swap3A_149, %swap3A_150], %mul3A_148 {strides = array<i32>} : memref<128x128xf32, #tpu.memory_space<vmem>>, vector<16xf32>,
        %get3A_152 = arith.index_cast %add3A_121 : i32 to index
        %get3A_153 = arith.constant 64 : index
        %get3A_154 = tpu.vector_load %arg8[%get3A_152, %get3A_153] {strides = array<i32>} : memref<128x128xf32, #tpu.memory_space<vmem>>, vector<16xf32>,
        %mul3A_155 = arith.mulf %get3A_154, %bitcast3A : vector<16xf32>
        %swap3A_156 = arith.index_cast %add3A_121 : i32 to index
        %swap3A_157 = arith.constant 64 : index
        %swap3A_158 = tpu.vector_load %arg8[%swap3A_156, %swap3A_157] {strides = array<i32>} : memref<128x128xf32, #tpu.memory_space<vmem>>, vector<16xf32>,
        tpu.vector_store %arg8[%swap3A_156, %swap3A_157], %mul3A_155 {strides = array<i32>} : memref<128x128xf32, #tpu.memory_space<vmem>>, vector<16xf32>,
        %get3A_159 = arith.index_cast %add3A_121 : i32 to index
        %get3A_160 = arith.constant 80 : index
        %get3A_161 = tpu.vector_load %arg8[%get3A_159, %get3A_160] {strides = array<i32>} : memref<128x128xf32, #tpu.memory_space<vmem>>, vector<16xf32>,
        %mul3A_162 = arith.mulf %get3A_161, %bitcast3A : vector<16xf32>
        %swap3A_163 = arith.index_cast %add3A_121 : i32 to index
        %swap3A_164 = arith.constant 80 : index
        %swap3A_165 = tpu.vector_load %arg8[%swap3A_163, %swap3A_164] {strides = array<i32>} : memref<128x128xf32, #tpu.memory_space<vmem>>, vector<16xf32>,
        tpu.vector_store %arg8[%swap3A_163, %swap3A_164], %mul3A_162 {strides = array<i32>} : memref<128x128xf32, #tpu.memory_space<vmem>>, vector<16xf32>,
        %get3A_166 = arith.index_cast %add3A_121 : i32 to index
        %get3A_167 = arith.constant 96 : index
        %get3A_168 = tpu.vector_load %arg8[%get3A_166, %get3A_167] {strides = array<i32>} : memref<128x128xf32, #tpu.memory_space<vmem>>, vector<16xf32>,
        %mul3A_169 = arith.mulf %get3A_168, %bitcast3A : vector<16xf32>
        %swap3A_170 = arith.index_cast %add3A_121 : i32 to index
        %swap3A_171 = arith.constant 96 : index
        %swap3A_172 = tpu.vector_load %arg8[%swap3A_170, %swap3A_171] {strides = array<i32>} : memref<128x128xf32, #tpu.memory_space<vmem>>, vector<16xf32>,
        tpu.vector_store %arg8[%swap3A_170, %swap3A_171], %mul3A_169 {strides = array<i32>} : memref<128x128xf32, #tpu.memory_space<vmem>>, vector<16xf32>,
        %get3A_173 = arith.index_cast %add3A_121 : i32 to index
        %get3A_174 = arith.constant 112 : index
        %get3A_175 = tpu.vector_load %arg8[%get3A_173, %get3A_174] {strides = array<i32>} : memref<128x128xf32, #tpu.memory_space<vmem>>, vector<16xf32>,
        %mul3A_176 = arith.mulf %get3A_175, %bitcast3A : vector<16xf32>
        %swap3A_177 = arith.index_cast %add3A_121 : i32 to index
        %swap3A_178 = arith.constant 112 : index
        %swap3A_179 = tpu.vector_load %arg8[%swap3A_177, %swap3A_178] {strides = array<i32>} : memref<128x128xf32, #tpu.memory_space<vmem>>, vector<16xf32>,
        tpu.vector_store %arg8[%swap3A_177, %swap3A_178], %mul3A_176 {strides = array<i32>} : memref<128x128xf32, #tpu.memory_space<vmem>>, vector<16xf32>,
        %mul3A_180 = arith.constant 8 : i32
        %mul3A_181 = arith.muli %scan3A_117, %mul3A_180 : i32
        %add3A_182 = arith.constant 1 : i32
        %add3A_183 = arith.addi %mul3A_181, %add3A_182 : i32
        %broadcast_in_dim3A_184 = vector.broadcast %add3A_183 : i32 to vector<16xi32>
        %gather3A_185 = arith.constant 2 : i32
        %gather3A_186 = arith.constant 0 : i32
        %gather3A_187 = tpu.memref_slice %arg6[%gather3A_185, %gather3A_186] : memref<3x128xi32, #tpu.memory_space<vmem>> -> memref<1x128xi32, #tpu.memory_space<vmem>>
        %gather3A_188 = tpu.memref_squeeze %gather3A_187 : memref<1x128xi32, #tpu.memory_space<vmem>> -> memref<128xi32, #tpu.memory_space<vmem>>
        %gather3A_189 = tpu.vector_load_idx %gather3A_188[%broadcast_in_dim3A_184] : memref<128xi32, #tpu.memory_space<vmem>>[vector<16xi32>], vector<16xi32>,
        %bitcast3A_190 = vector.bitcast %gather3A_189 : vector<16xi32> to vector<16xf32>
        %get3A_191 = arith.index_cast %add3A_183 : i32 to index
        %get3A_192 = arith.constant 0 : index
        %get3A_193 = tpu.vector_load %arg8[%get3A_191, %get3A_192] {strides = array<i32>} : memref<128x128xf32, #tpu.memory_space<vmem>>, vector<16xf32>,
        %mul3A_194 = arith.mulf %get3A_193, %bitcast3A_190 : vector<16xf32>
        %swap3A_195 = arith.index_cast %add3A_183 : i32 to index
        %swap3A_196 = arith.constant 0 : index
        %swap3A_197 = tpu.vector_load %arg8[%swap3A_195, %swap3A_196] {strides = array<i32>} : memref<128x128xf32, #tpu.memory_space<vmem>>, vector<16xf32>,
        tpu.vector_store %arg8[%swap3A_195, %swap3A_196], %mul3A_194 {strides = array<i32>} : memref<128x128xf32, #tpu.memory_space<vmem>>, vector<16xf32>,
        %get3A_198 = arith.index_cast %add3A_183 : i32 to index
        %get3A_199 = arith.constant 16 : index
        %get3A_200 = tpu.vector_load %arg8[%get3A_198, %get3A_199] {strides = array<i32>} : memref<128x128xf32, #tpu.memory_space<vmem>>, vector<16xf32>,
        %mul3A_201 = arith.mulf %get3A_200, %bitcast3A_190 : vector<16xf32>
        %swap3A_202 = arith.index_cast %add3A_183 : i32 to index
        %swap3A_203 = arith.constant 16 : index
        %swap3A_204 = tpu.vector_load %arg8[%swap3A_202, %swap3A_203] {strides = array<i32>} : memref<128x128xf32, #tpu.memory_space<vmem>>, vector<16xf32>,
        tpu.vector_store %arg8[%swap3A_202, %swap3A_203], %mul3A_201 {strides = array<i32>} : memref<128x128xf32, #tpu.memory_space<vmem>>, vector<16xf32>,
        %get3A_205 = arith.index_cast %add3A_183 : i32 to index
        %get3A_206 = arith.constant 32 : index
        %get3A_207 = tpu.vector_load %arg8[%get3A_205, %get3A_206] {strides = array<i32>} : memref<128x128xf32, #tpu.memory_space<vmem>>, vector<16xf32>,
        %mul3A_208 = arith.mulf %get3A_207, %bitcast3A_190 : vector<16xf32>
        %swap3A_209 = arith.index_cast %add3A_183 : i32 to index
        %swap3A_210 = arith.constant 32 : index
        %swap3A_211 = tpu.vector_load %arg8[%swap3A_209, %swap3A_210] {strides = array<i32>} : memref<128x128xf32, #tpu.memory_space<vmem>>, vector<16xf32>,
        tpu.vector_store %arg8[%swap3A_209, %swap3A_210], %mul3A_208 {strides = array<i32>} : memref<128x128xf32, #tpu.memory_space<vmem>>, vector<16xf32>,
        %get3A_212 = arith.index_cast %add3A_183 : i32 to index
        %get3A_213 = arith.constant 48 : index
        %get3A_214 = tpu.vector_load %arg8[%get3A_212, %get3A_213] {strides = array<i32>} : memref<128x128xf32, #tpu.memory_space<vmem>>, vector<16xf32>,
        %mul3A_215 = arith.mulf %get3A_214, %bitcast3A_190 : vector<16xf32>
        %swap3A_216 = arith.index_cast %add3A_183 : i32 to index
        %swap3A_217 = arith.constant 48 : index
        %swap3A_218 = tpu.vector_load %arg8[%swap3A_216, %swap3A_217] {strides = array<i32>} : memref<128x128xf32, #tpu.memory_space<vmem>>, vector<16xf32>,
        tpu.vector_store %arg8[%swap3A_216, %swap3A_217], %mul3A_215 {strides = array<i32>} : memref<128x128xf32, #tpu.memory_space<vmem>>, vector<16xf32>,
        %get3A_219 = arith.index_cast %add3A_183 : i32 to index
        %get3A_220 = arith.constant 64 : index
        %get3A_221 = tpu.vector_load %arg8[%get3A_219, %get3A_220] {strides = array<i32>} : memref<128x128xf32, #tpu.memory_space<vmem>>, vector<16xf32>,
        %mul3A_222 = arith.mulf %get3A_221, %bitcast3A_190 : vector<16xf32>
        %swap3A_223 = arith.index_cast %add3A_183 : i32 to index
        %swap3A_224 = arith.constant 64 : index
        %swap3A_225 = tpu.vector_load %arg8[%swap3A_223, %swap3A_224] {strides = array<i32>} : memref<128x128xf32, #tpu.memory_space<vmem>>, vector<16xf32>,
        tpu.vector_store %arg8[%swap3A_223, %swap3A_224], %mul3A_222 {strides = array<i32>} : memref<128x128xf32, #tpu.memory_space<vmem>>, vector<16xf32>,
        %get3A_226 = arith.index_cast %add3A_183 : i32 to index
        %get3A_227 = arith.constant 80 : index
        %get3A_228 = tpu.vector_load %arg8[%get3A_226, %get3A_227] {strides = array<i32>} : memref<128x128xf32, #tpu.memory_space<vmem>>, vector<16xf32>,
        %mul3A_229 = arith.mulf %get3A_228, %bitcast3A_190 : vector<16xf32>
        %swap3A_230 = arith.index_cast %add3A_183 : i32 to index
        %swap3A_231 = arith.constant 80 : index
        %swap3A_232 = tpu.vector_load %arg8[%swap3A_230, %swap3A_231] {strides = array<i32>} : memref<128x128xf32, #tpu.memory_space<vmem>>, vector<16xf32>,
        tpu.vector_store %arg8[%swap3A_230, %swap3A_231], %mul3A_229 {strides = array<i32>} : memref<128x128xf32, #tpu.memory_space<vmem>>, vector<16xf32>,
        %get3A_233 = arith.index_cast %add3A_183 : i32 to index
        %get3A_234 = arith.constant 96 : index
        %get3A_235 = tpu.vector_load %arg8[%get3A_233, %get3A_234] {strides = array<i32>} : memref<128x128xf32, #tpu.memory_space<vmem>>, vector<16xf32>,
        %mul3A_236 = arith.mulf %get3A_235, %bitcast3A_190 : vector<16xf32>
        %swap3A_237 = arith.index_cast %add3A_183 : i32 to index
        %swap3A_238 = arith.constant 96 : index
        %swap3A_239 = tpu.vector_load %arg8[%swap3A_237, %swap3A_238] {strides = array<i32>} : memref<128x128xf32, #tpu.memory_space<vmem>>, vector<16xf32>,
        tpu.vector_store %arg8[%swap3A_237, %swap3A_238], %mul3A_236 {strides = array<i32>} : memref<128x128xf32, #tpu.memory_space<vmem>>, vector<16xf32>,
        %get3A_240 = arith.index_cast %add3A_183 : i32 to index
        %get3A_241 = arith.constant 112 : index
        %get3A_242 = tpu.vector_load %arg8[%get3A_240, %get3A_241] {strides = array<i32>} : memref<128x128xf32, #tpu.memory_space<vmem>>, vector<16xf32>,
        %mul3A_243 = arith.mulf %get3A_242, %bitcast3A_190 : vector<16xf32>
        %swap3A_244 = arith.index_cast %add3A_183 : i32 to index
        %swap3A_245 = arith.constant 112 : index
        %swap3A_246 = tpu.vector_load %arg8[%swap3A_244, %swap3A_245] {strides = array<i32>} : memref<128x128xf32, #tpu.memory_space<vmem>>, vector<16xf32>,
        tpu.vector_store %arg8[%swap3A_244, %swap3A_245], %mul3A_243 {strides = array<i32>} : memref<128x128xf32, #tpu.memory_space<vmem>>, vector<16xf32>,
        %mul3A_247 = arith.constant 8 : i32
        %mul3A_248 = arith.muli %scan3A_117, %mul3A_247 : i32
        %add3A_249 = arith.constant 2 : i32
        %add3A_250 = arith.addi %mul3A_248, %add3A_249 : i32
        %broadcast_in_dim3A_251 = vector.broadcast %add3A_250 : i32 to vector<16xi32>
        %gather3A_252 = arith.constant 2 : i32
        %gather3A_253 = arith.constant 0 : i32
        %gather3A_254 = tpu.memref_slice %arg6[%gather3A_252, %gather3A_253] : memref<3x128xi32, #tpu.memory_space<vmem>> -> memref<1x128xi32, #tpu.memory_space<vmem>>
        %gather3A_255 = tpu.memref_squeeze %gather3A_254 : memref<1x128xi32, #tpu.memory_space<vmem>> -> memref<128xi32, #tpu.memory_space<vmem>>
        %gather3A_256 = tpu.vector_load_idx %gather3A_255[%broadcast_in_dim3A_251] : memref<128xi32, #tpu.memory_space<vmem>>[vector<16xi32>], vector<16xi32>,
        %bitcast3A_257 = vector.bitcast %gather3A_256 : vector<16xi32> to vector<16xf32>
        %get3A_258 = arith.index_cast %add3A_250 : i32 to index
        %get3A_259 = arith.constant 0 : index
        %get3A_260 = tpu.vector_load %arg8[%get3A_258, %get3A_259] {strides = array<i32>} : memref<128x128xf32, #tpu.memory_space<vmem>>, vector<16xf32>,
        %mul3A_261 = arith.mulf %get3A_260, %bitcast3A_257 : vector<16xf32>
        %swap3A_262 = arith.index_cast %add3A_250 : i32 to index
        %swap3A_263 = arith.constant 0 : index
        %swap3A_264 = tpu.vector_load %arg8[%swap3A_262, %swap3A_263] {strides = array<i32>} : memref<128x128xf32, #tpu.memory_space<vmem>>, vector<16xf32>,
        tpu.vector_store %arg8[%swap3A_262, %swap3A_263], %mul3A_261 {strides = array<i32>} : memref<128x128xf32, #tpu.memory_space<vmem>>, vector<16xf32>,
        %get3A_265 = arith.index_cast %add3A_250 : i32 to index
        %get3A_266 = arith.constant 16 : index
        %get3A_267 = tpu.vector_load %arg8[%get3A_265, %get3A_266] {strides = array<i32>} : memref<128x128xf32, #tpu.memory_space<vmem>>, vector<16xf32>,
        %mul3A_268 = arith.mulf %get3A_267, %bitcast3A_257 : vector<16xf32>
        %swap3A_269 = arith.index_cast %add3A_250 : i32 to index
        %swap3A_270 = arith.constant 16 : index
        %swap3A_271 = tpu.vector_load %arg8[%swap3A_269, %swap3A_270] {strides = array<i32>} : memref<128x128xf32, #tpu.memory_space<vmem>>, vector<16xf32>,
        tpu.vector_store %arg8[%swap3A_269, %swap3A_270], %mul3A_268 {strides = array<i32>} : memref<128x128xf32, #tpu.memory_space<vmem>>, vector<16xf32>,
        %get3A_272 = arith.index_cast %add3A_250 : i32 to index
        %get3A_273 = arith.constant 32 : index
        %get3A_274 = tpu.vector_load %arg8[%get3A_272, %get3A_273] {strides = array<i32>} : memref<128x128xf32, #tpu.memory_space<vmem>>, vector<16xf32>,
        %mul3A_275 = arith.mulf %get3A_274, %bitcast3A_257 : vector<16xf32>
        %swap3A_276 = arith.index_cast %add3A_250 : i32 to index
        %swap3A_277 = arith.constant 32 : index
        %swap3A_278 = tpu.vector_load %arg8[%swap3A_276, %swap3A_277] {strides = array<i32>} : memref<128x128xf32, #tpu.memory_space<vmem>>, vector<16xf32>,
        tpu.vector_store %arg8[%swap3A_276, %swap3A_277], %mul3A_275 {strides = array<i32>} : memref<128x128xf32, #tpu.memory_space<vmem>>, vector<16xf32>,
        %get3A_279 = arith.index_cast %add3A_250 : i32 to index
        %get3A_280 = arith.constant 48 : index
        %get3A_281 = tpu.vector_load %arg8[%get3A_279, %get3A_280] {strides = array<i32>} : memref<128x128xf32, #tpu.memory_space<vmem>>, vector<16xf32>,
        %mul3A_282 = arith.mulf %get3A_281, %bitcast3A_257 : vector<16xf32>
        %swap3A_283 = arith.index_cast %add3A_250 : i32 to index
        %swap3A_284 = arith.constant 48 : index
        %swap3A_285 = tpu.vector_load %arg8[%swap3A_283, %swap3A_284] {strides = array<i32>} : memref<128x128xf32, #tpu.memory_space<vmem>>, vector<16xf32>,
        tpu.vector_store %arg8[%swap3A_283, %swap3A_284], %mul3A_282 {strides = array<i32>} : memref<128x128xf32, #tpu.memory_space<vmem>>, vector<16xf32>,
        %get3A_286 = arith.index_cast %add3A_250 : i32 to index
        %get3A_287 = arith.constant 64 : index
        %get3A_288 = tpu.vector_load %arg8[%get3A_286, %get3A_287] {strides = array<i32>} : memref<128x128xf32, #tpu.memory_space<vmem>>, vector<16xf32>,
        %mul3A_289 = arith.mulf %get3A_288, %bitcast3A_257 : vector<16xf32>
        %swap3A_290 = arith.index_cast %add3A_250 : i32 to index
        %swap3A_291 = arith.constant 64 : index
        %swap3A_292 = tpu.vector_load %arg8[%swap3A_290, %swap3A_291] {strides = array<i32>} : memref<128x128xf32, #tpu.memory_space<vmem>>, vector<16xf32>,
        tpu.vector_store %arg8[%swap3A_290, %swap3A_291], %mul3A_289 {strides = array<i32>} : memref<128x128xf32, #tpu.memory_space<vmem>>, vector<16xf32>,
        %get3A_293 = arith.index_cast %add3A_250 : i32 to index
        %get3A_294 = arith.constant 80 : index
        %get3A_295 = tpu.vector_load %arg8[%get3A_293, %get3A_294] {strides = array<i32>} : memref<128x128xf32, #tpu.memory_space<vmem>>, vector<16xf32>,
        %mul3A_296 = arith.mulf %get3A_295, %bitcast3A_257 : vector<16xf32>
        %swap3A_297 = arith.index_cast %add3A_250 : i32 to index
        %swap3A_298 = arith.constant 80 : index
        %swap3A_299 = tpu.vector_load %arg8[%swap3A_297, %swap3A_298] {strides = array<i32>} : memref<128x128xf32, #tpu.memory_space<vmem>>, vector<16xf32>,
        tpu.vector_store %arg8[%swap3A_297, %swap3A_298], %mul3A_296 {strides = array<i32>} : memref<128x128xf32, #tpu.memory_space<vmem>>, vector<16xf32>,
        %get3A_300 = arith.index_cast %add3A_250 : i32 to index
        %get3A_301 = arith.constant 96 : index
        %get3A_302 = tpu.vector_load %arg8[%get3A_300, %get3A_301] {strides = array<i32>} : memref<128x128xf32, #tpu.memory_space<vmem>>, vector<16xf32>,
        %mul3A_303 = arith.mulf %get3A_302, %bitcast3A_257 : vector<16xf32>
        %swap3A_304 = arith.index_cast %add3A_250 : i32 to index
        %swap3A_305 = arith.constant 96 : index
        %swap3A_306 = tpu.vector_load %arg8[%swap3A_304, %swap3A_305] {strides = array<i32>} : memref<128x128xf32, #tpu.memory_space<vmem>>, vector<16xf32>,
        tpu.vector_store %arg8[%swap3A_304, %swap3A_305], %mul3A_303 {strides = array<i32>} : memref<128x128xf32, #tpu.memory_space<vmem>>, vector<16xf32>,
        %get3A_307 = arith.index_cast %add3A_250 : i32 to index
        %get3A_308 = arith.constant 112 : index
        %get3A_309 = tpu.vector_load %arg8[%get3A_307, %get3A_308] {strides = array<i32>} : memref<128x128xf32, #tpu.memory_space<vmem>>, vector<16xf32>,
        %mul3A_310 = arith.mulf %get3A_309, %bitcast3A_257 : vector<16xf32>
        %swap3A_311 = arith.index_cast %add3A_250 : i32 to index
        %swap3A_312 = arith.constant 112 : index
        %swap3A_313 = tpu.vector_load %arg8[%swap3A_311, %swap3A_312] {strides = array<i32>} : memref<128x128xf32, #tpu.memory_space<vmem>>, vector<16xf32>,
        tpu.vector_store %arg8[%swap3A_311, %swap3A_312], %mul3A_310 {strides = array<i32>} : memref<128x128xf32, #tpu.memory_space<vmem>>, vector<16xf32>,
        %mul3A_314 = arith.constant 8 : i32
        %mul3A_315 = arith.muli %scan3A_117, %mul3A_314 : i32
        %add3A_316 = arith.constant 3 : i32
        %add3A_317 = arith.addi %mul3A_315, %add3A_316 : i32
        %broadcast_in_dim3A_318 = vector.broadcast %add3A_317 : i32 to vector<16xi32>
        %gather3A_319 = arith.constant 2 : i32
        %gather3A_320 = arith.constant 0 : i32
        %gather3A_321 = tpu.memref_slice %arg6[%gather3A_319, %gather3A_320] : memref<3x128xi32, #tpu.memory_space<vmem>> -> memref<1x128xi32, #tpu.memory_space<vmem>>
        %gather3A_322 = tpu.memref_squeeze %gather3A_321 : memref<1x128xi32, #tpu.memory_space<vmem>> -> memref<128xi32, #tpu.memory_space<vmem>>
        %gather3A_323 = tpu.vector_load_idx %gather3A_322[%broadcast_in_dim3A_318] : memref<128xi32, #tpu.memory_space<vmem>>[vector<16xi32>], vector<16xi32>,
        %bitcast3A_324 = vector.bitcast %gather3A_323 : vector<16xi32> to vector<16xf32>
        %get3A_325 = arith.index_cast %add3A_317 : i32 to index
        %get3A_326 = arith.constant 0 : index
        %get3A_327 = tpu.vector_load %arg8[%get3A_325, %get3A_326] {strides = array<i32>} : memref<128x128xf32, #tpu.memory_space<vmem>>, vector<16xf32>,
        %mul3A_328 = arith.mulf %get3A_327, %bitcast3A_324 : vector<16xf32>
        %swap3A_329 = arith.index_cast %add3A_317 : i32 to index
        %swap3A_330 = arith.constant 0 : index
        %swap3A_331 = tpu.vector_load %arg8[%swap3A_329, %swap3A_330] {strides = array<i32>} : memref<128x128xf32, #tpu.memory_space<vmem>>, vector<16xf32>,
        tpu.vector_store %arg8[%swap3A_329, %swap3A_330], %mul3A_328 {strides = array<i32>} : memref<128x128xf32, #tpu.memory_space<vmem>>, vector<16xf32>,
        %get3A_332 = arith.index_cast %add3A_317 : i32 to index
        %get3A_333 = arith.constant 16 : index
        %get3A_334 = tpu.vector_load %arg8[%get3A_332, %get3A_333] {strides = array<i32>} : memref<128x128xf32, #tpu.memory_space<vmem>>, vector<16xf32>,
        %mul3A_335 = arith.mulf %get3A_334, %bitcast3A_324 : vector<16xf32>
        %swap3A_336 = arith.index_cast %add3A_317 : i32 to index
        %swap3A_337 = arith.constant 16 : index
        %swap3A_338 = tpu.vector_load %arg8[%swap3A_336, %swap3A_337] {strides = array<i32>} : memref<128x128xf32, #tpu.memory_space<vmem>>, vector<16xf32>,
        tpu.vector_store %arg8[%swap3A_336, %swap3A_337], %mul3A_335 {strides = array<i32>} : memref<128x128xf32, #tpu.memory_space<vmem>>, vector<16xf32>,
        %get3A_339 = arith.index_cast %add3A_317 : i32 to index
        %get3A_340 = arith.constant 32 : index
        %get3A_341 = tpu.vector_load %arg8[%get3A_339, %get3A_340] {strides = array<i32>} : memref<128x128xf32, #tpu.memory_space<vmem>>, vector<16xf32>,
        %mul3A_342 = arith.mulf %get3A_341, %bitcast3A_324 : vector<16xf32>
        %swap3A_343 = arith.index_cast %add3A_317 : i32 to index
        %swap3A_344 = arith.constant 32 : index
        %swap3A_345 = tpu.vector_load %arg8[%swap3A_343, %swap3A_344] {strides = array<i32>} : memref<128x128xf32, #tpu.memory_space<vmem>>, vector<16xf32>,
        tpu.vector_store %arg8[%swap3A_343, %swap3A_344], %mul3A_342 {strides = array<i32>} : memref<128x128xf32, #tpu.memory_space<vmem>>, vector<16xf32>,
        %get3A_346 = arith.index_cast %add3A_317 : i32 to index
        %get3A_347 = arith.constant 48 : index
        %get3A_348 = tpu.vector_load %arg8[%get3A_346, %get3A_347] {strides = array<i32>} : memref<128x128xf32, #tpu.memory_space<vmem>>, vector<16xf32>,
        %mul3A_349 = arith.mulf %get3A_348, %bitcast3A_324 : vector<16xf32>
        %swap3A_350 = arith.index_cast %add3A_317 : i32 to index
        %swap3A_351 = arith.constant 48 : index
        %swap3A_352 = tpu.vector_load %arg8[%swap3A_350, %swap3A_351] {strides = array<i32>} : memref<128x128xf32, #tpu.memory_space<vmem>>, vector<16xf32>,
        tpu.vector_store %arg8[%swap3A_350, %swap3A_351], %mul3A_349 {strides = array<i32>} : memref<128x128xf32, #tpu.memory_space<vmem>>, vector<16xf32>,
        %get3A_353 = arith.index_cast %add3A_317 : i32 to index
        %get3A_354 = arith.constant 64 : index
        %get3A_355 = tpu.vector_load %arg8[%get3A_353, %get3A_354] {strides = array<i32>} : memref<128x128xf32, #tpu.memory_space<vmem>>, vector<16xf32>,
        %mul3A_356 = arith.mulf %get3A_355, %bitcast3A_324 : vector<16xf32>
        %swap3A_357 = arith.index_cast %add3A_317 : i32 to index
        %swap3A_358 = arith.constant 64 : index
        %swap3A_359 = tpu.vector_load %arg8[%swap3A_357, %swap3A_358] {strides = array<i32>} : memref<128x128xf32, #tpu.memory_space<vmem>>, vector<16xf32>,
        tpu.vector_store %arg8[%swap3A_357, %swap3A_358], %mul3A_356 {strides = array<i32>} : memref<128x128xf32, #tpu.memory_space<vmem>>, vector<16xf32>,
        %get3A_360 = arith.index_cast %add3A_317 : i32 to index
        %get3A_361 = arith.constant 80 : index
        %get3A_362 = tpu.vector_load %arg8[%get3A_360, %get3A_361] {strides = array<i32>} : memref<128x128xf32, #tpu.memory_space<vmem>>, vector<16xf32>,
        %mul3A_363 = arith.mulf %get3A_362, %bitcast3A_324 : vector<16xf32>
        %swap3A_364 = arith.index_cast %add3A_317 : i32 to index
        %swap3A_365 = arith.constant 80 : index
        %swap3A_366 = tpu.vector_load %arg8[%swap3A_364, %swap3A_365] {strides = array<i32>} : memref<128x128xf32, #tpu.memory_space<vmem>>, vector<16xf32>,
        tpu.vector_store %arg8[%swap3A_364, %swap3A_365], %mul3A_363 {strides = array<i32>} : memref<128x128xf32, #tpu.memory_space<vmem>>, vector<16xf32>,
        %get3A_367 = arith.index_cast %add3A_317 : i32 to index
        %get3A_368 = arith.constant 96 : index
        %get3A_369 = tpu.vector_load %arg8[%get3A_367, %get3A_368] {strides = array<i32>} : memref<128x128xf32, #tpu.memory_space<vmem>>, vector<16xf32>,
        %mul3A_370 = arith.mulf %get3A_369, %bitcast3A_324 : vector<16xf32>
        %swap3A_371 = arith.index_cast %add3A_317 : i32 to index
        %swap3A_372 = arith.constant 96 : index
        %swap3A_373 = tpu.vector_load %arg8[%swap3A_371, %swap3A_372] {strides = array<i32>} : memref<128x128xf32, #tpu.memory_space<vmem>>, vector<16xf32>,
        tpu.vector_store %arg8[%swap3A_371, %swap3A_372], %mul3A_370 {strides = array<i32>} : memref<128x128xf32, #tpu.memory_space<vmem>>, vector<16xf32>,
        %get3A_374 = arith.index_cast %add3A_317 : i32 to index
        %get3A_375 = arith.constant 112 : index
        %get3A_376 = tpu.vector_load %arg8[%get3A_374, %get3A_375] {strides = array<i32>} : memref<128x128xf32, #tpu.memory_space<vmem>>, vector<16xf32>,
        %mul3A_377 = arith.mulf %get3A_376, %bitcast3A_324 : vector<16xf32>
        %swap3A_378 = arith.index_cast %add3A_317 : i32 to index
        %swap3A_379 = arith.constant 112 : index
        %swap3A_380 = tpu.vector_load %arg8[%swap3A_378, %swap3A_379] {strides = array<i32>} : memref<128x128xf32, #tpu.memory_space<vmem>>, vector<16xf32>,
        tpu.vector_store %arg8[%swap3A_378, %swap3A_379], %mul3A_377 {strides = array<i32>} : memref<128x128xf32, #tpu.memory_space<vmem>>, vector<16xf32>,
        %mul3A_381 = arith.constant 8 : i32
        %mul3A_382 = arith.muli %scan3A_117, %mul3A_381 : i32
        %add3A_383 = arith.constant 4 : i32
        %add3A_384 = arith.addi %mul3A_382, %add3A_383 : i32
        %broadcast_in_dim3A_385 = vector.broadcast %add3A_384 : i32 to vector<16xi32>
        %gather3A_386 = arith.constant 2 : i32
        %gather3A_387 = arith.constant 0 : i32
        %gather3A_388 = tpu.memref_slice %arg6[%gather3A_386, %gather3A_387] : memref<3x128xi32, #tpu.memory_space<vmem>> -> memref<1x128xi32, #tpu.memory_space<vmem>>
        %gather3A_389 = tpu.memref_squeeze %gather3A_388 : memref<1x128xi32, #tpu.memory_space<vmem>> -> memref<128xi32, #tpu.memory_space<vmem>>
        %gather3A_390 = tpu.vector_load_idx %gather3A_389[%broadcast_in_dim3A_385] : memref<128xi32, #tpu.memory_space<vmem>>[vector<16xi32>], vector<16xi32>,
        %bitcast3A_391 = vector.bitcast %gather3A_390 : vector<16xi32> to vector<16xf32>
        %get3A_392 = arith.index_cast %add3A_384 : i32 to index
        %get3A_393 = arith.constant 0 : index
        %get3A_394 = tpu.vector_load %arg8[%get3A_392, %get3A_393] {strides = array<i32>} : memref<128x128xf32, #tpu.memory_space<vmem>>, vector<16xf32>,
        %mul3A_395 = arith.mulf %get3A_394, %bitcast3A_391 : vector<16xf32>
        %swap3A_396 = arith.index_cast %add3A_384 : i32 to index
        %swap3A_397 = arith.constant 0 : index
        %swap3A_398 = tpu.vector_load %arg8[%swap3A_396, %swap3A_397] {strides = array<i32>} : memref<128x128xf32, #tpu.memory_space<vmem>>, vector<16xf32>,
        tpu.vector_store %arg8[%swap3A_396, %swap3A_397], %mul3A_395 {strides = array<i32>} : memref<128x128xf32, #tpu.memory_space<vmem>>, vector<16xf32>,
        %get3A_399 = arith.index_cast %add3A_384 : i32 to index
        %get3A_400 = arith.constant 16 : index
        %get3A_401 = tpu.vector_load %arg8[%get3A_399, %get3A_400] {strides = array<i32>} : memref<128x128xf32, #tpu.memory_space<vmem>>, vector<16xf32>,
        %mul3A_402 = arith.mulf %get3A_401, %bitcast3A_391 : vector<16xf32>
        %swap3A_403 = arith.index_cast %add3A_384 : i32 to index
        %swap3A_404 = arith.constant 16 : index
        %swap3A_405 = tpu.vector_load %arg8[%swap3A_403, %swap3A_404] {strides = array<i32>} : memref<128x128xf32, #tpu.memory_space<vmem>>, vector<16xf32>,
        tpu.vector_store %arg8[%swap3A_403, %swap3A_404], %mul3A_402 {strides = array<i32>} : memref<128x128xf32, #tpu.memory_space<vmem>>, vector<16xf32>,
        %get3A_406 = arith.index_cast %add3A_384 : i32 to index
        %get3A_407 = arith.constant 32 : index
        %get3A_408 = tpu.vector_load %arg8[%get3A_406, %get3A_407] {strides = array<i32>} : memref<128x128xf32, #tpu.memory_space<vmem>>, vector<16xf32>,
        %mul3A_409 = arith.mulf %get3A_408, %bitcast3A_391 : vector<16xf32>
        %swap3A_410 = arith.index_cast %add3A_384 : i32 to index
        %swap3A_411 = arith.constant 32 : index
        %swap3A_412 = tpu.vector_load %arg8[%swap3A_410, %swap3A_411] {strides = array<i32>} : memref<128x128xf32, #tpu.memory_space<vmem>>, vector<16xf32>,
        tpu.vector_store %arg8[%swap3A_410, %swap3A_411], %mul3A_409 {strides = array<i32>} : memref<128x128xf32, #tpu.memory_space<vmem>>, vector<16xf32>,
        %get3A_413 = arith.index_cast %add3A_384 : i32 to index
        %get3A_414 = arith.constant 48 : index
        %get3A_415 = tpu.vector_load %arg8[%get3A_413, %get3A_414] {strides = array<i32>} : memref<128x128xf32, #tpu.memory_space<vmem>>, vector<16xf32>,
        %mul3A_416 = arith.mulf %get3A_415, %bitcast3A_391 : vector<16xf32>
        %swap3A_417 = arith.index_cast %add3A_384 : i32 to index
        %swap3A_418 = arith.constant 48 : index
        %swap3A_419 = tpu.vector_load %arg8[%swap3A_417, %swap3A_418] {strides = array<i32>} : memref<128x128xf32, #tpu.memory_space<vmem>>, vector<16xf32>,
        tpu.vector_store %arg8[%swap3A_417, %swap3A_418], %mul3A_416 {strides = array<i32>} : memref<128x128xf32, #tpu.memory_space<vmem>>, vector<16xf32>,
        %get3A_420 = arith.index_cast %add3A_384 : i32 to index
        %get3A_421 = arith.constant 64 : index
        %get3A_422 = tpu.vector_load %arg8[%get3A_420, %get3A_421] {strides = array<i32>} : memref<128x128xf32, #tpu.memory_space<vmem>>, vector<16xf32>,
        %mul3A_423 = arith.mulf %get3A_422, %bitcast3A_391 : vector<16xf32>
        %swap3A_424 = arith.index_cast %add3A_384 : i32 to index
        %swap3A_425 = arith.constant 64 : index
        %swap3A_426 = tpu.vector_load %arg8[%swap3A_424, %swap3A_425] {strides = array<i32>} : memref<128x128xf32, #tpu.memory_space<vmem>>, vector<16xf32>,
        tpu.vector_store %arg8[%swap3A_424, %swap3A_425], %mul3A_423 {strides = array<i32>} : memref<128x128xf32, #tpu.memory_space<vmem>>, vector<16xf32>,
        %get3A_427 = arith.index_cast %add3A_384 : i32 to index
        %get3A_428 = arith.constant 80 : index
        %get3A_429 = tpu.vector_load %arg8[%get3A_427, %get3A_428] {strides = array<i32>} : memref<128x128xf32, #tpu.memory_space<vmem>>, vector<16xf32>,
        %mul3A_430 = arith.mulf %get3A_429, %bitcast3A_391 : vector<16xf32>
        %swap3A_431 = arith.index_cast %add3A_384 : i32 to index
        %swap3A_432 = arith.constant 80 : index
        %swap3A_433 = tpu.vector_load %arg8[%swap3A_431, %swap3A_432] {strides = array<i32>} : memref<128x128xf32, #tpu.memory_space<vmem>>, vector<16xf32>,
        tpu.vector_store %arg8[%swap3A_431, %swap3A_432], %mul3A_430 {strides = array<i32>} : memref<128x128xf32, #tpu.memory_space<vmem>>, vector<16xf32>,
        %get3A_434 = arith.index_cast %add3A_384 : i32 to index
        %get3A_435 = arith.constant 96 : index
        %get3A_436 = tpu.vector_load %arg8[%get3A_434, %get3A_435] {strides = array<i32>} : memref<128x128xf32, #tpu.memory_space<vmem>>, vector<16xf32>,
        %mul3A_437 = arith.mulf %get3A_436, %bitcast3A_391 : vector<16xf32>
        %swap3A_438 = arith.index_cast %add3A_384 : i32 to index
        %swap3A_439 = arith.constant 96 : index
        %swap3A_440 = tpu.vector_load %arg8[%swap3A_438, %swap3A_439] {strides = array<i32>} : memref<128x128xf32, #tpu.memory_space<vmem>>, vector<16xf32>,
        tpu.vector_store %arg8[%swap3A_438, %swap3A_439], %mul3A_437 {strides = array<i32>} : memref<128x128xf32, #tpu.memory_space<vmem>>, vector<16xf32>,
        %get3A_441 = arith.index_cast %add3A_384 : i32 to index
        %get3A_442 = arith.constant 112 : index
        %get3A_443 = tpu.vector_load %arg8[%get3A_441, %get3A_442] {strides = array<i32>} : memref<128x128xf32, #tpu.memory_space<vmem>>, vector<16xf32>,
        %mul3A_444 = arith.mulf %get3A_443, %bitcast3A_391 : vector<16xf32>
        %swap3A_445 = arith.index_cast %add3A_384 : i32 to index
        %swap3A_446 = arith.constant 112 : index
        %swap3A_447 = tpu.vector_load %arg8[%swap3A_445, %swap3A_446] {strides = array<i32>} : memref<128x128xf32, #tpu.memory_space<vmem>>, vector<16xf32>,
        tpu.vector_store %arg8[%swap3A_445, %swap3A_446], %mul3A_444 {strides = array<i32>} : memref<128x128xf32, #tpu.memory_space<vmem>>, vector<16xf32>,
        %mul3A_448 = arith.constant 8 : i32
        %mul3A_449 = arith.muli %scan3A_117, %mul3A_448 : i32
        %add3A_450 = arith.constant 5 : i32
        %add3A_451 = arith.addi %mul3A_449, %add3A_450 : i32
        %broadcast_in_dim3A_452 = vector.broadcast %add3A_451 : i32 to vector<16xi32>
        %gather3A_453 = arith.constant 2 : i32
        %gather3A_454 = arith.constant 0 : i32
        %gather3A_455 = tpu.memref_slice %arg6[%gather3A_453, %gather3A_454] : memref<3x128xi32, #tpu.memory_space<vmem>> -> memref<1x128xi32, #tpu.memory_space<vmem>>
        %gather3A_456 = tpu.memref_squeeze %gather3A_455 : memref<1x128xi32, #tpu.memory_space<vmem>> -> memref<128xi32, #tpu.memory_space<vmem>>
        %gather3A_457 = tpu.vector_load_idx %gather3A_456[%broadcast_in_dim3A_452] : memref<128xi32, #tpu.memory_space<vmem>>[vector<16xi32>], vector<16xi32>,
        %bitcast3A_458 = vector.bitcast %gather3A_457 : vector<16xi32> to vector<16xf32>
        %get3A_459 = arith.index_cast %add3A_451 : i32 to index
        %get3A_460 = arith.constant 0 : index
        %get3A_461 = tpu.vector_load %arg8[%get3A_459, %get3A_460] {strides = array<i32>} : memref<128x128xf32, #tpu.memory_space<vmem>>, vector<16xf32>,
        %mul3A_462 = arith.mulf %get3A_461, %bitcast3A_458 : vector<16xf32>
        %swap3A_463 = arith.index_cast %add3A_451 : i32 to index
        %swap3A_464 = arith.constant 0 : index
        %swap3A_465 = tpu.vector_load %arg8[%swap3A_463, %swap3A_464] {strides = array<i32>} : memref<128x128xf32, #tpu.memory_space<vmem>>, vector<16xf32>,
        tpu.vector_store %arg8[%swap3A_463, %swap3A_464], %mul3A_462 {strides = array<i32>} : memref<128x128xf32, #tpu.memory_space<vmem>>, vector<16xf32>,
        %get3A_466 = arith.index_cast %add3A_451 : i32 to index
        %get3A_467 = arith.constant 16 : index
        %get3A_468 = tpu.vector_load %arg8[%get3A_466, %get3A_467] {strides = array<i32>} : memref<128x128xf32, #tpu.memory_space<vmem>>, vector<16xf32>,
        %mul3A_469 = arith.mulf %get3A_468, %bitcast3A_458 : vector<16xf32>
        %swap3A_470 = arith.index_cast %add3A_451 : i32 to index
        %swap3A_471 = arith.constant 16 : index
        %swap3A_472 = tpu.vector_load %arg8[%swap3A_470, %swap3A_471] {strides = array<i32>} : memref<128x128xf32, #tpu.memory_space<vmem>>, vector<16xf32>,
        tpu.vector_store %arg8[%swap3A_470, %swap3A_471], %mul3A_469 {strides = array<i32>} : memref<128x128xf32, #tpu.memory_space<vmem>>, vector<16xf32>,
        %get3A_473 = arith.index_cast %add3A_451 : i32 to index
        %get3A_474 = arith.constant 32 : index
        %get3A_475 = tpu.vector_load %arg8[%get3A_473, %get3A_474] {strides = array<i32>} : memref<128x128xf32, #tpu.memory_space<vmem>>, vector<16xf32>,
        %mul3A_476 = arith.mulf %get3A_475, %bitcast3A_458 : vector<16xf32>
        %swap3A_477 = arith.index_cast %add3A_451 : i32 to index
        %swap3A_478 = arith.constant 32 : index
        %swap3A_479 = tpu.vector_load %arg8[%swap3A_477, %swap3A_478] {strides = array<i32>} : memref<128x128xf32, #tpu.memory_space<vmem>>, vector<16xf32>,
        tpu.vector_store %arg8[%swap3A_477, %swap3A_478], %mul3A_476 {strides = array<i32>} : memref<128x128xf32, #tpu.memory_space<vmem>>, vector<16xf32>,
        %get3A_480 = arith.index_cast %add3A_451 : i32 to index
        %get3A_481 = arith.constant 48 : index
        %get3A_482 = tpu.vector_load %arg8[%get3A_480, %get3A_481] {strides = array<i32>} : memref<128x128xf32, #tpu.memory_space<vmem>>, vector<16xf32>,
        %mul3A_483 = arith.mulf %get3A_482, %bitcast3A_458 : vector<16xf32>
        %swap3A_484 = arith.index_cast %add3A_451 : i32 to index
        %swap3A_485 = arith.constant 48 : index
        %swap3A_486 = tpu.vector_load %arg8[%swap3A_484, %swap3A_485] {strides = array<i32>} : memref<128x128xf32, #tpu.memory_space<vmem>>, vector<16xf32>,
        tpu.vector_store %arg8[%swap3A_484, %swap3A_485], %mul3A_483 {strides = array<i32>} : memref<128x128xf32, #tpu.memory_space<vmem>>, vector<16xf32>,
        %get3A_487 = arith.index_cast %add3A_451 : i32 to index
        %get3A_488 = arith.constant 64 : index
        %get3A_489 = tpu.vector_load %arg8[%get3A_487, %get3A_488] {strides = array<i32>} : memref<128x128xf32, #tpu.memory_space<vmem>>, vector<16xf32>,
        %mul3A_490 = arith.mulf %get3A_489, %bitcast3A_458 : vector<16xf32>
        %swap3A_491 = arith.index_cast %add3A_451 : i32 to index
        %swap3A_492 = arith.constant 64 : index
        %swap3A_493 = tpu.vector_load %arg8[%swap3A_491, %swap3A_492] {strides = array<i32>} : memref<128x128xf32, #tpu.memory_space<vmem>>, vector<16xf32>,
        tpu.vector_store %arg8[%swap3A_491, %swap3A_492], %mul3A_490 {strides = array<i32>} : memref<128x128xf32, #tpu.memory_space<vmem>>, vector<16xf32>,
        %get3A_494 = arith.index_cast %add3A_451 : i32 to index
        %get3A_495 = arith.constant 80 : index
        %get3A_496 = tpu.vector_load %arg8[%get3A_494, %get3A_495] {strides = array<i32>} : memref<128x128xf32, #tpu.memory_space<vmem>>, vector<16xf32>,
        %mul3A_497 = arith.mulf %get3A_496, %bitcast3A_458 : vector<16xf32>
        %swap3A_498 = arith.index_cast %add3A_451 : i32 to index
        %swap3A_499 = arith.constant 80 : index
        %swap3A_500 = tpu.vector_load %arg8[%swap3A_498, %swap3A_499] {strides = array<i32>} : memref<128x128xf32, #tpu.memory_space<vmem>>, vector<16xf32>,
        tpu.vector_store %arg8[%swap3A_498, %swap3A_499], %mul3A_497 {strides = array<i32>} : memref<128x128xf32, #tpu.memory_space<vmem>>, vector<16xf32>,
        %get3A_501 = arith.index_cast %add3A_451 : i32 to index
        %get3A_502 = arith.constant 96 : index
        %get3A_503 = tpu.vector_load %arg8[%get3A_501, %get3A_502] {strides = array<i32>} : memref<128x128xf32, #tpu.memory_space<vmem>>, vector<16xf32>,
        %mul3A_504 = arith.mulf %get3A_503, %bitcast3A_458 : vector<16xf32>
        %swap3A_505 = arith.index_cast %add3A_451 : i32 to index
        %swap3A_506 = arith.constant 96 : index
        %swap3A_507 = tpu.vector_load %arg8[%swap3A_505, %swap3A_506] {strides = array<i32>} : memref<128x128xf32, #tpu.memory_space<vmem>>, vector<16xf32>,
        tpu.vector_store %arg8[%swap3A_505, %swap3A_506], %mul3A_504 {strides = array<i32>} : memref<128x128xf32, #tpu.memory_space<vmem>>, vector<16xf32>,
        %get3A_508 = arith.index_cast %add3A_451 : i32 to index
        %get3A_509 = arith.constant 112 : index
        %get3A_510 = tpu.vector_load %arg8[%get3A_508, %get3A_509] {strides = array<i32>} : memref<128x128xf32, #tpu.memory_space<vmem>>, vector<16xf32>,
        %mul3A_511 = arith.mulf %get3A_510, %bitcast3A_458 : vector<16xf32>
        %swap3A_512 = arith.index_cast %add3A_451 : i32 to index
        %swap3A_513 = arith.constant 112 : index
        %swap3A_514 = tpu.vector_load %arg8[%swap3A_512, %swap3A_513] {strides = array<i32>} : memref<128x128xf32, #tpu.memory_space<vmem>>, vector<16xf32>,
        tpu.vector_store %arg8[%swap3A_512, %swap3A_513], %mul3A_511 {strides = array<i32>} : memref<128x128xf32, #tpu.memory_space<vmem>>, vector<16xf32>,
        %mul3A_515 = arith.constant 8 : i32
        %mul3A_516 = arith.muli %scan3A_117, %mul3A_515 : i32
        %add3A_517 = arith.constant 6 : i32
        %add3A_518 = arith.addi %mul3A_516, %add3A_517 : i32
        %broadcast_in_dim3A_519 = vector.broadcast %add3A_518 : i32 to vector<16xi32>
        %gather3A_520 = arith.constant 2 : i32
        %gather3A_521 = arith.constant 0 : i32
        %gather3A_522 = tpu.memref_slice %arg6[%gather3A_520, %gather3A_521] : memref<3x128xi32, #tpu.memory_space<vmem>> -> memref<1x128xi32, #tpu.memory_space<vmem>>
        %gather3A_523 = tpu.memref_squeeze %gather3A_522 : memref<1x128xi32, #tpu.memory_space<vmem>> -> memref<128xi32, #tpu.memory_space<vmem>>
        %gather3A_524 = tpu.vector_load_idx %gather3A_523[%broadcast_in_dim3A_519] : memref<128xi32, #tpu.memory_space<vmem>>[vector<16xi32>], vector<16xi32>,
        %bitcast3A_525 = vector.bitcast %gather3A_524 : vector<16xi32> to vector<16xf32>
        %get3A_526 = arith.index_cast %add3A_518 : i32 to index
        %get3A_527 = arith.constant 0 : index
        %get3A_528 = tpu.vector_load %arg8[%get3A_526, %get3A_527] {strides = array<i32>} : memref<128x128xf32, #tpu.memory_space<vmem>>, vector<16xf32>,
        %mul3A_529 = arith.mulf %get3A_528, %bitcast3A_525 : vector<16xf32>
        %swap3A_530 = arith.index_cast %add3A_518 : i32 to index
        %swap3A_531 = arith.constant 0 : index
        %swap3A_532 = tpu.vector_load %arg8[%swap3A_530, %swap3A_531] {strides = array<i32>} : memref<128x128xf32, #tpu.memory_space<vmem>>, vector<16xf32>,
        tpu.vector_store %arg8[%swap3A_530, %swap3A_531], %mul3A_529 {strides = array<i32>} : memref<128x128xf32, #tpu.memory_space<vmem>>, vector<16xf32>,
        %get3A_533 = arith.index_cast %add3A_518 : i32 to index
        %get3A_534 = arith.constant 16 : index
        %get3A_535 = tpu.vector_load %arg8[%get3A_533, %get3A_534] {strides = array<i32>} : memref<128x128xf32, #tpu.memory_space<vmem>>, vector<16xf32>,
        %mul3A_536 = arith.mulf %get3A_535, %bitcast3A_525 : vector<16xf32>
        %swap3A_537 = arith.index_cast %add3A_518 : i32 to index
        %swap3A_538 = arith.constant 16 : index
        %swap3A_539 = tpu.vector_load %arg8[%swap3A_537, %swap3A_538] {strides = array<i32>} : memref<128x128xf32, #tpu.memory_space<vmem>>, vector<16xf32>,
        tpu.vector_store %arg8[%swap3A_537, %swap3A_538], %mul3A_536 {strides = array<i32>} : memref<128x128xf32, #tpu.memory_space<vmem>>, vector<16xf32>,
        %get3A_540 = arith.index_cast %add3A_518 : i32 to index
        %get3A_541 = arith.constant 32 : index
        %get3A_542 = tpu.vector_load %arg8[%get3A_540, %get3A_541] {strides = array<i32>} : memref<128x128xf32, #tpu.memory_space<vmem>>, vector<16xf32>,
        %mul3A_543 = arith.mulf %get3A_542, %bitcast3A_525 : vector<16xf32>
        %swap3A_544 = arith.index_cast %add3A_518 : i32 to index
        %swap3A_545 = arith.constant 32 : index
        %swap3A_546 = tpu.vector_load %arg8[%swap3A_544, %swap3A_545] {strides = array<i32>} : memref<128x128xf32, #tpu.memory_space<vmem>>, vector<16xf32>,
        tpu.vector_store %arg8[%swap3A_544, %swap3A_545], %mul3A_543 {strides = array<i32>} : memref<128x128xf32, #tpu.memory_space<vmem>>, vector<16xf32>,
        %get3A_547 = arith.index_cast %add3A_518 : i32 to index
        %get3A_548 = arith.constant 48 : index
        %get3A_549 = tpu.vector_load %arg8[%get3A_547, %get3A_548] {strides = array<i32>} : memref<128x128xf32, #tpu.memory_space<vmem>>, vector<16xf32>,
        %mul3A_550 = arith.mulf %get3A_549, %bitcast3A_525 : vector<16xf32>
        %swap3A_551 = arith.index_cast %add3A_518 : i32 to index
        %swap3A_552 = arith.constant 48 : index
        %swap3A_553 = tpu.vector_load %arg8[%swap3A_551, %swap3A_552] {strides = array<i32>} : memref<128x128xf32, #tpu.memory_space<vmem>>, vector<16xf32>,
        tpu.vector_store %arg8[%swap3A_551, %swap3A_552], %mul3A_550 {strides = array<i32>} : memref<128x128xf32, #tpu.memory_space<vmem>>, vector<16xf32>,
        %get3A_554 = arith.index_cast %add3A_518 : i32 to index
        %get3A_555 = arith.constant 64 : index
        %get3A_556 = tpu.vector_load %arg8[%get3A_554, %get3A_555] {strides = array<i32>} : memref<128x128xf32, #tpu.memory_space<vmem>>, vector<16xf32>,
        %mul3A_557 = arith.mulf %get3A_556, %bitcast3A_525 : vector<16xf32>
        %swap3A_558 = arith.index_cast %add3A_518 : i32 to index
        %swap3A_559 = arith.constant 64 : index
        %swap3A_560 = tpu.vector_load %arg8[%swap3A_558, %swap3A_559] {strides = array<i32>} : memref<128x128xf32, #tpu.memory_space<vmem>>, vector<16xf32>,
        tpu.vector_store %arg8[%swap3A_558, %swap3A_559], %mul3A_557 {strides = array<i32>} : memref<128x128xf32, #tpu.memory_space<vmem>>, vector<16xf32>,
        %get3A_561 = arith.index_cast %add3A_518 : i32 to index
        %get3A_562 = arith.constant 80 : index
        %get3A_563 = tpu.vector_load %arg8[%get3A_561, %get3A_562] {strides = array<i32>} : memref<128x128xf32, #tpu.memory_space<vmem>>, vector<16xf32>,
        %mul3A_564 = arith.mulf %get3A_563, %bitcast3A_525 : vector<16xf32>
        %swap3A_565 = arith.index_cast %add3A_518 : i32 to index
        %swap3A_566 = arith.constant 80 : index
        %swap3A_567 = tpu.vector_load %arg8[%swap3A_565, %swap3A_566] {strides = array<i32>} : memref<128x128xf32, #tpu.memory_space<vmem>>, vector<16xf32>,
        tpu.vector_store %arg8[%swap3A_565, %swap3A_566], %mul3A_564 {strides = array<i32>} : memref<128x128xf32, #tpu.memory_space<vmem>>, vector<16xf32>,
        %get3A_568 = arith.index_cast %add3A_518 : i32 to index
        %get3A_569 = arith.constant 96 : index
        %get3A_570 = tpu.vector_load %arg8[%get3A_568, %get3A_569] {strides = array<i32>} : memref<128x128xf32, #tpu.memory_space<vmem>>, vector<16xf32>,
        %mul3A_571 = arith.mulf %get3A_570, %bitcast3A_525 : vector<16xf32>
        %swap3A_572 = arith.index_cast %add3A_518 : i32 to index
        %swap3A_573 = arith.constant 96 : index
        %swap3A_574 = tpu.vector_load %arg8[%swap3A_572, %swap3A_573] {strides = array<i32>} : memref<128x128xf32, #tpu.memory_space<vmem>>, vector<16xf32>,
        tpu.vector_store %arg8[%swap3A_572, %swap3A_573], %mul3A_571 {strides = array<i32>} : memref<128x128xf32, #tpu.memory_space<vmem>>, vector<16xf32>,
        %get3A_575 = arith.index_cast %add3A_518 : i32 to index
        %get3A_576 = arith.constant 112 : index
        %get3A_577 = tpu.vector_load %arg8[%get3A_575, %get3A_576] {strides = array<i32>} : memref<128x128xf32, #tpu.memory_space<vmem>>, vector<16xf32>,
        %mul3A_578 = arith.mulf %get3A_577, %bitcast3A_525 : vector<16xf32>
        %swap3A_579 = arith.index_cast %add3A_518 : i32 to index
        %swap3A_580 = arith.constant 112 : index
        %swap3A_581 = tpu.vector_load %arg8[%swap3A_579, %swap3A_580] {strides = array<i32>} : memref<128x128xf32, #tpu.memory_space<vmem>>, vector<16xf32>,
        tpu.vector_store %arg8[%swap3A_579, %swap3A_580], %mul3A_578 {strides = array<i32>} : memref<128x128xf32, #tpu.memory_space<vmem>>, vector<16xf32>,
        %mul3A_582 = arith.constant 8 : i32
        %mul3A_583 = arith.muli %scan3A_117, %mul3A_582 : i32
        %add3A_584 = arith.constant 7 : i32
        %add3A_585 = arith.addi %mul3A_583, %add3A_584 : i32
        %broadcast_in_dim3A_586 = vector.broadcast %add3A_585 : i32 to vector<16xi32>
        %gather3A_587 = arith.constant 2 : i32
        %gather3A_588 = arith.constant 0 : i32
        %gather3A_589 = tpu.memref_slice %arg6[%gather3A_587, %gather3A_588] : memref<3x128xi32, #tpu.memory_space<vmem>> -> memref<1x128xi32, #tpu.memory_space<vmem>>
        %gather3A_590 = tpu.memref_squeeze %gather3A_589 : memref<1x128xi32, #tpu.memory_space<vmem>> -> memref<128xi32, #tpu.memory_space<vmem>>
        %gather3A_591 = tpu.vector_load_idx %gather3A_590[%broadcast_in_dim3A_586] : memref<128xi32, #tpu.memory_space<vmem>>[vector<16xi32>], vector<16xi32>,
        %bitcast3A_592 = vector.bitcast %gather3A_591 : vector<16xi32> to vector<16xf32>
        %get3A_593 = arith.index_cast %add3A_585 : i32 to index
        %get3A_594 = arith.constant 0 : index
        %get3A_595 = tpu.vector_load %arg8[%get3A_593, %get3A_594] {strides = array<i32>} : memref<128x128xf32, #tpu.memory_space<vmem>>, vector<16xf32>,
        %mul3A_596 = arith.mulf %get3A_595, %bitcast3A_592 : vector<16xf32>
        %swap3A_597 = arith.index_cast %add3A_585 : i32 to index
        %swap3A_598 = arith.constant 0 : index
        %swap3A_599 = tpu.vector_load %arg8[%swap3A_597, %swap3A_598] {strides = array<i32>} : memref<128x128xf32, #tpu.memory_space<vmem>>, vector<16xf32>,
        tpu.vector_store %arg8[%swap3A_597, %swap3A_598], %mul3A_596 {strides = array<i32>} : memref<128x128xf32, #tpu.memory_space<vmem>>, vector<16xf32>,
        %get3A_600 = arith.index_cast %add3A_585 : i32 to index
        %get3A_601 = arith.constant 16 : index
        %get3A_602 = tpu.vector_load %arg8[%get3A_600, %get3A_601] {strides = array<i32>} : memref<128x128xf32, #tpu.memory_space<vmem>>, vector<16xf32>,
        %mul3A_603 = arith.mulf %get3A_602, %bitcast3A_592 : vector<16xf32>
        %swap3A_604 = arith.index_cast %add3A_585 : i32 to index
        %swap3A_605 = arith.constant 16 : index
        %swap3A_606 = tpu.vector_load %arg8[%swap3A_604, %swap3A_605] {strides = array<i32>} : memref<128x128xf32, #tpu.memory_space<vmem>>, vector<16xf32>,
        tpu.vector_store %arg8[%swap3A_604, %swap3A_605], %mul3A_603 {strides = array<i32>} : memref<128x128xf32, #tpu.memory_space<vmem>>, vector<16xf32>,
        %get3A_607 = arith.index_cast %add3A_585 : i32 to index
        %get3A_608 = arith.constant 32 : index
        %get3A_609 = tpu.vector_load %arg8[%get3A_607, %get3A_608] {strides = array<i32>} : memref<128x128xf32, #tpu.memory_space<vmem>>, vector<16xf32>,
        %mul3A_610 = arith.mulf %get3A_609, %bitcast3A_592 : vector<16xf32>
        %swap3A_611 = arith.index_cast %add3A_585 : i32 to index
        %swap3A_612 = arith.constant 32 : index
        %swap3A_613 = tpu.vector_load %arg8[%swap3A_611, %swap3A_612] {strides = array<i32>} : memref<128x128xf32, #tpu.memory_space<vmem>>, vector<16xf32>,
        tpu.vector_store %arg8[%swap3A_611, %swap3A_612], %mul3A_610 {strides = array<i32>} : memref<128x128xf32, #tpu.memory_space<vmem>>, vector<16xf32>,
        %get3A_614 = arith.index_cast %add3A_585 : i32 to index
        %get3A_615 = arith.constant 48 : index
        %get3A_616 = tpu.vector_load %arg8[%get3A_614, %get3A_615] {strides = array<i32>} : memref<128x128xf32, #tpu.memory_space<vmem>>, vector<16xf32>,
        %mul3A_617 = arith.mulf %get3A_616, %bitcast3A_592 : vector<16xf32>
        %swap3A_618 = arith.index_cast %add3A_585 : i32 to index
        %swap3A_619 = arith.constant 48 : index
        %swap3A_620 = tpu.vector_load %arg8[%swap3A_618, %swap3A_619] {strides = array<i32>} : memref<128x128xf32, #tpu.memory_space<vmem>>, vector<16xf32>,
        tpu.vector_store %arg8[%swap3A_618, %swap3A_619], %mul3A_617 {strides = array<i32>} : memref<128x128xf32, #tpu.memory_space<vmem>>, vector<16xf32>,
        %get3A_621 = arith.index_cast %add3A_585 : i32 to index
        %get3A_622 = arith.constant 64 : index
        %get3A_623 = tpu.vector_load %arg8[%get3A_621, %get3A_622] {strides = array<i32>} : memref<128x128xf32, #tpu.memory_space<vmem>>, vector<16xf32>,
        %mul3A_624 = arith.mulf %get3A_623, %bitcast3A_592 : vector<16xf32>
        %swap3A_625 = arith.index_cast %add3A_585 : i32 to index
        %swap3A_626 = arith.constant 64 : index
        %swap3A_627 = tpu.vector_load %arg8[%swap3A_625, %swap3A_626] {strides = array<i32>} : memref<128x128xf32, #tpu.memory_space<vmem>>, vector<16xf32>,
        tpu.vector_store %arg8[%swap3A_625, %swap3A_626], %mul3A_624 {strides = array<i32>} : memref<128x128xf32, #tpu.memory_space<vmem>>, vector<16xf32>,
        %get3A_628 = arith.index_cast %add3A_585 : i32 to index
        %get3A_629 = arith.constant 80 : index
        %get3A_630 = tpu.vector_load %arg8[%get3A_628, %get3A_629] {strides = array<i32>} : memref<128x128xf32, #tpu.memory_space<vmem>>, vector<16xf32>,
        %mul3A_631 = arith.mulf %get3A_630, %bitcast3A_592 : vector<16xf32>
        %swap3A_632 = arith.index_cast %add3A_585 : i32 to index
        %swap3A_633 = arith.constant 80 : index
        %swap3A_634 = tpu.vector_load %arg8[%swap3A_632, %swap3A_633] {strides = array<i32>} : memref<128x128xf32, #tpu.memory_space<vmem>>, vector<16xf32>,
        tpu.vector_store %arg8[%swap3A_632, %swap3A_633], %mul3A_631 {strides = array<i32>} : memref<128x128xf32, #tpu.memory_space<vmem>>, vector<16xf32>,
        %get3A_635 = arith.index_cast %add3A_585 : i32 to index
        %get3A_636 = arith.constant 96 : index
        %get3A_637 = tpu.vector_load %arg8[%get3A_635, %get3A_636] {strides = array<i32>} : memref<128x128xf32, #tpu.memory_space<vmem>>, vector<16xf32>,
        %mul3A_638 = arith.mulf %get3A_637, %bitcast3A_592 : vector<16xf32>
        %swap3A_639 = arith.index_cast %add3A_585 : i32 to index
        %swap3A_640 = arith.constant 96 : index
        %swap3A_641 = tpu.vector_load %arg8[%swap3A_639, %swap3A_640] {strides = array<i32>} : memref<128x128xf32, #tpu.memory_space<vmem>>, vector<16xf32>,
        tpu.vector_store %arg8[%swap3A_639, %swap3A_640], %mul3A_638 {strides = array<i32>} : memref<128x128xf32, #tpu.memory_space<vmem>>, vector<16xf32>,
        %get3A_642 = arith.index_cast %add3A_585 : i32 to index
        %get3A_643 = arith.constant 112 : index
        %get3A_644 = tpu.vector_load %arg8[%get3A_642, %get3A_643] {strides = array<i32>} : memref<128x128xf32, #tpu.memory_space<vmem>>, vector<16xf32>,
        %mul3A_645 = arith.mulf %get3A_644, %bitcast3A_592 : vector<16xf32>
        %swap3A_646 = arith.index_cast %add3A_585 : i32 to index
        %swap3A_647 = arith.constant 112 : index
        %swap3A_648 = tpu.vector_load %arg8[%swap3A_646, %swap3A_647] {strides = array<i32>} : memref<128x128xf32, #tpu.memory_space<vmem>>, vector<16xf32>,
        tpu.vector_store %arg8[%swap3A_646, %swap3A_647], %mul3A_645 {strides = array<i32>} : memref<128x128xf32, #tpu.memory_space<vmem>>, vector<16xf32>,
      }
      %scan3A_109 = arith.constant 16 : i32
      %run_scoped3A_110 = arith.constant 1 : i32
      "tpu.region"() ({
        %run_scoped3A_117 = tpu.sem_alloc : memref<!tpu.dma_semaphore, #tpu.memory_space<semaphore_mem>>
        %dma_start3A_118 = arith.constant 0 : i32
        %dma_start3A_119 = tpu.memref_slice %arg6[%run_scoped3A_110, %dma_start3A_118] : memref<3x128xi32, #tpu.memory_space<vmem>> -> memref<1x128xi32, #tpu.memory_space<vmem>>
        %dma_start3A_120 = tpu.memref_squeeze %dma_start3A_119 : memref<1x128xi32, #tpu.memory_space<vmem>> -> memref<128xi32, #tpu.memory_space<vmem>>
        %dma_start3A_121 = arith.constant 0 : i32
        %dma_start3A_122 = arith.constant 0 : i32
        %dma_start3A_123 = tpu.memref_slice %arg9[%dma_start3A_121, %dma_start3A_122] : memref<10240x128xf32, #tpu.memory_space<vmem_shared>> -> memref<10240x128xf32, #tpu.memory_space<vmem_shared>>
        tpu.enqueue_indirect_dma source(%arg8 : memref<128x128xf32, #tpu.memory_space<vmem>>) target(%dma_start3A_123 : memref<10240x128xf32, #tpu.memory_space<vmem_shared>>) offsets(%dma_start3A_120 : memref<128xi32, #tpu.memory_space<vmem>>) semaphore(%run_scoped3A_117 : memref<!tpu.dma_semaphore, #tpu.memory_space<semaphore_mem>>) {add = true}
        %dma_wait3A_124 = arith.constant 0 : i32
        %dma_wait3A_125 = tpu.memref_slice %arg6[%run_scoped3A_110, %dma_wait3A_124] : memref<3x128xi32, #tpu.memory_space<vmem>> -> memref<1x128xi32, #tpu.memory_space<vmem>>
        %dma_wait3A_126 = tpu.memref_squeeze %dma_wait3A_125 : memref<1x128xi32, #tpu.memory_space<vmem>> -> memref<128xi32, #tpu.memory_space<vmem>>
        %dma_wait3A_127 = arith.constant 0 : i32
        %dma_wait3A_128 = arith.constant 0 : i32
        %dma_wait3A_129 = tpu.memref_slice %arg9[%dma_wait3A_127, %dma_wait3A_128] : memref<10240x128xf32, #tpu.memory_space<vmem_shared>> -> memref<10240x128xf32, #tpu.memory_space<vmem_shared>>
        tpu.wait_indirect_dma semaphore(%run_scoped3A_117 : memref<!tpu.dma_semaphore, #tpu.memory_space<semaphore_mem>>) src(%arg8 : memref<128x128xf32, #tpu.memory_space<vmem>>) dst(%dma_wait3A_129 : memref<10240x128xf32, #tpu.memory_space<vmem_shared>>)
        tpu.yield
      }) : () -> ()
      %sub3A_111 = arith.constant 1 : i32
      %sub3A_112 = arith.subi %select_n3A_24, %sub3A_111 : i32
      %lt3A_113 = arith.cmpi slt, %while3A_81, %sub3A_112 : i32
      %convert_element_type3A_114 = arith.extui %lt3A_113 : i1 to i32
      %cond3A_115 = arith.constant 0 : i32
      %cond3A_116 = arith.cmpi ne, %convert_element_type3A_114, %cond3A_115 : i32
      scf.if %cond3A_116 {
        %mul3A_117 = arith.constant 2 : i32
        %mul3A_118 = arith.muli %mul3A_117, %while3A_81 : i32
        %add3A_119 = arith.addi %select_n3A, %mul3A_118 : i32
        %add3A_120 = arith.constant 1 : i32
        %add3A_121 = arith.addi %add3A_119, %add3A_120 : i32
        %add3A_122 = arith.constant 2 : i32
        %add3A_123 = arith.addi %add3A_121, %add3A_122 : i32
        "tpu.region"() ({
          %run_scoped3A_131 = tpu.sem_alloc : memref<!tpu.dma_semaphore, #tpu.memory_space<semaphore_mem>>
          %dma_start3A_132 = arith.constant 0 : i32
          %dma_start3A_133 = arith.constant 0 : i32
          %dma_start3A_134 = tpu.memref_slice %arg3[%add3A_123, %dma_start3A_132, %dma_start3A_133] : memref<2560x3x128xi32, #tpu.memory_space<hbm>> -> memref<1x3x128xi32, #tpu.memory_space<hbm>>
          %dma_start3A_135 = tpu.memref_squeeze %dma_start3A_134 : memref<1x3x128xi32, #tpu.memory_space<hbm>> -> memref<3x128xi32, #tpu.memory_space<hbm>>
          %dma_start3A_136 = arith.constant 0 : i32
          %dma_start3A_137 = arith.constant 0 : i32
          %dma_start3A_138 = tpu.memref_slice %arg3[%add3A_123, %dma_start3A_136, %dma_start3A_137] : memref<2560x3x128xi32, #tpu.memory_space<hbm>> -> memref<1x3x128xi32, #tpu.memory_space<hbm>>
          %dma_start3A_139 = tpu.memref_squeeze %dma_start3A_138 : memref<1x3x128xi32, #tpu.memory_space<hbm>> -> memref<3x128xi32, #tpu.memory_space<hbm>>
          tpu.enqueue_dma source(%dma_start3A_139 : memref<3x128xi32, #tpu.memory_space<hbm>>) target(%arg6 : memref<3x128xi32, #tpu.memory_space<vmem>>) target_semaphore(%run_scoped3A_131 : memref<!tpu.dma_semaphore, #tpu.memory_space<semaphore_mem>>)
          %dma_wait3A_140 = arith.constant 0 : i32
          %dma_wait3A_141 = arith.constant 0 : i32
          %dma_wait3A_142 = tpu.memref_slice %arg3[%add3A_123, %dma_wait3A_140, %dma_wait3A_141] : memref<2560x3x128xi32, #tpu.memory_space<hbm>> -> memref<1x3x128xi32, #tpu.memory_space<hbm>>
          %dma_wait3A_143 = tpu.memref_squeeze %dma_wait3A_142 : memref<1x3x128xi32, #tpu.memory_space<hbm>> -> memref<3x128xi32, #tpu.memory_space<hbm>>
          %dma_wait3A_144 = arith.constant 0 : i32
          %dma_wait3A_145 = arith.constant 0 : i32
          %dma_wait3A_146 = tpu.memref_slice %arg3[%add3A_123, %dma_wait3A_144, %dma_wait3A_145] : memref<2560x3x128xi32, #tpu.memory_space<hbm>> -> memref<1x3x128xi32, #tpu.memory_space<hbm>>
          %dma_wait3A_147 = tpu.memref_squeeze %dma_wait3A_146 : memref<1x3x128xi32, #tpu.memory_space<hbm>> -> memref<3x128xi32, #tpu.memory_space<hbm>>
          tpu.wait_dma2 semaphore(%run_scoped3A_131 : memref<!tpu.dma_semaphore, #tpu.memory_space<semaphore_mem>>) src(%dma_wait3A_147 : memref<3x128xi32, #tpu.memory_space<hbm>>) dst(%arg6 : memref<3x128xi32, #tpu.memory_space<vmem>>)
          tpu.yield
        }) : () -> ()
        %dma_start3A_124 = arith.constant 0 : i32
        %dma_start3A_125 = arith.constant 0 : i32
        %dma_start3A_126 = tpu.memref_slice %arg6[%dma_start3A_124, %dma_start3A_125] : memref<3x128xi32, #tpu.memory_space<vmem>> -> memref<1x128xi32, #tpu.memory_space<vmem>>
        %dma_start3A_127 = tpu.memref_squeeze %dma_start3A_126 : memref<1x128xi32, #tpu.memory_space<vmem>> -> memref<128xi32, #tpu.memory_space<vmem>>
        %dma_start3A_128 = arith.constant 0 : i32
        %dma_start3A_129 = arith.constant 0 : i32
        %dma_start3A_130 = tpu.memref_slice %arg2[%dma_start3A_128, %dma_start3A_129] : memref<10240x128xf32, #tpu.memory_space<hbm>> -> memref<10240x128xf32, #tpu.memory_space<hbm>>
        tpu.enqueue_indirect_dma source(%dma_start3A_130 : memref<10240x128xf32, #tpu.memory_space<hbm>>) target(%arg8 : memref<128x128xf32, #tpu.memory_space<vmem>>) offsets(%dma_start3A_127 : memref<128xi32, #tpu.memory_space<vmem>>) semaphore(%arg11 : memref<!tpu.dma_semaphore, #tpu.memory_space<semaphore_mem>>)
      } else {
      }
    }
    %while3A_75 = arith.constant 1 : i32
    scf.for %while3A_81 = %while3A_73 to %while3A_69 step %while3A_75  : i32 {
      %dma_wait3A = arith.constant 0 : i32
      %dma_wait3A_82 = arith.constant 0 : i32
      %dma_wait3A_83 = tpu.memref_slice %arg5[%dma_wait3A, %dma_wait3A_82] : memref<3x128xi32, #tpu.memory_space<vmem>> -> memref<1x128xi32, #tpu.memory_space<vmem>>
      %dma_wait3A_84 = tpu.memref_squeeze %dma_wait3A_83 : memref<1x128xi32, #tpu.memory_space<vmem>> -> memref<128xi32, #tpu.memory_space<vmem>>
      %dma_wait3A_85 = arith.constant 0 : i32
      %dma_wait3A_86 = arith.constant 0 : i32
      %dma_wait3A_87 = tpu.memref_slice %arg2[%dma_wait3A_85, %dma_wait3A_86] : memref<10240x128xf32, #tpu.memory_space<hbm>> -> memref<10240x128xf32, #tpu.memory_space<hbm>>
      tpu.wait_indirect_dma semaphore(%arg10 : memref<!tpu.dma_semaphore, #tpu.memory_space<semaphore_mem>>) src(%dma_wait3A_87 : memref<10240x128xf32, #tpu.memory_space<hbm>>) dst(%arg7 : memref<128x128xf32, #tpu.memory_space<vmem>>)
      %scan3A_88 = arith.constant 0 : i32
      %scan3A_89 = arith.constant 0 : i32
      %scan3A_90 = arith.constant 16 : i32
      %scan3A_91 = arith.addi %scan3A_89, %scan3A_90 : i32
      %scan3A_92 = arith.constant 1 : i32
      scf.for %scan3A_117 = %scan3A_89 to %scan3A_91 step %scan3A_92  : i32 {
        %mul3A_118 = arith.constant 8 : i32
        %mul3A_119 = arith.muli %scan3A_117, %mul3A_118 : i32
        %add3A_120 = arith.constant 0 : i32
        %add3A_121 = arith.addi %mul3A_119, %add3A_120 : i32
        %broadcast_in_dim3A = vector.broadcast %add3A_121 : i32 to vector<16xi32>
        %gather3A = arith.constant 2 : i32
        %gather3A_122 = arith.constant 0 : i32
        %gather3A_123 = tpu.memref_slice %arg5[%gather3A, %gather3A_122] : memref<3x128xi32, #tpu.memory_space<vmem>> -> memref<1x128xi32, #tpu.memory_space<vmem>>
        %gather3A_124 = tpu.memref_squeeze %gather3A_123 : memref<1x128xi32, #tpu.memory_space<vmem>> -> memref<128xi32, #tpu.memory_space<vmem>>
        %gather3A_125 = tpu.vector_load_idx %gather3A_124[%broadcast_in_dim3A] : memref<128xi32, #tpu.memory_space<vmem>>[vector<16xi32>], vector<16xi32>,
        %bitcast3A = vector.bitcast %gather3A_125 : vector<16xi32> to vector<16xf32>
        %get3A = arith.index_cast %add3A_121 : i32 to index
        %get3A_126 = arith.constant 0 : index
        %get3A_127 = tpu.vector_load %arg7[%get3A, %get3A_126] {strides = array<i32>} : memref<128x128xf32, #tpu.memory_space<vmem>>, vector<16xf32>,
        %mul3A_128 = arith.mulf %get3A_127, %bitcast3A : vector<16xf32>
        %swap3A = arith.index_cast %add3A_121 : i32 to index
        %swap3A_129 = arith.constant 0 : index
        %swap3A_130 = tpu.vector_load %arg7[%swap3A, %swap3A_129] {strides = array<i32>} : memref<128x128xf32, #tpu.memory_space<vmem>>, vector<16xf32>,
        tpu.vector_store %arg7[%swap3A, %swap3A_129], %mul3A_128 {strides = array<i32>} : memref<128x128xf32, #tpu.memory_space<vmem>>, vector<16xf32>,
        %get3A_131 = arith.index_cast %add3A_121 : i32 to index
        %get3A_132 = arith.constant 16 : index
        %get3A_133 = tpu.vector_load %arg7[%get3A_131, %get3A_132] {strides = array<i32>} : memref<128x128xf32, #tpu.memory_space<vmem>>, vector<16xf32>,
        %mul3A_134 = arith.mulf %get3A_133, %bitcast3A : vector<16xf32>
        %swap3A_135 = arith.index_cast %add3A_121 : i32 to index
        %swap3A_136 = arith.constant 16 : index
        %swap3A_137 = tpu.vector_load %arg7[%swap3A_135, %swap3A_136] {strides = array<i32>} : memref<128x128xf32, #tpu.memory_space<vmem>>, vector<16xf32>,
        tpu.vector_store %arg7[%swap3A_135, %swap3A_136], %mul3A_134 {strides = array<i32>} : memref<128x128xf32, #tpu.memory_space<vmem>>, vector<16xf32>,
        %get3A_138 = arith.index_cast %add3A_121 : i32 to index
        %get3A_139 = arith.constant 32 : index
        %get3A_140 = tpu.vector_load %arg7[%get3A_138, %get3A_139] {strides = array<i32>} : memref<128x128xf32, #tpu.memory_space<vmem>>, vector<16xf32>,
        %mul3A_141 = arith.mulf %get3A_140, %bitcast3A : vector<16xf32>
        %swap3A_142 = arith.index_cast %add3A_121 : i32 to index
        %swap3A_143 = arith.constant 32 : index
        %swap3A_144 = tpu.vector_load %arg7[%swap3A_142, %swap3A_143] {strides = array<i32>} : memref<128x128xf32, #tpu.memory_space<vmem>>, vector<16xf32>,
        tpu.vector_store %arg7[%swap3A_142, %swap3A_143], %mul3A_141 {strides = array<i32>} : memref<128x128xf32, #tpu.memory_space<vmem>>, vector<16xf32>,
        %get3A_145 = arith.index_cast %add3A_121 : i32 to index
        %get3A_146 = arith.constant 48 : index
        %get3A_147 = tpu.vector_load %arg7[%get3A_145, %get3A_146] {strides = array<i32>} : memref<128x128xf32, #tpu.memory_space<vmem>>, vector<16xf32>,
        %mul3A_148 = arith.mulf %get3A_147, %bitcast3A : vector<16xf32>
        %swap3A_149 = arith.index_cast %add3A_121 : i32 to index
        %swap3A_150 = arith.constant 48 : index
        %swap3A_151 = tpu.vector_load %arg7[%swap3A_149, %swap3A_150] {strides = array<i32>} : memref<128x128xf32, #tpu.memory_space<vmem>>, vector<16xf32>,
        tpu.vector_store %arg7[%swap3A_149, %swap3A_150], %mul3A_148 {strides = array<i32>} : memref<128x128xf32, #tpu.memory_space<vmem>>, vector<16xf32>,
        %get3A_152 = arith.index_cast %add3A_121 : i32 to index
        %get3A_153 = arith.constant 64 : index
        %get3A_154 = tpu.vector_load %arg7[%get3A_152, %get3A_153] {strides = array<i32>} : memref<128x128xf32, #tpu.memory_space<vmem>>, vector<16xf32>,
        %mul3A_155 = arith.mulf %get3A_154, %bitcast3A : vector<16xf32>
        %swap3A_156 = arith.index_cast %add3A_121 : i32 to index
        %swap3A_157 = arith.constant 64 : index
        %swap3A_158 = tpu.vector_load %arg7[%swap3A_156, %swap3A_157] {strides = array<i32>} : memref<128x128xf32, #tpu.memory_space<vmem>>, vector<16xf32>,
        tpu.vector_store %arg7[%swap3A_156, %swap3A_157], %mul3A_155 {strides = array<i32>} : memref<128x128xf32, #tpu.memory_space<vmem>>, vector<16xf32>,
        %get3A_159 = arith.index_cast %add3A_121 : i32 to index
        %get3A_160 = arith.constant 80 : index
        %get3A_161 = tpu.vector_load %arg7[%get3A_159, %get3A_160] {strides = array<i32>} : memref<128x128xf32, #tpu.memory_space<vmem>>, vector<16xf32>,
        %mul3A_162 = arith.mulf %get3A_161, %bitcast3A : vector<16xf32>
        %swap3A_163 = arith.index_cast %add3A_121 : i32 to index
        %swap3A_164 = arith.constant 80 : index
        %swap3A_165 = tpu.vector_load %arg7[%swap3A_163, %swap3A_164] {strides = array<i32>} : memref<128x128xf32, #tpu.memory_space<vmem>>, vector<16xf32>,
        tpu.vector_store %arg7[%swap3A_163, %swap3A_164], %mul3A_162 {strides = array<i32>} : memref<128x128xf32, #tpu.memory_space<vmem>>, vector<16xf32>,
        %get3A_166 = arith.index_cast %add3A_121 : i32 to index
        %get3A_167 = arith.constant 96 : index
        %get3A_168 = tpu.vector_load %arg7[%get3A_166, %get3A_167] {strides = array<i32>} : memref<128x128xf32, #tpu.memory_space<vmem>>, vector<16xf32>,
        %mul3A_169 = arith.mulf %get3A_168, %bitcast3A : vector<16xf32>
        %swap3A_170 = arith.index_cast %add3A_121 : i32 to index
        %swap3A_171 = arith.constant 96 : index
        %swap3A_172 = tpu.vector_load %arg7[%swap3A_170, %swap3A_171] {strides = array<i32>} : memref<128x128xf32, #tpu.memory_space<vmem>>, vector<16xf32>,
        tpu.vector_store %arg7[%swap3A_170, %swap3A_171], %mul3A_169 {strides = array<i32>} : memref<128x128xf32, #tpu.memory_space<vmem>>, vector<16xf32>,
        %get3A_173 = arith.index_cast %add3A_121 : i32 to index
        %get3A_174 = arith.constant 112 : index
        %get3A_175 = tpu.vector_load %arg7[%get3A_173, %get3A_174] {strides = array<i32>} : memref<128x128xf32, #tpu.memory_space<vmem>>, vector<16xf32>,
        %mul3A_176 = arith.mulf %get3A_175, %bitcast3A : vector<16xf32>
        %swap3A_177 = arith.index_cast %add3A_121 : i32 to index
        %swap3A_178 = arith.constant 112 : index
        %swap3A_179 = tpu.vector_load %arg7[%swap3A_177, %swap3A_178] {strides = array<i32>} : memref<128x128xf32, #tpu.memory_space<vmem>>, vector<16xf32>,
        tpu.vector_store %arg7[%swap3A_177, %swap3A_178], %mul3A_176 {strides = array<i32>} : memref<128x128xf32, #tpu.memory_space<vmem>>, vector<16xf32>,
        %mul3A_180 = arith.constant 8 : i32
        %mul3A_181 = arith.muli %scan3A_117, %mul3A_180 : i32
        %add3A_182 = arith.constant 1 : i32
        %add3A_183 = arith.addi %mul3A_181, %add3A_182 : i32
        %broadcast_in_dim3A_184 = vector.broadcast %add3A_183 : i32 to vector<16xi32>
        %gather3A_185 = arith.constant 2 : i32
        %gather3A_186 = arith.constant 0 : i32
        %gather3A_187 = tpu.memref_slice %arg5[%gather3A_185, %gather3A_186] : memref<3x128xi32, #tpu.memory_space<vmem>> -> memref<1x128xi32, #tpu.memory_space<vmem>>
        %gather3A_188 = tpu.memref_squeeze %gather3A_187 : memref<1x128xi32, #tpu.memory_space<vmem>> -> memref<128xi32, #tpu.memory_space<vmem>>
        %gather3A_189 = tpu.vector_load_idx %gather3A_188[%broadcast_in_dim3A_184] : memref<128xi32, #tpu.memory_space<vmem>>[vector<16xi32>], vector<16xi32>,
        %bitcast3A_190 = vector.bitcast %gather3A_189 : vector<16xi32> to vector<16xf32>
        %get3A_191 = arith.index_cast %add3A_183 : i32 to index
        %get3A_192 = arith.constant 0 : index
        %get3A_193 = tpu.vector_load %arg7[%get3A_191, %get3A_192] {strides = array<i32>} : memref<128x128xf32, #tpu.memory_space<vmem>>, vector<16xf32>,
        %mul3A_194 = arith.mulf %get3A_193, %bitcast3A_190 : vector<16xf32>
        %swap3A_195 = arith.index_cast %add3A_183 : i32 to index
        %swap3A_196 = arith.constant 0 : index
        %swap3A_197 = tpu.vector_load %arg7[%swap3A_195, %swap3A_196] {strides = array<i32>} : memref<128x128xf32, #tpu.memory_space<vmem>>, vector<16xf32>,
        tpu.vector_store %arg7[%swap3A_195, %swap3A_196], %mul3A_194 {strides = array<i32>} : memref<128x128xf32, #tpu.memory_space<vmem>>, vector<16xf32>,
        %get3A_198 = arith.index_cast %add3A_183 : i32 to index
        %get3A_199 = arith.constant 16 : index
        %get3A_200 = tpu.vector_load %arg7[%get3A_198, %get3A_199] {strides = array<i32>} : memref<128x128xf32, #tpu.memory_space<vmem>>, vector<16xf32>,
        %mul3A_201 = arith.mulf %get3A_200, %bitcast3A_190 : vector<16xf32>
        %swap3A_202 = arith.index_cast %add3A_183 : i32 to index
        %swap3A_203 = arith.constant 16 : index
        %swap3A_204 = tpu.vector_load %arg7[%swap3A_202, %swap3A_203] {strides = array<i32>} : memref<128x128xf32, #tpu.memory_space<vmem>>, vector<16xf32>,
        tpu.vector_store %arg7[%swap3A_202, %swap3A_203], %mul3A_201 {strides = array<i32>} : memref<128x128xf32, #tpu.memory_space<vmem>>, vector<16xf32>,
        %get3A_205 = arith.index_cast %add3A_183 : i32 to index
        %get3A_206 = arith.constant 32 : index
        %get3A_207 = tpu.vector_load %arg7[%get3A_205, %get3A_206] {strides = array<i32>} : memref<128x128xf32, #tpu.memory_space<vmem>>, vector<16xf32>,
        %mul3A_208 = arith.mulf %get3A_207, %bitcast3A_190 : vector<16xf32>
        %swap3A_209 = arith.index_cast %add3A_183 : i32 to index
        %swap3A_210 = arith.constant 32 : index
        %swap3A_211 = tpu.vector_load %arg7[%swap3A_209, %swap3A_210] {strides = array<i32>} : memref<128x128xf32, #tpu.memory_space<vmem>>, vector<16xf32>,
        tpu.vector_store %arg7[%swap3A_209, %swap3A_210], %mul3A_208 {strides = array<i32>} : memref<128x128xf32, #tpu.memory_space<vmem>>, vector<16xf32>,
        %get3A_212 = arith.index_cast %add3A_183 : i32 to index
        %get3A_213 = arith.constant 48 : index
        %get3A_214 = tpu.vector_load %arg7[%get3A_212, %get3A_213] {strides = array<i32>} : memref<128x128xf32, #tpu.memory_space<vmem>>, vector<16xf32>,
        %mul3A_215 = arith.mulf %get3A_214, %bitcast3A_190 : vector<16xf32>
        %swap3A_216 = arith.index_cast %add3A_183 : i32 to index
        %swap3A_217 = arith.constant 48 : index
        %swap3A_218 = tpu.vector_load %arg7[%swap3A_216, %swap3A_217] {strides = array<i32>} : memref<128x128xf32, #tpu.memory_space<vmem>>, vector<16xf32>,
        tpu.vector_store %arg7[%swap3A_216, %swap3A_217], %mul3A_215 {strides = array<i32>} : memref<128x128xf32, #tpu.memory_space<vmem>>, vector<16xf32>,
        %get3A_219 = arith.index_cast %add3A_183 : i32 to index
        %get3A_220 = arith.constant 64 : index
        %get3A_221 = tpu.vector_load %arg7[%get3A_219, %get3A_220] {strides = array<i32>} : memref<128x128xf32, #tpu.memory_space<vmem>>, vector<16xf32>,
        %mul3A_222 = arith.mulf %get3A_221, %bitcast3A_190 : vector<16xf32>
        %swap3A_223 = arith.index_cast %add3A_183 : i32 to index
        %swap3A_224 = arith.constant 64 : index
        %swap3A_225 = tpu.vector_load %arg7[%swap3A_223, %swap3A_224] {strides = array<i32>} : memref<128x128xf32, #tpu.memory_space<vmem>>, vector<16xf32>,
        tpu.vector_store %arg7[%swap3A_223, %swap3A_224], %mul3A_222 {strides = array<i32>} : memref<128x128xf32, #tpu.memory_space<vmem>>, vector<16xf32>,
        %get3A_226 = arith.index_cast %add3A_183 : i32 to index
        %get3A_227 = arith.constant 80 : index
        %get3A_228 = tpu.vector_load %arg7[%get3A_226, %get3A_227] {strides = array<i32>} : memref<128x128xf32, #tpu.memory_space<vmem>>, vector<16xf32>,
        %mul3A_229 = arith.mulf %get3A_228, %bitcast3A_190 : vector<16xf32>
        %swap3A_230 = arith.index_cast %add3A_183 : i32 to index
        %swap3A_231 = arith.constant 80 : index
        %swap3A_232 = tpu.vector_load %arg7[%swap3A_230, %swap3A_231] {strides = array<i32>} : memref<128x128xf32, #tpu.memory_space<vmem>>, vector<16xf32>,
        tpu.vector_store %arg7[%swap3A_230, %swap3A_231], %mul3A_229 {strides = array<i32>} : memref<128x128xf32, #tpu.memory_space<vmem>>, vector<16xf32>,
        %get3A_233 = arith.index_cast %add3A_183 : i32 to index
        %get3A_234 = arith.constant 96 : index
        %get3A_235 = tpu.vector_load %arg7[%get3A_233, %get3A_234] {strides = array<i32>} : memref<128x128xf32, #tpu.memory_space<vmem>>, vector<16xf32>,
        %mul3A_236 = arith.mulf %get3A_235, %bitcast3A_190 : vector<16xf32>
        %swap3A_237 = arith.index_cast %add3A_183 : i32 to index
        %swap3A_238 = arith.constant 96 : index
        %swap3A_239 = tpu.vector_load %arg7[%swap3A_237, %swap3A_238] {strides = array<i32>} : memref<128x128xf32, #tpu.memory_space<vmem>>, vector<16xf32>,
        tpu.vector_store %arg7[%swap3A_237, %swap3A_238], %mul3A_236 {strides = array<i32>} : memref<128x128xf32, #tpu.memory_space<vmem>>, vector<16xf32>,
        %get3A_240 = arith.index_cast %add3A_183 : i32 to index
        %get3A_241 = arith.constant 112 : index
        %get3A_242 = tpu.vector_load %arg7[%get3A_240, %get3A_241] {strides = array<i32>} : memref<128x128xf32, #tpu.memory_space<vmem>>, vector<16xf32>,
        %mul3A_243 = arith.mulf %get3A_242, %bitcast3A_190 : vector<16xf32>
        %swap3A_244 = arith.index_cast %add3A_183 : i32 to index
        %swap3A_245 = arith.constant 112 : index
        %swap3A_246 = tpu.vector_load %arg7[%swap3A_244, %swap3A_245] {strides = array<i32>} : memref<128x128xf32, #tpu.memory_space<vmem>>, vector<16xf32>,
        tpu.vector_store %arg7[%swap3A_244, %swap3A_245], %mul3A_243 {strides = array<i32>} : memref<128x128xf32, #tpu.memory_space<vmem>>, vector<16xf32>,
        %mul3A_247 = arith.constant 8 : i32
        %mul3A_248 = arith.muli %scan3A_117, %mul3A_247 : i32
        %add3A_249 = arith.constant 2 : i32
        %add3A_250 = arith.addi %mul3A_248, %add3A_249 : i32
        %broadcast_in_dim3A_251 = vector.broadcast %add3A_250 : i32 to vector<16xi32>
        %gather3A_252 = arith.constant 2 : i32
        %gather3A_253 = arith.constant 0 : i32
        %gather3A_254 = tpu.memref_slice %arg5[%gather3A_252, %gather3A_253] : memref<3x128xi32, #tpu.memory_space<vmem>> -> memref<1x128xi32, #tpu.memory_space<vmem>>
        %gather3A_255 = tpu.memref_squeeze %gather3A_254 : memref<1x128xi32, #tpu.memory_space<vmem>> -> memref<128xi32, #tpu.memory_space<vmem>>
        %gather3A_256 = tpu.vector_load_idx %gather3A_255[%broadcast_in_dim3A_251] : memref<128xi32, #tpu.memory_space<vmem>>[vector<16xi32>], vector<16xi32>,
        %bitcast3A_257 = vector.bitcast %gather3A_256 : vector<16xi32> to vector<16xf32>
        %get3A_258 = arith.index_cast %add3A_250 : i32 to index
        %get3A_259 = arith.constant 0 : index
        %get3A_260 = tpu.vector_load %arg7[%get3A_258, %get3A_259] {strides = array<i32>} : memref<128x128xf32, #tpu.memory_space<vmem>>, vector<16xf32>,
        %mul3A_261 = arith.mulf %get3A_260, %bitcast3A_257 : vector<16xf32>
        %swap3A_262 = arith.index_cast %add3A_250 : i32 to index
        %swap3A_263 = arith.constant 0 : index
        %swap3A_264 = tpu.vector_load %arg7[%swap3A_262, %swap3A_263] {strides = array<i32>} : memref<128x128xf32, #tpu.memory_space<vmem>>, vector<16xf32>,
        tpu.vector_store %arg7[%swap3A_262, %swap3A_263], %mul3A_261 {strides = array<i32>} : memref<128x128xf32, #tpu.memory_space<vmem>>, vector<16xf32>,
        %get3A_265 = arith.index_cast %add3A_250 : i32 to index
        %get3A_266 = arith.constant 16 : index
        %get3A_267 = tpu.vector_load %arg7[%get3A_265, %get3A_266] {strides = array<i32>} : memref<128x128xf32, #tpu.memory_space<vmem>>, vector<16xf32>,
        %mul3A_268 = arith.mulf %get3A_267, %bitcast3A_257 : vector<16xf32>
        %swap3A_269 = arith.index_cast %add3A_250 : i32 to index
        %swap3A_270 = arith.constant 16 : index
        %swap3A_271 = tpu.vector_load %arg7[%swap3A_269, %swap3A_270] {strides = array<i32>} : memref<128x128xf32, #tpu.memory_space<vmem>>, vector<16xf32>,
        tpu.vector_store %arg7[%swap3A_269, %swap3A_270], %mul3A_268 {strides = array<i32>} : memref<128x128xf32, #tpu.memory_space<vmem>>, vector<16xf32>,
        %get3A_272 = arith.index_cast %add3A_250 : i32 to index
        %get3A_273 = arith.constant 32 : index
        %get3A_274 = tpu.vector_load %arg7[%get3A_272, %get3A_273] {strides = array<i32>} : memref<128x128xf32, #tpu.memory_space<vmem>>, vector<16xf32>,
        %mul3A_275 = arith.mulf %get3A_274, %bitcast3A_257 : vector<16xf32>
        %swap3A_276 = arith.index_cast %add3A_250 : i32 to index
        %swap3A_277 = arith.constant 32 : index
        %swap3A_278 = tpu.vector_load %arg7[%swap3A_276, %swap3A_277] {strides = array<i32>} : memref<128x128xf32, #tpu.memory_space<vmem>>, vector<16xf32>,
        tpu.vector_store %arg7[%swap3A_276, %swap3A_277], %mul3A_275 {strides = array<i32>} : memref<128x128xf32, #tpu.memory_space<vmem>>, vector<16xf32>,
        %get3A_279 = arith.index_cast %add3A_250 : i32 to index
        %get3A_280 = arith.constant 48 : index
        %get3A_281 = tpu.vector_load %arg7[%get3A_279, %get3A_280] {strides = array<i32>} : memref<128x128xf32, #tpu.memory_space<vmem>>, vector<16xf32>,
        %mul3A_282 = arith.mulf %get3A_281, %bitcast3A_257 : vector<16xf32>
        %swap3A_283 = arith.index_cast %add3A_250 : i32 to index
        %swap3A_284 = arith.constant 48 : index
        %swap3A_285 = tpu.vector_load %arg7[%swap3A_283, %swap3A_284] {strides = array<i32>} : memref<128x128xf32, #tpu.memory_space<vmem>>, vector<16xf32>,
        tpu.vector_store %arg7[%swap3A_283, %swap3A_284], %mul3A_282 {strides = array<i32>} : memref<128x128xf32, #tpu.memory_space<vmem>>, vector<16xf32>,
        %get3A_286 = arith.index_cast %add3A_250 : i32 to index
        %get3A_287 = arith.constant 64 : index
        %get3A_288 = tpu.vector_load %arg7[%get3A_286, %get3A_287] {strides = array<i32>} : memref<128x128xf32, #tpu.memory_space<vmem>>, vector<16xf32>,
        %mul3A_289 = arith.mulf %get3A_288, %bitcast3A_257 : vector<16xf32>
        %swap3A_290 = arith.index_cast %add3A_250 : i32 to index
        %swap3A_291 = arith.constant 64 : index
        %swap3A_292 = tpu.vector_load %arg7[%swap3A_290, %swap3A_291] {strides = array<i32>} : memref<128x128xf32, #tpu.memory_space<vmem>>, vector<16xf32>,
        tpu.vector_store %arg7[%swap3A_290, %swap3A_291], %mul3A_289 {strides = array<i32>} : memref<128x128xf32, #tpu.memory_space<vmem>>, vector<16xf32>,
        %get3A_293 = arith.index_cast %add3A_250 : i32 to index
        %get3A_294 = arith.constant 80 : index
        %get3A_295 = tpu.vector_load %arg7[%get3A_293, %get3A_294] {strides = array<i32>} : memref<128x128xf32, #tpu.memory_space<vmem>>, vector<16xf32>,
        %mul3A_296 = arith.mulf %get3A_295, %bitcast3A_257 : vector<16xf32>
        %swap3A_297 = arith.index_cast %add3A_250 : i32 to index
        %swap3A_298 = arith.constant 80 : index
        %swap3A_299 = tpu.vector_load %arg7[%swap3A_297, %swap3A_298] {strides = array<i32>} : memref<128x128xf32, #tpu.memory_space<vmem>>, vector<16xf32>,
        tpu.vector_store %arg7[%swap3A_297, %swap3A_298], %mul3A_296 {strides = array<i32>} : memref<128x128xf32, #tpu.memory_space<vmem>>, vector<16xf32>,
        %get3A_300 = arith.index_cast %add3A_250 : i32 to index
        %get3A_301 = arith.constant 96 : index
        %get3A_302 = tpu.vector_load %arg7[%get3A_300, %get3A_301] {strides = array<i32>} : memref<128x128xf32, #tpu.memory_space<vmem>>, vector<16xf32>,
        %mul3A_303 = arith.mulf %get3A_302, %bitcast3A_257 : vector<16xf32>
        %swap3A_304 = arith.index_cast %add3A_250 : i32 to index
        %swap3A_305 = arith.constant 96 : index
        %swap3A_306 = tpu.vector_load %arg7[%swap3A_304, %swap3A_305] {strides = array<i32>} : memref<128x128xf32, #tpu.memory_space<vmem>>, vector<16xf32>,
        tpu.vector_store %arg7[%swap3A_304, %swap3A_305], %mul3A_303 {strides = array<i32>} : memref<128x128xf32, #tpu.memory_space<vmem>>, vector<16xf32>,
        %get3A_307 = arith.index_cast %add3A_250 : i32 to index
        %get3A_308 = arith.constant 112 : index
        %get3A_309 = tpu.vector_load %arg7[%get3A_307, %get3A_308] {strides = array<i32>} : memref<128x128xf32, #tpu.memory_space<vmem>>, vector<16xf32>,
        %mul3A_310 = arith.mulf %get3A_309, %bitcast3A_257 : vector<16xf32>
        %swap3A_311 = arith.index_cast %add3A_250 : i32 to index
        %swap3A_312 = arith.constant 112 : index
        %swap3A_313 = tpu.vector_load %arg7[%swap3A_311, %swap3A_312] {strides = array<i32>} : memref<128x128xf32, #tpu.memory_space<vmem>>, vector<16xf32>,
        tpu.vector_store %arg7[%swap3A_311, %swap3A_312], %mul3A_310 {strides = array<i32>} : memref<128x128xf32, #tpu.memory_space<vmem>>, vector<16xf32>,
        %mul3A_314 = arith.constant 8 : i32
        %mul3A_315 = arith.muli %scan3A_117, %mul3A_314 : i32
        %add3A_316 = arith.constant 3 : i32
        %add3A_317 = arith.addi %mul3A_315, %add3A_316 : i32
        %broadcast_in_dim3A_318 = vector.broadcast %add3A_317 : i32 to vector<16xi32>
        %gather3A_319 = arith.constant 2 : i32
        %gather3A_320 = arith.constant 0 : i32
        %gather3A_321 = tpu.memref_slice %arg5[%gather3A_319, %gather3A_320] : memref<3x128xi32, #tpu.memory_space<vmem>> -> memref<1x128xi32, #tpu.memory_space<vmem>>
        %gather3A_322 = tpu.memref_squeeze %gather3A_321 : memref<1x128xi32, #tpu.memory_space<vmem>> -> memref<128xi32, #tpu.memory_space<vmem>>
        %gather3A_323 = tpu.vector_load_idx %gather3A_322[%broadcast_in_dim3A_318] : memref<128xi32, #tpu.memory_space<vmem>>[vector<16xi32>], vector<16xi32>,
        %bitcast3A_324 = vector.bitcast %gather3A_323 : vector<16xi32> to vector<16xf32>
        %get3A_325 = arith.index_cast %add3A_317 : i32 to index
        %get3A_326 = arith.constant 0 : index
        %get3A_327 = tpu.vector_load %arg7[%get3A_325, %get3A_326] {strides = array<i32>} : memref<128x128xf32, #tpu.memory_space<vmem>>, vector<16xf32>,
        %mul3A_328 = arith.mulf %get3A_327, %bitcast3A_324 : vector<16xf32>
        %swap3A_329 = arith.index_cast %add3A_317 : i32 to index
        %swap3A_330 = arith.constant 0 : index
        %swap3A_331 = tpu.vector_load %arg7[%swap3A_329, %swap3A_330] {strides = array<i32>} : memref<128x128xf32, #tpu.memory_space<vmem>>, vector<16xf32>,
        tpu.vector_store %arg7[%swap3A_329, %swap3A_330], %mul3A_328 {strides = array<i32>} : memref<128x128xf32, #tpu.memory_space<vmem>>, vector<16xf32>,
        %get3A_332 = arith.index_cast %add3A_317 : i32 to index
        %get3A_333 = arith.constant 16 : index
        %get3A_334 = tpu.vector_load %arg7[%get3A_332, %get3A_333] {strides = array<i32>} : memref<128x128xf32, #tpu.memory_space<vmem>>, vector<16xf32>,
        %mul3A_335 = arith.mulf %get3A_334, %bitcast3A_324 : vector<16xf32>
        %swap3A_336 = arith.index_cast %add3A_317 : i32 to index
        %swap3A_337 = arith.constant 16 : index
        %swap3A_338 = tpu.vector_load %arg7[%swap3A_336, %swap3A_337] {strides = array<i32>} : memref<128x128xf32, #tpu.memory_space<vmem>>, vector<16xf32>,
        tpu.vector_store %arg7[%swap3A_336, %swap3A_337], %mul3A_335 {strides = array<i32>} : memref<128x128xf32, #tpu.memory_space<vmem>>, vector<16xf32>,
        %get3A_339 = arith.index_cast %add3A_317 : i32 to index
        %get3A_340 = arith.constant 32 : index
        %get3A_341 = tpu.vector_load %arg7[%get3A_339, %get3A_340] {strides = array<i32>} : memref<128x128xf32, #tpu.memory_space<vmem>>, vector<16xf32>,
        %mul3A_342 = arith.mulf %get3A_341, %bitcast3A_324 : vector<16xf32>
        %swap3A_343 = arith.index_cast %add3A_317 : i32 to index
        %swap3A_344 = arith.constant 32 : index
        %swap3A_345 = tpu.vector_load %arg7[%swap3A_343, %swap3A_344] {strides = array<i32>} : memref<128x128xf32, #tpu.memory_space<vmem>>, vector<16xf32>,
        tpu.vector_store %arg7[%swap3A_343, %swap3A_344], %mul3A_342 {strides = array<i32>} : memref<128x128xf32, #tpu.memory_space<vmem>>, vector<16xf32>,
        %get3A_346 = arith.index_cast %add3A_317 : i32 to index
        %get3A_347 = arith.constant 48 : index
        %get3A_348 = tpu.vector_load %arg7[%get3A_346, %get3A_347] {strides = array<i32>} : memref<128x128xf32, #tpu.memory_space<vmem>>, vector<16xf32>,
        %mul3A_349 = arith.mulf %get3A_348, %bitcast3A_324 : vector<16xf32>
        %swap3A_350 = arith.index_cast %add3A_317 : i32 to index
        %swap3A_351 = arith.constant 48 : index
        %swap3A_352 = tpu.vector_load %arg7[%swap3A_350, %swap3A_351] {strides = array<i32>} : memref<128x128xf32, #tpu.memory_space<vmem>>, vector<16xf32>,
        tpu.vector_store %arg7[%swap3A_350, %swap3A_351], %mul3A_349 {strides = array<i32>} : memref<128x128xf32, #tpu.memory_space<vmem>>, vector<16xf32>,
        %get3A_353 = arith.index_cast %add3A_317 : i32 to index
        %get3A_354 = arith.constant 64 : index
        %get3A_355 = tpu.vector_load %arg7[%get3A_353, %get3A_354] {strides = array<i32>} : memref<128x128xf32, #tpu.memory_space<vmem>>, vector<16xf32>,
        %mul3A_356 = arith.mulf %get3A_355, %bitcast3A_324 : vector<16xf32>
        %swap3A_357 = arith.index_cast %add3A_317 : i32 to index
        %swap3A_358 = arith.constant 64 : index
        %swap3A_359 = tpu.vector_load %arg7[%swap3A_357, %swap3A_358] {strides = array<i32>} : memref<128x128xf32, #tpu.memory_space<vmem>>, vector<16xf32>,
        tpu.vector_store %arg7[%swap3A_357, %swap3A_358], %mul3A_356 {strides = array<i32>} : memref<128x128xf32, #tpu.memory_space<vmem>>, vector<16xf32>,
        %get3A_360 = arith.index_cast %add3A_317 : i32 to index
        %get3A_361 = arith.constant 80 : index
        %get3A_362 = tpu.vector_load %arg7[%get3A_360, %get3A_361] {strides = array<i32>} : memref<128x128xf32, #tpu.memory_space<vmem>>, vector<16xf32>,
        %mul3A_363 = arith.mulf %get3A_362, %bitcast3A_324 : vector<16xf32>
        %swap3A_364 = arith.index_cast %add3A_317 : i32 to index
        %swap3A_365 = arith.constant 80 : index
        %swap3A_366 = tpu.vector_load %arg7[%swap3A_364, %swap3A_365] {strides = array<i32>} : memref<128x128xf32, #tpu.memory_space<vmem>>, vector<16xf32>,
        tpu.vector_store %arg7[%swap3A_364, %swap3A_365], %mul3A_363 {strides = array<i32>} : memref<128x128xf32, #tpu.memory_space<vmem>>, vector<16xf32>,
        %get3A_367 = arith.index_cast %add3A_317 : i32 to index
        %get3A_368 = arith.constant 96 : index
        %get3A_369 = tpu.vector_load %arg7[%get3A_367, %get3A_368] {strides = array<i32>} : memref<128x128xf32, #tpu.memory_space<vmem>>, vector<16xf32>,
        %mul3A_370 = arith.mulf %get3A_369, %bitcast3A_324 : vector<16xf32>
        %swap3A_371 = arith.index_cast %add3A_317 : i32 to index
        %swap3A_372 = arith.constant 96 : index
        %swap3A_373 = tpu.vector_load %arg7[%swap3A_371, %swap3A_372] {strides = array<i32>} : memref<128x128xf32, #tpu.memory_space<vmem>>, vector<16xf32>,
        tpu.vector_store %arg7[%swap3A_371, %swap3A_372], %mul3A_370 {strides = array<i32>} : memref<128x128xf32, #tpu.memory_space<vmem>>, vector<16xf32>,
        %get3A_374 = arith.index_cast %add3A_317 : i32 to index
        %get3A_375 = arith.constant 112 : index
        %get3A_376 = tpu.vector_load %arg7[%get3A_374, %get3A_375] {strides = array<i32>} : memref<128x128xf32, #tpu.memory_space<vmem>>, vector<16xf32>,
        %mul3A_377 = arith.mulf %get3A_376, %bitcast3A_324 : vector<16xf32>
        %swap3A_378 = arith.index_cast %add3A_317 : i32 to index
        %swap3A_379 = arith.constant 112 : index
        %swap3A_380 = tpu.vector_load %arg7[%swap3A_378, %swap3A_379] {strides = array<i32>} : memref<128x128xf32, #tpu.memory_space<vmem>>, vector<16xf32>,
        tpu.vector_store %arg7[%swap3A_378, %swap3A_379], %mul3A_377 {strides = array<i32>} : memref<128x128xf32, #tpu.memory_space<vmem>>, vector<16xf32>,
        %mul3A_381 = arith.constant 8 : i32
        %mul3A_382 = arith.muli %scan3A_117, %mul3A_381 : i32
        %add3A_383 = arith.constant 4 : i32
        %add3A_384 = arith.addi %mul3A_382, %add3A_383 : i32
        %broadcast_in_dim3A_385 = vector.broadcast %add3A_384 : i32 to vector<16xi32>
        %gather3A_386 = arith.constant 2 : i32
        %gather3A_387 = arith.constant 0 : i32
        %gather3A_388 = tpu.memref_slice %arg5[%gather3A_386, %gather3A_387] : memref<3x128xi32, #tpu.memory_space<vmem>> -> memref<1x128xi32, #tpu.memory_space<vmem>>
        %gather3A_389 = tpu.memref_squeeze %gather3A_388 : memref<1x128xi32, #tpu.memory_space<vmem>> -> memref<128xi32, #tpu.memory_space<vmem>>
        %gather3A_390 = tpu.vector_load_idx %gather3A_389[%broadcast_in_dim3A_385] : memref<128xi32, #tpu.memory_space<vmem>>[vector<16xi32>], vector<16xi32>,
        %bitcast3A_391 = vector.bitcast %gather3A_390 : vector<16xi32> to vector<16xf32>
        %get3A_392 = arith.index_cast %add3A_384 : i32 to index
        %get3A_393 = arith.constant 0 : index
        %get3A_394 = tpu.vector_load %arg7[%get3A_392, %get3A_393] {strides = array<i32>} : memref<128x128xf32, #tpu.memory_space<vmem>>, vector<16xf32>,
        %mul3A_395 = arith.mulf %get3A_394, %bitcast3A_391 : vector<16xf32>
        %swap3A_396 = arith.index_cast %add3A_384 : i32 to index
        %swap3A_397 = arith.constant 0 : index
        %swap3A_398 = tpu.vector_load %arg7[%swap3A_396, %swap3A_397] {strides = array<i32>} : memref<128x128xf32, #tpu.memory_space<vmem>>, vector<16xf32>,
        tpu.vector_store %arg7[%swap3A_396, %swap3A_397], %mul3A_395 {strides = array<i32>} : memref<128x128xf32, #tpu.memory_space<vmem>>, vector<16xf32>,
        %get3A_399 = arith.index_cast %add3A_384 : i32 to index
        %get3A_400 = arith.constant 16 : index
        %get3A_401 = tpu.vector_load %arg7[%get3A_399, %get3A_400] {strides = array<i32>} : memref<128x128xf32, #tpu.memory_space<vmem>>, vector<16xf32>,
        %mul3A_402 = arith.mulf %get3A_401, %bitcast3A_391 : vector<16xf32>
        %swap3A_403 = arith.index_cast %add3A_384 : i32 to index
        %swap3A_404 = arith.constant 16 : index
        %swap3A_405 = tpu.vector_load %arg7[%swap3A_403, %swap3A_404] {strides = array<i32>} : memref<128x128xf32, #tpu.memory_space<vmem>>, vector<16xf32>,
        tpu.vector_store %arg7[%swap3A_403, %swap3A_404], %mul3A_402 {strides = array<i32>} : memref<128x128xf32, #tpu.memory_space<vmem>>, vector<16xf32>,
        %get3A_406 = arith.index_cast %add3A_384 : i32 to index
        %get3A_407 = arith.constant 32 : index
        %get3A_408 = tpu.vector_load %arg7[%get3A_406, %get3A_407] {strides = array<i32>} : memref<128x128xf32, #tpu.memory_space<vmem>>, vector<16xf32>,
        %mul3A_409 = arith.mulf %get3A_408, %bitcast3A_391 : vector<16xf32>
        %swap3A_410 = arith.index_cast %add3A_384 : i32 to index
        %swap3A_411 = arith.constant 32 : index
        %swap3A_412 = tpu.vector_load %arg7[%swap3A_410, %swap3A_411] {strides = array<i32>} : memref<128x128xf32, #tpu.memory_space<vmem>>, vector<16xf32>,
        tpu.vector_store %arg7[%swap3A_410, %swap3A_411], %mul3A_409 {strides = array<i32>} : memref<128x128xf32, #tpu.memory_space<vmem>>, vector<16xf32>,
        %get3A_413 = arith.index_cast %add3A_384 : i32 to index
        %get3A_414 = arith.constant 48 : index
        %get3A_415 = tpu.vector_load %arg7[%get3A_413, %get3A_414] {strides = array<i32>} : memref<128x128xf32, #tpu.memory_space<vmem>>, vector<16xf32>,
        %mul3A_416 = arith.mulf %get3A_415, %bitcast3A_391 : vector<16xf32>
        %swap3A_417 = arith.index_cast %add3A_384 : i32 to index
        %swap3A_418 = arith.constant 48 : index
        %swap3A_419 = tpu.vector_load %arg7[%swap3A_417, %swap3A_418] {strides = array<i32>} : memref<128x128xf32, #tpu.memory_space<vmem>>, vector<16xf32>,
        tpu.vector_store %arg7[%swap3A_417, %swap3A_418], %mul3A_416 {strides = array<i32>} : memref<128x128xf32, #tpu.memory_space<vmem>>, vector<16xf32>,
        %get3A_420 = arith.index_cast %add3A_384 : i32 to index
        %get3A_421 = arith.constant 64 : index
        %get3A_422 = tpu.vector_load %arg7[%get3A_420, %get3A_421] {strides = array<i32>} : memref<128x128xf32, #tpu.memory_space<vmem>>, vector<16xf32>,
        %mul3A_423 = arith.mulf %get3A_422, %bitcast3A_391 : vector<16xf32>
        %swap3A_424 = arith.index_cast %add3A_384 : i32 to index
        %swap3A_425 = arith.constant 64 : index
        %swap3A_426 = tpu.vector_load %arg7[%swap3A_424, %swap3A_425] {strides = array<i32>} : memref<128x128xf32, #tpu.memory_space<vmem>>, vector<16xf32>,
        tpu.vector_store %arg7[%swap3A_424, %swap3A_425], %mul3A_423 {strides = array<i32>} : memref<128x128xf32, #tpu.memory_space<vmem>>, vector<16xf32>,
        %get3A_427 = arith.index_cast %add3A_384 : i32 to index
        %get3A_428 = arith.constant 80 : index
        %get3A_429 = tpu.vector_load %arg7[%get3A_427, %get3A_428] {strides = array<i32>} : memref<128x128xf32, #tpu.memory_space<vmem>>, vector<16xf32>,
        %mul3A_430 = arith.mulf %get3A_429, %bitcast3A_391 : vector<16xf32>
        %swap3A_431 = arith.index_cast %add3A_384 : i32 to index
        %swap3A_432 = arith.constant 80 : index
        %swap3A_433 = tpu.vector_load %arg7[%swap3A_431, %swap3A_432] {strides = array<i32>} : memref<128x128xf32, #tpu.memory_space<vmem>>, vector<16xf32>,
        tpu.vector_store %arg7[%swap3A_431, %swap3A_432], %mul3A_430 {strides = array<i32>} : memref<128x128xf32, #tpu.memory_space<vmem>>, vector<16xf32>,
        %get3A_434 = arith.index_cast %add3A_384 : i32 to index
        %get3A_435 = arith.constant 96 : index
        %get3A_436 = tpu.vector_load %arg7[%get3A_434, %get3A_435] {strides = array<i32>} : memref<128x128xf32, #tpu.memory_space<vmem>>, vector<16xf32>,
        %mul3A_437 = arith.mulf %get3A_436, %bitcast3A_391 : vector<16xf32>
        %swap3A_438 = arith.index_cast %add3A_384 : i32 to index
        %swap3A_439 = arith.constant 96 : index
        %swap3A_440 = tpu.vector_load %arg7[%swap3A_438, %swap3A_439] {strides = array<i32>} : memref<128x128xf32, #tpu.memory_space<vmem>>, vector<16xf32>,
        tpu.vector_store %arg7[%swap3A_438, %swap3A_439], %mul3A_437 {strides = array<i32>} : memref<128x128xf32, #tpu.memory_space<vmem>>, vector<16xf32>,
        %get3A_441 = arith.index_cast %add3A_384 : i32 to index
        %get3A_442 = arith.constant 112 : index
        %get3A_443 = tpu.vector_load %arg7[%get3A_441, %get3A_442] {strides = array<i32>} : memref<128x128xf32, #tpu.memory_space<vmem>>, vector<16xf32>,
        %mul3A_444 = arith.mulf %get3A_443, %bitcast3A_391 : vector<16xf32>
        %swap3A_445 = arith.index_cast %add3A_384 : i32 to index
        %swap3A_446 = arith.constant 112 : index
        %swap3A_447 = tpu.vector_load %arg7[%swap3A_445, %swap3A_446] {strides = array<i32>} : memref<128x128xf32, #tpu.memory_space<vmem>>, vector<16xf32>,
        tpu.vector_store %arg7[%swap3A_445, %swap3A_446], %mul3A_444 {strides = array<i32>} : memref<128x128xf32, #tpu.memory_space<vmem>>, vector<16xf32>,
        %mul3A_448 = arith.constant 8 : i32
        %mul3A_449 = arith.muli %scan3A_117, %mul3A_448 : i32
        %add3A_450 = arith.constant 5 : i32
        %add3A_451 = arith.addi %mul3A_449, %add3A_450 : i32
        %broadcast_in_dim3A_452 = vector.broadcast %add3A_451 : i32 to vector<16xi32>
        %gather3A_453 = arith.constant 2 : i32
        %gather3A_454 = arith.constant 0 : i32
        %gather3A_455 = tpu.memref_slice %arg5[%gather3A_453, %gather3A_454] : memref<3x128xi32, #tpu.memory_space<vmem>> -> memref<1x128xi32, #tpu.memory_space<vmem>>
        %gather3A_456 = tpu.memref_squeeze %gather3A_455 : memref<1x128xi32, #tpu.memory_space<vmem>> -> memref<128xi32, #tpu.memory_space<vmem>>
        %gather3A_457 = tpu.vector_load_idx %gather3A_456[%broadcast_in_dim3A_452] : memref<128xi32, #tpu.memory_space<vmem>>[vector<16xi32>], vector<16xi32>,
        %bitcast3A_458 = vector.bitcast %gather3A_457 : vector<16xi32> to vector<16xf32>
        %get3A_459 = arith.index_cast %add3A_451 : i32 to index
        %get3A_460 = arith.constant 0 : index
        %get3A_461 = tpu.vector_load %arg7[%get3A_459, %get3A_460] {strides = array<i32>} : memref<128x128xf32, #tpu.memory_space<vmem>>, vector<16xf32>,
        %mul3A_462 = arith.mulf %get3A_461, %bitcast3A_458 : vector<16xf32>
        %swap3A_463 = arith.index_cast %add3A_451 : i32 to index
        %swap3A_464 = arith.constant 0 : index
        %swap3A_465 = tpu.vector_load %arg7[%swap3A_463, %swap3A_464] {strides = array<i32>} : memref<128x128xf32, #tpu.memory_space<vmem>>, vector<16xf32>,
        tpu.vector_store %arg7[%swap3A_463, %swap3A_464], %mul3A_462 {strides = array<i32>} : memref<128x128xf32, #tpu.memory_space<vmem>>, vector<16xf32>,
        %get3A_466 = arith.index_cast %add3A_451 : i32 to index
        %get3A_467 = arith.constant 16 : index
        %get3A_468 = tpu.vector_load %arg7[%get3A_466, %get3A_467] {strides = array<i32>} : memref<128x128xf32, #tpu.memory_space<vmem>>, vector<16xf32>,
        %mul3A_469 = arith.mulf %get3A_468, %bitcast3A_458 : vector<16xf32>
        %swap3A_470 = arith.index_cast %add3A_451 : i32 to index
        %swap3A_471 = arith.constant 16 : index
        %swap3A_472 = tpu.vector_load %arg7[%swap3A_470, %swap3A_471] {strides = array<i32>} : memref<128x128xf32, #tpu.memory_space<vmem>>, vector<16xf32>,
        tpu.vector_store %arg7[%swap3A_470, %swap3A_471], %mul3A_469 {strides = array<i32>} : memref<128x128xf32, #tpu.memory_space<vmem>>, vector<16xf32>,
        %get3A_473 = arith.index_cast %add3A_451 : i32 to index
        %get3A_474 = arith.constant 32 : index
        %get3A_475 = tpu.vector_load %arg7[%get3A_473, %get3A_474] {strides = array<i32>} : memref<128x128xf32, #tpu.memory_space<vmem>>, vector<16xf32>,
        %mul3A_476 = arith.mulf %get3A_475, %bitcast3A_458 : vector<16xf32>
        %swap3A_477 = arith.index_cast %add3A_451 : i32 to index
        %swap3A_478 = arith.constant 32 : index
        %swap3A_479 = tpu.vector_load %arg7[%swap3A_477, %swap3A_478] {strides = array<i32>} : memref<128x128xf32, #tpu.memory_space<vmem>>, vector<16xf32>,
        tpu.vector_store %arg7[%swap3A_477, %swap3A_478], %mul3A_476 {strides = array<i32>} : memref<128x128xf32, #tpu.memory_space<vmem>>, vector<16xf32>,
        %get3A_480 = arith.index_cast %add3A_451 : i32 to index
        %get3A_481 = arith.constant 48 : index
        %get3A_482 = tpu.vector_load %arg7[%get3A_480, %get3A_481] {strides = array<i32>} : memref<128x128xf32, #tpu.memory_space<vmem>>, vector<16xf32>,
        %mul3A_483 = arith.mulf %get3A_482, %bitcast3A_458 : vector<16xf32>
        %swap3A_484 = arith.index_cast %add3A_451 : i32 to index
        %swap3A_485 = arith.constant 48 : index
        %swap3A_486 = tpu.vector_load %arg7[%swap3A_484, %swap3A_485] {strides = array<i32>} : memref<128x128xf32, #tpu.memory_space<vmem>>, vector<16xf32>,
        tpu.vector_store %arg7[%swap3A_484, %swap3A_485], %mul3A_483 {strides = array<i32>} : memref<128x128xf32, #tpu.memory_space<vmem>>, vector<16xf32>,
        %get3A_487 = arith.index_cast %add3A_451 : i32 to index
        %get3A_488 = arith.constant 64 : index
        %get3A_489 = tpu.vector_load %arg7[%get3A_487, %get3A_488] {strides = array<i32>} : memref<128x128xf32, #tpu.memory_space<vmem>>, vector<16xf32>,
        %mul3A_490 = arith.mulf %get3A_489, %bitcast3A_458 : vector<16xf32>
        %swap3A_491 = arith.index_cast %add3A_451 : i32 to index
        %swap3A_492 = arith.constant 64 : index
        %swap3A_493 = tpu.vector_load %arg7[%swap3A_491, %swap3A_492] {strides = array<i32>} : memref<128x128xf32, #tpu.memory_space<vmem>>, vector<16xf32>,
        tpu.vector_store %arg7[%swap3A_491, %swap3A_492], %mul3A_490 {strides = array<i32>} : memref<128x128xf32, #tpu.memory_space<vmem>>, vector<16xf32>,
        %get3A_494 = arith.index_cast %add3A_451 : i32 to index
        %get3A_495 = arith.constant 80 : index
        %get3A_496 = tpu.vector_load %arg7[%get3A_494, %get3A_495] {strides = array<i32>} : memref<128x128xf32, #tpu.memory_space<vmem>>, vector<16xf32>,
        %mul3A_497 = arith.mulf %get3A_496, %bitcast3A_458 : vector<16xf32>
        %swap3A_498 = arith.index_cast %add3A_451 : i32 to index
        %swap3A_499 = arith.constant 80 : index
        %swap3A_500 = tpu.vector_load %arg7[%swap3A_498, %swap3A_499] {strides = array<i32>} : memref<128x128xf32, #tpu.memory_space<vmem>>, vector<16xf32>,
        tpu.vector_store %arg7[%swap3A_498, %swap3A_499], %mul3A_497 {strides = array<i32>} : memref<128x128xf32, #tpu.memory_space<vmem>>, vector<16xf32>,
        %get3A_501 = arith.index_cast %add3A_451 : i32 to index
        %get3A_502 = arith.constant 96 : index
        %get3A_503 = tpu.vector_load %arg7[%get3A_501, %get3A_502] {strides = array<i32>} : memref<128x128xf32, #tpu.memory_space<vmem>>, vector<16xf32>,
        %mul3A_504 = arith.mulf %get3A_503, %bitcast3A_458 : vector<16xf32>
        %swap3A_505 = arith.index_cast %add3A_451 : i32 to index
        %swap3A_506 = arith.constant 96 : index
        %swap3A_507 = tpu.vector_load %arg7[%swap3A_505, %swap3A_506] {strides = array<i32>} : memref<128x128xf32, #tpu.memory_space<vmem>>, vector<16xf32>,
        tpu.vector_store %arg7[%swap3A_505, %swap3A_506], %mul3A_504 {strides = array<i32>} : memref<128x128xf32, #tpu.memory_space<vmem>>, vector<16xf32>,
        %get3A_508 = arith.index_cast %add3A_451 : i32 to index
        %get3A_509 = arith.constant 112 : index
        %get3A_510 = tpu.vector_load %arg7[%get3A_508, %get3A_509] {strides = array<i32>} : memref<128x128xf32, #tpu.memory_space<vmem>>, vector<16xf32>,
        %mul3A_511 = arith.mulf %get3A_510, %bitcast3A_458 : vector<16xf32>
        %swap3A_512 = arith.index_cast %add3A_451 : i32 to index
        %swap3A_513 = arith.constant 112 : index
        %swap3A_514 = tpu.vector_load %arg7[%swap3A_512, %swap3A_513] {strides = array<i32>} : memref<128x128xf32, #tpu.memory_space<vmem>>, vector<16xf32>,
        tpu.vector_store %arg7[%swap3A_512, %swap3A_513], %mul3A_511 {strides = array<i32>} : memref<128x128xf32, #tpu.memory_space<vmem>>, vector<16xf32>,
        %mul3A_515 = arith.constant 8 : i32
        %mul3A_516 = arith.muli %scan3A_117, %mul3A_515 : i32
        %add3A_517 = arith.constant 6 : i32
        %add3A_518 = arith.addi %mul3A_516, %add3A_517 : i32
        %broadcast_in_dim3A_519 = vector.broadcast %add3A_518 : i32 to vector<16xi32>
        %gather3A_520 = arith.constant 2 : i32
        %gather3A_521 = arith.constant 0 : i32
        %gather3A_522 = tpu.memref_slice %arg5[%gather3A_520, %gather3A_521] : memref<3x128xi32, #tpu.memory_space<vmem>> -> memref<1x128xi32, #tpu.memory_space<vmem>>
        %gather3A_523 = tpu.memref_squeeze %gather3A_522 : memref<1x128xi32, #tpu.memory_space<vmem>> -> memref<128xi32, #tpu.memory_space<vmem>>
        %gather3A_524 = tpu.vector_load_idx %gather3A_523[%broadcast_in_dim3A_519] : memref<128xi32, #tpu.memory_space<vmem>>[vector<16xi32>], vector<16xi32>,
        %bitcast3A_525 = vector.bitcast %gather3A_524 : vector<16xi32> to vector<16xf32>
        %get3A_526 = arith.index_cast %add3A_518 : i32 to index
        %get3A_527 = arith.constant 0 : index
        %get3A_528 = tpu.vector_load %arg7[%get3A_526, %get3A_527] {strides = array<i32>} : memref<128x128xf32, #tpu.memory_space<vmem>>, vector<16xf32>,
        %mul3A_529 = arith.mulf %get3A_528, %bitcast3A_525 : vector<16xf32>
        %swap3A_530 = arith.index_cast %add3A_518 : i32 to index
        %swap3A_531 = arith.constant 0 : index
        %swap3A_532 = tpu.vector_load %arg7[%swap3A_530, %swap3A_531] {strides = array<i32>} : memref<128x128xf32, #tpu.memory_space<vmem>>, vector<16xf32>,
        tpu.vector_store %arg7[%swap3A_530, %swap3A_531], %mul3A_529 {strides = array<i32>} : memref<128x128xf32, #tpu.memory_space<vmem>>, vector<16xf32>,
        %get3A_533 = arith.index_cast %add3A_518 : i32 to index
        %get3A_534 = arith.constant 16 : index
        %get3A_535 = tpu.vector_load %arg7[%get3A_533, %get3A_534] {strides = array<i32>} : memref<128x128xf32, #tpu.memory_space<vmem>>, vector<16xf32>,
        %mul3A_536 = arith.mulf %get3A_535, %bitcast3A_525 : vector<16xf32>
        %swap3A_537 = arith.index_cast %add3A_518 : i32 to index
        %swap3A_538 = arith.constant 16 : index
        %swap3A_539 = tpu.vector_load %arg7[%swap3A_537, %swap3A_538] {strides = array<i32>} : memref<128x128xf32, #tpu.memory_space<vmem>>, vector<16xf32>,
        tpu.vector_store %arg7[%swap3A_537, %swap3A_538], %mul3A_536 {strides = array<i32>} : memref<128x128xf32, #tpu.memory_space<vmem>>, vector<16xf32>,
        %get3A_540 = arith.index_cast %add3A_518 : i32 to index
        %get3A_541 = arith.constant 32 : index
        %get3A_542 = tpu.vector_load %arg7[%get3A_540, %get3A_541] {strides = array<i32>} : memref<128x128xf32, #tpu.memory_space<vmem>>, vector<16xf32>,
        %mul3A_543 = arith.mulf %get3A_542, %bitcast3A_525 : vector<16xf32>
        %swap3A_544 = arith.index_cast %add3A_518 : i32 to index
        %swap3A_545 = arith.constant 32 : index
        %swap3A_546 = tpu.vector_load %arg7[%swap3A_544, %swap3A_545] {strides = array<i32>} : memref<128x128xf32, #tpu.memory_space<vmem>>, vector<16xf32>,
        tpu.vector_store %arg7[%swap3A_544, %swap3A_545], %mul3A_543 {strides = array<i32>} : memref<128x128xf32, #tpu.memory_space<vmem>>, vector<16xf32>,
        %get3A_547 = arith.index_cast %add3A_518 : i32 to index
        %get3A_548 = arith.constant 48 : index
        %get3A_549 = tpu.vector_load %arg7[%get3A_547, %get3A_548] {strides = array<i32>} : memref<128x128xf32, #tpu.memory_space<vmem>>, vector<16xf32>,
        %mul3A_550 = arith.mulf %get3A_549, %bitcast3A_525 : vector<16xf32>
        %swap3A_551 = arith.index_cast %add3A_518 : i32 to index
        %swap3A_552 = arith.constant 48 : index
        %swap3A_553 = tpu.vector_load %arg7[%swap3A_551, %swap3A_552] {strides = array<i32>} : memref<128x128xf32, #tpu.memory_space<vmem>>, vector<16xf32>,
        tpu.vector_store %arg7[%swap3A_551, %swap3A_552], %mul3A_550 {strides = array<i32>} : memref<128x128xf32, #tpu.memory_space<vmem>>, vector<16xf32>,
        %get3A_554 = arith.index_cast %add3A_518 : i32 to index
        %get3A_555 = arith.constant 64 : index
        %get3A_556 = tpu.vector_load %arg7[%get3A_554, %get3A_555] {strides = array<i32>} : memref<128x128xf32, #tpu.memory_space<vmem>>, vector<16xf32>,
        %mul3A_557 = arith.mulf %get3A_556, %bitcast3A_525 : vector<16xf32>
        %swap3A_558 = arith.index_cast %add3A_518 : i32 to index
        %swap3A_559 = arith.constant 64 : index
        %swap3A_560 = tpu.vector_load %arg7[%swap3A_558, %swap3A_559] {strides = array<i32>} : memref<128x128xf32, #tpu.memory_space<vmem>>, vector<16xf32>,
        tpu.vector_store %arg7[%swap3A_558, %swap3A_559], %mul3A_557 {strides = array<i32>} : memref<128x128xf32, #tpu.memory_space<vmem>>, vector<16xf32>,
        %get3A_561 = arith.index_cast %add3A_518 : i32 to index
        %get3A_562 = arith.constant 80 : index
        %get3A_563 = tpu.vector_load %arg7[%get3A_561, %get3A_562] {strides = array<i32>} : memref<128x128xf32, #tpu.memory_space<vmem>>, vector<16xf32>,
        %mul3A_564 = arith.mulf %get3A_563, %bitcast3A_525 : vector<16xf32>
        %swap3A_565 = arith.index_cast %add3A_518 : i32 to index
        %swap3A_566 = arith.constant 80 : index
        %swap3A_567 = tpu.vector_load %arg7[%swap3A_565, %swap3A_566] {strides = array<i32>} : memref<128x128xf32, #tpu.memory_space<vmem>>, vector<16xf32>,
        tpu.vector_store %arg7[%swap3A_565, %swap3A_566], %mul3A_564 {strides = array<i32>} : memref<128x128xf32, #tpu.memory_space<vmem>>, vector<16xf32>,
        %get3A_568 = arith.index_cast %add3A_518 : i32 to index
        %get3A_569 = arith.constant 96 : index
        %get3A_570 = tpu.vector_load %arg7[%get3A_568, %get3A_569] {strides = array<i32>} : memref<128x128xf32, #tpu.memory_space<vmem>>, vector<16xf32>,
        %mul3A_571 = arith.mulf %get3A_570, %bitcast3A_525 : vector<16xf32>
        %swap3A_572 = arith.index_cast %add3A_518 : i32 to index
        %swap3A_573 = arith.constant 96 : index
        %swap3A_574 = tpu.vector_load %arg7[%swap3A_572, %swap3A_573] {strides = array<i32>} : memref<128x128xf32, #tpu.memory_space<vmem>>, vector<16xf32>,
        tpu.vector_store %arg7[%swap3A_572, %swap3A_573], %mul3A_571 {strides = array<i32>} : memref<128x128xf32, #tpu.memory_space<vmem>>, vector<16xf32>,
        %get3A_575 = arith.index_cast %add3A_518 : i32 to index
        %get3A_576 = arith.constant 112 : index
        %get3A_577 = tpu.vector_load %arg7[%get3A_575, %get3A_576] {strides = array<i32>} : memref<128x128xf32, #tpu.memory_space<vmem>>, vector<16xf32>,
        %mul3A_578 = arith.mulf %get3A_577, %bitcast3A_525 : vector<16xf32>
        %swap3A_579 = arith.index_cast %add3A_518 : i32 to index
        %swap3A_580 = arith.constant 112 : index
        %swap3A_581 = tpu.vector_load %arg7[%swap3A_579, %swap3A_580] {strides = array<i32>} : memref<128x128xf32, #tpu.memory_space<vmem>>, vector<16xf32>,
        tpu.vector_store %arg7[%swap3A_579, %swap3A_580], %mul3A_578 {strides = array<i32>} : memref<128x128xf32, #tpu.memory_space<vmem>>, vector<16xf32>,
        %mul3A_582 = arith.constant 8 : i32
        %mul3A_583 = arith.muli %scan3A_117, %mul3A_582 : i32
        %add3A_584 = arith.constant 7 : i32
        %add3A_585 = arith.addi %mul3A_583, %add3A_584 : i32
        %broadcast_in_dim3A_586 = vector.broadcast %add3A_585 : i32 to vector<16xi32>
        %gather3A_587 = arith.constant 2 : i32
        %gather3A_588 = arith.constant 0 : i32
        %gather3A_589 = tpu.memref_slice %arg5[%gather3A_587, %gather3A_588] : memref<3x128xi32, #tpu.memory_space<vmem>> -> memref<1x128xi32, #tpu.memory_space<vmem>>
        %gather3A_590 = tpu.memref_squeeze %gather3A_589 : memref<1x128xi32, #tpu.memory_space<vmem>> -> memref<128xi32, #tpu.memory_space<vmem>>
        %gather3A_591 = tpu.vector_load_idx %gather3A_590[%broadcast_in_dim3A_586] : memref<128xi32, #tpu.memory_space<vmem>>[vector<16xi32>], vector<16xi32>,
        %bitcast3A_592 = vector.bitcast %gather3A_591 : vector<16xi32> to vector<16xf32>
        %get3A_593 = arith.index_cast %add3A_585 : i32 to index
        %get3A_594 = arith.constant 0 : index
        %get3A_595 = tpu.vector_load %arg7[%get3A_593, %get3A_594] {strides = array<i32>} : memref<128x128xf32, #tpu.memory_space<vmem>>, vector<16xf32>,
        %mul3A_596 = arith.mulf %get3A_595, %bitcast3A_592 : vector<16xf32>
        %swap3A_597 = arith.index_cast %add3A_585 : i32 to index
        %swap3A_598 = arith.constant 0 : index
        %swap3A_599 = tpu.vector_load %arg7[%swap3A_597, %swap3A_598] {strides = array<i32>} : memref<128x128xf32, #tpu.memory_space<vmem>>, vector<16xf32>,
        tpu.vector_store %arg7[%swap3A_597, %swap3A_598], %mul3A_596 {strides = array<i32>} : memref<128x128xf32, #tpu.memory_space<vmem>>, vector<16xf32>,
        %get3A_600 = arith.index_cast %add3A_585 : i32 to index
        %get3A_601 = arith.constant 16 : index
        %get3A_602 = tpu.vector_load %arg7[%get3A_600, %get3A_601] {strides = array<i32>} : memref<128x128xf32, #tpu.memory_space<vmem>>, vector<16xf32>,
        %mul3A_603 = arith.mulf %get3A_602, %bitcast3A_592 : vector<16xf32>
        %swap3A_604 = arith.index_cast %add3A_585 : i32 to index
        %swap3A_605 = arith.constant 16 : index
        %swap3A_606 = tpu.vector_load %arg7[%swap3A_604, %swap3A_605] {strides = array<i32>} : memref<128x128xf32, #tpu.memory_space<vmem>>, vector<16xf32>,
        tpu.vector_store %arg7[%swap3A_604, %swap3A_605], %mul3A_603 {strides = array<i32>} : memref<128x128xf32, #tpu.memory_space<vmem>>, vector<16xf32>,
        %get3A_607 = arith.index_cast %add3A_585 : i32 to index
        %get3A_608 = arith.constant 32 : index
        %get3A_609 = tpu.vector_load %arg7[%get3A_607, %get3A_608] {strides = array<i32>} : memref<128x128xf32, #tpu.memory_space<vmem>>, vector<16xf32>,
        %mul3A_610 = arith.mulf %get3A_609, %bitcast3A_592 : vector<16xf32>
        %swap3A_611 = arith.index_cast %add3A_585 : i32 to index
        %swap3A_612 = arith.constant 32 : index
        %swap3A_613 = tpu.vector_load %arg7[%swap3A_611, %swap3A_612] {strides = array<i32>} : memref<128x128xf32, #tpu.memory_space<vmem>>, vector<16xf32>,
        tpu.vector_store %arg7[%swap3A_611, %swap3A_612], %mul3A_610 {strides = array<i32>} : memref<128x128xf32, #tpu.memory_space<vmem>>, vector<16xf32>,
        %get3A_614 = arith.index_cast %add3A_585 : i32 to index
        %get3A_615 = arith.constant 48 : index
        %get3A_616 = tpu.vector_load %arg7[%get3A_614, %get3A_615] {strides = array<i32>} : memref<128x128xf32, #tpu.memory_space<vmem>>, vector<16xf32>,
        %mul3A_617 = arith.mulf %get3A_616, %bitcast3A_592 : vector<16xf32>
        %swap3A_618 = arith.index_cast %add3A_585 : i32 to index
        %swap3A_619 = arith.constant 48 : index
        %swap3A_620 = tpu.vector_load %arg7[%swap3A_618, %swap3A_619] {strides = array<i32>} : memref<128x128xf32, #tpu.memory_space<vmem>>, vector<16xf32>,
        tpu.vector_store %arg7[%swap3A_618, %swap3A_619], %mul3A_617 {strides = array<i32>} : memref<128x128xf32, #tpu.memory_space<vmem>>, vector<16xf32>,
        %get3A_621 = arith.index_cast %add3A_585 : i32 to index
        %get3A_622 = arith.constant 64 : index
        %get3A_623 = tpu.vector_load %arg7[%get3A_621, %get3A_622] {strides = array<i32>} : memref<128x128xf32, #tpu.memory_space<vmem>>, vector<16xf32>,
        %mul3A_624 = arith.mulf %get3A_623, %bitcast3A_592 : vector<16xf32>
        %swap3A_625 = arith.index_cast %add3A_585 : i32 to index
        %swap3A_626 = arith.constant 64 : index
        %swap3A_627 = tpu.vector_load %arg7[%swap3A_625, %swap3A_626] {strides = array<i32>} : memref<128x128xf32, #tpu.memory_space<vmem>>, vector<16xf32>,
        tpu.vector_store %arg7[%swap3A_625, %swap3A_626], %mul3A_624 {strides = array<i32>} : memref<128x128xf32, #tpu.memory_space<vmem>>, vector<16xf32>,
        %get3A_628 = arith.index_cast %add3A_585 : i32 to index
        %get3A_629 = arith.constant 80 : index
        %get3A_630 = tpu.vector_load %arg7[%get3A_628, %get3A_629] {strides = array<i32>} : memref<128x128xf32, #tpu.memory_space<vmem>>, vector<16xf32>,
        %mul3A_631 = arith.mulf %get3A_630, %bitcast3A_592 : vector<16xf32>
        %swap3A_632 = arith.index_cast %add3A_585 : i32 to index
        %swap3A_633 = arith.constant 80 : index
        %swap3A_634 = tpu.vector_load %arg7[%swap3A_632, %swap3A_633] {strides = array<i32>} : memref<128x128xf32, #tpu.memory_space<vmem>>, vector<16xf32>,
        tpu.vector_store %arg7[%swap3A_632, %swap3A_633], %mul3A_631 {strides = array<i32>} : memref<128x128xf32, #tpu.memory_space<vmem>>, vector<16xf32>,
        %get3A_635 = arith.index_cast %add3A_585 : i32 to index
        %get3A_636 = arith.constant 96 : index
        %get3A_637 = tpu.vector_load %arg7[%get3A_635, %get3A_636] {strides = array<i32>} : memref<128x128xf32, #tpu.memory_space<vmem>>, vector<16xf32>,
        %mul3A_638 = arith.mulf %get3A_637, %bitcast3A_592 : vector<16xf32>
        %swap3A_639 = arith.index_cast %add3A_585 : i32 to index
        %swap3A_640 = arith.constant 96 : index
        %swap3A_641 = tpu.vector_load %arg7[%swap3A_639, %swap3A_640] {strides = array<i32>} : memref<128x128xf32, #tpu.memory_space<vmem>>, vector<16xf32>,
        tpu.vector_store %arg7[%swap3A_639, %swap3A_640], %mul3A_638 {strides = array<i32>} : memref<128x128xf32, #tpu.memory_space<vmem>>, vector<16xf32>,
        %get3A_642 = arith.index_cast %add3A_585 : i32 to index
        %get3A_643 = arith.constant 112 : index
        %get3A_644 = tpu.vector_load %arg7[%get3A_642, %get3A_643] {strides = array<i32>} : memref<128x128xf32, #tpu.memory_space<vmem>>, vector<16xf32>,
        %mul3A_645 = arith.mulf %get3A_644, %bitcast3A_592 : vector<16xf32>
        %swap3A_646 = arith.index_cast %add3A_585 : i32 to index
        %swap3A_647 = arith.constant 112 : index
        %swap3A_648 = tpu.vector_load %arg7[%swap3A_646, %swap3A_647] {strides = array<i32>} : memref<128x128xf32, #tpu.memory_space<vmem>>, vector<16xf32>,
        tpu.vector_store %arg7[%swap3A_646, %swap3A_647], %mul3A_645 {strides = array<i32>} : memref<128x128xf32, #tpu.memory_space<vmem>>, vector<16xf32>,
      }
      %scan3A_93 = arith.constant 16 : i32
      %run_scoped3A = arith.constant 1 : i32
      "tpu.region"() ({
        %run_scoped3A_117 = tpu.sem_alloc : memref<!tpu.dma_semaphore, #tpu.memory_space<semaphore_mem>>
        %dma_start3A_118 = arith.constant 0 : i32
        %dma_start3A_119 = tpu.memref_slice %arg5[%run_scoped3A, %dma_start3A_118] : memref<3x128xi32, #tpu.memory_space<vmem>> -> memref<1x128xi32, #tpu.memory_space<vmem>>
        %dma_start3A_120 = tpu.memref_squeeze %dma_start3A_119 : memref<1x128xi32, #tpu.memory_space<vmem>> -> memref<128xi32, #tpu.memory_space<vmem>>
        %dma_start3A_121 = arith.constant 0 : i32
        %dma_start3A_122 = arith.constant 0 : i32
        %dma_start3A_123 = tpu.memref_slice %arg9[%dma_start3A_121, %dma_start3A_122] : memref<10240x128xf32, #tpu.memory_space<vmem_shared>> -> memref<10240x128xf32, #tpu.memory_space<vmem_shared>>
        tpu.enqueue_indirect_dma source(%arg7 : memref<128x128xf32, #tpu.memory_space<vmem>>) target(%dma_start3A_123 : memref<10240x128xf32, #tpu.memory_space<vmem_shared>>) offsets(%dma_start3A_120 : memref<128xi32, #tpu.memory_space<vmem>>) semaphore(%run_scoped3A_117 : memref<!tpu.dma_semaphore, #tpu.memory_space<semaphore_mem>>) {add = true}
        %dma_wait3A_124 = arith.constant 0 : i32
        %dma_wait3A_125 = tpu.memref_slice %arg5[%run_scoped3A, %dma_wait3A_124] : memref<3x128xi32, #tpu.memory_space<vmem>> -> memref<1x128xi32, #tpu.memory_space<vmem>>
        %dma_wait3A_126 = tpu.memref_squeeze %dma_wait3A_125 : memref<1x128xi32, #tpu.memory_space<vmem>> -> memref<128xi32, #tpu.memory_space<vmem>>
        %dma_wait3A_127 = arith.constant 0 : i32
        %dma_wait3A_128 = arith.constant 0 : i32
        %dma_wait3A_129 = tpu.memref_slice %arg9[%dma_wait3A_127, %dma_wait3A_128] : memref<10240x128xf32, #tpu.memory_space<vmem_shared>> -> memref<10240x128xf32, #tpu.memory_space<vmem_shared>>
        tpu.wait_indirect_dma semaphore(%run_scoped3A_117 : memref<!tpu.dma_semaphore, #tpu.memory_space<semaphore_mem>>) src(%arg7 : memref<128x128xf32, #tpu.memory_space<vmem>>) dst(%dma_wait3A_129 : memref<10240x128xf32, #tpu.memory_space<vmem_shared>>)
        tpu.yield
      }) : () -> ()
      %sub3A_94 = arith.constant 1 : i32
      %sub3A_95 = arith.subi %select_n3A_24, %sub3A_94 : i32
      %lt3A = arith.cmpi slt, %while3A_81, %sub3A_95 : i32
      %convert_element_type3A = arith.extui %lt3A : i1 to i32
      %cond3A = arith.constant 0 : i32
      %cond3A_96 = arith.cmpi ne, %convert_element_type3A, %cond3A : i32
      scf.if %cond3A_96 {
        %mul3A_117 = arith.constant 2 : i32
        %mul3A_118 = arith.muli %mul3A_117, %while3A_81 : i32
        %add3A_119 = arith.addi %select_n3A, %mul3A_118 : i32
        %add3A_120 = arith.constant 0 : i32
        %add3A_121 = arith.addi %add3A_119, %add3A_120 : i32
        %add3A_122 = arith.constant 2 : i32
        %add3A_123 = arith.addi %add3A_121, %add3A_122 : i32
        "tpu.region"() ({
          %run_scoped3A_131 = tpu.sem_alloc : memref<!tpu.dma_semaphore, #tpu.memory_space<semaphore_mem>>
          %dma_start3A_132 = arith.constant 0 : i32
          %dma_start3A_133 = arith.constant 0 : i32
          %dma_start3A_134 = tpu.memref_slice %arg3[%add3A_123, %dma_start3A_132, %dma_start3A_133] : memref<2560x3x128xi32, #tpu.memory_space<hbm>> -> memref<1x3x128xi32, #tpu.memory_space<hbm>>
          %dma_start3A_135 = tpu.memref_squeeze %dma_start3A_134 : memref<1x3x128xi32, #tpu.memory_space<hbm>> -> memref<3x128xi32, #tpu.memory_space<hbm>>
          %dma_start3A_136 = arith.constant 0 : i32
          %dma_start3A_137 = arith.constant 0 : i32
          %dma_start3A_138 = tpu.memref_slice %arg3[%add3A_123, %dma_start3A_136, %dma_start3A_137] : memref<2560x3x128xi32, #tpu.memory_space<hbm>> -> memref<1x3x128xi32, #tpu.memory_space<hbm>>
          %dma_start3A_139 = tpu.memref_squeeze %dma_start3A_138 : memref<1x3x128xi32, #tpu.memory_space<hbm>> -> memref<3x128xi32, #tpu.memory_space<hbm>>
          tpu.enqueue_dma source(%dma_start3A_139 : memref<3x128xi32, #tpu.memory_space<hbm>>) target(%arg5 : memref<3x128xi32, #tpu.memory_space<vmem>>) target_semaphore(%run_scoped3A_131 : memref<!tpu.dma_semaphore, #tpu.memory_space<semaphore_mem>>)
          %dma_wait3A_140 = arith.constant 0 : i32
          %dma_wait3A_141 = arith.constant 0 : i32
          %dma_wait3A_142 = tpu.memref_slice %arg3[%add3A_123, %dma_wait3A_140, %dma_wait3A_141] : memref<2560x3x128xi32, #tpu.memory_space<hbm>> -> memref<1x3x128xi32, #tpu.memory_space<hbm>>
          %dma_wait3A_143 = tpu.memref_squeeze %dma_wait3A_142 : memref<1x3x128xi32, #tpu.memory_space<hbm>> -> memref<3x128xi32, #tpu.memory_space<hbm>>
          %dma_wait3A_144 = arith.constant 0 : i32
          %dma_wait3A_145 = arith.constant 0 : i32
          %dma_wait3A_146 = tpu.memref_slice %arg3[%add3A_123, %dma_wait3A_144, %dma_wait3A_145] : memref<2560x3x128xi32, #tpu.memory_space<hbm>> -> memref<1x3x128xi32, #tpu.memory_space<hbm>>
          %dma_wait3A_147 = tpu.memref_squeeze %dma_wait3A_146 : memref<1x3x128xi32, #tpu.memory_space<hbm>> -> memref<3x128xi32, #tpu.memory_space<hbm>>
          tpu.wait_dma2 semaphore(%run_scoped3A_131 : memref<!tpu.dma_semaphore, #tpu.memory_space<semaphore_mem>>) src(%dma_wait3A_147 : memref<3x128xi32, #tpu.memory_space<hbm>>) dst(%arg5 : memref<3x128xi32, #tpu.memory_space<vmem>>)
          tpu.yield
        }) : () -> ()
        %dma_start3A_124 = arith.constant 0 : i32
        %dma_start3A_125 = arith.constant 0 : i32
        %dma_start3A_126 = tpu.memref_slice %arg5[%dma_start3A_124, %dma_start3A_125] : memref<3x128xi32, #tpu.memory_space<vmem>> -> memref<1x128xi32, #tpu.memory_space<vmem>>
        %dma_start3A_127 = tpu.memref_squeeze %dma_start3A_126 : memref<1x128xi32, #tpu.memory_space<vmem>> -> memref<128xi32, #tpu.memory_space<vmem>>
        %dma_start3A_128 = arith.constant 0 : i32
        %dma_start3A_129 = arith.constant 0 : i32
        %dma_start3A_130 = tpu.memref_slice %arg2[%dma_start3A_128, %dma_start3A_129] : memref<10240x128xf32, #tpu.memory_space<hbm>> -> memref<10240x128xf32, #tpu.memory_space<hbm>>
        tpu.enqueue_indirect_dma source(%dma_start3A_130 : memref<10240x128xf32, #tpu.memory_space<hbm>>) target(%arg7 : memref<128x128xf32, #tpu.memory_space<vmem>>) offsets(%dma_start3A_127 : memref<128xi32, #tpu.memory_space<vmem>>) semaphore(%arg10 : memref<!tpu.dma_semaphore, #tpu.memory_space<semaphore_mem>>)
      } else {
      }
      %dma_wait3A_97 = arith.constant 0 : i32
      %dma_wait3A_98 = arith.constant 0 : i32
      %dma_wait3A_99 = tpu.memref_slice %arg6[%dma_wait3A_97, %dma_wait3A_98] : memref<3x128xi32, #tpu.memory_space<vmem>> -> memref<1x128xi32, #tpu.memory_space<vmem>>
      %dma_wait3A_100 = tpu.memref_squeeze %dma_wait3A_99 : memref<1x128xi32, #tpu.memory_space<vmem>> -> memref<128xi32, #tpu.memory_space<vmem>>
      %dma_wait3A_101 = arith.constant 0 : i32
      %dma_wait3A_102 = arith.constant 0 : i32
      %dma_wait3A_103 = tpu.memref_slice %arg2[%dma_wait3A_101, %dma_wait3A_102] : memref<10240x128xf32, #tpu.memory_space<hbm>> -> memref<10240x128xf32, #tpu.memory_space<hbm>>
      tpu.wait_indirect_dma semaphore(%arg11 : memref<!tpu.dma_semaphore, #tpu.memory_space<semaphore_mem>>) src(%dma_wait3A_103 : memref<10240x128xf32, #tpu.memory_space<hbm>>) dst(%arg8 : memref<128x128xf32, #tpu.memory_space<vmem>>)
      %scan3A_104 = arith.constant 0 : i32
      %scan3A_105 = arith.constant 0 : i32
      %scan3A_106 = arith.constant 16 : i32
      %scan3A_107 = arith.addi %scan3A_105, %scan3A_106 : i32
      %scan3A_108 = arith.constant 1 : i32
      scf.for %scan3A_117 = %scan3A_105 to %scan3A_107 step %scan3A_108  : i32 {
        %mul3A_118 = arith.constant 8 : i32
        %mul3A_119 = arith.muli %scan3A_117, %mul3A_118 : i32
        %add3A_120 = arith.constant 0 : i32
        %add3A_121 = arith.addi %mul3A_119, %add3A_120 : i32
        %broadcast_in_dim3A = vector.broadcast %add3A_121 : i32 to vector<16xi32>
        %gather3A = arith.constant 2 : i32
        %gather3A_122 = arith.constant 0 : i32
        %gather3A_123 = tpu.memref_slice %arg6[%gather3A, %gather3A_122] : memref<3x128xi32, #tpu.memory_space<vmem>> -> memref<1x128xi32, #tpu.memory_space<vmem>>
        %gather3A_124 = tpu.memref_squeeze %gather3A_123 : memref<1x128xi32, #tpu.memory_space<vmem>> -> memref<128xi32, #tpu.memory_space<vmem>>
        %gather3A_125 = tpu.vector_load_idx %gather3A_124[%broadcast_in_dim3A] : memref<128xi32, #tpu.memory_space<vmem>>[vector<16xi32>], vector<16xi32>,
        %bitcast3A = vector.bitcast %gather3A_125 : vector<16xi32> to vector<16xf32>
        %get3A = arith.index_cast %add3A_121 : i32 to index
        %get3A_126 = arith.constant 0 : index
        %get3A_127 = tpu.vector_load %arg8[%get3A, %get3A_126] {strides = array<i32>} : memref<128x128xf32, #tpu.memory_space<vmem>>, vector<16xf32>,
        %mul3A_128 = arith.mulf %get3A_127, %bitcast3A : vector<16xf32>
        %swap3A = arith.index_cast %add3A_121 : i32 to index
        %swap3A_129 = arith.constant 0 : index
        %swap3A_130 = tpu.vector_load %arg8[%swap3A, %swap3A_129] {strides = array<i32>} : memref<128x128xf32, #tpu.memory_space<vmem>>, vector<16xf32>,
        tpu.vector_store %arg8[%swap3A, %swap3A_129], %mul3A_128 {strides = array<i32>} : memref<128x128xf32, #tpu.memory_space<vmem>>, vector<16xf32>,
        %get3A_131 = arith.index_cast %add3A_121 : i32 to index
        %get3A_132 = arith.constant 16 : index
        %get3A_133 = tpu.vector_load %arg8[%get3A_131, %get3A_132] {strides = array<i32>} : memref<128x128xf32, #tpu.memory_space<vmem>>, vector<16xf32>,
        %mul3A_134 = arith.mulf %get3A_133, %bitcast3A : vector<16xf32>
        %swap3A_135 = arith.index_cast %add3A_121 : i32 to index
        %swap3A_136 = arith.constant 16 : index
        %swap3A_137 = tpu.vector_load %arg8[%swap3A_135, %swap3A_136] {strides = array<i32>} : memref<128x128xf32, #tpu.memory_space<vmem>>, vector<16xf32>,
        tpu.vector_store %arg8[%swap3A_135, %swap3A_136], %mul3A_134 {strides = array<i32>} : memref<128x128xf32, #tpu.memory_space<vmem>>, vector<16xf32>,
        %get3A_138 = arith.index_cast %add3A_121 : i32 to index
        %get3A_139 = arith.constant 32 : index
        %get3A_140 = tpu.vector_load %arg8[%get3A_138, %get3A_139] {strides = array<i32>} : memref<128x128xf32, #tpu.memory_space<vmem>>, vector<16xf32>,
        %mul3A_141 = arith.mulf %get3A_140, %bitcast3A : vector<16xf32>
        %swap3A_142 = arith.index_cast %add3A_121 : i32 to index
        %swap3A_143 = arith.constant 32 : index
        %swap3A_144 = tpu.vector_load %arg8[%swap3A_142, %swap3A_143] {strides = array<i32>} : memref<128x128xf32, #tpu.memory_space<vmem>>, vector<16xf32>,
        tpu.vector_store %arg8[%swap3A_142, %swap3A_143], %mul3A_141 {strides = array<i32>} : memref<128x128xf32, #tpu.memory_space<vmem>>, vector<16xf32>,
        %get3A_145 = arith.index_cast %add3A_121 : i32 to index
        %get3A_146 = arith.constant 48 : index
        %get3A_147 = tpu.vector_load %arg8[%get3A_145, %get3A_146] {strides = array<i32>} : memref<128x128xf32, #tpu.memory_space<vmem>>, vector<16xf32>,
        %mul3A_148 = arith.mulf %get3A_147, %bitcast3A : vector<16xf32>
        %swap3A_149 = arith.index_cast %add3A_121 : i32 to index
        %swap3A_150 = arith.constant 48 : index
        %swap3A_151 = tpu.vector_load %arg8[%swap3A_149, %swap3A_150] {strides = array<i32>} : memref<128x128xf32, #tpu.memory_space<vmem>>, vector<16xf32>,
        tpu.vector_store %arg8[%swap3A_149, %swap3A_150], %mul3A_148 {strides = array<i32>} : memref<128x128xf32, #tpu.memory_space<vmem>>, vector<16xf32>,
        %get3A_152 = arith.index_cast %add3A_121 : i32 to index
        %get3A_153 = arith.constant 64 : index
        %get3A_154 = tpu.vector_load %arg8[%get3A_152, %get3A_153] {strides = array<i32>} : memref<128x128xf32, #tpu.memory_space<vmem>>, vector<16xf32>,
        %mul3A_155 = arith.mulf %get3A_154, %bitcast3A : vector<16xf32>
        %swap3A_156 = arith.index_cast %add3A_121 : i32 to index
        %swap3A_157 = arith.constant 64 : index
        %swap3A_158 = tpu.vector_load %arg8[%swap3A_156, %swap3A_157] {strides = array<i32>} : memref<128x128xf32, #tpu.memory_space<vmem>>, vector<16xf32>,
        tpu.vector_store %arg8[%swap3A_156, %swap3A_157], %mul3A_155 {strides = array<i32>} : memref<128x128xf32, #tpu.memory_space<vmem>>, vector<16xf32>,
        %get3A_159 = arith.index_cast %add3A_121 : i32 to index
        %get3A_160 = arith.constant 80 : index
        %get3A_161 = tpu.vector_load %arg8[%get3A_159, %get3A_160] {strides = array<i32>} : memref<128x128xf32, #tpu.memory_space<vmem>>, vector<16xf32>,
        %mul3A_162 = arith.mulf %get3A_161, %bitcast3A : vector<16xf32>
        %swap3A_163 = arith.index_cast %add3A_121 : i32 to index
        %swap3A_164 = arith.constant 80 : index
        %swap3A_165 = tpu.vector_load %arg8[%swap3A_163, %swap3A_164] {strides = array<i32>} : memref<128x128xf32, #tpu.memory_space<vmem>>, vector<16xf32>,
        tpu.vector_store %arg8[%swap3A_163, %swap3A_164], %mul3A_162 {strides = array<i32>} : memref<128x128xf32, #tpu.memory_space<vmem>>, vector<16xf32>,
        %get3A_166 = arith.index_cast %add3A_121 : i32 to index
        %get3A_167 = arith.constant 96 : index
        %get3A_168 = tpu.vector_load %arg8[%get3A_166, %get3A_167] {strides = array<i32>} : memref<128x128xf32, #tpu.memory_space<vmem>>, vector<16xf32>,
        %mul3A_169 = arith.mulf %get3A_168, %bitcast3A : vector<16xf32>
        %swap3A_170 = arith.index_cast %add3A_121 : i32 to index
        %swap3A_171 = arith.constant 96 : index
        %swap3A_172 = tpu.vector_load %arg8[%swap3A_170, %swap3A_171] {strides = array<i32>} : memref<128x128xf32, #tpu.memory_space<vmem>>, vector<16xf32>,
        tpu.vector_store %arg8[%swap3A_170, %swap3A_171], %mul3A_169 {strides = array<i32>} : memref<128x128xf32, #tpu.memory_space<vmem>>, vector<16xf32>,
        %get3A_173 = arith.index_cast %add3A_121 : i32 to index
        %get3A_174 = arith.constant 112 : index
        %get3A_175 = tpu.vector_load %arg8[%get3A_173, %get3A_174] {strides = array<i32>} : memref<128x128xf32, #tpu.memory_space<vmem>>, vector<16xf32>,
        %mul3A_176 = arith.mulf %get3A_175, %bitcast3A : vector<16xf32>
        %swap3A_177 = arith.index_cast %add3A_121 : i32 to index
        %swap3A_178 = arith.constant 112 : index
        %swap3A_179 = tpu.vector_load %arg8[%swap3A_177, %swap3A_178] {strides = array<i32>} : memref<128x128xf32, #tpu.memory_space<vmem>>, vector<16xf32>,
        tpu.vector_store %arg8[%swap3A_177, %swap3A_178], %mul3A_176 {strides = array<i32>} : memref<128x128xf32, #tpu.memory_space<vmem>>, vector<16xf32>,
        %mul3A_180 = arith.constant 8 : i32
        %mul3A_181 = arith.muli %scan3A_117, %mul3A_180 : i32
        %add3A_182 = arith.constant 1 : i32
        %add3A_183 = arith.addi %mul3A_181, %add3A_182 : i32
        %broadcast_in_dim3A_184 = vector.broadcast %add3A_183 : i32 to vector<16xi32>
        %gather3A_185 = arith.constant 2 : i32
        %gather3A_186 = arith.constant 0 : i32
        %gather3A_187 = tpu.memref_slice %arg6[%gather3A_185, %gather3A_186] : memref<3x128xi32, #tpu.memory_space<vmem>> -> memref<1x128xi32, #tpu.memory_space<vmem>>
        %gather3A_188 = tpu.memref_squeeze %gather3A_187 : memref<1x128xi32, #tpu.memory_space<vmem>> -> memref<128xi32, #tpu.memory_space<vmem>>
        %gather3A_189 = tpu.vector_load_idx %gather3A_188[%broadcast_in_dim3A_184] : memref<128xi32, #tpu.memory_space<vmem>>[vector<16xi32>], vector<16xi32>,
        %bitcast3A_190 = vector.bitcast %gather3A_189 : vector<16xi32> to vector<16xf32>
        %get3A_191 = arith.index_cast %add3A_183 : i32 to index
        %get3A_192 = arith.constant 0 : index
        %get3A_193 = tpu.vector_load %arg8[%get3A_191, %get3A_192] {strides = array<i32>} : memref<128x128xf32, #tpu.memory_space<vmem>>, vector<16xf32>,
        %mul3A_194 = arith.mulf %get3A_193, %bitcast3A_190 : vector<16xf32>
        %swap3A_195 = arith.index_cast %add3A_183 : i32 to index
        %swap3A_196 = arith.constant 0 : index
        %swap3A_197 = tpu.vector_load %arg8[%swap3A_195, %swap3A_196] {strides = array<i32>} : memref<128x128xf32, #tpu.memory_space<vmem>>, vector<16xf32>,
        tpu.vector_store %arg8[%swap3A_195, %swap3A_196], %mul3A_194 {strides = array<i32>} : memref<128x128xf32, #tpu.memory_space<vmem>>, vector<16xf32>,
        %get3A_198 = arith.index_cast %add3A_183 : i32 to index
        %get3A_199 = arith.constant 16 : index
        %get3A_200 = tpu.vector_load %arg8[%get3A_198, %get3A_199] {strides = array<i32>} : memref<128x128xf32, #tpu.memory_space<vmem>>, vector<16xf32>,
        %mul3A_201 = arith.mulf %get3A_200, %bitcast3A_190 : vector<16xf32>
        %swap3A_202 = arith.index_cast %add3A_183 : i32 to index
        %swap3A_203 = arith.constant 16 : index
        %swap3A_204 = tpu.vector_load %arg8[%swap3A_202, %swap3A_203] {strides = array<i32>} : memref<128x128xf32, #tpu.memory_space<vmem>>, vector<16xf32>,
        tpu.vector_store %arg8[%swap3A_202, %swap3A_203], %mul3A_201 {strides = array<i32>} : memref<128x128xf32, #tpu.memory_space<vmem>>, vector<16xf32>,
        %get3A_205 = arith.index_cast %add3A_183 : i32 to index
        %get3A_206 = arith.constant 32 : index
        %get3A_207 = tpu.vector_load %arg8[%get3A_205, %get3A_206] {strides = array<i32>} : memref<128x128xf32, #tpu.memory_space<vmem>>, vector<16xf32>,
        %mul3A_208 = arith.mulf %get3A_207, %bitcast3A_190 : vector<16xf32>
        %swap3A_209 = arith.index_cast %add3A_183 : i32 to index
        %swap3A_210 = arith.constant 32 : index
        %swap3A_211 = tpu.vector_load %arg8[%swap3A_209, %swap3A_210] {strides = array<i32>} : memref<128x128xf32, #tpu.memory_space<vmem>>, vector<16xf32>,
        tpu.vector_store %arg8[%swap3A_209, %swap3A_210], %mul3A_208 {strides = array<i32>} : memref<128x128xf32, #tpu.memory_space<vmem>>, vector<16xf32>,
        %get3A_212 = arith.index_cast %add3A_183 : i32 to index
        %get3A_213 = arith.constant 48 : index
        %get3A_214 = tpu.vector_load %arg8[%get3A_212, %get3A_213] {strides = array<i32>} : memref<128x128xf32, #tpu.memory_space<vmem>>, vector<16xf32>,
        %mul3A_215 = arith.mulf %get3A_214, %bitcast3A_190 : vector<16xf32>
        %swap3A_216 = arith.index_cast %add3A_183 : i32 to index
        %swap3A_217 = arith.constant 48 : index
        %swap3A_218 = tpu.vector_load %arg8[%swap3A_216, %swap3A_217] {strides = array<i32>} : memref<128x128xf32, #tpu.memory_space<vmem>>, vector<16xf32>,
        tpu.vector_store %arg8[%swap3A_216, %swap3A_217], %mul3A_215 {strides = array<i32>} : memref<128x128xf32, #tpu.memory_space<vmem>>, vector<16xf32>,
        %get3A_219 = arith.index_cast %add3A_183 : i32 to index
        %get3A_220 = arith.constant 64 : index
        %get3A_221 = tpu.vector_load %arg8[%get3A_219, %get3A_220] {strides = array<i32>} : memref<128x128xf32, #tpu.memory_space<vmem>>, vector<16xf32>,
        %mul3A_222 = arith.mulf %get3A_221, %bitcast3A_190 : vector<16xf32>
        %swap3A_223 = arith.index_cast %add3A_183 : i32 to index
        %swap3A_224 = arith.constant 64 : index
        %swap3A_225 = tpu.vector_load %arg8[%swap3A_223, %swap3A_224] {strides = array<i32>} : memref<128x128xf32, #tpu.memory_space<vmem>>, vector<16xf32>,
        tpu.vector_store %arg8[%swap3A_223, %swap3A_224], %mul3A_222 {strides = array<i32>} : memref<128x128xf32, #tpu.memory_space<vmem>>, vector<16xf32>,
        %get3A_226 = arith.index_cast %add3A_183 : i32 to index
        %get3A_227 = arith.constant 80 : index
        %get3A_228 = tpu.vector_load %arg8[%get3A_226, %get3A_227] {strides = array<i32>} : memref<128x128xf32, #tpu.memory_space<vmem>>, vector<16xf32>,
        %mul3A_229 = arith.mulf %get3A_228, %bitcast3A_190 : vector<16xf32>
        %swap3A_230 = arith.index_cast %add3A_183 : i32 to index
        %swap3A_231 = arith.constant 80 : index
        %swap3A_232 = tpu.vector_load %arg8[%swap3A_230, %swap3A_231] {strides = array<i32>} : memref<128x128xf32, #tpu.memory_space<vmem>>, vector<16xf32>,
        tpu.vector_store %arg8[%swap3A_230, %swap3A_231], %mul3A_229 {strides = array<i32>} : memref<128x128xf32, #tpu.memory_space<vmem>>, vector<16xf32>,
        %get3A_233 = arith.index_cast %add3A_183 : i32 to index
        %get3A_234 = arith.constant 96 : index
        %get3A_235 = tpu.vector_load %arg8[%get3A_233, %get3A_234] {strides = array<i32>} : memref<128x128xf32, #tpu.memory_space<vmem>>, vector<16xf32>,
        %mul3A_236 = arith.mulf %get3A_235, %bitcast3A_190 : vector<16xf32>
        %swap3A_237 = arith.index_cast %add3A_183 : i32 to index
        %swap3A_238 = arith.constant 96 : index
        %swap3A_239 = tpu.vector_load %arg8[%swap3A_237, %swap3A_238] {strides = array<i32>} : memref<128x128xf32, #tpu.memory_space<vmem>>, vector<16xf32>,
        tpu.vector_store %arg8[%swap3A_237, %swap3A_238], %mul3A_236 {strides = array<i32>} : memref<128x128xf32, #tpu.memory_space<vmem>>, vector<16xf32>,
        %get3A_240 = arith.index_cast %add3A_183 : i32 to index
        %get3A_241 = arith.constant 112 : index
        %get3A_242 = tpu.vector_load %arg8[%get3A_240, %get3A_241] {strides = array<i32>} : memref<128x128xf32, #tpu.memory_space<vmem>>, vector<16xf32>,
        %mul3A_243 = arith.mulf %get3A_242, %bitcast3A_190 : vector<16xf32>
        %swap3A_244 = arith.index_cast %add3A_183 : i32 to index
        %swap3A_245 = arith.constant 112 : index
        %swap3A_246 = tpu.vector_load %arg8[%swap3A_244, %swap3A_245] {strides = array<i32>} : memref<128x128xf32, #tpu.memory_space<vmem>>, vector<16xf32>,
        tpu.vector_store %arg8[%swap3A_244, %swap3A_245], %mul3A_243 {strides = array<i32>} : memref<128x128xf32, #tpu.memory_space<vmem>>, vector<16xf32>,
        %mul3A_247 = arith.constant 8 : i32
        %mul3A_248 = arith.muli %scan3A_117, %mul3A_247 : i32
        %add3A_249 = arith.constant 2 : i32
        %add3A_250 = arith.addi %mul3A_248, %add3A_249 : i32
        %broadcast_in_dim3A_251 = vector.broadcast %add3A_250 : i32 to vector<16xi32>
        %gather3A_252 = arith.constant 2 : i32
        %gather3A_253 = arith.constant 0 : i32
        %gather3A_254 = tpu.memref_slice %arg6[%gather3A_252, %gather3A_253] : memref<3x128xi32, #tpu.memory_space<vmem>> -> memref<1x128xi32, #tpu.memory_space<vmem>>
        %gather3A_255 = tpu.memref_squeeze %gather3A_254 : memref<1x128xi32, #tpu.memory_space<vmem>> -> memref<128xi32, #tpu.memory_space<vmem>>
        %gather3A_256 = tpu.vector_load_idx %gather3A_255[%broadcast_in_dim3A_251] : memref<128xi32, #tpu.memory_space<vmem>>[vector<16xi32>], vector<16xi32>,
        %bitcast3A_257 = vector.bitcast %gather3A_256 : vector<16xi32> to vector<16xf32>
        %get3A_258 = arith.index_cast %add3A_250 : i32 to index
        %get3A_259 = arith.constant 0 : index
        %get3A_260 = tpu.vector_load %arg8[%get3A_258, %get3A_259] {strides = array<i32>} : memref<128x128xf32, #tpu.memory_space<vmem>>, vector<16xf32>,
        %mul3A_261 = arith.mulf %get3A_260, %bitcast3A_257 : vector<16xf32>
        %swap3A_262 = arith.index_cast %add3A_250 : i32 to index
        %swap3A_263 = arith.constant 0 : index
        %swap3A_264 = tpu.vector_load %arg8[%swap3A_262, %swap3A_263] {strides = array<i32>} : memref<128x128xf32, #tpu.memory_space<vmem>>, vector<16xf32>,
        tpu.vector_store %arg8[%swap3A_262, %swap3A_263], %mul3A_261 {strides = array<i32>} : memref<128x128xf32, #tpu.memory_space<vmem>>, vector<16xf32>,
        %get3A_265 = arith.index_cast %add3A_250 : i32 to index
        %get3A_266 = arith.constant 16 : index
        %get3A_267 = tpu.vector_load %arg8[%get3A_265, %get3A_266] {strides = array<i32>} : memref<128x128xf32, #tpu.memory_space<vmem>>, vector<16xf32>,
        %mul3A_268 = arith.mulf %get3A_267, %bitcast3A_257 : vector<16xf32>
        %swap3A_269 = arith.index_cast %add3A_250 : i32 to index
        %swap3A_270 = arith.constant 16 : index
        %swap3A_271 = tpu.vector_load %arg8[%swap3A_269, %swap3A_270] {strides = array<i32>} : memref<128x128xf32, #tpu.memory_space<vmem>>, vector<16xf32>,
        tpu.vector_store %arg8[%swap3A_269, %swap3A_270], %mul3A_268 {strides = array<i32>} : memref<128x128xf32, #tpu.memory_space<vmem>>, vector<16xf32>,
        %get3A_272 = arith.index_cast %add3A_250 : i32 to index
        %get3A_273 = arith.constant 32 : index
        %get3A_274 = tpu.vector_load %arg8[%get3A_272, %get3A_273] {strides = array<i32>} : memref<128x128xf32, #tpu.memory_space<vmem>>, vector<16xf32>,
        %mul3A_275 = arith.mulf %get3A_274, %bitcast3A_257 : vector<16xf32>
        %swap3A_276 = arith.index_cast %add3A_250 : i32 to index
        %swap3A_277 = arith.constant 32 : index
        %swap3A_278 = tpu.vector_load %arg8[%swap3A_276, %swap3A_277] {strides = array<i32>} : memref<128x128xf32, #tpu.memory_space<vmem>>, vector<16xf32>,
        tpu.vector_store %arg8[%swap3A_276, %swap3A_277], %mul3A_275 {strides = array<i32>} : memref<128x128xf32, #tpu.memory_space<vmem>>, vector<16xf32>,
        %get3A_279 = arith.index_cast %add3A_250 : i32 to index
        %get3A_280 = arith.constant 48 : index
        %get3A_281 = tpu.vector_load %arg8[%get3A_279, %get3A_280] {strides = array<i32>} : memref<128x128xf32, #tpu.memory_space<vmem>>, vector<16xf32>,
        %mul3A_282 = arith.mulf %get3A_281, %bitcast3A_257 : vector<16xf32>
        %swap3A_283 = arith.index_cast %add3A_250 : i32 to index
        %swap3A_284 = arith.constant 48 : index
        %swap3A_285 = tpu.vector_load %arg8[%swap3A_283, %swap3A_284] {strides = array<i32>} : memref<128x128xf32, #tpu.memory_space<vmem>>, vector<16xf32>,
        tpu.vector_store %arg8[%swap3A_283, %swap3A_284], %mul3A_282 {strides = array<i32>} : memref<128x128xf32, #tpu.memory_space<vmem>>, vector<16xf32>,
        %get3A_286 = arith.index_cast %add3A_250 : i32 to index
        %get3A_287 = arith.constant 64 : index
        %get3A_288 = tpu.vector_load %arg8[%get3A_286, %get3A_287] {strides = array<i32>} : memref<128x128xf32, #tpu.memory_space<vmem>>, vector<16xf32>,
        %mul3A_289 = arith.mulf %get3A_288, %bitcast3A_257 : vector<16xf32>
        %swap3A_290 = arith.index_cast %add3A_250 : i32 to index
        %swap3A_291 = arith.constant 64 : index
        %swap3A_292 = tpu.vector_load %arg8[%swap3A_290, %swap3A_291] {strides = array<i32>} : memref<128x128xf32, #tpu.memory_space<vmem>>, vector<16xf32>,
        tpu.vector_store %arg8[%swap3A_290, %swap3A_291], %mul3A_289 {strides = array<i32>} : memref<128x128xf32, #tpu.memory_space<vmem>>, vector<16xf32>,
        %get3A_293 = arith.index_cast %add3A_250 : i32 to index
        %get3A_294 = arith.constant 80 : index
        %get3A_295 = tpu.vector_load %arg8[%get3A_293, %get3A_294] {strides = array<i32>} : memref<128x128xf32, #tpu.memory_space<vmem>>, vector<16xf32>,
        %mul3A_296 = arith.mulf %get3A_295, %bitcast3A_257 : vector<16xf32>
        %swap3A_297 = arith.index_cast %add3A_250 : i32 to index
        %swap3A_298 = arith.constant 80 : index
        %swap3A_299 = tpu.vector_load %arg8[%swap3A_297, %swap3A_298] {strides = array<i32>} : memref<128x128xf32, #tpu.memory_space<vmem>>, vector<16xf32>,
        tpu.vector_store %arg8[%swap3A_297, %swap3A_298], %mul3A_296 {strides = array<i32>} : memref<128x128xf32, #tpu.memory_space<vmem>>, vector<16xf32>,
        %get3A_300 = arith.index_cast %add3A_250 : i32 to index
        %get3A_301 = arith.constant 96 : index
        %get3A_302 = tpu.vector_load %arg8[%get3A_300, %get3A_301] {strides = array<i32>} : memref<128x128xf32, #tpu.memory_space<vmem>>, vector<16xf32>,
        %mul3A_303 = arith.mulf %get3A_302, %bitcast3A_257 : vector<16xf32>
        %swap3A_304 = arith.index_cast %add3A_250 : i32 to index
        %swap3A_305 = arith.constant 96 : index
        %swap3A_306 = tpu.vector_load %arg8[%swap3A_304, %swap3A_305] {strides = array<i32>} : memref<128x128xf32, #tpu.memory_space<vmem>>, vector<16xf32>,
        tpu.vector_store %arg8[%swap3A_304, %swap3A_305], %mul3A_303 {strides = array<i32>} : memref<128x128xf32, #tpu.memory_space<vmem>>, vector<16xf32>,
        %get3A_307 = arith.index_cast %add3A_250 : i32 to index
        %get3A_308 = arith.constant 112 : index
        %get3A_309 = tpu.vector_load %arg8[%get3A_307, %get3A_308] {strides = array<i32>} : memref<128x128xf32, #tpu.memory_space<vmem>>, vector<16xf32>,
        %mul3A_310 = arith.mulf %get3A_309, %bitcast3A_257 : vector<16xf32>
        %swap3A_311 = arith.index_cast %add3A_250 : i32 to index
        %swap3A_312 = arith.constant 112 : index
        %swap3A_313 = tpu.vector_load %arg8[%swap3A_311, %swap3A_312] {strides = array<i32>} : memref<128x128xf32, #tpu.memory_space<vmem>>, vector<16xf32>,
        tpu.vector_store %arg8[%swap3A_311, %swap3A_312], %mul3A_310 {strides = array<i32>} : memref<128x128xf32, #tpu.memory_space<vmem>>, vector<16xf32>,
        %mul3A_314 = arith.constant 8 : i32
        %mul3A_315 = arith.muli %scan3A_117, %mul3A_314 : i32
        %add3A_316 = arith.constant 3 : i32
        %add3A_317 = arith.addi %mul3A_315, %add3A_316 : i32
        %broadcast_in_dim3A_318 = vector.broadcast %add3A_317 : i32 to vector<16xi32>
        %gather3A_319 = arith.constant 2 : i32
        %gather3A_320 = arith.constant 0 : i32
        %gather3A_321 = tpu.memref_slice %arg6[%gather3A_319, %gather3A_320] : memref<3x128xi32, #tpu.memory_space<vmem>> -> memref<1x128xi32, #tpu.memory_space<vmem>>
        %gather3A_322 = tpu.memref_squeeze %gather3A_321 : memref<1x128xi32, #tpu.memory_space<vmem>> -> memref<128xi32, #tpu.memory_space<vmem>>
        %gather3A_323 = tpu.vector_load_idx %gather3A_322[%broadcast_in_dim3A_318] : memref<128xi32, #tpu.memory_space<vmem>>[vector<16xi32>], vector<16xi32>,
        %bitcast3A_324 = vector.bitcast %gather3A_323 : vector<16xi32> to vector<16xf32>
        %get3A_325 = arith.index_cast %add3A_317 : i32 to index
        %get3A_326 = arith.constant 0 : index
        %get3A_327 = tpu.vector_load %arg8[%get3A_325, %get3A_326] {strides = array<i32>} : memref<128x128xf32, #tpu.memory_space<vmem>>, vector<16xf32>,
        %mul3A_328 = arith.mulf %get3A_327, %bitcast3A_324 : vector<16xf32>
        %swap3A_329 = arith.index_cast %add3A_317 : i32 to index
        %swap3A_330 = arith.constant 0 : index
        %swap3A_331 = tpu.vector_load %arg8[%swap3A_329, %swap3A_330] {strides = array<i32>} : memref<128x128xf32, #tpu.memory_space<vmem>>, vector<16xf32>,
        tpu.vector_store %arg8[%swap3A_329, %swap3A_330], %mul3A_328 {strides = array<i32>} : memref<128x128xf32, #tpu.memory_space<vmem>>, vector<16xf32>,
        %get3A_332 = arith.index_cast %add3A_317 : i32 to index
        %get3A_333 = arith.constant 16 : index
        %get3A_334 = tpu.vector_load %arg8[%get3A_332, %get3A_333] {strides = array<i32>} : memref<128x128xf32, #tpu.memory_space<vmem>>, vector<16xf32>,
        %mul3A_335 = arith.mulf %get3A_334, %bitcast3A_324 : vector<16xf32>
        %swap3A_336 = arith.index_cast %add3A_317 : i32 to index
        %swap3A_337 = arith.constant 16 : index
        %swap3A_338 = tpu.vector_load %arg8[%swap3A_336, %swap3A_337] {strides = array<i32>} : memref<128x128xf32, #tpu.memory_space<vmem>>, vector<16xf32>,
        tpu.vector_store %arg8[%swap3A_336, %swap3A_337], %mul3A_335 {strides = array<i32>} : memref<128x128xf32, #tpu.memory_space<vmem>>, vector<16xf32>,
        %get3A_339 = arith.index_cast %add3A_317 : i32 to index
        %get3A_340 = arith.constant 32 : index
        %get3A_341 = tpu.vector_load %arg8[%get3A_339, %get3A_340] {strides = array<i32>} : memref<128x128xf32, #tpu.memory_space<vmem>>, vector<16xf32>,
        %mul3A_342 = arith.mulf %get3A_341, %bitcast3A_324 : vector<16xf32>
        %swap3A_343 = arith.index_cast %add3A_317 : i32 to index
        %swap3A_344 = arith.constant 32 : index
        %swap3A_345 = tpu.vector_load %arg8[%swap3A_343, %swap3A_344] {strides = array<i32>} : memref<128x128xf32, #tpu.memory_space<vmem>>, vector<16xf32>,
        tpu.vector_store %arg8[%swap3A_343, %swap3A_344], %mul3A_342 {strides = array<i32>} : memref<128x128xf32, #tpu.memory_space<vmem>>, vector<16xf32>,
        %get3A_346 = arith.index_cast %add3A_317 : i32 to index
        %get3A_347 = arith.constant 48 : index
        %get3A_348 = tpu.vector_load %arg8[%get3A_346, %get3A_347] {strides = array<i32>} : memref<128x128xf32, #tpu.memory_space<vmem>>, vector<16xf32>,
        %mul3A_349 = arith.mulf %get3A_348, %bitcast3A_324 : vector<16xf32>
        %swap3A_350 = arith.index_cast %add3A_317 : i32 to index
        %swap3A_351 = arith.constant 48 : index
        %swap3A_352 = tpu.vector_load %arg8[%swap3A_350, %swap3A_351] {strides = array<i32>} : memref<128x128xf32, #tpu.memory_space<vmem>>, vector<16xf32>,
        tpu.vector_store %arg8[%swap3A_350, %swap3A_351], %mul3A_349 {strides = array<i32>} : memref<128x128xf32, #tpu.memory_space<vmem>>, vector<16xf32>,
        %get3A_353 = arith.index_cast %add3A_317 : i32 to index
        %get3A_354 = arith.constant 64 : index
        %get3A_355 = tpu.vector_load %arg8[%get3A_353, %get3A_354] {strides = array<i32>} : memref<128x128xf32, #tpu.memory_space<vmem>>, vector<16xf32>,
        %mul3A_356 = arith.mulf %get3A_355, %bitcast3A_324 : vector<16xf32>
        %swap3A_357 = arith.index_cast %add3A_317 : i32 to index
        %swap3A_358 = arith.constant 64 : index
        %swap3A_359 = tpu.vector_load %arg8[%swap3A_357, %swap3A_358] {strides = array<i32>} : memref<128x128xf32, #tpu.memory_space<vmem>>, vector<16xf32>,
        tpu.vector_store %arg8[%swap3A_357, %swap3A_358], %mul3A_356 {strides = array<i32>} : memref<128x128xf32, #tpu.memory_space<vmem>>, vector<16xf32>,
        %get3A_360 = arith.index_cast %add3A_317 : i32 to index
        %get3A_361 = arith.constant 80 : index
        %get3A_362 = tpu.vector_load %arg8[%get3A_360, %get3A_361] {strides = array<i32>} : memref<128x128xf32, #tpu.memory_space<vmem>>, vector<16xf32>,
        %mul3A_363 = arith.mulf %get3A_362, %bitcast3A_324 : vector<16xf32>
        %swap3A_364 = arith.index_cast %add3A_317 : i32 to index
        %swap3A_365 = arith.constant 80 : index
        %swap3A_366 = tpu.vector_load %arg8[%swap3A_364, %swap3A_365] {strides = array<i32>} : memref<128x128xf32, #tpu.memory_space<vmem>>, vector<16xf32>,
        tpu.vector_store %arg8[%swap3A_364, %swap3A_365], %mul3A_363 {strides = array<i32>} : memref<128x128xf32, #tpu.memory_space<vmem>>, vector<16xf32>,
        %get3A_367 = arith.index_cast %add3A_317 : i32 to index
        %get3A_368 = arith.constant 96 : index
        %get3A_369 = tpu.vector_load %arg8[%get3A_367, %get3A_368] {strides = array<i32>} : memref<128x128xf32, #tpu.memory_space<vmem>>, vector<16xf32>,
        %mul3A_370 = arith.mulf %get3A_369, %bitcast3A_324 : vector<16xf32>
        %swap3A_371 = arith.index_cast %add3A_317 : i32 to index
        %swap3A_372 = arith.constant 96 : index
        %swap3A_373 = tpu.vector_load %arg8[%swap3A_371, %swap3A_372] {strides = array<i32>} : memref<128x128xf32, #tpu.memory_space<vmem>>, vector<16xf32>,
        tpu.vector_store %arg8[%swap3A_371, %swap3A_372], %mul3A_370 {strides = array<i32>} : memref<128x128xf32, #tpu.memory_space<vmem>>, vector<16xf32>,
        %get3A_374 = arith.index_cast %add3A_317 : i32 to index
        %get3A_375 = arith.constant 112 : index
        %get3A_376 = tpu.vector_load %arg8[%get3A_374, %get3A_375] {strides = array<i32>} : memref<128x128xf32, #tpu.memory_space<vmem>>, vector<16xf32>,
        %mul3A_377 = arith.mulf %get3A_376, %bitcast3A_324 : vector<16xf32>
        %swap3A_378 = arith.index_cast %add3A_317 : i32 to index
        %swap3A_379 = arith.constant 112 : index
        %swap3A_380 = tpu.vector_load %arg8[%swap3A_378, %swap3A_379] {strides = array<i32>} : memref<128x128xf32, #tpu.memory_space<vmem>>, vector<16xf32>,
        tpu.vector_store %arg8[%swap3A_378, %swap3A_379], %mul3A_377 {strides = array<i32>} : memref<128x128xf32, #tpu.memory_space<vmem>>, vector<16xf32>,
        %mul3A_381 = arith.constant 8 : i32
        %mul3A_382 = arith.muli %scan3A_117, %mul3A_381 : i32
        %add3A_383 = arith.constant 4 : i32
        %add3A_384 = arith.addi %mul3A_382, %add3A_383 : i32
        %broadcast_in_dim3A_385 = vector.broadcast %add3A_384 : i32 to vector<16xi32>
        %gather3A_386 = arith.constant 2 : i32
        %gather3A_387 = arith.constant 0 : i32
        %gather3A_388 = tpu.memref_slice %arg6[%gather3A_386, %gather3A_387] : memref<3x128xi32, #tpu.memory_space<vmem>> -> memref<1x128xi32, #tpu.memory_space<vmem>>
        %gather3A_389 = tpu.memref_squeeze %gather3A_388 : memref<1x128xi32, #tpu.memory_space<vmem>> -> memref<128xi32, #tpu.memory_space<vmem>>
        %gather3A_390 = tpu.vector_load_idx %gather3A_389[%broadcast_in_dim3A_385] : memref<128xi32, #tpu.memory_space<vmem>>[vector<16xi32>], vector<16xi32>,
        %bitcast3A_391 = vector.bitcast %gather3A_390 : vector<16xi32> to vector<16xf32>
        %get3A_392 = arith.index_cast %add3A_384 : i32 to index
        %get3A_393 = arith.constant 0 : index
        %get3A_394 = tpu.vector_load %arg8[%get3A_392, %get3A_393] {strides = array<i32>} : memref<128x128xf32, #tpu.memory_space<vmem>>, vector<16xf32>,
        %mul3A_395 = arith.mulf %get3A_394, %bitcast3A_391 : vector<16xf32>
        %swap3A_396 = arith.index_cast %add3A_384 : i32 to index
        %swap3A_397 = arith.constant 0 : index
        %swap3A_398 = tpu.vector_load %arg8[%swap3A_396, %swap3A_397] {strides = array<i32>} : memref<128x128xf32, #tpu.memory_space<vmem>>, vector<16xf32>,
        tpu.vector_store %arg8[%swap3A_396, %swap3A_397], %mul3A_395 {strides = array<i32>} : memref<128x128xf32, #tpu.memory_space<vmem>>, vector<16xf32>,
        %get3A_399 = arith.index_cast %add3A_384 : i32 to index
        %get3A_400 = arith.constant 16 : index
        %get3A_401 = tpu.vector_load %arg8[%get3A_399, %get3A_400] {strides = array<i32>} : memref<128x128xf32, #tpu.memory_space<vmem>>, vector<16xf32>,
        %mul3A_402 = arith.mulf %get3A_401, %bitcast3A_391 : vector<16xf32>
        %swap3A_403 = arith.index_cast %add3A_384 : i32 to index
        %swap3A_404 = arith.constant 16 : index
        %swap3A_405 = tpu.vector_load %arg8[%swap3A_403, %swap3A_404] {strides = array<i32>} : memref<128x128xf32, #tpu.memory_space<vmem>>, vector<16xf32>,
        tpu.vector_store %arg8[%swap3A_403, %swap3A_404], %mul3A_402 {strides = array<i32>} : memref<128x128xf32, #tpu.memory_space<vmem>>, vector<16xf32>,
        %get3A_406 = arith.index_cast %add3A_384 : i32 to index
        %get3A_407 = arith.constant 32 : index
        %get3A_408 = tpu.vector_load %arg8[%get3A_406, %get3A_407] {strides = array<i32>} : memref<128x128xf32, #tpu.memory_space<vmem>>, vector<16xf32>,
        %mul3A_409 = arith.mulf %get3A_408, %bitcast3A_391 : vector<16xf32>
        %swap3A_410 = arith.index_cast %add3A_384 : i32 to index
        %swap3A_411 = arith.constant 32 : index
        %swap3A_412 = tpu.vector_load %arg8[%swap3A_410, %swap3A_411] {strides = array<i32>} : memref<128x128xf32, #tpu.memory_space<vmem>>, vector<16xf32>,
        tpu.vector_store %arg8[%swap3A_410, %swap3A_411], %mul3A_409 {strides = array<i32>} : memref<128x128xf32, #tpu.memory_space<vmem>>, vector<16xf32>,
        %get3A_413 = arith.index_cast %add3A_384 : i32 to index
        %get3A_414 = arith.constant 48 : index
        %get3A_415 = tpu.vector_load %arg8[%get3A_413, %get3A_414] {strides = array<i32>} : memref<128x128xf32, #tpu.memory_space<vmem>>, vector<16xf32>,
        %mul3A_416 = arith.mulf %get3A_415, %bitcast3A_391 : vector<16xf32>
        %swap3A_417 = arith.index_cast %add3A_384 : i32 to index
        %swap3A_418 = arith.constant 48 : index
        %swap3A_419 = tpu.vector_load %arg8[%swap3A_417, %swap3A_418] {strides = array<i32>} : memref<128x128xf32, #tpu.memory_space<vmem>>, vector<16xf32>,
        tpu.vector_store %arg8[%swap3A_417, %swap3A_418], %mul3A_416 {strides = array<i32>} : memref<128x128xf32, #tpu.memory_space<vmem>>, vector<16xf32>,
        %get3A_420 = arith.index_cast %add3A_384 : i32 to index
        %get3A_421 = arith.constant 64 : index
        %get3A_422 = tpu.vector_load %arg8[%get3A_420, %get3A_421] {strides = array<i32>} : memref<128x128xf32, #tpu.memory_space<vmem>>, vector<16xf32>,
        %mul3A_423 = arith.mulf %get3A_422, %bitcast3A_391 : vector<16xf32>
        %swap3A_424 = arith.index_cast %add3A_384 : i32 to index
        %swap3A_425 = arith.constant 64 : index
        %swap3A_426 = tpu.vector_load %arg8[%swap3A_424, %swap3A_425] {strides = array<i32>} : memref<128x128xf32, #tpu.memory_space<vmem>>, vector<16xf32>,
        tpu.vector_store %arg8[%swap3A_424, %swap3A_425], %mul3A_423 {strides = array<i32>} : memref<128x128xf32, #tpu.memory_space<vmem>>, vector<16xf32>,
        %get3A_427 = arith.index_cast %add3A_384 : i32 to index
        %get3A_428 = arith.constant 80 : index
        %get3A_429 = tpu.vector_load %arg8[%get3A_427, %get3A_428] {strides = array<i32>} : memref<128x128xf32, #tpu.memory_space<vmem>>, vector<16xf32>,
        %mul3A_430 = arith.mulf %get3A_429, %bitcast3A_391 : vector<16xf32>
        %swap3A_431 = arith.index_cast %add3A_384 : i32 to index
        %swap3A_432 = arith.constant 80 : index
        %swap3A_433 = tpu.vector_load %arg8[%swap3A_431, %swap3A_432] {strides = array<i32>} : memref<128x128xf32, #tpu.memory_space<vmem>>, vector<16xf32>,
        tpu.vector_store %arg8[%swap3A_431, %swap3A_432], %mul3A_430 {strides = array<i32>} : memref<128x128xf32, #tpu.memory_space<vmem>>, vector<16xf32>,
        %get3A_434 = arith.index_cast %add3A_384 : i32 to index
        %get3A_435 = arith.constant 96 : index
        %get3A_436 = tpu.vector_load %arg8[%get3A_434, %get3A_435] {strides = array<i32>} : memref<128x128xf32, #tpu.memory_space<vmem>>, vector<16xf32>,
        %mul3A_437 = arith.mulf %get3A_436, %bitcast3A_391 : vector<16xf32>
        %swap3A_438 = arith.index_cast %add3A_384 : i32 to index
        %swap3A_439 = arith.constant 96 : index
        %swap3A_440 = tpu.vector_load %arg8[%swap3A_438, %swap3A_439] {strides = array<i32>} : memref<128x128xf32, #tpu.memory_space<vmem>>, vector<16xf32>,
        tpu.vector_store %arg8[%swap3A_438, %swap3A_439], %mul3A_437 {strides = array<i32>} : memref<128x128xf32, #tpu.memory_space<vmem>>, vector<16xf32>,
        %get3A_441 = arith.index_cast %add3A_384 : i32 to index
        %get3A_442 = arith.constant 112 : index
        %get3A_443 = tpu.vector_load %arg8[%get3A_441, %get3A_442] {strides = array<i32>} : memref<128x128xf32, #tpu.memory_space<vmem>>, vector<16xf32>,
        %mul3A_444 = arith.mulf %get3A_443, %bitcast3A_391 : vector<16xf32>
        %swap3A_445 = arith.index_cast %add3A_384 : i32 to index
        %swap3A_446 = arith.constant 112 : index
        %swap3A_447 = tpu.vector_load %arg8[%swap3A_445, %swap3A_446] {strides = array<i32>} : memref<128x128xf32, #tpu.memory_space<vmem>>, vector<16xf32>,
        tpu.vector_store %arg8[%swap3A_445, %swap3A_446], %mul3A_444 {strides = array<i32>} : memref<128x128xf32, #tpu.memory_space<vmem>>, vector<16xf32>,
        %mul3A_448 = arith.constant 8 : i32
        %mul3A_449 = arith.muli %scan3A_117, %mul3A_448 : i32
        %add3A_450 = arith.constant 5 : i32
        %add3A_451 = arith.addi %mul3A_449, %add3A_450 : i32
        %broadcast_in_dim3A_452 = vector.broadcast %add3A_451 : i32 to vector<16xi32>
        %gather3A_453 = arith.constant 2 : i32
        %gather3A_454 = arith.constant 0 : i32
        %gather3A_455 = tpu.memref_slice %arg6[%gather3A_453, %gather3A_454] : memref<3x128xi32, #tpu.memory_space<vmem>> -> memref<1x128xi32, #tpu.memory_space<vmem>>
        %gather3A_456 = tpu.memref_squeeze %gather3A_455 : memref<1x128xi32, #tpu.memory_space<vmem>> -> memref<128xi32, #tpu.memory_space<vmem>>
        %gather3A_457 = tpu.vector_load_idx %gather3A_456[%broadcast_in_dim3A_452] : memref<128xi32, #tpu.memory_space<vmem>>[vector<16xi32>], vector<16xi32>,
        %bitcast3A_458 = vector.bitcast %gather3A_457 : vector<16xi32> to vector<16xf32>
        %get3A_459 = arith.index_cast %add3A_451 : i32 to index
        %get3A_460 = arith.constant 0 : index
        %get3A_461 = tpu.vector_load %arg8[%get3A_459, %get3A_460] {strides = array<i32>} : memref<128x128xf32, #tpu.memory_space<vmem>>, vector<16xf32>,
        %mul3A_462 = arith.mulf %get3A_461, %bitcast3A_458 : vector<16xf32>
        %swap3A_463 = arith.index_cast %add3A_451 : i32 to index
        %swap3A_464 = arith.constant 0 : index
        %swap3A_465 = tpu.vector_load %arg8[%swap3A_463, %swap3A_464] {strides = array<i32>} : memref<128x128xf32, #tpu.memory_space<vmem>>, vector<16xf32>,
        tpu.vector_store %arg8[%swap3A_463, %swap3A_464], %mul3A_462 {strides = array<i32>} : memref<128x128xf32, #tpu.memory_space<vmem>>, vector<16xf32>,
        %get3A_466 = arith.index_cast %add3A_451 : i32 to index
        %get3A_467 = arith.constant 16 : index
        %get3A_468 = tpu.vector_load %arg8[%get3A_466, %get3A_467] {strides = array<i32>} : memref<128x128xf32, #tpu.memory_space<vmem>>, vector<16xf32>,
        %mul3A_469 = arith.mulf %get3A_468, %bitcast3A_458 : vector<16xf32>
        %swap3A_470 = arith.index_cast %add3A_451 : i32 to index
        %swap3A_471 = arith.constant 16 : index
        %swap3A_472 = tpu.vector_load %arg8[%swap3A_470, %swap3A_471] {strides = array<i32>} : memref<128x128xf32, #tpu.memory_space<vmem>>, vector<16xf32>,
        tpu.vector_store %arg8[%swap3A_470, %swap3A_471], %mul3A_469 {strides = array<i32>} : memref<128x128xf32, #tpu.memory_space<vmem>>, vector<16xf32>,
        %get3A_473 = arith.index_cast %add3A_451 : i32 to index
        %get3A_474 = arith.constant 32 : index
        %get3A_475 = tpu.vector_load %arg8[%get3A_473, %get3A_474] {strides = array<i32>} : memref<128x128xf32, #tpu.memory_space<vmem>>, vector<16xf32>,
        %mul3A_476 = arith.mulf %get3A_475, %bitcast3A_458 : vector<16xf32>
        %swap3A_477 = arith.index_cast %add3A_451 : i32 to index
        %swap3A_478 = arith.constant 32 : index
        %swap3A_479 = tpu.vector_load %arg8[%swap3A_477, %swap3A_478] {strides = array<i32>} : memref<128x128xf32, #tpu.memory_space<vmem>>, vector<16xf32>,
        tpu.vector_store %arg8[%swap3A_477, %swap3A_478], %mul3A_476 {strides = array<i32>} : memref<128x128xf32, #tpu.memory_space<vmem>>, vector<16xf32>,
        %get3A_480 = arith.index_cast %add3A_451 : i32 to index
        %get3A_481 = arith.constant 48 : index
        %get3A_482 = tpu.vector_load %arg8[%get3A_480, %get3A_481] {strides = array<i32>} : memref<128x128xf32, #tpu.memory_space<vmem>>, vector<16xf32>,
        %mul3A_483 = arith.mulf %get3A_482, %bitcast3A_458 : vector<16xf32>
        %swap3A_484 = arith.index_cast %add3A_451 : i32 to index
        %swap3A_485 = arith.constant 48 : index
        %swap3A_486 = tpu.vector_load %arg8[%swap3A_484, %swap3A_485] {strides = array<i32>} : memref<128x128xf32, #tpu.memory_space<vmem>>, vector<16xf32>,
        tpu.vector_store %arg8[%swap3A_484, %swap3A_485], %mul3A_483 {strides = array<i32>} : memref<128x128xf32, #tpu.memory_space<vmem>>, vector<16xf32>,
        %get3A_487 = arith.index_cast %add3A_451 : i32 to index
        %get3A_488 = arith.constant 64 : index
        %get3A_489 = tpu.vector_load %arg8[%get3A_487, %get3A_488] {strides = array<i32>} : memref<128x128xf32, #tpu.memory_space<vmem>>, vector<16xf32>,
        %mul3A_490 = arith.mulf %get3A_489, %bitcast3A_458 : vector<16xf32>
        %swap3A_491 = arith.index_cast %add3A_451 : i32 to index
        %swap3A_492 = arith.constant 64 : index
        %swap3A_493 = tpu.vector_load %arg8[%swap3A_491, %swap3A_492] {strides = array<i32>} : memref<128x128xf32, #tpu.memory_space<vmem>>, vector<16xf32>,
        tpu.vector_store %arg8[%swap3A_491, %swap3A_492], %mul3A_490 {strides = array<i32>} : memref<128x128xf32, #tpu.memory_space<vmem>>, vector<16xf32>,
        %get3A_494 = arith.index_cast %add3A_451 : i32 to index
        %get3A_495 = arith.constant 80 : index
        %get3A_496 = tpu.vector_load %arg8[%get3A_494, %get3A_495] {strides = array<i32>} : memref<128x128xf32, #tpu.memory_space<vmem>>, vector<16xf32>,
        %mul3A_497 = arith.mulf %get3A_496, %bitcast3A_458 : vector<16xf32>
        %swap3A_498 = arith.index_cast %add3A_451 : i32 to index
        %swap3A_499 = arith.constant 80 : index
        %swap3A_500 = tpu.vector_load %arg8[%swap3A_498, %swap3A_499] {strides = array<i32>} : memref<128x128xf32, #tpu.memory_space<vmem>>, vector<16xf32>,
        tpu.vector_store %arg8[%swap3A_498, %swap3A_499], %mul3A_497 {strides = array<i32>} : memref<128x128xf32, #tpu.memory_space<vmem>>, vector<16xf32>,
        %get3A_501 = arith.index_cast %add3A_451 : i32 to index
        %get3A_502 = arith.constant 96 : index
        %get3A_503 = tpu.vector_load %arg8[%get3A_501, %get3A_502] {strides = array<i32>} : memref<128x128xf32, #tpu.memory_space<vmem>>, vector<16xf32>,
        %mul3A_504 = arith.mulf %get3A_503, %bitcast3A_458 : vector<16xf32>
        %swap3A_505 = arith.index_cast %add3A_451 : i32 to index
        %swap3A_506 = arith.constant 96 : index
        %swap3A_507 = tpu.vector_load %arg8[%swap3A_505, %swap3A_506] {strides = array<i32>} : memref<128x128xf32, #tpu.memory_space<vmem>>, vector<16xf32>,
        tpu.vector_store %arg8[%swap3A_505, %swap3A_506], %mul3A_504 {strides = array<i32>} : memref<128x128xf32, #tpu.memory_space<vmem>>, vector<16xf32>,
        %get3A_508 = arith.index_cast %add3A_451 : i32 to index
        %get3A_509 = arith.constant 112 : index
        %get3A_510 = tpu.vector_load %arg8[%get3A_508, %get3A_509] {strides = array<i32>} : memref<128x128xf32, #tpu.memory_space<vmem>>, vector<16xf32>,
        %mul3A_511 = arith.mulf %get3A_510, %bitcast3A_458 : vector<16xf32>
        %swap3A_512 = arith.index_cast %add3A_451 : i32 to index
        %swap3A_513 = arith.constant 112 : index
        %swap3A_514 = tpu.vector_load %arg8[%swap3A_512, %swap3A_513] {strides = array<i32>} : memref<128x128xf32, #tpu.memory_space<vmem>>, vector<16xf32>,
        tpu.vector_store %arg8[%swap3A_512, %swap3A_513], %mul3A_511 {strides = array<i32>} : memref<128x128xf32, #tpu.memory_space<vmem>>, vector<16xf32>,
        %mul3A_515 = arith.constant 8 : i32
        %mul3A_516 = arith.muli %scan3A_117, %mul3A_515 : i32
        %add3A_517 = arith.constant 6 : i32
        %add3A_518 = arith.addi %mul3A_516, %add3A_517 : i32
        %broadcast_in_dim3A_519 = vector.broadcast %add3A_518 : i32 to vector<16xi32>
        %gather3A_520 = arith.constant 2 : i32
        %gather3A_521 = arith.constant 0 : i32
        %gather3A_522 = tpu.memref_slice %arg6[%gather3A_520, %gather3A_521] : memref<3x128xi32, #tpu.memory_space<vmem>> -> memref<1x128xi32, #tpu.memory_space<vmem>>
        %gather3A_523 = tpu.memref_squeeze %gather3A_522 : memref<1x128xi32, #tpu.memory_space<vmem>> -> memref<128xi32, #tpu.memory_space<vmem>>
        %gather3A_524 = tpu.vector_load_idx %gather3A_523[%broadcast_in_dim3A_519] : memref<128xi32, #tpu.memory_space<vmem>>[vector<16xi32>], vector<16xi32>,
        %bitcast3A_525 = vector.bitcast %gather3A_524 : vector<16xi32> to vector<16xf32>
        %get3A_526 = arith.index_cast %add3A_518 : i32 to index
        %get3A_527 = arith.constant 0 : index
        %get3A_528 = tpu.vector_load %arg8[%get3A_526, %get3A_527] {strides = array<i32>} : memref<128x128xf32, #tpu.memory_space<vmem>>, vector<16xf32>,
        %mul3A_529 = arith.mulf %get3A_528, %bitcast3A_525 : vector<16xf32>
        %swap3A_530 = arith.index_cast %add3A_518 : i32 to index
        %swap3A_531 = arith.constant 0 : index
        %swap3A_532 = tpu.vector_load %arg8[%swap3A_530, %swap3A_531] {strides = array<i32>} : memref<128x128xf32, #tpu.memory_space<vmem>>, vector<16xf32>,
        tpu.vector_store %arg8[%swap3A_530, %swap3A_531], %mul3A_529 {strides = array<i32>} : memref<128x128xf32, #tpu.memory_space<vmem>>, vector<16xf32>,
        %get3A_533 = arith.index_cast %add3A_518 : i32 to index
        %get3A_534 = arith.constant 16 : index
        %get3A_535 = tpu.vector_load %arg8[%get3A_533, %get3A_534] {strides = array<i32>} : memref<128x128xf32, #tpu.memory_space<vmem>>, vector<16xf32>,
        %mul3A_536 = arith.mulf %get3A_535, %bitcast3A_525 : vector<16xf32>
        %swap3A_537 = arith.index_cast %add3A_518 : i32 to index
        %swap3A_538 = arith.constant 16 : index
        %swap3A_539 = tpu.vector_load %arg8[%swap3A_537, %swap3A_538] {strides = array<i32>} : memref<128x128xf32, #tpu.memory_space<vmem>>, vector<16xf32>,
        tpu.vector_store %arg8[%swap3A_537, %swap3A_538], %mul3A_536 {strides = array<i32>} : memref<128x128xf32, #tpu.memory_space<vmem>>, vector<16xf32>,
        %get3A_540 = arith.index_cast %add3A_518 : i32 to index
        %get3A_541 = arith.constant 32 : index
        %get3A_542 = tpu.vector_load %arg8[%get3A_540, %get3A_541] {strides = array<i32>} : memref<128x128xf32, #tpu.memory_space<vmem>>, vector<16xf32>,
        %mul3A_543 = arith.mulf %get3A_542, %bitcast3A_525 : vector<16xf32>
        %swap3A_544 = arith.index_cast %add3A_518 : i32 to index
        %swap3A_545 = arith.constant 32 : index
        %swap3A_546 = tpu.vector_load %arg8[%swap3A_544, %swap3A_545] {strides = array<i32>} : memref<128x128xf32, #tpu.memory_space<vmem>>, vector<16xf32>,
        tpu.vector_store %arg8[%swap3A_544, %swap3A_545], %mul3A_543 {strides = array<i32>} : memref<128x128xf32, #tpu.memory_space<vmem>>, vector<16xf32>,
        %get3A_547 = arith.index_cast %add3A_518 : i32 to index
        %get3A_548 = arith.constant 48 : index
        %get3A_549 = tpu.vector_load %arg8[%get3A_547, %get3A_548] {strides = array<i32>} : memref<128x128xf32, #tpu.memory_space<vmem>>, vector<16xf32>,
        %mul3A_550 = arith.mulf %get3A_549, %bitcast3A_525 : vector<16xf32>
        %swap3A_551 = arith.index_cast %add3A_518 : i32 to index
        %swap3A_552 = arith.constant 48 : index
        %swap3A_553 = tpu.vector_load %arg8[%swap3A_551, %swap3A_552] {strides = array<i32>} : memref<128x128xf32, #tpu.memory_space<vmem>>, vector<16xf32>,
        tpu.vector_store %arg8[%swap3A_551, %swap3A_552], %mul3A_550 {strides = array<i32>} : memref<128x128xf32, #tpu.memory_space<vmem>>, vector<16xf32>,
        %get3A_554 = arith.index_cast %add3A_518 : i32 to index
        %get3A_555 = arith.constant 64 : index
        %get3A_556 = tpu.vector_load %arg8[%get3A_554, %get3A_555] {strides = array<i32>} : memref<128x128xf32, #tpu.memory_space<vmem>>, vector<16xf32>,
        %mul3A_557 = arith.mulf %get3A_556, %bitcast3A_525 : vector<16xf32>
        %swap3A_558 = arith.index_cast %add3A_518 : i32 to index
        %swap3A_559 = arith.constant 64 : index
        %swap3A_560 = tpu.vector_load %arg8[%swap3A_558, %swap3A_559] {strides = array<i32>} : memref<128x128xf32, #tpu.memory_space<vmem>>, vector<16xf32>,
        tpu.vector_store %arg8[%swap3A_558, %swap3A_559], %mul3A_557 {strides = array<i32>} : memref<128x128xf32, #tpu.memory_space<vmem>>, vector<16xf32>,
        %get3A_561 = arith.index_cast %add3A_518 : i32 to index
        %get3A_562 = arith.constant 80 : index
        %get3A_563 = tpu.vector_load %arg8[%get3A_561, %get3A_562] {strides = array<i32>} : memref<128x128xf32, #tpu.memory_space<vmem>>, vector<16xf32>,
        %mul3A_564 = arith.mulf %get3A_563, %bitcast3A_525 : vector<16xf32>
        %swap3A_565 = arith.index_cast %add3A_518 : i32 to index
        %swap3A_566 = arith.constant 80 : index
        %swap3A_567 = tpu.vector_load %arg8[%swap3A_565, %swap3A_566] {strides = array<i32>} : memref<128x128xf32, #tpu.memory_space<vmem>>, vector<16xf32>,
        tpu.vector_store %arg8[%swap3A_565, %swap3A_566], %mul3A_564 {strides = array<i32>} : memref<128x128xf32, #tpu.memory_space<vmem>>, vector<16xf32>,
        %get3A_568 = arith.index_cast %add3A_518 : i32 to index
        %get3A_569 = arith.constant 96 : index
        %get3A_570 = tpu.vector_load %arg8[%get3A_568, %get3A_569] {strides = array<i32>} : memref<128x128xf32, #tpu.memory_space<vmem>>, vector<16xf32>,
        %mul3A_571 = arith.mulf %get3A_570, %bitcast3A_525 : vector<16xf32>
        %swap3A_572 = arith.index_cast %add3A_518 : i32 to index
        %swap3A_573 = arith.constant 96 : index
        %swap3A_574 = tpu.vector_load %arg8[%swap3A_572, %swap3A_573] {strides = array<i32>} : memref<128x128xf32, #tpu.memory_space<vmem>>, vector<16xf32>,
        tpu.vector_store %arg8[%swap3A_572, %swap3A_573], %mul3A_571 {strides = array<i32>} : memref<128x128xf32, #tpu.memory_space<vmem>>, vector<16xf32>,
        %get3A_575 = arith.index_cast %add3A_518 : i32 to index
        %get3A_576 = arith.constant 112 : index
        %get3A_577 = tpu.vector_load %arg8[%get3A_575, %get3A_576] {strides = array<i32>} : memref<128x128xf32, #tpu.memory_space<vmem>>, vector<16xf32>,
        %mul3A_578 = arith.mulf %get3A_577, %bitcast3A_525 : vector<16xf32>
        %swap3A_579 = arith.index_cast %add3A_518 : i32 to index
        %swap3A_580 = arith.constant 112 : index
        %swap3A_581 = tpu.vector_load %arg8[%swap3A_579, %swap3A_580] {strides = array<i32>} : memref<128x128xf32, #tpu.memory_space<vmem>>, vector<16xf32>,
        tpu.vector_store %arg8[%swap3A_579, %swap3A_580], %mul3A_578 {strides = array<i32>} : memref<128x128xf32, #tpu.memory_space<vmem>>, vector<16xf32>,
        %mul3A_582 = arith.constant 8 : i32
        %mul3A_583 = arith.muli %scan3A_117, %mul3A_582 : i32
        %add3A_584 = arith.constant 7 : i32
        %add3A_585 = arith.addi %mul3A_583, %add3A_584 : i32
        %broadcast_in_dim3A_586 = vector.broadcast %add3A_585 : i32 to vector<16xi32>
        %gather3A_587 = arith.constant 2 : i32
        %gather3A_588 = arith.constant 0 : i32
        %gather3A_589 = tpu.memref_slice %arg6[%gather3A_587, %gather3A_588] : memref<3x128xi32, #tpu.memory_space<vmem>> -> memref<1x128xi32, #tpu.memory_space<vmem>>
        %gather3A_590 = tpu.memref_squeeze %gather3A_589 : memref<1x128xi32, #tpu.memory_space<vmem>> -> memref<128xi32, #tpu.memory_space<vmem>>
        %gather3A_591 = tpu.vector_load_idx %gather3A_590[%broadcast_in_dim3A_586] : memref<128xi32, #tpu.memory_space<vmem>>[vector<16xi32>], vector<16xi32>,
        %bitcast3A_592 = vector.bitcast %gather3A_591 : vector<16xi32> to vector<16xf32>
        %get3A_593 = arith.index_cast %add3A_585 : i32 to index
        %get3A_594 = arith.constant 0 : index
        %get3A_595 = tpu.vector_load %arg8[%get3A_593, %get3A_594] {strides = array<i32>} : memref<128x128xf32, #tpu.memory_space<vmem>>, vector<16xf32>,
        %mul3A_596 = arith.mulf %get3A_595, %bitcast3A_592 : vector<16xf32>
        %swap3A_597 = arith.index_cast %add3A_585 : i32 to index
        %swap3A_598 = arith.constant 0 : index
        %swap3A_599 = tpu.vector_load %arg8[%swap3A_597, %swap3A_598] {strides = array<i32>} : memref<128x128xf32, #tpu.memory_space<vmem>>, vector<16xf32>,
        tpu.vector_store %arg8[%swap3A_597, %swap3A_598], %mul3A_596 {strides = array<i32>} : memref<128x128xf32, #tpu.memory_space<vmem>>, vector<16xf32>,
        %get3A_600 = arith.index_cast %add3A_585 : i32 to index
        %get3A_601 = arith.constant 16 : index
        %get3A_602 = tpu.vector_load %arg8[%get3A_600, %get3A_601] {strides = array<i32>} : memref<128x128xf32, #tpu.memory_space<vmem>>, vector<16xf32>,
        %mul3A_603 = arith.mulf %get3A_602, %bitcast3A_592 : vector<16xf32>
        %swap3A_604 = arith.index_cast %add3A_585 : i32 to index
        %swap3A_605 = arith.constant 16 : index
        %swap3A_606 = tpu.vector_load %arg8[%swap3A_604, %swap3A_605] {strides = array<i32>} : memref<128x128xf32, #tpu.memory_space<vmem>>, vector<16xf32>,
        tpu.vector_store %arg8[%swap3A_604, %swap3A_605], %mul3A_603 {strides = array<i32>} : memref<128x128xf32, #tpu.memory_space<vmem>>, vector<16xf32>,
        %get3A_607 = arith.index_cast %add3A_585 : i32 to index
        %get3A_608 = arith.constant 32 : index
        %get3A_609 = tpu.vector_load %arg8[%get3A_607, %get3A_608] {strides = array<i32>} : memref<128x128xf32, #tpu.memory_space<vmem>>, vector<16xf32>,
        %mul3A_610 = arith.mulf %get3A_609, %bitcast3A_592 : vector<16xf32>
        %swap3A_611 = arith.index_cast %add3A_585 : i32 to index
        %swap3A_612 = arith.constant 32 : index
        %swap3A_613 = tpu.vector_load %arg8[%swap3A_611, %swap3A_612] {strides = array<i32>} : memref<128x128xf32, #tpu.memory_space<vmem>>, vector<16xf32>,
        tpu.vector_store %arg8[%swap3A_611, %swap3A_612], %mul3A_610 {strides = array<i32>} : memref<128x128xf32, #tpu.memory_space<vmem>>, vector<16xf32>,
        %get3A_614 = arith.index_cast %add3A_585 : i32 to index
        %get3A_615 = arith.constant 48 : index
        %get3A_616 = tpu.vector_load %arg8[%get3A_614, %get3A_615] {strides = array<i32>} : memref<128x128xf32, #tpu.memory_space<vmem>>, vector<16xf32>,
        %mul3A_617 = arith.mulf %get3A_616, %bitcast3A_592 : vector<16xf32>
        %swap3A_618 = arith.index_cast %add3A_585 : i32 to index
        %swap3A_619 = arith.constant 48 : index
        %swap3A_620 = tpu.vector_load %arg8[%swap3A_618, %swap3A_619] {strides = array<i32>} : memref<128x128xf32, #tpu.memory_space<vmem>>, vector<16xf32>,
        tpu.vector_store %arg8[%swap3A_618, %swap3A_619], %mul3A_617 {strides = array<i32>} : memref<128x128xf32, #tpu.memory_space<vmem>>, vector<16xf32>,
        %get3A_621 = arith.index_cast %add3A_585 : i32 to index
        %get3A_622 = arith.constant 64 : index
        %get3A_623 = tpu.vector_load %arg8[%get3A_621, %get3A_622] {strides = array<i32>} : memref<128x128xf32, #tpu.memory_space<vmem>>, vector<16xf32>,
        %mul3A_624 = arith.mulf %get3A_623, %bitcast3A_592 : vector<16xf32>
        %swap3A_625 = arith.index_cast %add3A_585 : i32 to index
        %swap3A_626 = arith.constant 64 : index
        %swap3A_627 = tpu.vector_load %arg8[%swap3A_625, %swap3A_626] {strides = array<i32>} : memref<128x128xf32, #tpu.memory_space<vmem>>, vector<16xf32>,
        tpu.vector_store %arg8[%swap3A_625, %swap3A_626], %mul3A_624 {strides = array<i32>} : memref<128x128xf32, #tpu.memory_space<vmem>>, vector<16xf32>,
        %get3A_628 = arith.index_cast %add3A_585 : i32 to index
        %get3A_629 = arith.constant 80 : index
        %get3A_630 = tpu.vector_load %arg8[%get3A_628, %get3A_629] {strides = array<i32>} : memref<128x128xf32, #tpu.memory_space<vmem>>, vector<16xf32>,
        %mul3A_631 = arith.mulf %get3A_630, %bitcast3A_592 : vector<16xf32>
        %swap3A_632 = arith.index_cast %add3A_585 : i32 to index
        %swap3A_633 = arith.constant 80 : index
        %swap3A_634 = tpu.vector_load %arg8[%swap3A_632, %swap3A_633] {strides = array<i32>} : memref<128x128xf32, #tpu.memory_space<vmem>>, vector<16xf32>,
        tpu.vector_store %arg8[%swap3A_632, %swap3A_633], %mul3A_631 {strides = array<i32>} : memref<128x128xf32, #tpu.memory_space<vmem>>, vector<16xf32>,
        %get3A_635 = arith.index_cast %add3A_585 : i32 to index
        %get3A_636 = arith.constant 96 : index
        %get3A_637 = tpu.vector_load %arg8[%get3A_635, %get3A_636] {strides = array<i32>} : memref<128x128xf32, #tpu.memory_space<vmem>>, vector<16xf32>,
        %mul3A_638 = arith.mulf %get3A_637, %bitcast3A_592 : vector<16xf32>
        %swap3A_639 = arith.index_cast %add3A_585 : i32 to index
        %swap3A_640 = arith.constant 96 : index
        %swap3A_641 = tpu.vector_load %arg8[%swap3A_639, %swap3A_640] {strides = array<i32>} : memref<128x128xf32, #tpu.memory_space<vmem>>, vector<16xf32>,
        tpu.vector_store %arg8[%swap3A_639, %swap3A_640], %mul3A_638 {strides = array<i32>} : memref<128x128xf32, #tpu.memory_space<vmem>>, vector<16xf32>,
        %get3A_642 = arith.index_cast %add3A_585 : i32 to index
        %get3A_643 = arith.constant 112 : index
        %get3A_644 = tpu.vector_load %arg8[%get3A_642, %get3A_643] {strides = array<i32>} : memref<128x128xf32, #tpu.memory_space<vmem>>, vector<16xf32>,
        %mul3A_645 = arith.mulf %get3A_644, %bitcast3A_592 : vector<16xf32>
        %swap3A_646 = arith.index_cast %add3A_585 : i32 to index
        %swap3A_647 = arith.constant 112 : index
        %swap3A_648 = tpu.vector_load %arg8[%swap3A_646, %swap3A_647] {strides = array<i32>} : memref<128x128xf32, #tpu.memory_space<vmem>>, vector<16xf32>,
        tpu.vector_store %arg8[%swap3A_646, %swap3A_647], %mul3A_645 {strides = array<i32>} : memref<128x128xf32, #tpu.memory_space<vmem>>, vector<16xf32>,
      }
      %scan3A_109 = arith.constant 16 : i32
      %run_scoped3A_110 = arith.constant 1 : i32
      "tpu.region"() ({
        %run_scoped3A_117 = tpu.sem_alloc : memref<!tpu.dma_semaphore, #tpu.memory_space<semaphore_mem>>
        %dma_start3A_118 = arith.constant 0 : i32
        %dma_start3A_119 = tpu.memref_slice %arg6[%run_scoped3A_110, %dma_start3A_118] : memref<3x128xi32, #tpu.memory_space<vmem>> -> memref<1x128xi32, #tpu.memory_space<vmem>>
        %dma_start3A_120 = tpu.memref_squeeze %dma_start3A_119 : memref<1x128xi32, #tpu.memory_space<vmem>> -> memref<128xi32, #tpu.memory_space<vmem>>
        %dma_start3A_121 = arith.constant 0 : i32
        %dma_start3A_122 = arith.constant 0 : i32
        %dma_start3A_123 = tpu.memref_slice %arg9[%dma_start3A_121, %dma_start3A_122] : memref<10240x128xf32, #tpu.memory_space<vmem_shared>> -> memref<10240x128xf32, #tpu.memory_space<vmem_shared>>
        tpu.enqueue_indirect_dma source(%arg8 : memref<128x128xf32, #tpu.memory_space<vmem>>) target(%dma_start3A_123 : memref<10240x128xf32, #tpu.memory_space<vmem_shared>>) offsets(%dma_start3A_120 : memref<128xi32, #tpu.memory_space<vmem>>) semaphore(%run_scoped3A_117 : memref<!tpu.dma_semaphore, #tpu.memory_space<semaphore_mem>>) {add = true}
        %dma_wait3A_124 = arith.constant 0 : i32
        %dma_wait3A_125 = tpu.memref_slice %arg6[%run_scoped3A_110, %dma_wait3A_124] : memref<3x128xi32, #tpu.memory_space<vmem>> -> memref<1x128xi32, #tpu.memory_space<vmem>>
        %dma_wait3A_126 = tpu.memref_squeeze %dma_wait3A_125 : memref<1x128xi32, #tpu.memory_space<vmem>> -> memref<128xi32, #tpu.memory_space<vmem>>
        %dma_wait3A_127 = arith.constant 0 : i32
        %dma_wait3A_128 = arith.constant 0 : i32
        %dma_wait3A_129 = tpu.memref_slice %arg9[%dma_wait3A_127, %dma_wait3A_128] : memref<10240x128xf32, #tpu.memory_space<vmem_shared>> -> memref<10240x128xf32, #tpu.memory_space<vmem_shared>>
        tpu.wait_indirect_dma semaphore(%run_scoped3A_117 : memref<!tpu.dma_semaphore, #tpu.memory_space<semaphore_mem>>) src(%arg8 : memref<128x128xf32, #tpu.memory_space<vmem>>) dst(%dma_wait3A_129 : memref<10240x128xf32, #tpu.memory_space<vmem_shared>>)
        tpu.yield
      }) : () -> ()
      %sub3A_111 = arith.constant 1 : i32
      %sub3A_112 = arith.subi %select_n3A_24, %sub3A_111 : i32
      %lt3A_113 = arith.cmpi slt, %while3A_81, %sub3A_112 : i32
      %convert_element_type3A_114 = arith.extui %lt3A_113 : i1 to i32
      %cond3A_115 = arith.constant 0 : i32
      %cond3A_116 = arith.cmpi ne, %convert_element_type3A_114, %cond3A_115 : i32
      scf.if %cond3A_116 {
        %mul3A_117 = arith.constant 2 : i32
        %mul3A_118 = arith.muli %mul3A_117, %while3A_81 : i32
        %add3A_119 = arith.addi %select_n3A, %mul3A_118 : i32
        %add3A_120 = arith.constant 1 : i32
        %add3A_121 = arith.addi %add3A_119, %add3A_120 : i32
        %add3A_122 = arith.constant 2 : i32
        %add3A_123 = arith.addi %add3A_121, %add3A_122 : i32
        "tpu.region"() ({
          %run_scoped3A_131 = tpu.sem_alloc : memref<!tpu.dma_semaphore, #tpu.memory_space<semaphore_mem>>
          %dma_start3A_132 = arith.constant 0 : i32
          %dma_start3A_133 = arith.constant 0 : i32
          %dma_start3A_134 = tpu.memref_slice %arg3[%add3A_123, %dma_start3A_132, %dma_start3A_133] : memref<2560x3x128xi32, #tpu.memory_space<hbm>> -> memref<1x3x128xi32, #tpu.memory_space<hbm>>
          %dma_start3A_135 = tpu.memref_squeeze %dma_start3A_134 : memref<1x3x128xi32, #tpu.memory_space<hbm>> -> memref<3x128xi32, #tpu.memory_space<hbm>>
          %dma_start3A_136 = arith.constant 0 : i32
          %dma_start3A_137 = arith.constant 0 : i32
          %dma_start3A_138 = tpu.memref_slice %arg3[%add3A_123, %dma_start3A_136, %dma_start3A_137] : memref<2560x3x128xi32, #tpu.memory_space<hbm>> -> memref<1x3x128xi32, #tpu.memory_space<hbm>>
          %dma_start3A_139 = tpu.memref_squeeze %dma_start3A_138 : memref<1x3x128xi32, #tpu.memory_space<hbm>> -> memref<3x128xi32, #tpu.memory_space<hbm>>
          tpu.enqueue_dma source(%dma_start3A_139 : memref<3x128xi32, #tpu.memory_space<hbm>>) target(%arg6 : memref<3x128xi32, #tpu.memory_space<vmem>>) target_semaphore(%run_scoped3A_131 : memref<!tpu.dma_semaphore, #tpu.memory_space<semaphore_mem>>)
          %dma_wait3A_140 = arith.constant 0 : i32
          %dma_wait3A_141 = arith.constant 0 : i32
          %dma_wait3A_142 = tpu.memref_slice %arg3[%add3A_123, %dma_wait3A_140, %dma_wait3A_141] : memref<2560x3x128xi32, #tpu.memory_space<hbm>> -> memref<1x3x128xi32, #tpu.memory_space<hbm>>
          %dma_wait3A_143 = tpu.memref_squeeze %dma_wait3A_142 : memref<1x3x128xi32, #tpu.memory_space<hbm>> -> memref<3x128xi32, #tpu.memory_space<hbm>>
          %dma_wait3A_144 = arith.constant 0 : i32
          %dma_wait3A_145 = arith.constant 0 : i32
          %dma_wait3A_146 = tpu.memref_slice %arg3[%add3A_123, %dma_wait3A_144, %dma_wait3A_145] : memref<2560x3x128xi32, #tpu.memory_space<hbm>> -> memref<1x3x128xi32, #tpu.memory_space<hbm>>
          %dma_wait3A_147 = tpu.memref_squeeze %dma_wait3A_146 : memref<1x3x128xi32, #tpu.memory_space<hbm>> -> memref<3x128xi32, #tpu.memory_space<hbm>>
          tpu.wait_dma2 semaphore(%run_scoped3A_131 : memref<!tpu.dma_semaphore, #tpu.memory_space<semaphore_mem>>) src(%dma_wait3A_147 : memref<3x128xi32, #tpu.memory_space<hbm>>) dst(%arg6 : memref<3x128xi32, #tpu.memory_space<vmem>>)
          tpu.yield
        }) : () -> ()
        %dma_start3A_124 = arith.constant 0 : i32
        %dma_start3A_125 = arith.constant 0 : i32
        %dma_start3A_126 = tpu.memref_slice %arg6[%dma_start3A_124, %dma_start3A_125] : memref<3x128xi32, #tpu.memory_space<vmem>> -> memref<1x128xi32, #tpu.memory_space<vmem>>
        %dma_start3A_127 = tpu.memref_squeeze %dma_start3A_126 : memref<1x128xi32, #tpu.memory_space<vmem>> -> memref<128xi32, #tpu.memory_space<vmem>>
        %dma_start3A_128 = arith.constant 0 : i32
        %dma_start3A_129 = arith.constant 0 : i32
        %dma_start3A_130 = tpu.memref_slice %arg2[%dma_start3A_128, %dma_start3A_129] : memref<10240x128xf32, #tpu.memory_space<hbm>> -> memref<10240x128xf32, #tpu.memory_space<hbm>>
        tpu.enqueue_indirect_dma source(%dma_start3A_130 : memref<10240x128xf32, #tpu.memory_space<hbm>>) target(%arg8 : memref<128x128xf32, #tpu.memory_space<vmem>>) offsets(%dma_start3A_127 : memref<128xi32, #tpu.memory_space<vmem>>) semaphore(%arg11 : memref<!tpu.dma_semaphore, #tpu.memory_space<semaphore_mem>>)
      } else {
      }
    }
    %barrier3A_76 = arith.constant 0 : index
    tpu.barrier barrier_id(%barrier3A_76)
    %mul3A_77 = arith.constant 640 : i32
    %mul3A_78 = arith.muli %arg1, %mul3A_77 : i32
    %mul3A_79 = arith.constant 640 : i32
    %mul3A_80 = arith.muli %arg1, %mul3A_79 : i32
    "tpu.region"() ({
      %run_scoped3A = tpu.sem_alloc : memref<!tpu.dma_semaphore, #tpu.memory_space<semaphore_mem>>
      %dma_start3A_81 = arith.constant 0 : i32
      %dma_start3A_82 = tpu.memref_slice %arg4[%arg0, %mul3A_80, %dma_start3A_81] : memref<2x10240x128xf32, #tpu.memory_space<hbm>> -> memref<1x640x128xf32, #tpu.memory_space<hbm>>
      %dma_start3A_83 = tpu.memref_squeeze %dma_start3A_82 : memref<1x640x128xf32, #tpu.memory_space<hbm>> -> memref<640x128xf32, #tpu.memory_space<hbm>>
      %dma_start3A_84 = arith.constant 0 : i32
      %dma_start3A_85 = tpu.memref_slice %arg9[%mul3A_78, %dma_start3A_84] : memref<10240x128xf32, #tpu.memory_space<vmem_shared>> -> memref<640x128xf32, #tpu.memory_space<vmem_shared>>
      tpu.enqueue_dma source(%dma_start3A_85 : memref<640x128xf32, #tpu.memory_space<vmem_shared>>) target(%dma_start3A_83 : memref<640x128xf32, #tpu.memory_space<hbm>>) target_semaphore(%run_scoped3A : memref<!tpu.dma_semaphore, #tpu.memory_space<semaphore_mem>>)
      %dma_wait3A = arith.constant 0 : i32
      %dma_wait3A_86 = tpu.memref_slice %arg4[%arg0, %mul3A_80, %dma_wait3A] : memref<2x10240x128xf32, #tpu.memory_space<hbm>> -> memref<1x640x128xf32, #tpu.memory_space<hbm>>
      %dma_wait3A_87 = tpu.memref_squeeze %dma_wait3A_86 : memref<1x640x128xf32, #tpu.memory_space<hbm>> -> memref<640x128xf32, #tpu.memory_space<hbm>>
      %dma_wait3A_88 = arith.constant 0 : i32
      %dma_wait3A_89 = tpu.memref_slice %arg9[%mul3A_78, %dma_wait3A_88] : memref<10240x128xf32, #tpu.memory_space<vmem_shared>> -> memref<640x128xf32, #tpu.memory_space<vmem_shared>>
      tpu.wait_dma2 semaphore(%run_scoped3A : memref<!tpu.dma_semaphore, #tpu.memory_space<semaphore_mem>>) src(%dma_wait3A_89 : memref<640x128xf32, #tpu.memory_space<vmem_shared>>) dst(%dma_wait3A_87 : memref<640x128xf32, #tpu.memory_space<hbm>>)
      tpu.yield
    }) : () -> ()
    return
  }
}

#map = affine_map<(d0, d1) -> (0, 0)>
module attributes {stable_mosaic.version = 14 : i64} {
  func.func @k(%arg0: i32, %arg1: i32, %arg2: memref<2560x128xi32, #tpu.memory_space<hbm>>, %arg3: memref<2560x128xf32, #tpu.memory_space<hbm>>, %arg4: memref<2x10240xf32, #tpu.memory_space<hbm>>, %arg5: memref<8x128xi32, #tpu.memory_space<vmem>>, %arg6: memref<8x128xf32, #tpu.memory_space<vmem>>, %arg7: memref<8x128xi32, #tpu.memory_space<vmem>>, %arg8: memref<8x128xf32, #tpu.memory_space<vmem>>, %arg9: memref<640xf32, #tpu.memory_space<vmem>>, %arg10: memref<10240xf32, #tpu.memory_space<vmem_shared>>, %arg11: memref<!tpu.dma_semaphore, #tpu.memory_space<semaphore_mem>>, %arg12: memref<!tpu.dma_semaphore, #tpu.memory_space<semaphore_mem>>) attributes {dimension_semantics = [#tpu.dimension_semantics<core_parallel>, #tpu.dimension_semantics<subcore_parallel>], iteration_bounds = array<i64: 2, 16>, scalar_prefetch = 0 : i64, scratch_operands = 8 : i64, tpu.core_type = #tpu.core_type<sc_vector_subcore>, window_params = [{transform_indices = #map}, {transform_indices = #map}, {transform_indices = #map}]} {
    %mul3A = arith.constant 2 : i32
    %mul3A_0 = arith.muli %arg1, %mul3A : i32
    %add3A = arith.addi %mul3A_0, %arg0 : i32
    %broadcast_in_dim3A = arith.constant 0.000000e+00 : f32
    %broadcast_in_dim3A_1 = vector.broadcast %broadcast_in_dim3A : f32 to vector<16xf32>
    %swap3A = arith.constant 0 : index
    %swap3A_2 = tpu.vector_load %arg9[%swap3A] {strides = array<i32>} : memref<640xf32, #tpu.memory_space<vmem>>, vector<16xf32>,
    tpu.vector_store %arg9[%swap3A], %broadcast_in_dim3A_1 {strides = array<i32>} : memref<640xf32, #tpu.memory_space<vmem>>, vector<16xf32>,
    %broadcast_in_dim3A_3 = arith.constant 0.000000e+00 : f32
    %broadcast_in_dim3A_4 = vector.broadcast %broadcast_in_dim3A_3 : f32 to vector<16xf32>
    %swap3A_5 = arith.constant 16 : index
    %swap3A_6 = tpu.vector_load %arg9[%swap3A_5] {strides = array<i32>} : memref<640xf32, #tpu.memory_space<vmem>>, vector<16xf32>,
    tpu.vector_store %arg9[%swap3A_5], %broadcast_in_dim3A_4 {strides = array<i32>} : memref<640xf32, #tpu.memory_space<vmem>>, vector<16xf32>,
    %broadcast_in_dim3A_7 = arith.constant 0.000000e+00 : f32
    %broadcast_in_dim3A_8 = vector.broadcast %broadcast_in_dim3A_7 : f32 to vector<16xf32>
    %swap3A_9 = arith.constant 32 : index
    %swap3A_10 = tpu.vector_load %arg9[%swap3A_9] {strides = array<i32>} : memref<640xf32, #tpu.memory_space<vmem>>, vector<16xf32>,
    tpu.vector_store %arg9[%swap3A_9], %broadcast_in_dim3A_8 {strides = array<i32>} : memref<640xf32, #tpu.memory_space<vmem>>, vector<16xf32>,
    %broadcast_in_dim3A_11 = arith.constant 0.000000e+00 : f32
    %broadcast_in_dim3A_12 = vector.broadcast %broadcast_in_dim3A_11 : f32 to vector<16xf32>
    %swap3A_13 = arith.constant 48 : index
    %swap3A_14 = tpu.vector_load %arg9[%swap3A_13] {strides = array<i32>} : memref<640xf32, #tpu.memory_space<vmem>>, vector<16xf32>,
    tpu.vector_store %arg9[%swap3A_13], %broadcast_in_dim3A_12 {strides = array<i32>} : memref<640xf32, #tpu.memory_space<vmem>>, vector<16xf32>,
    %broadcast_in_dim3A_15 = arith.constant 0.000000e+00 : f32
    %broadcast_in_dim3A_16 = vector.broadcast %broadcast_in_dim3A_15 : f32 to vector<16xf32>
    %swap3A_17 = arith.constant 64 : index
    %swap3A_18 = tpu.vector_load %arg9[%swap3A_17] {strides = array<i32>} : memref<640xf32, #tpu.memory_space<vmem>>, vector<16xf32>,
    tpu.vector_store %arg9[%swap3A_17], %broadcast_in_dim3A_16 {strides = array<i32>} : memref<640xf32, #tpu.memory_space<vmem>>, vector<16xf32>,
    %broadcast_in_dim3A_19 = arith.constant 0.000000e+00 : f32
    %broadcast_in_dim3A_20 = vector.broadcast %broadcast_in_dim3A_19 : f32 to vector<16xf32>
    %swap3A_21 = arith.constant 80 : index
    %swap3A_22 = tpu.vector_load %arg9[%swap3A_21] {strides = array<i32>} : memref<640xf32, #tpu.memory_space<vmem>>, vector<16xf32>,
    tpu.vector_store %arg9[%swap3A_21], %broadcast_in_dim3A_20 {strides = array<i32>} : memref<640xf32, #tpu.memory_space<vmem>>, vector<16xf32>,
    %broadcast_in_dim3A_23 = arith.constant 0.000000e+00 : f32
    %broadcast_in_dim3A_24 = vector.broadcast %broadcast_in_dim3A_23 : f32 to vector<16xf32>
    %swap3A_25 = arith.constant 96 : index
    %swap3A_26 = tpu.vector_load %arg9[%swap3A_25] {strides = array<i32>} : memref<640xf32, #tpu.memory_space<vmem>>, vector<16xf32>,
    tpu.vector_store %arg9[%swap3A_25], %broadcast_in_dim3A_24 {strides = array<i32>} : memref<640xf32, #tpu.memory_space<vmem>>, vector<16xf32>,
    %broadcast_in_dim3A_27 = arith.constant 0.000000e+00 : f32
    %broadcast_in_dim3A_28 = vector.broadcast %broadcast_in_dim3A_27 : f32 to vector<16xf32>
    %swap3A_29 = arith.constant 112 : index
    %swap3A_30 = tpu.vector_load %arg9[%swap3A_29] {strides = array<i32>} : memref<640xf32, #tpu.memory_space<vmem>>, vector<16xf32>,
    tpu.vector_store %arg9[%swap3A_29], %broadcast_in_dim3A_28 {strides = array<i32>} : memref<640xf32, #tpu.memory_space<vmem>>, vector<16xf32>,
    %broadcast_in_dim3A_31 = arith.constant 0.000000e+00 : f32
    %broadcast_in_dim3A_32 = vector.broadcast %broadcast_in_dim3A_31 : f32 to vector<16xf32>
    %swap3A_33 = arith.constant 128 : index
    %swap3A_34 = tpu.vector_load %arg9[%swap3A_33] {strides = array<i32>} : memref<640xf32, #tpu.memory_space<vmem>>, vector<16xf32>,
    tpu.vector_store %arg9[%swap3A_33], %broadcast_in_dim3A_32 {strides = array<i32>} : memref<640xf32, #tpu.memory_space<vmem>>, vector<16xf32>,
    %broadcast_in_dim3A_35 = arith.constant 0.000000e+00 : f32
    %broadcast_in_dim3A_36 = vector.broadcast %broadcast_in_dim3A_35 : f32 to vector<16xf32>
    %swap3A_37 = arith.constant 144 : index
    %swap3A_38 = tpu.vector_load %arg9[%swap3A_37] {strides = array<i32>} : memref<640xf32, #tpu.memory_space<vmem>>, vector<16xf32>,
    tpu.vector_store %arg9[%swap3A_37], %broadcast_in_dim3A_36 {strides = array<i32>} : memref<640xf32, #tpu.memory_space<vmem>>, vector<16xf32>,
    %broadcast_in_dim3A_39 = arith.constant 0.000000e+00 : f32
    %broadcast_in_dim3A_40 = vector.broadcast %broadcast_in_dim3A_39 : f32 to vector<16xf32>
    %swap3A_41 = arith.constant 160 : index
    %swap3A_42 = tpu.vector_load %arg9[%swap3A_41] {strides = array<i32>} : memref<640xf32, #tpu.memory_space<vmem>>, vector<16xf32>,
    tpu.vector_store %arg9[%swap3A_41], %broadcast_in_dim3A_40 {strides = array<i32>} : memref<640xf32, #tpu.memory_space<vmem>>, vector<16xf32>,
    %broadcast_in_dim3A_43 = arith.constant 0.000000e+00 : f32
    %broadcast_in_dim3A_44 = vector.broadcast %broadcast_in_dim3A_43 : f32 to vector<16xf32>
    %swap3A_45 = arith.constant 176 : index
    %swap3A_46 = tpu.vector_load %arg9[%swap3A_45] {strides = array<i32>} : memref<640xf32, #tpu.memory_space<vmem>>, vector<16xf32>,
    tpu.vector_store %arg9[%swap3A_45], %broadcast_in_dim3A_44 {strides = array<i32>} : memref<640xf32, #tpu.memory_space<vmem>>, vector<16xf32>,
    %broadcast_in_dim3A_47 = arith.constant 0.000000e+00 : f32
    %broadcast_in_dim3A_48 = vector.broadcast %broadcast_in_dim3A_47 : f32 to vector<16xf32>
    %swap3A_49 = arith.constant 192 : index
    %swap3A_50 = tpu.vector_load %arg9[%swap3A_49] {strides = array<i32>} : memref<640xf32, #tpu.memory_space<vmem>>, vector<16xf32>,
    tpu.vector_store %arg9[%swap3A_49], %broadcast_in_dim3A_48 {strides = array<i32>} : memref<640xf32, #tpu.memory_space<vmem>>, vector<16xf32>,
    %broadcast_in_dim3A_51 = arith.constant 0.000000e+00 : f32
    %broadcast_in_dim3A_52 = vector.broadcast %broadcast_in_dim3A_51 : f32 to vector<16xf32>
    %swap3A_53 = arith.constant 208 : index
    %swap3A_54 = tpu.vector_load %arg9[%swap3A_53] {strides = array<i32>} : memref<640xf32, #tpu.memory_space<vmem>>, vector<16xf32>,
    tpu.vector_store %arg9[%swap3A_53], %broadcast_in_dim3A_52 {strides = array<i32>} : memref<640xf32, #tpu.memory_space<vmem>>, vector<16xf32>,
    %broadcast_in_dim3A_55 = arith.constant 0.000000e+00 : f32
    %broadcast_in_dim3A_56 = vector.broadcast %broadcast_in_dim3A_55 : f32 to vector<16xf32>
    %swap3A_57 = arith.constant 224 : index
    %swap3A_58 = tpu.vector_load %arg9[%swap3A_57] {strides = array<i32>} : memref<640xf32, #tpu.memory_space<vmem>>, vector<16xf32>,
    tpu.vector_store %arg9[%swap3A_57], %broadcast_in_dim3A_56 {strides = array<i32>} : memref<640xf32, #tpu.memory_space<vmem>>, vector<16xf32>,
    %broadcast_in_dim3A_59 = arith.constant 0.000000e+00 : f32
    %broadcast_in_dim3A_60 = vector.broadcast %broadcast_in_dim3A_59 : f32 to vector<16xf32>
    %swap3A_61 = arith.constant 240 : index
    %swap3A_62 = tpu.vector_load %arg9[%swap3A_61] {strides = array<i32>} : memref<640xf32, #tpu.memory_space<vmem>>, vector<16xf32>,
    tpu.vector_store %arg9[%swap3A_61], %broadcast_in_dim3A_60 {strides = array<i32>} : memref<640xf32, #tpu.memory_space<vmem>>, vector<16xf32>,
    %broadcast_in_dim3A_63 = arith.constant 0.000000e+00 : f32
    %broadcast_in_dim3A_64 = vector.broadcast %broadcast_in_dim3A_63 : f32 to vector<16xf32>
    %swap3A_65 = arith.constant 256 : index
    %swap3A_66 = tpu.vector_load %arg9[%swap3A_65] {strides = array<i32>} : memref<640xf32, #tpu.memory_space<vmem>>, vector<16xf32>,
    tpu.vector_store %arg9[%swap3A_65], %broadcast_in_dim3A_64 {strides = array<i32>} : memref<640xf32, #tpu.memory_space<vmem>>, vector<16xf32>,
    %broadcast_in_dim3A_67 = arith.constant 0.000000e+00 : f32
    %broadcast_in_dim3A_68 = vector.broadcast %broadcast_in_dim3A_67 : f32 to vector<16xf32>
    %swap3A_69 = arith.constant 272 : index
    %swap3A_70 = tpu.vector_load %arg9[%swap3A_69] {strides = array<i32>} : memref<640xf32, #tpu.memory_space<vmem>>, vector<16xf32>,
    tpu.vector_store %arg9[%swap3A_69], %broadcast_in_dim3A_68 {strides = array<i32>} : memref<640xf32, #tpu.memory_space<vmem>>, vector<16xf32>,
    %broadcast_in_dim3A_71 = arith.constant 0.000000e+00 : f32
    %broadcast_in_dim3A_72 = vector.broadcast %broadcast_in_dim3A_71 : f32 to vector<16xf32>
    %swap3A_73 = arith.constant 288 : index
    %swap3A_74 = tpu.vector_load %arg9[%swap3A_73] {strides = array<i32>} : memref<640xf32, #tpu.memory_space<vmem>>, vector<16xf32>,
    tpu.vector_store %arg9[%swap3A_73], %broadcast_in_dim3A_72 {strides = array<i32>} : memref<640xf32, #tpu.memory_space<vmem>>, vector<16xf32>,
    %broadcast_in_dim3A_75 = arith.constant 0.000000e+00 : f32
    %broadcast_in_dim3A_76 = vector.broadcast %broadcast_in_dim3A_75 : f32 to vector<16xf32>
    %swap3A_77 = arith.constant 304 : index
    %swap3A_78 = tpu.vector_load %arg9[%swap3A_77] {strides = array<i32>} : memref<640xf32, #tpu.memory_space<vmem>>, vector<16xf32>,
    tpu.vector_store %arg9[%swap3A_77], %broadcast_in_dim3A_76 {strides = array<i32>} : memref<640xf32, #tpu.memory_space<vmem>>, vector<16xf32>,
    %broadcast_in_dim3A_79 = arith.constant 0.000000e+00 : f32
    %broadcast_in_dim3A_80 = vector.broadcast %broadcast_in_dim3A_79 : f32 to vector<16xf32>
    %swap3A_81 = arith.constant 320 : index
    %swap3A_82 = tpu.vector_load %arg9[%swap3A_81] {strides = array<i32>} : memref<640xf32, #tpu.memory_space<vmem>>, vector<16xf32>,
    tpu.vector_store %arg9[%swap3A_81], %broadcast_in_dim3A_80 {strides = array<i32>} : memref<640xf32, #tpu.memory_space<vmem>>, vector<16xf32>,
    %broadcast_in_dim3A_83 = arith.constant 0.000000e+00 : f32
    %broadcast_in_dim3A_84 = vector.broadcast %broadcast_in_dim3A_83 : f32 to vector<16xf32>
    %swap3A_85 = arith.constant 336 : index
    %swap3A_86 = tpu.vector_load %arg9[%swap3A_85] {strides = array<i32>} : memref<640xf32, #tpu.memory_space<vmem>>, vector<16xf32>,
    tpu.vector_store %arg9[%swap3A_85], %broadcast_in_dim3A_84 {strides = array<i32>} : memref<640xf32, #tpu.memory_space<vmem>>, vector<16xf32>,
    %broadcast_in_dim3A_87 = arith.constant 0.000000e+00 : f32
    %broadcast_in_dim3A_88 = vector.broadcast %broadcast_in_dim3A_87 : f32 to vector<16xf32>
    %swap3A_89 = arith.constant 352 : index
    %swap3A_90 = tpu.vector_load %arg9[%swap3A_89] {strides = array<i32>} : memref<640xf32, #tpu.memory_space<vmem>>, vector<16xf32>,
    tpu.vector_store %arg9[%swap3A_89], %broadcast_in_dim3A_88 {strides = array<i32>} : memref<640xf32, #tpu.memory_space<vmem>>, vector<16xf32>,
    %broadcast_in_dim3A_91 = arith.constant 0.000000e+00 : f32
    %broadcast_in_dim3A_92 = vector.broadcast %broadcast_in_dim3A_91 : f32 to vector<16xf32>
    %swap3A_93 = arith.constant 368 : index
    %swap3A_94 = tpu.vector_load %arg9[%swap3A_93] {strides = array<i32>} : memref<640xf32, #tpu.memory_space<vmem>>, vector<16xf32>,
    tpu.vector_store %arg9[%swap3A_93], %broadcast_in_dim3A_92 {strides = array<i32>} : memref<640xf32, #tpu.memory_space<vmem>>, vector<16xf32>,
    %broadcast_in_dim3A_95 = arith.constant 0.000000e+00 : f32
    %broadcast_in_dim3A_96 = vector.broadcast %broadcast_in_dim3A_95 : f32 to vector<16xf32>
    %swap3A_97 = arith.constant 384 : index
    %swap3A_98 = tpu.vector_load %arg9[%swap3A_97] {strides = array<i32>} : memref<640xf32, #tpu.memory_space<vmem>>, vector<16xf32>,
    tpu.vector_store %arg9[%swap3A_97], %broadcast_in_dim3A_96 {strides = array<i32>} : memref<640xf32, #tpu.memory_space<vmem>>, vector<16xf32>,
    %broadcast_in_dim3A_99 = arith.constant 0.000000e+00 : f32
    %broadcast_in_dim3A_100 = vector.broadcast %broadcast_in_dim3A_99 : f32 to vector<16xf32>
    %swap3A_101 = arith.constant 400 : index
    %swap3A_102 = tpu.vector_load %arg9[%swap3A_101] {strides = array<i32>} : memref<640xf32, #tpu.memory_space<vmem>>, vector<16xf32>,
    tpu.vector_store %arg9[%swap3A_101], %broadcast_in_dim3A_100 {strides = array<i32>} : memref<640xf32, #tpu.memory_space<vmem>>, vector<16xf32>,
    %broadcast_in_dim3A_103 = arith.constant 0.000000e+00 : f32
    %broadcast_in_dim3A_104 = vector.broadcast %broadcast_in_dim3A_103 : f32 to vector<16xf32>
    %swap3A_105 = arith.constant 416 : index
    %swap3A_106 = tpu.vector_load %arg9[%swap3A_105] {strides = array<i32>} : memref<640xf32, #tpu.memory_space<vmem>>, vector<16xf32>,
    tpu.vector_store %arg9[%swap3A_105], %broadcast_in_dim3A_104 {strides = array<i32>} : memref<640xf32, #tpu.memory_space<vmem>>, vector<16xf32>,
    %broadcast_in_dim3A_107 = arith.constant 0.000000e+00 : f32
    %broadcast_in_dim3A_108 = vector.broadcast %broadcast_in_dim3A_107 : f32 to vector<16xf32>
    %swap3A_109 = arith.constant 432 : index
    %swap3A_110 = tpu.vector_load %arg9[%swap3A_109] {strides = array<i32>} : memref<640xf32, #tpu.memory_space<vmem>>, vector<16xf32>,
    tpu.vector_store %arg9[%swap3A_109], %broadcast_in_dim3A_108 {strides = array<i32>} : memref<640xf32, #tpu.memory_space<vmem>>, vector<16xf32>,
    %broadcast_in_dim3A_111 = arith.constant 0.000000e+00 : f32
    %broadcast_in_dim3A_112 = vector.broadcast %broadcast_in_dim3A_111 : f32 to vector<16xf32>
    %swap3A_113 = arith.constant 448 : index
    %swap3A_114 = tpu.vector_load %arg9[%swap3A_113] {strides = array<i32>} : memref<640xf32, #tpu.memory_space<vmem>>, vector<16xf32>,
    tpu.vector_store %arg9[%swap3A_113], %broadcast_in_dim3A_112 {strides = array<i32>} : memref<640xf32, #tpu.memory_space<vmem>>, vector<16xf32>,
    %broadcast_in_dim3A_115 = arith.constant 0.000000e+00 : f32
    %broadcast_in_dim3A_116 = vector.broadcast %broadcast_in_dim3A_115 : f32 to vector<16xf32>
    %swap3A_117 = arith.constant 464 : index
    %swap3A_118 = tpu.vector_load %arg9[%swap3A_117] {strides = array<i32>} : memref<640xf32, #tpu.memory_space<vmem>>, vector<16xf32>,
    tpu.vector_store %arg9[%swap3A_117], %broadcast_in_dim3A_116 {strides = array<i32>} : memref<640xf32, #tpu.memory_space<vmem>>, vector<16xf32>,
    %broadcast_in_dim3A_119 = arith.constant 0.000000e+00 : f32
    %broadcast_in_dim3A_120 = vector.broadcast %broadcast_in_dim3A_119 : f32 to vector<16xf32>
    %swap3A_121 = arith.constant 480 : index
    %swap3A_122 = tpu.vector_load %arg9[%swap3A_121] {strides = array<i32>} : memref<640xf32, #tpu.memory_space<vmem>>, vector<16xf32>,
    tpu.vector_store %arg9[%swap3A_121], %broadcast_in_dim3A_120 {strides = array<i32>} : memref<640xf32, #tpu.memory_space<vmem>>, vector<16xf32>,
    %broadcast_in_dim3A_123 = arith.constant 0.000000e+00 : f32
    %broadcast_in_dim3A_124 = vector.broadcast %broadcast_in_dim3A_123 : f32 to vector<16xf32>
    %swap3A_125 = arith.constant 496 : index
    %swap3A_126 = tpu.vector_load %arg9[%swap3A_125] {strides = array<i32>} : memref<640xf32, #tpu.memory_space<vmem>>, vector<16xf32>,
    tpu.vector_store %arg9[%swap3A_125], %broadcast_in_dim3A_124 {strides = array<i32>} : memref<640xf32, #tpu.memory_space<vmem>>, vector<16xf32>,
    %broadcast_in_dim3A_127 = arith.constant 0.000000e+00 : f32
    %broadcast_in_dim3A_128 = vector.broadcast %broadcast_in_dim3A_127 : f32 to vector<16xf32>
    %swap3A_129 = arith.constant 512 : index
    %swap3A_130 = tpu.vector_load %arg9[%swap3A_129] {strides = array<i32>} : memref<640xf32, #tpu.memory_space<vmem>>, vector<16xf32>,
    tpu.vector_store %arg9[%swap3A_129], %broadcast_in_dim3A_128 {strides = array<i32>} : memref<640xf32, #tpu.memory_space<vmem>>, vector<16xf32>,
    %broadcast_in_dim3A_131 = arith.constant 0.000000e+00 : f32
    %broadcast_in_dim3A_132 = vector.broadcast %broadcast_in_dim3A_131 : f32 to vector<16xf32>
    %swap3A_133 = arith.constant 528 : index
    %swap3A_134 = tpu.vector_load %arg9[%swap3A_133] {strides = array<i32>} : memref<640xf32, #tpu.memory_space<vmem>>, vector<16xf32>,
    tpu.vector_store %arg9[%swap3A_133], %broadcast_in_dim3A_132 {strides = array<i32>} : memref<640xf32, #tpu.memory_space<vmem>>, vector<16xf32>,
    %broadcast_in_dim3A_135 = arith.constant 0.000000e+00 : f32
    %broadcast_in_dim3A_136 = vector.broadcast %broadcast_in_dim3A_135 : f32 to vector<16xf32>
    %swap3A_137 = arith.constant 544 : index
    %swap3A_138 = tpu.vector_load %arg9[%swap3A_137] {strides = array<i32>} : memref<640xf32, #tpu.memory_space<vmem>>, vector<16xf32>,
    tpu.vector_store %arg9[%swap3A_137], %broadcast_in_dim3A_136 {strides = array<i32>} : memref<640xf32, #tpu.memory_space<vmem>>, vector<16xf32>,
    %broadcast_in_dim3A_139 = arith.constant 0.000000e+00 : f32
    %broadcast_in_dim3A_140 = vector.broadcast %broadcast_in_dim3A_139 : f32 to vector<16xf32>
    %swap3A_141 = arith.constant 560 : index
    %swap3A_142 = tpu.vector_load %arg9[%swap3A_141] {strides = array<i32>} : memref<640xf32, #tpu.memory_space<vmem>>, vector<16xf32>,
    tpu.vector_store %arg9[%swap3A_141], %broadcast_in_dim3A_140 {strides = array<i32>} : memref<640xf32, #tpu.memory_space<vmem>>, vector<16xf32>,
    %broadcast_in_dim3A_143 = arith.constant 0.000000e+00 : f32
    %broadcast_in_dim3A_144 = vector.broadcast %broadcast_in_dim3A_143 : f32 to vector<16xf32>
    %swap3A_145 = arith.constant 576 : index
    %swap3A_146 = tpu.vector_load %arg9[%swap3A_145] {strides = array<i32>} : memref<640xf32, #tpu.memory_space<vmem>>, vector<16xf32>,
    tpu.vector_store %arg9[%swap3A_145], %broadcast_in_dim3A_144 {strides = array<i32>} : memref<640xf32, #tpu.memory_space<vmem>>, vector<16xf32>,
    %broadcast_in_dim3A_147 = arith.constant 0.000000e+00 : f32
    %broadcast_in_dim3A_148 = vector.broadcast %broadcast_in_dim3A_147 : f32 to vector<16xf32>
    %swap3A_149 = arith.constant 592 : index
    %swap3A_150 = tpu.vector_load %arg9[%swap3A_149] {strides = array<i32>} : memref<640xf32, #tpu.memory_space<vmem>>, vector<16xf32>,
    tpu.vector_store %arg9[%swap3A_149], %broadcast_in_dim3A_148 {strides = array<i32>} : memref<640xf32, #tpu.memory_space<vmem>>, vector<16xf32>,
    %broadcast_in_dim3A_151 = arith.constant 0.000000e+00 : f32
    %broadcast_in_dim3A_152 = vector.broadcast %broadcast_in_dim3A_151 : f32 to vector<16xf32>
    %swap3A_153 = arith.constant 608 : index
    %swap3A_154 = tpu.vector_load %arg9[%swap3A_153] {strides = array<i32>} : memref<640xf32, #tpu.memory_space<vmem>>, vector<16xf32>,
    tpu.vector_store %arg9[%swap3A_153], %broadcast_in_dim3A_152 {strides = array<i32>} : memref<640xf32, #tpu.memory_space<vmem>>, vector<16xf32>,
    %broadcast_in_dim3A_155 = arith.constant 0.000000e+00 : f32
    %broadcast_in_dim3A_156 = vector.broadcast %broadcast_in_dim3A_155 : f32 to vector<16xf32>
    %swap3A_157 = arith.constant 624 : index
    %swap3A_158 = tpu.vector_load %arg9[%swap3A_157] {strides = array<i32>} : memref<640xf32, #tpu.memory_space<vmem>>, vector<16xf32>,
    tpu.vector_store %arg9[%swap3A_157], %broadcast_in_dim3A_156 {strides = array<i32>} : memref<640xf32, #tpu.memory_space<vmem>>, vector<16xf32>,
    %mul3A_159 = arith.constant 640 : i32
    %mul3A_160 = arith.muli %arg1, %mul3A_159 : i32
    "tpu.region"() ({
      %run_scoped3A = tpu.sem_alloc : memref<!tpu.dma_semaphore, #tpu.memory_space<semaphore_mem>>
      %dma_start3A = tpu.memref_slice %arg10[%mul3A_160] : memref<10240xf32, #tpu.memory_space<vmem_shared>> -> memref<640xf32, #tpu.memory_space<vmem_shared>>
      %dma_start3A_171 = tpu.memref_slice %arg10[%mul3A_160] : memref<10240xf32, #tpu.memory_space<vmem_shared>> -> memref<640xf32, #tpu.memory_space<vmem_shared>>
      tpu.enqueue_dma source(%arg9 : memref<640xf32, #tpu.memory_space<vmem>>) target(%dma_start3A_171 : memref<640xf32, #tpu.memory_space<vmem_shared>>) target_semaphore(%run_scoped3A : memref<!tpu.dma_semaphore, #tpu.memory_space<semaphore_mem>>)
      %dma_wait3A = tpu.memref_slice %arg10[%mul3A_160] : memref<10240xf32, #tpu.memory_space<vmem_shared>> -> memref<640xf32, #tpu.memory_space<vmem_shared>>
      %dma_wait3A_172 = tpu.memref_slice %arg10[%mul3A_160] : memref<10240xf32, #tpu.memory_space<vmem_shared>> -> memref<640xf32, #tpu.memory_space<vmem_shared>>
      tpu.wait_dma2 semaphore(%run_scoped3A : memref<!tpu.dma_semaphore, #tpu.memory_space<semaphore_mem>>) src(%arg9 : memref<640xf32, #tpu.memory_space<vmem>>) dst(%dma_wait3A_172 : memref<640xf32, #tpu.memory_space<vmem_shared>>)
      tpu.yield
    }) : () -> ()
    %barrier3A = arith.constant 0 : index
    tpu.barrier barrier_id(%barrier3A)
    %scan3A = arith.constant 0 : i32
    %scan3A_161 = arith.constant 0 : i32
    %scan3A_162 = arith.constant 5 : i32
    %scan3A_163 = arith.addi %scan3A_161, %scan3A_162 : i32
    %scan3A_164 = arith.constant 1 : i32
    scf.for %scan3A_171 = %scan3A_161 to %scan3A_163 step %scan3A_164  : i32 {
      %mul3A_172 = arith.constant 80 : i32
      %mul3A_173 = arith.muli %add3A, %mul3A_172 : i32
      %mul3A_174 = arith.constant 16 : i32
      %mul3A_175 = arith.muli %scan3A_171, %mul3A_174 : i32
      %add3A_176 = arith.addi %mul3A_173, %mul3A_175 : i32
      "tpu.region"() ({
        %run_scoped3A = tpu.sem_alloc : memref<!tpu.dma_semaphore, #tpu.memory_space<semaphore_mem>>
        %dma_start3A_499 = arith.constant 0 : i32
        %dma_start3A_500 = tpu.memref_slice %arg2[%add3A_176, %dma_start3A_499] : memref<2560x128xi32, #tpu.memory_space<hbm>> -> memref<8x128xi32, #tpu.memory_space<hbm>>
        %dma_start3A_501 = arith.constant 0 : i32
        %dma_start3A_502 = tpu.memref_slice %arg2[%add3A_176, %dma_start3A_501] : memref<2560x128xi32, #tpu.memory_space<hbm>> -> memref<8x128xi32, #tpu.memory_space<hbm>>
        tpu.enqueue_dma source(%dma_start3A_502 : memref<8x128xi32, #tpu.memory_space<hbm>>) target(%arg5 : memref<8x128xi32, #tpu.memory_space<vmem>>) target_semaphore(%run_scoped3A : memref<!tpu.dma_semaphore, #tpu.memory_space<semaphore_mem>>)
        %dma_wait3A_503 = arith.constant 0 : i32
        %dma_wait3A_504 = tpu.memref_slice %arg2[%add3A_176, %dma_wait3A_503] : memref<2560x128xi32, #tpu.memory_space<hbm>> -> memref<8x128xi32, #tpu.memory_space<hbm>>
        %dma_wait3A_505 = arith.constant 0 : i32
        %dma_wait3A_506 = tpu.memref_slice %arg2[%add3A_176, %dma_wait3A_505] : memref<2560x128xi32, #tpu.memory_space<hbm>> -> memref<8x128xi32, #tpu.memory_space<hbm>>
        tpu.wait_dma2 semaphore(%run_scoped3A : memref<!tpu.dma_semaphore, #tpu.memory_space<semaphore_mem>>) src(%dma_wait3A_506 : memref<8x128xi32, #tpu.memory_space<hbm>>) dst(%arg5 : memref<8x128xi32, #tpu.memory_space<vmem>>)
        tpu.yield
      }) : () -> ()
      "tpu.region"() ({
        %run_scoped3A = tpu.sem_alloc : memref<!tpu.dma_semaphore, #tpu.memory_space<semaphore_mem>>
        %dma_start3A_499 = arith.constant 0 : i32
        %dma_start3A_500 = tpu.memref_slice %arg3[%add3A_176, %dma_start3A_499] : memref<2560x128xf32, #tpu.memory_space<hbm>> -> memref<8x128xf32, #tpu.memory_space<hbm>>
        %dma_start3A_501 = arith.constant 0 : i32
        %dma_start3A_502 = tpu.memref_slice %arg3[%add3A_176, %dma_start3A_501] : memref<2560x128xf32, #tpu.memory_space<hbm>> -> memref<8x128xf32, #tpu.memory_space<hbm>>
        tpu.enqueue_dma source(%dma_start3A_502 : memref<8x128xf32, #tpu.memory_space<hbm>>) target(%arg6 : memref<8x128xf32, #tpu.memory_space<vmem>>) target_semaphore(%run_scoped3A : memref<!tpu.dma_semaphore, #tpu.memory_space<semaphore_mem>>)
        %dma_wait3A_503 = arith.constant 0 : i32
        %dma_wait3A_504 = tpu.memref_slice %arg3[%add3A_176, %dma_wait3A_503] : memref<2560x128xf32, #tpu.memory_space<hbm>> -> memref<8x128xf32, #tpu.memory_space<hbm>>
        %dma_wait3A_505 = arith.constant 0 : i32
        %dma_wait3A_506 = tpu.memref_slice %arg3[%add3A_176, %dma_wait3A_505] : memref<2560x128xf32, #tpu.memory_space<hbm>> -> memref<8x128xf32, #tpu.memory_space<hbm>>
        tpu.wait_dma2 semaphore(%run_scoped3A : memref<!tpu.dma_semaphore, #tpu.memory_space<semaphore_mem>>) src(%dma_wait3A_506 : memref<8x128xf32, #tpu.memory_space<hbm>>) dst(%arg6 : memref<8x128xf32, #tpu.memory_space<vmem>>)
        tpu.yield
      }) : () -> ()
      %dma_start3A = arith.constant 0 : i32
      %dma_start3A_177 = arith.constant 0 : i32
      %dma_start3A_178 = arith.constant 0 : i32
      %dma_start3A_179 = tpu.memref_slice %arg6[%dma_start3A, %dma_start3A_178] : memref<8x128xf32, #tpu.memory_space<vmem>> -> memref<1x128xf32, #tpu.memory_space<vmem>>
      %dma_start3A_180 = tpu.memref_squeeze %dma_start3A_179 : memref<1x128xf32, #tpu.memory_space<vmem>> -> memref<128xf32, #tpu.memory_space<vmem>>
      %dma_start3A_181 = arith.constant 0 : i32
      %dma_start3A_182 = tpu.memref_slice %arg5[%dma_start3A_177, %dma_start3A_181] : memref<8x128xi32, #tpu.memory_space<vmem>> -> memref<1x128xi32, #tpu.memory_space<vmem>>
      %dma_start3A_183 = tpu.memref_squeeze %dma_start3A_182 : memref<1x128xi32, #tpu.memory_space<vmem>> -> memref<128xi32, #tpu.memory_space<vmem>>
      %dma_start3A_184 = arith.constant 0 : i32
      %dma_start3A_185 = tpu.memref_slice %arg10[%dma_start3A_184] : memref<10240xf32, #tpu.memory_space<vmem_shared>> -> memref<10240xf32, #tpu.memory_space<vmem_shared>>
      tpu.enqueue_indirect_dma source(%dma_start3A_180 : memref<128xf32, #tpu.memory_space<vmem>>) target(%dma_start3A_185 : memref<10240xf32, #tpu.memory_space<vmem_shared>>) offsets(%dma_start3A_183 : memref<128xi32, #tpu.memory_space<vmem>>) semaphore(%arg11 : memref<!tpu.dma_semaphore, #tpu.memory_space<semaphore_mem>>) {add = true}
      %dma_start3A_186 = arith.constant 1 : i32
      %dma_start3A_187 = arith.constant 1 : i32
      %dma_start3A_188 = arith.constant 0 : i32
      %dma_start3A_189 = tpu.memref_slice %arg6[%dma_start3A_186, %dma_start3A_188] : memref<8x128xf32, #tpu.memory_space<vmem>> -> memref<1x128xf32, #tpu.memory_space<vmem>>
      %dma_start3A_190 = tpu.memref_squeeze %dma_start3A_189 : memref<1x128xf32, #tpu.memory_space<vmem>> -> memref<128xf32, #tpu.memory_space<vmem>>
      %dma_start3A_191 = arith.constant 0 : i32
      %dma_start3A_192 = tpu.memref_slice %arg5[%dma_start3A_187, %dma_start3A_191] : memref<8x128xi32, #tpu.memory_space<vmem>> -> memref<1x128xi32, #tpu.memory_space<vmem>>
      %dma_start3A_193 = tpu.memref_squeeze %dma_start3A_192 : memref<1x128xi32, #tpu.memory_space<vmem>> -> memref<128xi32, #tpu.memory_space<vmem>>
      %dma_start3A_194 = arith.constant 0 : i32
      %dma_start3A_195 = tpu.memref_slice %arg10[%dma_start3A_194] : memref<10240xf32, #tpu.memory_space<vmem_shared>> -> memref<10240xf32, #tpu.memory_space<vmem_shared>>
      tpu.enqueue_indirect_dma source(%dma_start3A_190 : memref<128xf32, #tpu.memory_space<vmem>>) target(%dma_start3A_195 : memref<10240xf32, #tpu.memory_space<vmem_shared>>) offsets(%dma_start3A_193 : memref<128xi32, #tpu.memory_space<vmem>>) semaphore(%arg11 : memref<!tpu.dma_semaphore, #tpu.memory_space<semaphore_mem>>) {add = true}
      %dma_start3A_196 = arith.constant 2 : i32
      %dma_start3A_197 = arith.constant 2 : i32
      %dma_start3A_198 = arith.constant 0 : i32
      %dma_start3A_199 = tpu.memref_slice %arg6[%dma_start3A_196, %dma_start3A_198] : memref<8x128xf32, #tpu.memory_space<vmem>> -> memref<1x128xf32, #tpu.memory_space<vmem>>
      %dma_start3A_200 = tpu.memref_squeeze %dma_start3A_199 : memref<1x128xf32, #tpu.memory_space<vmem>> -> memref<128xf32, #tpu.memory_space<vmem>>
      %dma_start3A_201 = arith.constant 0 : i32
      %dma_start3A_202 = tpu.memref_slice %arg5[%dma_start3A_197, %dma_start3A_201] : memref<8x128xi32, #tpu.memory_space<vmem>> -> memref<1x128xi32, #tpu.memory_space<vmem>>
      %dma_start3A_203 = tpu.memref_squeeze %dma_start3A_202 : memref<1x128xi32, #tpu.memory_space<vmem>> -> memref<128xi32, #tpu.memory_space<vmem>>
      %dma_start3A_204 = arith.constant 0 : i32
      %dma_start3A_205 = tpu.memref_slice %arg10[%dma_start3A_204] : memref<10240xf32, #tpu.memory_space<vmem_shared>> -> memref<10240xf32, #tpu.memory_space<vmem_shared>>
      tpu.enqueue_indirect_dma source(%dma_start3A_200 : memref<128xf32, #tpu.memory_space<vmem>>) target(%dma_start3A_205 : memref<10240xf32, #tpu.memory_space<vmem_shared>>) offsets(%dma_start3A_203 : memref<128xi32, #tpu.memory_space<vmem>>) semaphore(%arg11 : memref<!tpu.dma_semaphore, #tpu.memory_space<semaphore_mem>>) {add = true}
      %dma_start3A_206 = arith.constant 3 : i32
      %dma_start3A_207 = arith.constant 3 : i32
      %dma_start3A_208 = arith.constant 0 : i32
      %dma_start3A_209 = tpu.memref_slice %arg6[%dma_start3A_206, %dma_start3A_208] : memref<8x128xf32, #tpu.memory_space<vmem>> -> memref<1x128xf32, #tpu.memory_space<vmem>>
      %dma_start3A_210 = tpu.memref_squeeze %dma_start3A_209 : memref<1x128xf32, #tpu.memory_space<vmem>> -> memref<128xf32, #tpu.memory_space<vmem>>
      %dma_start3A_211 = arith.constant 0 : i32
      %dma_start3A_212 = tpu.memref_slice %arg5[%dma_start3A_207, %dma_start3A_211] : memref<8x128xi32, #tpu.memory_space<vmem>> -> memref<1x128xi32, #tpu.memory_space<vmem>>
      %dma_start3A_213 = tpu.memref_squeeze %dma_start3A_212 : memref<1x128xi32, #tpu.memory_space<vmem>> -> memref<128xi32, #tpu.memory_space<vmem>>
      %dma_start3A_214 = arith.constant 0 : i32
      %dma_start3A_215 = tpu.memref_slice %arg10[%dma_start3A_214] : memref<10240xf32, #tpu.memory_space<vmem_shared>> -> memref<10240xf32, #tpu.memory_space<vmem_shared>>
      tpu.enqueue_indirect_dma source(%dma_start3A_210 : memref<128xf32, #tpu.memory_space<vmem>>) target(%dma_start3A_215 : memref<10240xf32, #tpu.memory_space<vmem_shared>>) offsets(%dma_start3A_213 : memref<128xi32, #tpu.memory_space<vmem>>) semaphore(%arg11 : memref<!tpu.dma_semaphore, #tpu.memory_space<semaphore_mem>>) {add = true}
      %dma_start3A_216 = arith.constant 4 : i32
      %dma_start3A_217 = arith.constant 4 : i32
      %dma_start3A_218 = arith.constant 0 : i32
      %dma_start3A_219 = tpu.memref_slice %arg6[%dma_start3A_216, %dma_start3A_218] : memref<8x128xf32, #tpu.memory_space<vmem>> -> memref<1x128xf32, #tpu.memory_space<vmem>>
      %dma_start3A_220 = tpu.memref_squeeze %dma_start3A_219 : memref<1x128xf32, #tpu.memory_space<vmem>> -> memref<128xf32, #tpu.memory_space<vmem>>
      %dma_start3A_221 = arith.constant 0 : i32
      %dma_start3A_222 = tpu.memref_slice %arg5[%dma_start3A_217, %dma_start3A_221] : memref<8x128xi32, #tpu.memory_space<vmem>> -> memref<1x128xi32, #tpu.memory_space<vmem>>
      %dma_start3A_223 = tpu.memref_squeeze %dma_start3A_222 : memref<1x128xi32, #tpu.memory_space<vmem>> -> memref<128xi32, #tpu.memory_space<vmem>>
      %dma_start3A_224 = arith.constant 0 : i32
      %dma_start3A_225 = tpu.memref_slice %arg10[%dma_start3A_224] : memref<10240xf32, #tpu.memory_space<vmem_shared>> -> memref<10240xf32, #tpu.memory_space<vmem_shared>>
      tpu.enqueue_indirect_dma source(%dma_start3A_220 : memref<128xf32, #tpu.memory_space<vmem>>) target(%dma_start3A_225 : memref<10240xf32, #tpu.memory_space<vmem_shared>>) offsets(%dma_start3A_223 : memref<128xi32, #tpu.memory_space<vmem>>) semaphore(%arg11 : memref<!tpu.dma_semaphore, #tpu.memory_space<semaphore_mem>>) {add = true}
      %dma_start3A_226 = arith.constant 5 : i32
      %dma_start3A_227 = arith.constant 5 : i32
      %dma_start3A_228 = arith.constant 0 : i32
      %dma_start3A_229 = tpu.memref_slice %arg6[%dma_start3A_226, %dma_start3A_228] : memref<8x128xf32, #tpu.memory_space<vmem>> -> memref<1x128xf32, #tpu.memory_space<vmem>>
      %dma_start3A_230 = tpu.memref_squeeze %dma_start3A_229 : memref<1x128xf32, #tpu.memory_space<vmem>> -> memref<128xf32, #tpu.memory_space<vmem>>
      %dma_start3A_231 = arith.constant 0 : i32
      %dma_start3A_232 = tpu.memref_slice %arg5[%dma_start3A_227, %dma_start3A_231] : memref<8x128xi32, #tpu.memory_space<vmem>> -> memref<1x128xi32, #tpu.memory_space<vmem>>
      %dma_start3A_233 = tpu.memref_squeeze %dma_start3A_232 : memref<1x128xi32, #tpu.memory_space<vmem>> -> memref<128xi32, #tpu.memory_space<vmem>>
      %dma_start3A_234 = arith.constant 0 : i32
      %dma_start3A_235 = tpu.memref_slice %arg10[%dma_start3A_234] : memref<10240xf32, #tpu.memory_space<vmem_shared>> -> memref<10240xf32, #tpu.memory_space<vmem_shared>>
      tpu.enqueue_indirect_dma source(%dma_start3A_230 : memref<128xf32, #tpu.memory_space<vmem>>) target(%dma_start3A_235 : memref<10240xf32, #tpu.memory_space<vmem_shared>>) offsets(%dma_start3A_233 : memref<128xi32, #tpu.memory_space<vmem>>) semaphore(%arg11 : memref<!tpu.dma_semaphore, #tpu.memory_space<semaphore_mem>>) {add = true}
      %dma_start3A_236 = arith.constant 6 : i32
      %dma_start3A_237 = arith.constant 6 : i32
      %dma_start3A_238 = arith.constant 0 : i32
      %dma_start3A_239 = tpu.memref_slice %arg6[%dma_start3A_236, %dma_start3A_238] : memref<8x128xf32, #tpu.memory_space<vmem>> -> memref<1x128xf32, #tpu.memory_space<vmem>>
      %dma_start3A_240 = tpu.memref_squeeze %dma_start3A_239 : memref<1x128xf32, #tpu.memory_space<vmem>> -> memref<128xf32, #tpu.memory_space<vmem>>
      %dma_start3A_241 = arith.constant 0 : i32
      %dma_start3A_242 = tpu.memref_slice %arg5[%dma_start3A_237, %dma_start3A_241] : memref<8x128xi32, #tpu.memory_space<vmem>> -> memref<1x128xi32, #tpu.memory_space<vmem>>
      %dma_start3A_243 = tpu.memref_squeeze %dma_start3A_242 : memref<1x128xi32, #tpu.memory_space<vmem>> -> memref<128xi32, #tpu.memory_space<vmem>>
      %dma_start3A_244 = arith.constant 0 : i32
      %dma_start3A_245 = tpu.memref_slice %arg10[%dma_start3A_244] : memref<10240xf32, #tpu.memory_space<vmem_shared>> -> memref<10240xf32, #tpu.memory_space<vmem_shared>>
      tpu.enqueue_indirect_dma source(%dma_start3A_240 : memref<128xf32, #tpu.memory_space<vmem>>) target(%dma_start3A_245 : memref<10240xf32, #tpu.memory_space<vmem_shared>>) offsets(%dma_start3A_243 : memref<128xi32, #tpu.memory_space<vmem>>) semaphore(%arg11 : memref<!tpu.dma_semaphore, #tpu.memory_space<semaphore_mem>>) {add = true}
      %dma_start3A_246 = arith.constant 7 : i32
      %dma_start3A_247 = arith.constant 7 : i32
      %dma_start3A_248 = arith.constant 0 : i32
      %dma_start3A_249 = tpu.memref_slice %arg6[%dma_start3A_246, %dma_start3A_248] : memref<8x128xf32, #tpu.memory_space<vmem>> -> memref<1x128xf32, #tpu.memory_space<vmem>>
      %dma_start3A_250 = tpu.memref_squeeze %dma_start3A_249 : memref<1x128xf32, #tpu.memory_space<vmem>> -> memref<128xf32, #tpu.memory_space<vmem>>
      %dma_start3A_251 = arith.constant 0 : i32
      %dma_start3A_252 = tpu.memref_slice %arg5[%dma_start3A_247, %dma_start3A_251] : memref<8x128xi32, #tpu.memory_space<vmem>> -> memref<1x128xi32, #tpu.memory_space<vmem>>
      %dma_start3A_253 = tpu.memref_squeeze %dma_start3A_252 : memref<1x128xi32, #tpu.memory_space<vmem>> -> memref<128xi32, #tpu.memory_space<vmem>>
      %dma_start3A_254 = arith.constant 0 : i32
      %dma_start3A_255 = tpu.memref_slice %arg10[%dma_start3A_254] : memref<10240xf32, #tpu.memory_space<vmem_shared>> -> memref<10240xf32, #tpu.memory_space<vmem_shared>>
      tpu.enqueue_indirect_dma source(%dma_start3A_250 : memref<128xf32, #tpu.memory_space<vmem>>) target(%dma_start3A_255 : memref<10240xf32, #tpu.memory_space<vmem_shared>>) offsets(%dma_start3A_253 : memref<128xi32, #tpu.memory_space<vmem>>) semaphore(%arg11 : memref<!tpu.dma_semaphore, #tpu.memory_space<semaphore_mem>>) {add = true}
      %add3A_256 = arith.constant 8 : i32
      %add3A_257 = arith.addi %add3A_176, %add3A_256 : i32
      "tpu.region"() ({
        %run_scoped3A = tpu.sem_alloc : memref<!tpu.dma_semaphore, #tpu.memory_space<semaphore_mem>>
        %dma_start3A_499 = arith.constant 0 : i32
        %dma_start3A_500 = tpu.memref_slice %arg2[%add3A_257, %dma_start3A_499] : memref<2560x128xi32, #tpu.memory_space<hbm>> -> memref<8x128xi32, #tpu.memory_space<hbm>>
        %dma_start3A_501 = arith.constant 0 : i32
        %dma_start3A_502 = tpu.memref_slice %arg2[%add3A_257, %dma_start3A_501] : memref<2560x128xi32, #tpu.memory_space<hbm>> -> memref<8x128xi32, #tpu.memory_space<hbm>>
        tpu.enqueue_dma source(%dma_start3A_502 : memref<8x128xi32, #tpu.memory_space<hbm>>) target(%arg7 : memref<8x128xi32, #tpu.memory_space<vmem>>) target_semaphore(%run_scoped3A : memref<!tpu.dma_semaphore, #tpu.memory_space<semaphore_mem>>)
        %dma_wait3A_503 = arith.constant 0 : i32
        %dma_wait3A_504 = tpu.memref_slice %arg2[%add3A_257, %dma_wait3A_503] : memref<2560x128xi32, #tpu.memory_space<hbm>> -> memref<8x128xi32, #tpu.memory_space<hbm>>
        %dma_wait3A_505 = arith.constant 0 : i32
        %dma_wait3A_506 = tpu.memref_slice %arg2[%add3A_257, %dma_wait3A_505] : memref<2560x128xi32, #tpu.memory_space<hbm>> -> memref<8x128xi32, #tpu.memory_space<hbm>>
        tpu.wait_dma2 semaphore(%run_scoped3A : memref<!tpu.dma_semaphore, #tpu.memory_space<semaphore_mem>>) src(%dma_wait3A_506 : memref<8x128xi32, #tpu.memory_space<hbm>>) dst(%arg7 : memref<8x128xi32, #tpu.memory_space<vmem>>)
        tpu.yield
      }) : () -> ()
      %add3A_258 = arith.constant 8 : i32
      %add3A_259 = arith.addi %add3A_176, %add3A_258 : i32
      "tpu.region"() ({
        %run_scoped3A = tpu.sem_alloc : memref<!tpu.dma_semaphore, #tpu.memory_space<semaphore_mem>>
        %dma_start3A_499 = arith.constant 0 : i32
        %dma_start3A_500 = tpu.memref_slice %arg3[%add3A_259, %dma_start3A_499] : memref<2560x128xf32, #tpu.memory_space<hbm>> -> memref<8x128xf32, #tpu.memory_space<hbm>>
        %dma_start3A_501 = arith.constant 0 : i32
        %dma_start3A_502 = tpu.memref_slice %arg3[%add3A_259, %dma_start3A_501] : memref<2560x128xf32, #tpu.memory_space<hbm>> -> memref<8x128xf32, #tpu.memory_space<hbm>>
        tpu.enqueue_dma source(%dma_start3A_502 : memref<8x128xf32, #tpu.memory_space<hbm>>) target(%arg8 : memref<8x128xf32, #tpu.memory_space<vmem>>) target_semaphore(%run_scoped3A : memref<!tpu.dma_semaphore, #tpu.memory_space<semaphore_mem>>)
        %dma_wait3A_503 = arith.constant 0 : i32
        %dma_wait3A_504 = tpu.memref_slice %arg3[%add3A_259, %dma_wait3A_503] : memref<2560x128xf32, #tpu.memory_space<hbm>> -> memref<8x128xf32, #tpu.memory_space<hbm>>
        %dma_wait3A_505 = arith.constant 0 : i32
        %dma_wait3A_506 = tpu.memref_slice %arg3[%add3A_259, %dma_wait3A_505] : memref<2560x128xf32, #tpu.memory_space<hbm>> -> memref<8x128xf32, #tpu.memory_space<hbm>>
        tpu.wait_dma2 semaphore(%run_scoped3A : memref<!tpu.dma_semaphore, #tpu.memory_space<semaphore_mem>>) src(%dma_wait3A_506 : memref<8x128xf32, #tpu.memory_space<hbm>>) dst(%arg8 : memref<8x128xf32, #tpu.memory_space<vmem>>)
        tpu.yield
      }) : () -> ()
      %dma_start3A_260 = arith.constant 0 : i32
      %dma_start3A_261 = arith.constant 0 : i32
      %dma_start3A_262 = arith.constant 0 : i32
      %dma_start3A_263 = tpu.memref_slice %arg8[%dma_start3A_260, %dma_start3A_262] : memref<8x128xf32, #tpu.memory_space<vmem>> -> memref<1x128xf32, #tpu.memory_space<vmem>>
      %dma_start3A_264 = tpu.memref_squeeze %dma_start3A_263 : memref<1x128xf32, #tpu.memory_space<vmem>> -> memref<128xf32, #tpu.memory_space<vmem>>
      %dma_start3A_265 = arith.constant 0 : i32
      %dma_start3A_266 = tpu.memref_slice %arg7[%dma_start3A_261, %dma_start3A_265] : memref<8x128xi32, #tpu.memory_space<vmem>> -> memref<1x128xi32, #tpu.memory_space<vmem>>
      %dma_start3A_267 = tpu.memref_squeeze %dma_start3A_266 : memref<1x128xi32, #tpu.memory_space<vmem>> -> memref<128xi32, #tpu.memory_space<vmem>>
      %dma_start3A_268 = arith.constant 0 : i32
      %dma_start3A_269 = tpu.memref_slice %arg10[%dma_start3A_268] : memref<10240xf32, #tpu.memory_space<vmem_shared>> -> memref<10240xf32, #tpu.memory_space<vmem_shared>>
      tpu.enqueue_indirect_dma source(%dma_start3A_264 : memref<128xf32, #tpu.memory_space<vmem>>) target(%dma_start3A_269 : memref<10240xf32, #tpu.memory_space<vmem_shared>>) offsets(%dma_start3A_267 : memref<128xi32, #tpu.memory_space<vmem>>) semaphore(%arg12 : memref<!tpu.dma_semaphore, #tpu.memory_space<semaphore_mem>>) {add = true}
      %dma_start3A_270 = arith.constant 1 : i32
      %dma_start3A_271 = arith.constant 1 : i32
      %dma_start3A_272 = arith.constant 0 : i32
      %dma_start3A_273 = tpu.memref_slice %arg8[%dma_start3A_270, %dma_start3A_272] : memref<8x128xf32, #tpu.memory_space<vmem>> -> memref<1x128xf32, #tpu.memory_space<vmem>>
      %dma_start3A_274 = tpu.memref_squeeze %dma_start3A_273 : memref<1x128xf32, #tpu.memory_space<vmem>> -> memref<128xf32, #tpu.memory_space<vmem>>
      %dma_start3A_275 = arith.constant 0 : i32
      %dma_start3A_276 = tpu.memref_slice %arg7[%dma_start3A_271, %dma_start3A_275] : memref<8x128xi32, #tpu.memory_space<vmem>> -> memref<1x128xi32, #tpu.memory_space<vmem>>
      %dma_start3A_277 = tpu.memref_squeeze %dma_start3A_276 : memref<1x128xi32, #tpu.memory_space<vmem>> -> memref<128xi32, #tpu.memory_space<vmem>>
      %dma_start3A_278 = arith.constant 0 : i32
      %dma_start3A_279 = tpu.memref_slice %arg10[%dma_start3A_278] : memref<10240xf32, #tpu.memory_space<vmem_shared>> -> memref<10240xf32, #tpu.memory_space<vmem_shared>>
      tpu.enqueue_indirect_dma source(%dma_start3A_274 : memref<128xf32, #tpu.memory_space<vmem>>) target(%dma_start3A_279 : memref<10240xf32, #tpu.memory_space<vmem_shared>>) offsets(%dma_start3A_277 : memref<128xi32, #tpu.memory_space<vmem>>) semaphore(%arg12 : memref<!tpu.dma_semaphore, #tpu.memory_space<semaphore_mem>>) {add = true}
      %dma_start3A_280 = arith.constant 2 : i32
      %dma_start3A_281 = arith.constant 2 : i32
      %dma_start3A_282 = arith.constant 0 : i32
      %dma_start3A_283 = tpu.memref_slice %arg8[%dma_start3A_280, %dma_start3A_282] : memref<8x128xf32, #tpu.memory_space<vmem>> -> memref<1x128xf32, #tpu.memory_space<vmem>>
      %dma_start3A_284 = tpu.memref_squeeze %dma_start3A_283 : memref<1x128xf32, #tpu.memory_space<vmem>> -> memref<128xf32, #tpu.memory_space<vmem>>
      %dma_start3A_285 = arith.constant 0 : i32
      %dma_start3A_286 = tpu.memref_slice %arg7[%dma_start3A_281, %dma_start3A_285] : memref<8x128xi32, #tpu.memory_space<vmem>> -> memref<1x128xi32, #tpu.memory_space<vmem>>
      %dma_start3A_287 = tpu.memref_squeeze %dma_start3A_286 : memref<1x128xi32, #tpu.memory_space<vmem>> -> memref<128xi32, #tpu.memory_space<vmem>>
      %dma_start3A_288 = arith.constant 0 : i32
      %dma_start3A_289 = tpu.memref_slice %arg10[%dma_start3A_288] : memref<10240xf32, #tpu.memory_space<vmem_shared>> -> memref<10240xf32, #tpu.memory_space<vmem_shared>>
      tpu.enqueue_indirect_dma source(%dma_start3A_284 : memref<128xf32, #tpu.memory_space<vmem>>) target(%dma_start3A_289 : memref<10240xf32, #tpu.memory_space<vmem_shared>>) offsets(%dma_start3A_287 : memref<128xi32, #tpu.memory_space<vmem>>) semaphore(%arg12 : memref<!tpu.dma_semaphore, #tpu.memory_space<semaphore_mem>>) {add = true}
      %dma_start3A_290 = arith.constant 3 : i32
      %dma_start3A_291 = arith.constant 3 : i32
      %dma_start3A_292 = arith.constant 0 : i32
      %dma_start3A_293 = tpu.memref_slice %arg8[%dma_start3A_290, %dma_start3A_292] : memref<8x128xf32, #tpu.memory_space<vmem>> -> memref<1x128xf32, #tpu.memory_space<vmem>>
      %dma_start3A_294 = tpu.memref_squeeze %dma_start3A_293 : memref<1x128xf32, #tpu.memory_space<vmem>> -> memref<128xf32, #tpu.memory_space<vmem>>
      %dma_start3A_295 = arith.constant 0 : i32
      %dma_start3A_296 = tpu.memref_slice %arg7[%dma_start3A_291, %dma_start3A_295] : memref<8x128xi32, #tpu.memory_space<vmem>> -> memref<1x128xi32, #tpu.memory_space<vmem>>
      %dma_start3A_297 = tpu.memref_squeeze %dma_start3A_296 : memref<1x128xi32, #tpu.memory_space<vmem>> -> memref<128xi32, #tpu.memory_space<vmem>>
      %dma_start3A_298 = arith.constant 0 : i32
      %dma_start3A_299 = tpu.memref_slice %arg10[%dma_start3A_298] : memref<10240xf32, #tpu.memory_space<vmem_shared>> -> memref<10240xf32, #tpu.memory_space<vmem_shared>>
      tpu.enqueue_indirect_dma source(%dma_start3A_294 : memref<128xf32, #tpu.memory_space<vmem>>) target(%dma_start3A_299 : memref<10240xf32, #tpu.memory_space<vmem_shared>>) offsets(%dma_start3A_297 : memref<128xi32, #tpu.memory_space<vmem>>) semaphore(%arg12 : memref<!tpu.dma_semaphore, #tpu.memory_space<semaphore_mem>>) {add = true}
      %dma_start3A_300 = arith.constant 4 : i32
      %dma_start3A_301 = arith.constant 4 : i32
      %dma_start3A_302 = arith.constant 0 : i32
      %dma_start3A_303 = tpu.memref_slice %arg8[%dma_start3A_300, %dma_start3A_302] : memref<8x128xf32, #tpu.memory_space<vmem>> -> memref<1x128xf32, #tpu.memory_space<vmem>>
      %dma_start3A_304 = tpu.memref_squeeze %dma_start3A_303 : memref<1x128xf32, #tpu.memory_space<vmem>> -> memref<128xf32, #tpu.memory_space<vmem>>
      %dma_start3A_305 = arith.constant 0 : i32
      %dma_start3A_306 = tpu.memref_slice %arg7[%dma_start3A_301, %dma_start3A_305] : memref<8x128xi32, #tpu.memory_space<vmem>> -> memref<1x128xi32, #tpu.memory_space<vmem>>
      %dma_start3A_307 = tpu.memref_squeeze %dma_start3A_306 : memref<1x128xi32, #tpu.memory_space<vmem>> -> memref<128xi32, #tpu.memory_space<vmem>>
      %dma_start3A_308 = arith.constant 0 : i32
      %dma_start3A_309 = tpu.memref_slice %arg10[%dma_start3A_308] : memref<10240xf32, #tpu.memory_space<vmem_shared>> -> memref<10240xf32, #tpu.memory_space<vmem_shared>>
      tpu.enqueue_indirect_dma source(%dma_start3A_304 : memref<128xf32, #tpu.memory_space<vmem>>) target(%dma_start3A_309 : memref<10240xf32, #tpu.memory_space<vmem_shared>>) offsets(%dma_start3A_307 : memref<128xi32, #tpu.memory_space<vmem>>) semaphore(%arg12 : memref<!tpu.dma_semaphore, #tpu.memory_space<semaphore_mem>>) {add = true}
      %dma_start3A_310 = arith.constant 5 : i32
      %dma_start3A_311 = arith.constant 5 : i32
      %dma_start3A_312 = arith.constant 0 : i32
      %dma_start3A_313 = tpu.memref_slice %arg8[%dma_start3A_310, %dma_start3A_312] : memref<8x128xf32, #tpu.memory_space<vmem>> -> memref<1x128xf32, #tpu.memory_space<vmem>>
      %dma_start3A_314 = tpu.memref_squeeze %dma_start3A_313 : memref<1x128xf32, #tpu.memory_space<vmem>> -> memref<128xf32, #tpu.memory_space<vmem>>
      %dma_start3A_315 = arith.constant 0 : i32
      %dma_start3A_316 = tpu.memref_slice %arg7[%dma_start3A_311, %dma_start3A_315] : memref<8x128xi32, #tpu.memory_space<vmem>> -> memref<1x128xi32, #tpu.memory_space<vmem>>
      %dma_start3A_317 = tpu.memref_squeeze %dma_start3A_316 : memref<1x128xi32, #tpu.memory_space<vmem>> -> memref<128xi32, #tpu.memory_space<vmem>>
      %dma_start3A_318 = arith.constant 0 : i32
      %dma_start3A_319 = tpu.memref_slice %arg10[%dma_start3A_318] : memref<10240xf32, #tpu.memory_space<vmem_shared>> -> memref<10240xf32, #tpu.memory_space<vmem_shared>>
      tpu.enqueue_indirect_dma source(%dma_start3A_314 : memref<128xf32, #tpu.memory_space<vmem>>) target(%dma_start3A_319 : memref<10240xf32, #tpu.memory_space<vmem_shared>>) offsets(%dma_start3A_317 : memref<128xi32, #tpu.memory_space<vmem>>) semaphore(%arg12 : memref<!tpu.dma_semaphore, #tpu.memory_space<semaphore_mem>>) {add = true}
      %dma_start3A_320 = arith.constant 6 : i32
      %dma_start3A_321 = arith.constant 6 : i32
      %dma_start3A_322 = arith.constant 0 : i32
      %dma_start3A_323 = tpu.memref_slice %arg8[%dma_start3A_320, %dma_start3A_322] : memref<8x128xf32, #tpu.memory_space<vmem>> -> memref<1x128xf32, #tpu.memory_space<vmem>>
      %dma_start3A_324 = tpu.memref_squeeze %dma_start3A_323 : memref<1x128xf32, #tpu.memory_space<vmem>> -> memref<128xf32, #tpu.memory_space<vmem>>
      %dma_start3A_325 = arith.constant 0 : i32
      %dma_start3A_326 = tpu.memref_slice %arg7[%dma_start3A_321, %dma_start3A_325] : memref<8x128xi32, #tpu.memory_space<vmem>> -> memref<1x128xi32, #tpu.memory_space<vmem>>
      %dma_start3A_327 = tpu.memref_squeeze %dma_start3A_326 : memref<1x128xi32, #tpu.memory_space<vmem>> -> memref<128xi32, #tpu.memory_space<vmem>>
      %dma_start3A_328 = arith.constant 0 : i32
      %dma_start3A_329 = tpu.memref_slice %arg10[%dma_start3A_328] : memref<10240xf32, #tpu.memory_space<vmem_shared>> -> memref<10240xf32, #tpu.memory_space<vmem_shared>>
      tpu.enqueue_indirect_dma source(%dma_start3A_324 : memref<128xf32, #tpu.memory_space<vmem>>) target(%dma_start3A_329 : memref<10240xf32, #tpu.memory_space<vmem_shared>>) offsets(%dma_start3A_327 : memref<128xi32, #tpu.memory_space<vmem>>) semaphore(%arg12 : memref<!tpu.dma_semaphore, #tpu.memory_space<semaphore_mem>>) {add = true}
      %dma_start3A_330 = arith.constant 7 : i32
      %dma_start3A_331 = arith.constant 7 : i32
      %dma_start3A_332 = arith.constant 0 : i32
      %dma_start3A_333 = tpu.memref_slice %arg8[%dma_start3A_330, %dma_start3A_332] : memref<8x128xf32, #tpu.memory_space<vmem>> -> memref<1x128xf32, #tpu.memory_space<vmem>>
      %dma_start3A_334 = tpu.memref_squeeze %dma_start3A_333 : memref<1x128xf32, #tpu.memory_space<vmem>> -> memref<128xf32, #tpu.memory_space<vmem>>
      %dma_start3A_335 = arith.constant 0 : i32
      %dma_start3A_336 = tpu.memref_slice %arg7[%dma_start3A_331, %dma_start3A_335] : memref<8x128xi32, #tpu.memory_space<vmem>> -> memref<1x128xi32, #tpu.memory_space<vmem>>
      %dma_start3A_337 = tpu.memref_squeeze %dma_start3A_336 : memref<1x128xi32, #tpu.memory_space<vmem>> -> memref<128xi32, #tpu.memory_space<vmem>>
      %dma_start3A_338 = arith.constant 0 : i32
      %dma_start3A_339 = tpu.memref_slice %arg10[%dma_start3A_338] : memref<10240xf32, #tpu.memory_space<vmem_shared>> -> memref<10240xf32, #tpu.memory_space<vmem_shared>>
      tpu.enqueue_indirect_dma source(%dma_start3A_334 : memref<128xf32, #tpu.memory_space<vmem>>) target(%dma_start3A_339 : memref<10240xf32, #tpu.memory_space<vmem_shared>>) offsets(%dma_start3A_337 : memref<128xi32, #tpu.memory_space<vmem>>) semaphore(%arg12 : memref<!tpu.dma_semaphore, #tpu.memory_space<semaphore_mem>>) {add = true}
      %dma_wait3A = arith.constant 0 : i32
      %dma_wait3A_340 = arith.constant 0 : i32
      %dma_wait3A_341 = arith.constant 0 : i32
      %dma_wait3A_342 = tpu.memref_slice %arg6[%dma_wait3A, %dma_wait3A_341] : memref<8x128xf32, #tpu.memory_space<vmem>> -> memref<1x128xf32, #tpu.memory_space<vmem>>
      %dma_wait3A_343 = tpu.memref_squeeze %dma_wait3A_342 : memref<1x128xf32, #tpu.memory_space<vmem>> -> memref<128xf32, #tpu.memory_space<vmem>>
      %dma_wait3A_344 = arith.constant 0 : i32
      %dma_wait3A_345 = tpu.memref_slice %arg5[%dma_wait3A_340, %dma_wait3A_344] : memref<8x128xi32, #tpu.memory_space<vmem>> -> memref<1x128xi32, #tpu.memory_space<vmem>>
      %dma_wait3A_346 = tpu.memref_squeeze %dma_wait3A_345 : memref<1x128xi32, #tpu.memory_space<vmem>> -> memref<128xi32, #tpu.memory_space<vmem>>
      %dma_wait3A_347 = arith.constant 0 : i32
      %dma_wait3A_348 = tpu.memref_slice %arg10[%dma_wait3A_347] : memref<10240xf32, #tpu.memory_space<vmem_shared>> -> memref<10240xf32, #tpu.memory_space<vmem_shared>>
      tpu.wait_indirect_dma semaphore(%arg11 : memref<!tpu.dma_semaphore, #tpu.memory_space<semaphore_mem>>) src(%dma_wait3A_343 : memref<128xf32, #tpu.memory_space<vmem>>) dst(%dma_wait3A_348 : memref<10240xf32, #tpu.memory_space<vmem_shared>>)
      %dma_wait3A_349 = arith.constant 1 : i32
      %dma_wait3A_350 = arith.constant 1 : i32
      %dma_wait3A_351 = arith.constant 0 : i32
      %dma_wait3A_352 = tpu.memref_slice %arg6[%dma_wait3A_349, %dma_wait3A_351] : memref<8x128xf32, #tpu.memory_space<vmem>> -> memref<1x128xf32, #tpu.memory_space<vmem>>
      %dma_wait3A_353 = tpu.memref_squeeze %dma_wait3A_352 : memref<1x128xf32, #tpu.memory_space<vmem>> -> memref<128xf32, #tpu.memory_space<vmem>>
      %dma_wait3A_354 = arith.constant 0 : i32
      %dma_wait3A_355 = tpu.memref_slice %arg5[%dma_wait3A_350, %dma_wait3A_354] : memref<8x128xi32, #tpu.memory_space<vmem>> -> memref<1x128xi32, #tpu.memory_space<vmem>>
      %dma_wait3A_356 = tpu.memref_squeeze %dma_wait3A_355 : memref<1x128xi32, #tpu.memory_space<vmem>> -> memref<128xi32, #tpu.memory_space<vmem>>
      %dma_wait3A_357 = arith.constant 0 : i32
      %dma_wait3A_358 = tpu.memref_slice %arg10[%dma_wait3A_357] : memref<10240xf32, #tpu.memory_space<vmem_shared>> -> memref<10240xf32, #tpu.memory_space<vmem_shared>>
      tpu.wait_indirect_dma semaphore(%arg11 : memref<!tpu.dma_semaphore, #tpu.memory_space<semaphore_mem>>) src(%dma_wait3A_353 : memref<128xf32, #tpu.memory_space<vmem>>) dst(%dma_wait3A_358 : memref<10240xf32, #tpu.memory_space<vmem_shared>>)
      %dma_wait3A_359 = arith.constant 2 : i32
      %dma_wait3A_360 = arith.constant 2 : i32
      %dma_wait3A_361 = arith.constant 0 : i32
      %dma_wait3A_362 = tpu.memref_slice %arg6[%dma_wait3A_359, %dma_wait3A_361] : memref<8x128xf32, #tpu.memory_space<vmem>> -> memref<1x128xf32, #tpu.memory_space<vmem>>
      %dma_wait3A_363 = tpu.memref_squeeze %dma_wait3A_362 : memref<1x128xf32, #tpu.memory_space<vmem>> -> memref<128xf32, #tpu.memory_space<vmem>>
      %dma_wait3A_364 = arith.constant 0 : i32
      %dma_wait3A_365 = tpu.memref_slice %arg5[%dma_wait3A_360, %dma_wait3A_364] : memref<8x128xi32, #tpu.memory_space<vmem>> -> memref<1x128xi32, #tpu.memory_space<vmem>>
      %dma_wait3A_366 = tpu.memref_squeeze %dma_wait3A_365 : memref<1x128xi32, #tpu.memory_space<vmem>> -> memref<128xi32, #tpu.memory_space<vmem>>
      %dma_wait3A_367 = arith.constant 0 : i32
      %dma_wait3A_368 = tpu.memref_slice %arg10[%dma_wait3A_367] : memref<10240xf32, #tpu.memory_space<vmem_shared>> -> memref<10240xf32, #tpu.memory_space<vmem_shared>>
      tpu.wait_indirect_dma semaphore(%arg11 : memref<!tpu.dma_semaphore, #tpu.memory_space<semaphore_mem>>) src(%dma_wait3A_363 : memref<128xf32, #tpu.memory_space<vmem>>) dst(%dma_wait3A_368 : memref<10240xf32, #tpu.memory_space<vmem_shared>>)
      %dma_wait3A_369 = arith.constant 3 : i32
      %dma_wait3A_370 = arith.constant 3 : i32
      %dma_wait3A_371 = arith.constant 0 : i32
      %dma_wait3A_372 = tpu.memref_slice %arg6[%dma_wait3A_369, %dma_wait3A_371] : memref<8x128xf32, #tpu.memory_space<vmem>> -> memref<1x128xf32, #tpu.memory_space<vmem>>
      %dma_wait3A_373 = tpu.memref_squeeze %dma_wait3A_372 : memref<1x128xf32, #tpu.memory_space<vmem>> -> memref<128xf32, #tpu.memory_space<vmem>>
      %dma_wait3A_374 = arith.constant 0 : i32
      %dma_wait3A_375 = tpu.memref_slice %arg5[%dma_wait3A_370, %dma_wait3A_374] : memref<8x128xi32, #tpu.memory_space<vmem>> -> memref<1x128xi32, #tpu.memory_space<vmem>>
      %dma_wait3A_376 = tpu.memref_squeeze %dma_wait3A_375 : memref<1x128xi32, #tpu.memory_space<vmem>> -> memref<128xi32, #tpu.memory_space<vmem>>
      %dma_wait3A_377 = arith.constant 0 : i32
      %dma_wait3A_378 = tpu.memref_slice %arg10[%dma_wait3A_377] : memref<10240xf32, #tpu.memory_space<vmem_shared>> -> memref<10240xf32, #tpu.memory_space<vmem_shared>>
      tpu.wait_indirect_dma semaphore(%arg11 : memref<!tpu.dma_semaphore, #tpu.memory_space<semaphore_mem>>) src(%dma_wait3A_373 : memref<128xf32, #tpu.memory_space<vmem>>) dst(%dma_wait3A_378 : memref<10240xf32, #tpu.memory_space<vmem_shared>>)
      %dma_wait3A_379 = arith.constant 4 : i32
      %dma_wait3A_380 = arith.constant 4 : i32
      %dma_wait3A_381 = arith.constant 0 : i32
      %dma_wait3A_382 = tpu.memref_slice %arg6[%dma_wait3A_379, %dma_wait3A_381] : memref<8x128xf32, #tpu.memory_space<vmem>> -> memref<1x128xf32, #tpu.memory_space<vmem>>
      %dma_wait3A_383 = tpu.memref_squeeze %dma_wait3A_382 : memref<1x128xf32, #tpu.memory_space<vmem>> -> memref<128xf32, #tpu.memory_space<vmem>>
      %dma_wait3A_384 = arith.constant 0 : i32
      %dma_wait3A_385 = tpu.memref_slice %arg5[%dma_wait3A_380, %dma_wait3A_384] : memref<8x128xi32, #tpu.memory_space<vmem>> -> memref<1x128xi32, #tpu.memory_space<vmem>>
      %dma_wait3A_386 = tpu.memref_squeeze %dma_wait3A_385 : memref<1x128xi32, #tpu.memory_space<vmem>> -> memref<128xi32, #tpu.memory_space<vmem>>
      %dma_wait3A_387 = arith.constant 0 : i32
      %dma_wait3A_388 = tpu.memref_slice %arg10[%dma_wait3A_387] : memref<10240xf32, #tpu.memory_space<vmem_shared>> -> memref<10240xf32, #tpu.memory_space<vmem_shared>>
      tpu.wait_indirect_dma semaphore(%arg11 : memref<!tpu.dma_semaphore, #tpu.memory_space<semaphore_mem>>) src(%dma_wait3A_383 : memref<128xf32, #tpu.memory_space<vmem>>) dst(%dma_wait3A_388 : memref<10240xf32, #tpu.memory_space<vmem_shared>>)
      %dma_wait3A_389 = arith.constant 5 : i32
      %dma_wait3A_390 = arith.constant 5 : i32
      %dma_wait3A_391 = arith.constant 0 : i32
      %dma_wait3A_392 = tpu.memref_slice %arg6[%dma_wait3A_389, %dma_wait3A_391] : memref<8x128xf32, #tpu.memory_space<vmem>> -> memref<1x128xf32, #tpu.memory_space<vmem>>
      %dma_wait3A_393 = tpu.memref_squeeze %dma_wait3A_392 : memref<1x128xf32, #tpu.memory_space<vmem>> -> memref<128xf32, #tpu.memory_space<vmem>>
      %dma_wait3A_394 = arith.constant 0 : i32
      %dma_wait3A_395 = tpu.memref_slice %arg5[%dma_wait3A_390, %dma_wait3A_394] : memref<8x128xi32, #tpu.memory_space<vmem>> -> memref<1x128xi32, #tpu.memory_space<vmem>>
      %dma_wait3A_396 = tpu.memref_squeeze %dma_wait3A_395 : memref<1x128xi32, #tpu.memory_space<vmem>> -> memref<128xi32, #tpu.memory_space<vmem>>
      %dma_wait3A_397 = arith.constant 0 : i32
      %dma_wait3A_398 = tpu.memref_slice %arg10[%dma_wait3A_397] : memref<10240xf32, #tpu.memory_space<vmem_shared>> -> memref<10240xf32, #tpu.memory_space<vmem_shared>>
      tpu.wait_indirect_dma semaphore(%arg11 : memref<!tpu.dma_semaphore, #tpu.memory_space<semaphore_mem>>) src(%dma_wait3A_393 : memref<128xf32, #tpu.memory_space<vmem>>) dst(%dma_wait3A_398 : memref<10240xf32, #tpu.memory_space<vmem_shared>>)
      %dma_wait3A_399 = arith.constant 6 : i32
      %dma_wait3A_400 = arith.constant 6 : i32
      %dma_wait3A_401 = arith.constant 0 : i32
      %dma_wait3A_402 = tpu.memref_slice %arg6[%dma_wait3A_399, %dma_wait3A_401] : memref<8x128xf32, #tpu.memory_space<vmem>> -> memref<1x128xf32, #tpu.memory_space<vmem>>
      %dma_wait3A_403 = tpu.memref_squeeze %dma_wait3A_402 : memref<1x128xf32, #tpu.memory_space<vmem>> -> memref<128xf32, #tpu.memory_space<vmem>>
      %dma_wait3A_404 = arith.constant 0 : i32
      %dma_wait3A_405 = tpu.memref_slice %arg5[%dma_wait3A_400, %dma_wait3A_404] : memref<8x128xi32, #tpu.memory_space<vmem>> -> memref<1x128xi32, #tpu.memory_space<vmem>>
      %dma_wait3A_406 = tpu.memref_squeeze %dma_wait3A_405 : memref<1x128xi32, #tpu.memory_space<vmem>> -> memref<128xi32, #tpu.memory_space<vmem>>
      %dma_wait3A_407 = arith.constant 0 : i32
      %dma_wait3A_408 = tpu.memref_slice %arg10[%dma_wait3A_407] : memref<10240xf32, #tpu.memory_space<vmem_shared>> -> memref<10240xf32, #tpu.memory_space<vmem_shared>>
      tpu.wait_indirect_dma semaphore(%arg11 : memref<!tpu.dma_semaphore, #tpu.memory_space<semaphore_mem>>) src(%dma_wait3A_403 : memref<128xf32, #tpu.memory_space<vmem>>) dst(%dma_wait3A_408 : memref<10240xf32, #tpu.memory_space<vmem_shared>>)
      %dma_wait3A_409 = arith.constant 7 : i32
      %dma_wait3A_410 = arith.constant 7 : i32
      %dma_wait3A_411 = arith.constant 0 : i32
      %dma_wait3A_412 = tpu.memref_slice %arg6[%dma_wait3A_409, %dma_wait3A_411] : memref<8x128xf32, #tpu.memory_space<vmem>> -> memref<1x128xf32, #tpu.memory_space<vmem>>
      %dma_wait3A_413 = tpu.memref_squeeze %dma_wait3A_412 : memref<1x128xf32, #tpu.memory_space<vmem>> -> memref<128xf32, #tpu.memory_space<vmem>>
      %dma_wait3A_414 = arith.constant 0 : i32
      %dma_wait3A_415 = tpu.memref_slice %arg5[%dma_wait3A_410, %dma_wait3A_414] : memref<8x128xi32, #tpu.memory_space<vmem>> -> memref<1x128xi32, #tpu.memory_space<vmem>>
      %dma_wait3A_416 = tpu.memref_squeeze %dma_wait3A_415 : memref<1x128xi32, #tpu.memory_space<vmem>> -> memref<128xi32, #tpu.memory_space<vmem>>
      %dma_wait3A_417 = arith.constant 0 : i32
      %dma_wait3A_418 = tpu.memref_slice %arg10[%dma_wait3A_417] : memref<10240xf32, #tpu.memory_space<vmem_shared>> -> memref<10240xf32, #tpu.memory_space<vmem_shared>>
      tpu.wait_indirect_dma semaphore(%arg11 : memref<!tpu.dma_semaphore, #tpu.memory_space<semaphore_mem>>) src(%dma_wait3A_413 : memref<128xf32, #tpu.memory_space<vmem>>) dst(%dma_wait3A_418 : memref<10240xf32, #tpu.memory_space<vmem_shared>>)
      %dma_wait3A_419 = arith.constant 0 : i32
      %dma_wait3A_420 = arith.constant 0 : i32
      %dma_wait3A_421 = arith.constant 0 : i32
      %dma_wait3A_422 = tpu.memref_slice %arg8[%dma_wait3A_419, %dma_wait3A_421] : memref<8x128xf32, #tpu.memory_space<vmem>> -> memref<1x128xf32, #tpu.memory_space<vmem>>
      %dma_wait3A_423 = tpu.memref_squeeze %dma_wait3A_422 : memref<1x128xf32, #tpu.memory_space<vmem>> -> memref<128xf32, #tpu.memory_space<vmem>>
      %dma_wait3A_424 = arith.constant 0 : i32
      %dma_wait3A_425 = tpu.memref_slice %arg7[%dma_wait3A_420, %dma_wait3A_424] : memref<8x128xi32, #tpu.memory_space<vmem>> -> memref<1x128xi32, #tpu.memory_space<vmem>>
      %dma_wait3A_426 = tpu.memref_squeeze %dma_wait3A_425 : memref<1x128xi32, #tpu.memory_space<vmem>> -> memref<128xi32, #tpu.memory_space<vmem>>
      %dma_wait3A_427 = arith.constant 0 : i32
      %dma_wait3A_428 = tpu.memref_slice %arg10[%dma_wait3A_427] : memref<10240xf32, #tpu.memory_space<vmem_shared>> -> memref<10240xf32, #tpu.memory_space<vmem_shared>>
      tpu.wait_indirect_dma semaphore(%arg12 : memref<!tpu.dma_semaphore, #tpu.memory_space<semaphore_mem>>) src(%dma_wait3A_423 : memref<128xf32, #tpu.memory_space<vmem>>) dst(%dma_wait3A_428 : memref<10240xf32, #tpu.memory_space<vmem_shared>>)
      %dma_wait3A_429 = arith.constant 1 : i32
      %dma_wait3A_430 = arith.constant 1 : i32
      %dma_wait3A_431 = arith.constant 0 : i32
      %dma_wait3A_432 = tpu.memref_slice %arg8[%dma_wait3A_429, %dma_wait3A_431] : memref<8x128xf32, #tpu.memory_space<vmem>> -> memref<1x128xf32, #tpu.memory_space<vmem>>
      %dma_wait3A_433 = tpu.memref_squeeze %dma_wait3A_432 : memref<1x128xf32, #tpu.memory_space<vmem>> -> memref<128xf32, #tpu.memory_space<vmem>>
      %dma_wait3A_434 = arith.constant 0 : i32
      %dma_wait3A_435 = tpu.memref_slice %arg7[%dma_wait3A_430, %dma_wait3A_434] : memref<8x128xi32, #tpu.memory_space<vmem>> -> memref<1x128xi32, #tpu.memory_space<vmem>>
      %dma_wait3A_436 = tpu.memref_squeeze %dma_wait3A_435 : memref<1x128xi32, #tpu.memory_space<vmem>> -> memref<128xi32, #tpu.memory_space<vmem>>
      %dma_wait3A_437 = arith.constant 0 : i32
      %dma_wait3A_438 = tpu.memref_slice %arg10[%dma_wait3A_437] : memref<10240xf32, #tpu.memory_space<vmem_shared>> -> memref<10240xf32, #tpu.memory_space<vmem_shared>>
      tpu.wait_indirect_dma semaphore(%arg12 : memref<!tpu.dma_semaphore, #tpu.memory_space<semaphore_mem>>) src(%dma_wait3A_433 : memref<128xf32, #tpu.memory_space<vmem>>) dst(%dma_wait3A_438 : memref<10240xf32, #tpu.memory_space<vmem_shared>>)
      %dma_wait3A_439 = arith.constant 2 : i32
      %dma_wait3A_440 = arith.constant 2 : i32
      %dma_wait3A_441 = arith.constant 0 : i32
      %dma_wait3A_442 = tpu.memref_slice %arg8[%dma_wait3A_439, %dma_wait3A_441] : memref<8x128xf32, #tpu.memory_space<vmem>> -> memref<1x128xf32, #tpu.memory_space<vmem>>
      %dma_wait3A_443 = tpu.memref_squeeze %dma_wait3A_442 : memref<1x128xf32, #tpu.memory_space<vmem>> -> memref<128xf32, #tpu.memory_space<vmem>>
      %dma_wait3A_444 = arith.constant 0 : i32
      %dma_wait3A_445 = tpu.memref_slice %arg7[%dma_wait3A_440, %dma_wait3A_444] : memref<8x128xi32, #tpu.memory_space<vmem>> -> memref<1x128xi32, #tpu.memory_space<vmem>>
      %dma_wait3A_446 = tpu.memref_squeeze %dma_wait3A_445 : memref<1x128xi32, #tpu.memory_space<vmem>> -> memref<128xi32, #tpu.memory_space<vmem>>
      %dma_wait3A_447 = arith.constant 0 : i32
      %dma_wait3A_448 = tpu.memref_slice %arg10[%dma_wait3A_447] : memref<10240xf32, #tpu.memory_space<vmem_shared>> -> memref<10240xf32, #tpu.memory_space<vmem_shared>>
      tpu.wait_indirect_dma semaphore(%arg12 : memref<!tpu.dma_semaphore, #tpu.memory_space<semaphore_mem>>) src(%dma_wait3A_443 : memref<128xf32, #tpu.memory_space<vmem>>) dst(%dma_wait3A_448 : memref<10240xf32, #tpu.memory_space<vmem_shared>>)
      %dma_wait3A_449 = arith.constant 3 : i32
      %dma_wait3A_450 = arith.constant 3 : i32
      %dma_wait3A_451 = arith.constant 0 : i32
      %dma_wait3A_452 = tpu.memref_slice %arg8[%dma_wait3A_449, %dma_wait3A_451] : memref<8x128xf32, #tpu.memory_space<vmem>> -> memref<1x128xf32, #tpu.memory_space<vmem>>
      %dma_wait3A_453 = tpu.memref_squeeze %dma_wait3A_452 : memref<1x128xf32, #tpu.memory_space<vmem>> -> memref<128xf32, #tpu.memory_space<vmem>>
      %dma_wait3A_454 = arith.constant 0 : i32
      %dma_wait3A_455 = tpu.memref_slice %arg7[%dma_wait3A_450, %dma_wait3A_454] : memref<8x128xi32, #tpu.memory_space<vmem>> -> memref<1x128xi32, #tpu.memory_space<vmem>>
      %dma_wait3A_456 = tpu.memref_squeeze %dma_wait3A_455 : memref<1x128xi32, #tpu.memory_space<vmem>> -> memref<128xi32, #tpu.memory_space<vmem>>
      %dma_wait3A_457 = arith.constant 0 : i32
      %dma_wait3A_458 = tpu.memref_slice %arg10[%dma_wait3A_457] : memref<10240xf32, #tpu.memory_space<vmem_shared>> -> memref<10240xf32, #tpu.memory_space<vmem_shared>>
      tpu.wait_indirect_dma semaphore(%arg12 : memref<!tpu.dma_semaphore, #tpu.memory_space<semaphore_mem>>) src(%dma_wait3A_453 : memref<128xf32, #tpu.memory_space<vmem>>) dst(%dma_wait3A_458 : memref<10240xf32, #tpu.memory_space<vmem_shared>>)
      %dma_wait3A_459 = arith.constant 4 : i32
      %dma_wait3A_460 = arith.constant 4 : i32
      %dma_wait3A_461 = arith.constant 0 : i32
      %dma_wait3A_462 = tpu.memref_slice %arg8[%dma_wait3A_459, %dma_wait3A_461] : memref<8x128xf32, #tpu.memory_space<vmem>> -> memref<1x128xf32, #tpu.memory_space<vmem>>
      %dma_wait3A_463 = tpu.memref_squeeze %dma_wait3A_462 : memref<1x128xf32, #tpu.memory_space<vmem>> -> memref<128xf32, #tpu.memory_space<vmem>>
      %dma_wait3A_464 = arith.constant 0 : i32
      %dma_wait3A_465 = tpu.memref_slice %arg7[%dma_wait3A_460, %dma_wait3A_464] : memref<8x128xi32, #tpu.memory_space<vmem>> -> memref<1x128xi32, #tpu.memory_space<vmem>>
      %dma_wait3A_466 = tpu.memref_squeeze %dma_wait3A_465 : memref<1x128xi32, #tpu.memory_space<vmem>> -> memref<128xi32, #tpu.memory_space<vmem>>
      %dma_wait3A_467 = arith.constant 0 : i32
      %dma_wait3A_468 = tpu.memref_slice %arg10[%dma_wait3A_467] : memref<10240xf32, #tpu.memory_space<vmem_shared>> -> memref<10240xf32, #tpu.memory_space<vmem_shared>>
      tpu.wait_indirect_dma semaphore(%arg12 : memref<!tpu.dma_semaphore, #tpu.memory_space<semaphore_mem>>) src(%dma_wait3A_463 : memref<128xf32, #tpu.memory_space<vmem>>) dst(%dma_wait3A_468 : memref<10240xf32, #tpu.memory_space<vmem_shared>>)
      %dma_wait3A_469 = arith.constant 5 : i32
      %dma_wait3A_470 = arith.constant 5 : i32
      %dma_wait3A_471 = arith.constant 0 : i32
      %dma_wait3A_472 = tpu.memref_slice %arg8[%dma_wait3A_469, %dma_wait3A_471] : memref<8x128xf32, #tpu.memory_space<vmem>> -> memref<1x128xf32, #tpu.memory_space<vmem>>
      %dma_wait3A_473 = tpu.memref_squeeze %dma_wait3A_472 : memref<1x128xf32, #tpu.memory_space<vmem>> -> memref<128xf32, #tpu.memory_space<vmem>>
      %dma_wait3A_474 = arith.constant 0 : i32
      %dma_wait3A_475 = tpu.memref_slice %arg7[%dma_wait3A_470, %dma_wait3A_474] : memref<8x128xi32, #tpu.memory_space<vmem>> -> memref<1x128xi32, #tpu.memory_space<vmem>>
      %dma_wait3A_476 = tpu.memref_squeeze %dma_wait3A_475 : memref<1x128xi32, #tpu.memory_space<vmem>> -> memref<128xi32, #tpu.memory_space<vmem>>
      %dma_wait3A_477 = arith.constant 0 : i32
      %dma_wait3A_478 = tpu.memref_slice %arg10[%dma_wait3A_477] : memref<10240xf32, #tpu.memory_space<vmem_shared>> -> memref<10240xf32, #tpu.memory_space<vmem_shared>>
      tpu.wait_indirect_dma semaphore(%arg12 : memref<!tpu.dma_semaphore, #tpu.memory_space<semaphore_mem>>) src(%dma_wait3A_473 : memref<128xf32, #tpu.memory_space<vmem>>) dst(%dma_wait3A_478 : memref<10240xf32, #tpu.memory_space<vmem_shared>>)
      %dma_wait3A_479 = arith.constant 6 : i32
      %dma_wait3A_480 = arith.constant 6 : i32
      %dma_wait3A_481 = arith.constant 0 : i32
      %dma_wait3A_482 = tpu.memref_slice %arg8[%dma_wait3A_479, %dma_wait3A_481] : memref<8x128xf32, #tpu.memory_space<vmem>> -> memref<1x128xf32, #tpu.memory_space<vmem>>
      %dma_wait3A_483 = tpu.memref_squeeze %dma_wait3A_482 : memref<1x128xf32, #tpu.memory_space<vmem>> -> memref<128xf32, #tpu.memory_space<vmem>>
      %dma_wait3A_484 = arith.constant 0 : i32
      %dma_wait3A_485 = tpu.memref_slice %arg7[%dma_wait3A_480, %dma_wait3A_484] : memref<8x128xi32, #tpu.memory_space<vmem>> -> memref<1x128xi32, #tpu.memory_space<vmem>>
      %dma_wait3A_486 = tpu.memref_squeeze %dma_wait3A_485 : memref<1x128xi32, #tpu.memory_space<vmem>> -> memref<128xi32, #tpu.memory_space<vmem>>
      %dma_wait3A_487 = arith.constant 0 : i32
      %dma_wait3A_488 = tpu.memref_slice %arg10[%dma_wait3A_487] : memref<10240xf32, #tpu.memory_space<vmem_shared>> -> memref<10240xf32, #tpu.memory_space<vmem_shared>>
      tpu.wait_indirect_dma semaphore(%arg12 : memref<!tpu.dma_semaphore, #tpu.memory_space<semaphore_mem>>) src(%dma_wait3A_483 : memref<128xf32, #tpu.memory_space<vmem>>) dst(%dma_wait3A_488 : memref<10240xf32, #tpu.memory_space<vmem_shared>>)
      %dma_wait3A_489 = arith.constant 7 : i32
      %dma_wait3A_490 = arith.constant 7 : i32
      %dma_wait3A_491 = arith.constant 0 : i32
      %dma_wait3A_492 = tpu.memref_slice %arg8[%dma_wait3A_489, %dma_wait3A_491] : memref<8x128xf32, #tpu.memory_space<vmem>> -> memref<1x128xf32, #tpu.memory_space<vmem>>
      %dma_wait3A_493 = tpu.memref_squeeze %dma_wait3A_492 : memref<1x128xf32, #tpu.memory_space<vmem>> -> memref<128xf32, #tpu.memory_space<vmem>>
      %dma_wait3A_494 = arith.constant 0 : i32
      %dma_wait3A_495 = tpu.memref_slice %arg7[%dma_wait3A_490, %dma_wait3A_494] : memref<8x128xi32, #tpu.memory_space<vmem>> -> memref<1x128xi32, #tpu.memory_space<vmem>>
      %dma_wait3A_496 = tpu.memref_squeeze %dma_wait3A_495 : memref<1x128xi32, #tpu.memory_space<vmem>> -> memref<128xi32, #tpu.memory_space<vmem>>
      %dma_wait3A_497 = arith.constant 0 : i32
      %dma_wait3A_498 = tpu.memref_slice %arg10[%dma_wait3A_497] : memref<10240xf32, #tpu.memory_space<vmem_shared>> -> memref<10240xf32, #tpu.memory_space<vmem_shared>>
      tpu.wait_indirect_dma semaphore(%arg12 : memref<!tpu.dma_semaphore, #tpu.memory_space<semaphore_mem>>) src(%dma_wait3A_493 : memref<128xf32, #tpu.memory_space<vmem>>) dst(%dma_wait3A_498 : memref<10240xf32, #tpu.memory_space<vmem_shared>>)
    }
    %scan3A_165 = arith.constant 5 : i32
    %barrier3A_166 = arith.constant 0 : index
    tpu.barrier barrier_id(%barrier3A_166)
    %mul3A_167 = arith.constant 640 : i32
    %mul3A_168 = arith.muli %arg1, %mul3A_167 : i32
    %mul3A_169 = arith.constant 640 : i32
    %mul3A_170 = arith.muli %arg1, %mul3A_169 : i32
    "tpu.region"() ({
      %run_scoped3A = tpu.sem_alloc : memref<!tpu.dma_semaphore, #tpu.memory_space<semaphore_mem>>
      %dma_start3A = tpu.memref_slice %arg4[%arg0, %mul3A_170] : memref<2x10240xf32, #tpu.memory_space<hbm>> -> memref<1x640xf32, #tpu.memory_space<hbm>>
      %dma_start3A_171 = tpu.memref_squeeze %dma_start3A : memref<1x640xf32, #tpu.memory_space<hbm>> -> memref<640xf32, #tpu.memory_space<hbm>>
      %dma_start3A_172 = tpu.memref_slice %arg10[%mul3A_168] : memref<10240xf32, #tpu.memory_space<vmem_shared>> -> memref<640xf32, #tpu.memory_space<vmem_shared>>
      tpu.enqueue_dma source(%dma_start3A_172 : memref<640xf32, #tpu.memory_space<vmem_shared>>) target(%dma_start3A_171 : memref<640xf32, #tpu.memory_space<hbm>>) target_semaphore(%run_scoped3A : memref<!tpu.dma_semaphore, #tpu.memory_space<semaphore_mem>>)
      %dma_wait3A = tpu.memref_slice %arg4[%arg0, %mul3A_170] : memref<2x10240xf32, #tpu.memory_space<hbm>> -> memref<1x640xf32, #tpu.memory_space<hbm>>
      %dma_wait3A_173 = tpu.memref_squeeze %dma_wait3A : memref<1x640xf32, #tpu.memory_space<hbm>> -> memref<640xf32, #tpu.memory_space<hbm>>
      %dma_wait3A_174 = tpu.memref_slice %arg10[%mul3A_168] : memref<10240xf32, #tpu.memory_space<vmem_shared>> -> memref<640xf32, #tpu.memory_space<vmem_shared>>
      tpu.wait_dma2 semaphore(%run_scoped3A : memref<!tpu.dma_semaphore, #tpu.memory_space<semaphore_mem>>) src(%dma_wait3A_174 : memref<640xf32, #tpu.memory_space<vmem_shared>>) dst(%dma_wait3A_173 : memref<640xf32, #tpu.memory_space<hbm>>)
      tpu.yield
    }) : () -> ()
    return
  }
}

module attributes {stable_mosaic.version = 14 : i64} {
  func.func @body(%arg0: i32, %arg1: memref<2560x128xf32, #tpu.memory_space<vmem>>, %arg2: memref<128x128xf32, #tpu.memory_space<vmem>>, %arg3: memref<2x2560x1xf32, #tpu.memory_space<vmem>>, %arg4: memref<2560x128xf32, #tpu.memory_space<vmem>>, %arg5: memref<2560x1xf32, #tpu.memory_space<vmem>>) attributes {dimension_semantics = [#tpu.dimension_semantics<arbitrary>], iteration_bounds = array<i64: 4>, scalar_prefetch = 0 : i64, scratch_operands = 0 : i64, tpu.core_type = #tpu.core_type<tc>, window_params = [{transform_indices = @transform_0, window_bounds = array<i64: 2560, 128>}, {pipeline_mode = #tpu.pipeline_mode<synchronous>, transform_indices = @transform_1, window_bounds = array<i64: 128, 128>}, {transform_indices = @transform_2, window_bounds = array<i64: 2, 2560, 1>}, {transform_indices = @transform_3, window_bounds = array<i64: 2560, 128>}, {transform_indices = @transform_4, window_bounds = array<i64: 2560, 1>}]} {
    %get3A = arith.constant 0 : index
    %get3A_0 = arith.constant 0 : index
    %get3A_1 = arith.constant 0 : index
    %get3A_2 = vector.load %arg3[%get3A, %get3A_0, %get3A_1] : memref<2x2560x1xf32, #tpu.memory_space<vmem>>, vector<1x2560x1xf32>
    %get3A_3 = vector.shape_cast %get3A_2 : vector<1x2560x1xf32> to vector<2560x1xf32>
    %get3A_4 = arith.constant 1 : index
    %get3A_5 = arith.constant 0 : index
    %get3A_6 = arith.constant 0 : index
    %get3A_7 = vector.load %arg3[%get3A_4, %get3A_5, %get3A_6] : memref<2x2560x1xf32, #tpu.memory_space<vmem>>, vector<1x2560x1xf32>
    %get3A_8 = vector.shape_cast %get3A_7 : vector<1x2560x1xf32> to vector<2560x1xf32>
    %add3A = arith.addf %get3A_3, %get3A_8 : vector<2560x1xf32>
    %add3A_9 = arith.constant 1.000000e+00 : f32
    %add3A_10 = vector.broadcast %add3A_9 : f32 to vector<2560x1xf32>
    %add3A_11 = arith.addf %add3A, %add3A_10 : vector<2560x1xf32>
    %rsqrt3A = math.rsqrt %add3A_11 : vector<2560x1xf32>
    %get3A_12 = arith.constant 0 : index
    %get3A_13 = arith.constant 0 : index
    %get3A_14 = vector.load %arg1[%get3A_12, %get3A_13] : memref<2560x128xf32, #tpu.memory_space<vmem>>, vector<2560x128xf32>
    %get3A_15 = arith.constant 0 : index
    %get3A_16 = arith.constant 0 : index
    %get3A_17 = vector.load %arg2[%get3A_15, %get3A_16] : memref<128x128xf32, #tpu.memory_space<vmem>>, vector<128x128xf32>
    %dot_general3A = arith.constant dense<0.000000e+00> : vector<2560x128xf32>
    %dot_general3A_18 = tpu.matmul %get3A_14, %get3A_17, %dot_general3A {dimension_numbers = #tpu.dot_dimension_numbers<[1], [1], [0], [0], [0, 0, 1, 0], [], []>, transpose_lhs_hint = false} : vector<2560x128xf32>, vector<128x128xf32>, vector<2560x128xf32> -> vector<2560x128xf32>
    %mul3A = vector.broadcast %rsqrt3A : vector<2560x1xf32> to vector<2560x128xf32>
    %mul3A_19 = arith.mulf %dot_general3A_18, %mul3A : vector<2560x128xf32>
    %swap3A = arith.constant 0 : index
    %swap3A_20 = arith.constant 0 : index
    %swap3A_21 = vector.load %arg4[%swap3A, %swap3A_20] : memref<2560x128xf32, #tpu.memory_space<vmem>>, vector<2560x128xf32>
    tpu.vector_store %arg4[%swap3A, %swap3A_20], %mul3A_19 {strides = array<i32>} : memref<2560x128xf32, #tpu.memory_space<vmem>>, vector<2560x128xf32>,
    %swap3A_22 = arith.constant 0 : index
    %swap3A_23 = arith.constant 0 : index
    %swap3A_24 = vector.load %arg5[%swap3A_22, %swap3A_23] : memref<2560x1xf32, #tpu.memory_space<vmem>>, vector<2560x1xf32>
    tpu.vector_store %arg5[%swap3A_22, %swap3A_23], %rsqrt3A {strides = array<i32>} : memref<2560x1xf32, #tpu.memory_space<vmem>>, vector<2560x1xf32>,
    return
  }
  func.func @transform_0(%arg0: i32) -> (i32, i32) {
    %c0_i32 = arith.constant 0 : i32
    %c0_i32_0 = arith.constant 0 : i32
    return %arg0, %c0_i32 : i32, i32
  }
  func.func @transform_1(%arg0: i32) -> (i32, i32) {
    %c0_i32 = arith.constant 0 : i32
    %c0_i32_0 = arith.constant 0 : i32
    %c0_i32_1 = arith.constant 0 : i32
    return %c0_i32, %c0_i32_0 : i32, i32
  }
  func.func @transform_2(%arg0: i32) -> (i32, i32, i32) {
    %c0_i32 = arith.constant 0 : i32
    %c0_i32_0 = arith.constant 0 : i32
    %c0_i32_1 = arith.constant 0 : i32
    return %c0_i32, %arg0, %c0_i32_0 : i32, i32, i32
  }
  func.func @transform_3(%arg0: i32) -> (i32, i32) {
    %c0_i32 = arith.constant 0 : i32
    %c0_i32_0 = arith.constant 0 : i32
    return %arg0, %c0_i32 : i32, i32
  }
  func.func @transform_4(%arg0: i32) -> (i32, i32) {
    %c0_i32 = arith.constant 0 : i32
    %c0_i32_0 = arith.constant 0 : i32
    return %arg0, %c0_i32 : i32, i32
  }
}

module attributes {stable_mosaic.version = 14 : i64} {
  func.func @body(%arg0: i32, %arg1: memref<2x2560x128xf32, #tpu.memory_space<vmem>>, %arg2: memref<2560x128xf32, #tpu.memory_space<vmem>>, %arg3: memref<2560x1xf32, #tpu.memory_space<vmem>>, %arg4: memref<1x128xf32, #tpu.memory_space<vmem>>, %arg5: memref<1x128xf32, #tpu.memory_space<vmem>>, %arg6: memref<2560x128xf32, #tpu.memory_space<vmem>>) attributes {dimension_semantics = [#tpu.dimension_semantics<arbitrary>], iteration_bounds = array<i64: 4>, scalar_prefetch = 0 : i64, scratch_operands = 0 : i64, tpu.core_type = #tpu.core_type<tc>, window_params = [{transform_indices = @transform_0, window_bounds = array<i64: 2, 2560, 128>}, {transform_indices = @transform_1, window_bounds = array<i64: 2560, 128>}, {transform_indices = @transform_2, window_bounds = array<i64: 2560, 1>}, {pipeline_mode = #tpu.pipeline_mode<synchronous>, transform_indices = @transform_3, window_bounds = array<i64: 1, 128>}, {pipeline_mode = #tpu.pipeline_mode<synchronous>, transform_indices = @transform_4, window_bounds = array<i64: 1, 128>}, {transform_indices = @transform_5, window_bounds = array<i64: 2560, 128>}]} {
    %get3A = arith.constant 0 : index
    %get3A_0 = arith.constant 0 : index
    %get3A_1 = arith.constant 0 : index
    %get3A_2 = vector.load %arg1[%get3A, %get3A_0, %get3A_1] : memref<2x2560x128xf32, #tpu.memory_space<vmem>>, vector<1x2560x128xf32>
    %get3A_3 = vector.shape_cast %get3A_2 : vector<1x2560x128xf32> to vector<2560x128xf32>
    %get3A_4 = arith.constant 1 : index
    %get3A_5 = arith.constant 0 : index
    %get3A_6 = arith.constant 0 : index
    %get3A_7 = vector.load %arg1[%get3A_4, %get3A_5, %get3A_6] : memref<2x2560x128xf32, #tpu.memory_space<vmem>>, vector<1x2560x128xf32>
    %get3A_8 = vector.shape_cast %get3A_7 : vector<1x2560x128xf32> to vector<2560x128xf32>
    %add3A = arith.addf %get3A_3, %get3A_8 : vector<2560x128xf32>
    %get3A_9 = arith.constant 0 : index
    %get3A_10 = arith.constant 0 : index
    %get3A_11 = vector.load %arg2[%get3A_9, %get3A_10] : memref<2560x128xf32, #tpu.memory_space<vmem>>, vector<2560x128xf32>
    %add3A_12 = arith.addf %add3A, %get3A_11 : vector<2560x128xf32>
    %get3A_13 = arith.constant 0 : index
    %get3A_14 = arith.constant 0 : index
    %get3A_15 = vector.load %arg3[%get3A_13, %get3A_14] : memref<2560x1xf32, #tpu.memory_space<vmem>>, vector<2560x1xf32>
    %mul3A = vector.broadcast %get3A_15 : vector<2560x1xf32> to vector<2560x128xf32>
    %mul3A_16 = arith.mulf %mul3A, %add3A_12 : vector<2560x128xf32>
    %get3A_17 = arith.constant 0 : index
    %get3A_18 = arith.constant 0 : index
    %get3A_19 = vector.load %arg4[%get3A_17, %get3A_18] : memref<1x128xf32, #tpu.memory_space<vmem>>, vector<1x128xf32>
    %add3A_20 = vector.broadcast %get3A_19 : vector<1x128xf32> to vector<2560x128xf32>
    %add3A_21 = arith.addf %mul3A_16, %add3A_20 : vector<2560x128xf32>
    %gt3A = arith.constant 0.000000e+00 : f32
    %gt3A_22 = vector.broadcast %gt3A : f32 to vector<2560x128xf32>
    %gt3A_23 = arith.cmpf ogt, %add3A_21, %gt3A_22 : vector<2560x128xf32>
    %get3A_24 = arith.constant 0 : index
    %get3A_25 = arith.constant 0 : index
    %get3A_26 = vector.load %arg5[%get3A_24, %get3A_25] : memref<1x128xf32, #tpu.memory_space<vmem>>, vector<1x128xf32>
    %mul3A_27 = vector.broadcast %get3A_26 : vector<1x128xf32> to vector<2560x128xf32>
    %mul3A_28 = arith.mulf %mul3A_27, %add3A_21 : vector<2560x128xf32>
    %select_n3A = arith.select %gt3A_23, %add3A_21, %mul3A_28 : vector<2560x128xi1>, vector<2560x128xf32>
    %swap3A = arith.constant 0 : index
    %swap3A_29 = arith.constant 0 : index
    %swap3A_30 = vector.load %arg6[%swap3A, %swap3A_29] : memref<2560x128xf32, #tpu.memory_space<vmem>>, vector<2560x128xf32>
    tpu.vector_store %arg6[%swap3A, %swap3A_29], %select_n3A {strides = array<i32>} : memref<2560x128xf32, #tpu.memory_space<vmem>>, vector<2560x128xf32>,
    return
  }
  func.func @transform_0(%arg0: i32) -> (i32, i32, i32) {
    %c0_i32 = arith.constant 0 : i32
    %c0_i32_0 = arith.constant 0 : i32
    %c0_i32_1 = arith.constant 0 : i32
    return %c0_i32, %arg0, %c0_i32_0 : i32, i32, i32
  }
  func.func @transform_1(%arg0: i32) -> (i32, i32) {
    %c0_i32 = arith.constant 0 : i32
    %c0_i32_0 = arith.constant 0 : i32
    return %arg0, %c0_i32 : i32, i32
  }
  func.func @transform_2(%arg0: i32) -> (i32, i32) {
    %c0_i32 = arith.constant 0 : i32
    %c0_i32_0 = arith.constant 0 : i32
    return %arg0, %c0_i32 : i32, i32
  }
  func.func @transform_3(%arg0: i32) -> (i32, i32) {
    %c0_i32 = arith.constant 0 : i32
    %c0_i32_0 = arith.constant 0 : i32
    %c0_i32_1 = arith.constant 0 : i32
    return %c0_i32, %c0_i32_0 : i32, i32
  }
  func.func @transform_4(%arg0: i32) -> (i32, i32) {
    %c0_i32 = arith.constant 0 : i32
    %c0_i32_0 = arith.constant 0 : i32
    %c0_i32_1 = arith.constant 0 : i32
    return %c0_i32, %c0_i32_0 : i32, i32
  }
  func.func @transform_5(%arg0: i32) -> (i32, i32) {
    %c0_i32 = arith.constant 0 : i32
    %c0_i32_0 = arith.constant 0 : i32
    return %arg0, %c0_i32 : i32, i32
  }
}

</mosaic_0001>

<sc_bundles>
// kernel: kernel.6.cloned.1.call-start
scs
__scs_entry_jumppad:
0x0: {  	(pc) =	sbr.rel $0x88, $3  }
0x1: {  	(tag) =	ssettag $0x0;
	lr =	simm.s32 $0x1  }
0x2: {  	[smem:$0x3F9B] =	sst lr;
	_ =	strace $0xD0000000  }
0x3: {  	_ = 	snop  }
0x4: {  	_ = 	snop  }
0x5: {  	_ = 	snop  }
0x6: {  	_ = 	snop  }
0x7: {  	_ = 	snop  }
__scs_overlays_trampoline_lowered:
0x8: {  	[smem:$0x3FAA] =	sst s0  }
0x9: {  	[smem:$0x3FAB] =	sst s1  }
0xa: {  	[smem:$0x3FAC] =	sst s2  }
0xb: {  	[smem:$0x3FAD] =	sst s3  }
0xc: {  	[smem:$0x3FAE] =	sst s4  }
0xd: {  	[smem:$0x3FAF] =	sst s5  }
0xe: {  	[smem:$0x3FB0] =	sst s6  }
0xf: {  	[smem:$0x3FB1] =	sst s7  }
0x10: {  	[smem:$0x3FB2] =	sst s8  }
0x11: {  	[smem:$0x3FB3] =	sst s9;
	s0 =	simm.s32 @!p0 $0x0  }
0x12: {  	s1 =	sld [smem:$0x3F99];
	s0 =	simm.s32 @p0 $0x1  }
0x13: {  	[smem:$0x3FB4] =	sst s0;
	s0 =	simm.s32 @!p1 $0x0  }
0x14: {  	s2 =	sld [smem:$0x3F98];
	s0 =	simm.s32 @p1 $0x1  }
0x15: {  	[smem:$0x3FB5] =	sst s0;
	s0 =	simm.s32 @!p2 $0x0  }
0x16: {  	s3 =	sld [smem:$0x3FDB];
	s0 =	simm.s32 @p2 $0x1  }
0x17: {  	s4 =	simm.s32 $0x1BF5;
	[smem:$0x3FB7] =	sst s0  }
0x18: {  	s0 =	sld [smem:$0x3F9A];
	_ =	swait.ge [sflag:s4], $0x0  }
0x19: {  	s7 =	sld [smem:$0x3F9B]  }
0x1a: {  	s8 =	sadd.s32 $0xFFFFE003, lr  }
0x1b: {  	s9 =	sadd.s32 $0xFFFFFEF7, lr;
	s5 =	simm.s32 $0xFFFFFFFF;
	p2 =	slt.u32 s8, $0xFFFFF086  }
0x1c: {  	p1 =	slt.u32 s9, $0xF7A;
	s5 =	simm.s32 @!p2 $0x0  }
0x1d: {  	s5 =	simm.s32 @p1 $0x1;
	p0 =	seq.s32 s7, s2  }
0x1e: {  	s7 =	smul.u32 @!p0 $0xF7A, s2;
	p2 =	seq.s32 @!p0 s5, $0x0  }
0x1f: {  	s9 =	smul.u32 $0xF7A, s1;
	s8 =	simm.s32 @!p0 $0x1BF5;
	p2 =	por !p2, p0  }
0x20: {  	[sflag:s8] =	ssyncset.s32 @!p0 $0xFFFFF086;
	s6 =	sadd.s32 @!p0 s3, s7;
	s7 =	simm.s32 @!p0 $0x108  }
0x21: {  	s3 =	sadd.s32 s3, s9;
	s6 =	sadd.s32 @!p0 $0x88, s6;
	s7 =	simm.s32 @p2 $0x1082  }
0x22: {  	[simem:s7], [sflag:s8] =	dma.local @!p0 [hbm:s6], $0xF7A  }
0x23: {  	s9 =	sor.u32 $0xD0000000, s2;
	s6 =	simm.s32 $0x108;
	_ =	swait.ge @!p0 [sflag:s8], $0x0  }
0x24: {  	s3 =	sadd.s32 $0x88, s3;
	s6 =	simm.s32 @!p1 $0x1082;
	[sflag:s4] =	ssyncset.s32 $0xFFFFF086  }
0x25: {  	[simem:s6], [sflag:s4] =	dma.local [hbm:s3], $0xF7A  }
0x26: {  	[smem:$0x3F9B] =	sst s1;
	(tag) =	ssettag s2;
	_ =	strace s9  }
0x27: {  	s1 =	sld [smem:$0x3FAB]  }
0x28: {  	s2 =	sld [smem:$0x3FAC]  }
0x29: {  	s4 =	sld [smem:$0x3FAE]  }
0x2a: {  	p0 =	seq.s32 s5, $0x0;
	s5 =	sld [smem:$0x3FAF]  }
0x2b: {  	s6 =	sld [smem:$0x3FB0]  }
0x2c: {  	s7 =	sld [smem:$0x3FB1]  }
0x2d: {  	s3 =	simm.s32 $0x108;
	s8 =	sld [smem:$0x3FB2]  }
0x2e: {  	s3 =	simm.s32 @!p0 $0x1082;
	s9 =	sld [smem:$0x3FB3]  }
0x2f: {  	lr =	sadd.s32 s0, s3;
	s0 =	sld [smem:$0x3FAA]  }
0x30: {  	s3 =	sld [smem:$0x3FAD]  }
0x31: {  	[smem:$0x3FB6] =	sst s10  }
0x32: {  	s10 =	sld [smem:$0x3FB4];
	_ =	sdelay $0x3  }
0x33: {  	p0 =	seq.s32 s10, $0x1;
	s10 =	sld [smem:$0x3FB6];
	_ =	sdelay $0x3  }
0x34: {  	[smem:$0x3FB6] =	sst s10  }
0x35: {  	s10 =	sld [smem:$0x3FB5];
	_ =	sdelay $0x3  }
0x36: {  	p1 =	seq.s32 s10, $0x1;
	s10 =	sld [smem:$0x3FB6];
	_ =	sdelay $0x3  }
0x37: {  	[smem:$0x3FB6] =	sst s10  }
0x38: {  	s10 =	sld [smem:$0x3FB7]  }
0x39: {  	_ = 	snop;
	(pc) =	sbr.ind lr, $3  }
0x3a: {  	_ = 	snop  }
0x3b: {  	_ = 	snop  }
0x3c: {  	p2 =	seq.s32 s10, $0x1;
	s10 =	sld [smem:$0x3FB6]  }
0x3d: {  	_ =	shalt  }
0x3e: {  	_ =	shalt  }
0x3f: {  	_ =	shalt  }
0x40: {  	_ =	shalt  }
0x41: {  	_ =	shalt  }
0x42: {  	_ =	shalt  }
0x43: {  	_ =	shalt  }
0x44: {  	_ =	shalt  }
0x45: {  	_ =	shalt  }
0x46: {  	_ =	shalt  }
0x47: {  	_ =	shalt  }
0x48: {  	_ =	shalt  }
0x49: {  	_ =	shalt  }
0x4a: {  	_ =	shalt  }
0x4b: {  	_ =	shalt  }
0x4c: {  	_ =	shalt  }
0x4d: {  	_ =	shalt  }
0x4e: {  	_ =	shalt  }
0x4f: {  	_ =	shalt  }
0x50: {  	_ =	shalt  }
0x51: {  	_ =	shalt  }
0x52: {  	_ =	shalt  }
0x53: {  	_ =	shalt  }
0x54: {  	_ =	shalt  }
0x55: {  	_ =	shalt  }
0x56: {  	_ =	shalt  }
0x57: {  	_ =	shalt  }
0x58: {  	_ =	shalt  }
0x59: {  	_ =	shalt  }
0x5a: {  	_ =	shalt  }
0x5b: {  	_ =	shalt  }
0x5c: {  	_ =	shalt  }
0x5d: {  	_ =	shalt  }
0x5e: {  	_ =	shalt  }
0x5f: {  	_ =	shalt  }
0x60: {  	_ =	shalt  }
0x61: {  	_ =	shalt  }
0x62: {  	_ =	shalt  }
0x63: {  	_ =	shalt  }
0x64: {  	_ =	shalt  }
0x65: {  	_ =	shalt  }
0x66: {  	_ =	shalt  }
0x67: {  	_ =	shalt  }
0x68: {  	_ =	shalt  }
0x69: {  	_ =	shalt  }
0x6a: {  	_ =	shalt  }
0x6b: {  	_ =	shalt  }
0x6c: {  	_ =	shalt  }
0x6d: {  	_ =	shalt  }
0x6e: {  	_ =	shalt  }
0x6f: {  	_ =	shalt  }
0x70: {  	_ =	shalt  }
0x71: {  	_ =	shalt  }
0x72: {  	_ =	shalt  }
0x73: {  	_ =	shalt  }
0x74: {  	_ =	shalt  }
0x75: {  	_ =	shalt  }
0x76: {  	_ =	shalt  }
0x77: {  	_ =	shalt  }
0x78: {  	_ =	shalt  }
0x79: {  	_ =	shalt  }
0x7a: {  	_ =	shalt  }
0x7b: {  	_ =	shalt  }
0x7c: {  	_ =	shalt  }
0x7d: {  	_ =	shalt  }
0x7e: {  	_ =	shalt  }
0x7f: {  	_ =	shalt  }
0x80: {  	_ =	shalt  }
0x81: {  	_ =	shalt  }
0x82: {  	_ =	shalt  }
0x83: {  	_ =	shalt  }
0x84: {  	_ =	shalt  }
0x85: {  	_ =	shalt  }
0x86: {  	_ =	shalt  }
0x87: {  	_ =	shalt  }
.Lfunc_end0:
.L_simem_size_0:
called_computation_lowered:
.L_overlay_start_0:
0x88: {  	s2 =	sld [smem:$0x3FD9]  }
0x89: {  	s3 =	sld [smem:$0x3FFE];
	_ =	sdelay $0x1  }
0x8a: {  	s1 =	srdreg.scid  }
0x8b: {  	s0 =	sand.u32 $0x1, s1  }
0x8c: {  	s17 =	sshll.u32 s0, $0xA;
	s2 =	sadd.s32 s3, s2  }
0x8d: {  	s2 =	sadd.s32 s2, s17  }
0x8e: {  	[smem:$0x3FC2] =	sst s2  }
0x8f: {  	_ = 	snop  }
0x90: {  	s2 =	sld [smem:$0x3FD0];
	(tm) =	ssettm $0x1  }
0x91: {  	s18 =	sld [smem:$0x3FFB];
	_ =	sdelay $0x3  }
0x92: {  	_ =	strace s18  }
0x93: {  	s3 =	sld [smem:$0x3FFC];
	_ =	sdelay $0x3  }
0x94: {  	_ =	strace s3  }
0x95: {  	s3 =	sld [smem:$0x3FFD];
	_ =	sdelay $0x3  }
0x96: {  	_ =	strace s3  }
0x97: {  	_ =	strace $0x8FFFFFFF  }
0x98: {  	s19 =	sld [smem:$0x3FDB];
	_ =	sdelay $0x1  }
0x99: {  	s4 =	simm.s32 $_scs_section_size  }
0x9a: {  	s5 =	simm.s32 $_size__tile_overlayer_lowered;
	s6 =	simm.s32 $_tile_overlayer_lowered  }
0x9b: {  	s22 =	simm.s32 $0x1BFF;
	s21 =	sshll.u32 s6, $0x1;
	s3 =	sadd.s32 s4, s19  }
0x9c: {  	s7 =	simm.s32 $0x0;
	s20 =	sshll.u32 s5, $0x1;
	s5 =	sadd.s32 s21, s3  }
0x9d: {  	[timem:s7], [sflag:s22] =	dma.local [hbm:s5], s20  }
0x9e: {  	_ =	swait.ge [sflag:s22], s20  }
0x9f: {  	s4 =	ssub.s32 $0x0, s20;
	[sflag:s22] =	ssyncset.done $0x0  }
0xa0: {  	[sflag:s22] =	ssyncadd.s32 s4;
	_ =	sdelay $0x1  }
0xa1: {  	s23 =	simm.s32 $0x1B8B  }
0xa2: {  	_ =	swait.ge [sflag:s23], $0x1  }
0xa3: {  	[sflag:s23] =	ssyncset.done $0x0  }
0xa4: {  	s25 =	simm.s32 $0x1B8E;
	s24 =	sld [smem:$0x3FFE];
	[sflag:s23] =	ssyncadd.s32 $0xFFFFFFFF  }
0xa5: {  	s26 =	simm.s32 $execute0_lowered;
	[smem:$0x3FD2] =	sst s25  }
0xa6: {  	s5 =	sshll.u32 s26, $0x1;
	_ =	strace $0x80000046;
	[dreg:$0x1] =	wrdreg $0xFFFFFFFF  }
0xa7: {  	s28 =	simm.s32 $_size_execute0_lowered;
	s3 =	sadd.s32 s3, s5;
	[dreg:$0x0] =	wrdreg $0x0  }
0xa8: {  	s5 =	sshll.u32 s28, $0x1;
	[dreg:$0x2] =	wrdreg s3  }
0xa9: {  	[dreg:$0x3] =	wrdreg s5  }
0xaa: {  	[dreg:$0x4] =	wrdreg $0xC0  }
0xab: {  	_ =	task [dreg:s7], $0x5FFFF  }
0xac: {  	[dreg:$0x1] =	wrdreg $0xFFFFFFFF  }
0xad: {  	[dreg:$0x0] =	wrdreg $0x60  }
0xae: {  	[dreg:$0x2] =	wrdreg s2  }
0xaf: {  	[dreg:$0x3] =	wrdreg s24  }
0xb0: {  	[dreg:$0x4] =	wrdreg $0x12800  }
0xb1: {  	[dreg:$0x5] =	wrdreg $0x9  }
0xb2: {  	_ =	task.clear_ibuf [dreg:s7], $0x6FFFF;
	_ =	strace $0x90000046  }
0xb3: {  	s29 =	simm.s32 $0x9;
	_ =	strace $0x80000048  }
0xb4: {  	_ =	swait.ge [sflag:s29], $0x1  }
0xb5: {  	[sflag:s29] =	ssyncadd.s32 $0xFFFFFFFF  }
0xb6: {  	_ =	strace $0x90000048  }
0xb7: {  	_ =	sfence  }
0xb8: {  	s30 =	sld [smem:$0x0];
	_ =	sdelay $0x2  }
0xb9: {  	s31 =	sshll.u32 s1, $0xD;
	s1 =	sshrl.u32 s1, $0x2  }
0xba: {  	s3 =	sand.u32 $0x4000, s31;
	s1 =	sadd.s32 s1, s30  }
0xbb: {  	s0 =	sor.u32 s3, s0;
	s1 =	sshll.u32 s1, $0x11  }
0xbc: {  	s0 =	sor.u32 s1, s0  }
0xbd: {  	s0 =	sadd.s32 $0x8F2B, s0  }
0xbe: {  	[sflag:s0] =	ssyncadd.remote.s32 $0x1  }
0xbf: {  	_ =	sfence.sel $0xFFFF  }
0xc0: {  	[dreg:$0x0] =	wrdreg $0xFFFFFFFF;
	(pc) =	sbr.abs _section_cstart, $3  }
0xc1: {  	[dreg:$0x1] =	wrdreg $0xFFFFFFFF  }
0xc2: {  	_ =	task.clear_ibuf [dreg:s7], $0x2FFFF;
	_ =	strace $0x9FFFFFFF  }
0xc3: {  	(tm) =	ssettm $0x7FFFFFFF  }
tec
execute0_lowered:
.L_overlay_start_1:
0x0: {  	(tag) =	ssettag $0x1  }
0x1: {  	s0 =	rddreg [dreg:$0x0]  }
0x2: {  	s1 =	rddreg [dreg:$0x1]  }
0x3: {  	s2 =	rddreg [dreg:$0x2];
	s6 =	stileid.u32  }
0x4: {  	s3 =	simm.s32 $0x0;
	s5 =	srdreg.scid;
	s14 =	simm.s32 $0x480  }
0x5: {  	s16 =	simm.s32 $0x100;
	s17 =	simm.s32 $0x500;
	[smem:$0x7FF] =	sst s3  }
0x6: {  	s18 =	simm.s32 $0x180;
	_ =	strace $0x80000047;
	[dreg:$0x6] =	wrdreg s14  }
0x7: {  	s19 =	simm.s32 $0x580;
	s20 =	simm.s32 $0x200;
	[dreg:$0x7] =	wrdreg s16  }
0x8: {  	s22 =	simm.s32 $0x600;
	s23 =	simm.s32 $0x280;
	[dreg:$0x8] =	wrdreg s17  }
0x9: {  	s24 =	simm.s32 $0x680;
	s25 =	simm.s32 $0x300;
	[dreg:$0x9] =	wrdreg s18  }
0xa: {  	s10 =	simm.s32 $0x80;
	s26 =	simm.s32 $0x700;
	[dreg:$0xa] =	wrdreg s19  }
0xb: {  	s11 =	simm.s32 $0x380;
	s28 =	simm.s32 $0xB80;
	[dreg:$0xb] =	wrdreg s20  }
0xc: {  	s29 =	simm.s32 $0xF80;
	s30 =	simm.s32 $0x1;
	[dreg:$0xc] =	wrdreg s22  }
0xd: {  	s31 =	simm.s32 $0x2;
	s4 =	smul.u32 $0xA00, s6;
	[dreg:$0xd] =	wrdreg s23  }
0xe: {  	s5 =	sand.u32 $0x1, s5;
	s6 =	smul.u32 $0x500, s6;
	[dreg:$0xe] =	wrdreg s24  }
0xf: {  	s7 =	sshll.u32 s5, $0x7;
	s8 =	smul.u32 $0x500, s5;
	[dreg:$0xf] =	wrdreg s25  }
0x10: {  	s5 =	ssub.s32 $0x2, s5;
	[dreg:$0x10] =	wrdreg s26;
	s14 =	simm.s32 $0xC00  }
0x11: {  	s16 =	simm.s32 $0xC80;
	s17 =	simm.s32 $0x900;
	s18 =	simm.s32 $0xD00  }
0x12: {  	s19 =	simm.s32 $0x980;
	s20 =	simm.s32 $0xD80;
	s22 =	simm.s32 $0xE00  }
0x13: {  	s23 =	simm.s32 $0xA80;
	s24 =	simm.s32 $0xE80;
	s25 =	simm.s32 $0xB00  }
0x14: {  	s26 =	simm.s32 $0xF00;
	s9 =	sadd.s32 s4, s1;
	s6 =	sor.u32 s7, s6  }
0x15: {  	s0 =	sadd.s32 s4, s0;
	s15 =	sshrl.u32 s5, $0x1;
	s4 =	sshrl.u32 s4, $0x2  }
0x16: {  	s6 =	sshrl.u32 s6, $0x3;
	s0 =	sadd.s32 s8, s0;
	s12 =	sadd.s32 s8, s9  }
0x17: {  	s4 =	sadd.s32 s4, s2;
	s8 =	simm.s32 $0x3;
	s9 =	simm.s32 $0x400  }
0x18: {  	s1 =	sadd.s32 s6, s1;
	[dreg:$0x4] =	wrdreg s0;
	s13 =	sadd.s32 $0x1E00, s12  }
0x19: {  	s6 =	ssub.s32 s5, s15;
	s12 =	simm.s32 $0x780;
	[dreg:$0x11] =	wrdreg s4  }
0x1a: {  	s15 =	simm.s32 $0x880;
	[dreg:$0x5] =	wrdreg s13;
	s1 =	sadd.s32 $0xBE00, s1  }
0x1b: {  	s21 =	smax.u32 s6, $0x1;
	s13 =	simm.s32 $0x800;
	[dreg:$0x12] =	wrdreg s1  }
0x1c: {  	v0 =	vimm.f32 $0.0e+00;
	[dreg:$0x13] =	wrdreg s21;
	s21 =	simm.s32 $0xA00;
	s1 =	simm.s32 $0x0  }
.LBB2_1:
0x1d: {  	[tilespmem:$0x1000] =	vst v0  }
0x1e: {  	[tilespmem:$0x1010] =	vst v0  }
0x1f: {  	[tilespmem:$0x1020] =	vst v0  }
0x20: {  	[tilespmem:$0x1030] =	vst v0  }
0x21: {  	[tilespmem:$0x1040] =	vst v0  }
0x22: {  	[tilespmem:$0x1050] =	vst v0  }
0x23: {  	[tilespmem:$0x1060] =	vst v0  }
0x24: {  	[tilespmem:$0x1070] =	vst v0  }
0x25: {  	[tilespmem:$0x1080] =	vst v0  }
0x26: {  	[tilespmem:$0x1090] =	vst v0  }
0x27: {  	[tilespmem:$0x10A0] =	vst v0  }
0x28: {  	[tilespmem:$0x10B0] =	vst v0  }
0x29: {  	[tilespmem:$0x10C0] =	vst v0  }
0x2a: {  	[tilespmem:$0x10D0] =	vst v0  }
0x2b: {  	[tilespmem:$0x10E0] =	vst v0  }
0x2c: {  	[tilespmem:$0x10F0] =	vst v0  }
0x2d: {  	[tilespmem:$0x1100] =	vst v0  }
0x2e: {  	[tilespmem:$0x1110] =	vst v0  }
0x2f: {  	[tilespmem:$0x1120] =	vst v0  }
0x30: {  	[tilespmem:$0x1130] =	vst v0  }
0x31: {  	[tilespmem:$0x1140] =	vst v0  }
0x32: {  	[tilespmem:$0x1150] =	vst v0  }
0x33: {  	[tilespmem:$0x1160] =	vst v0  }
0x34: {  	[tilespmem:$0x1170] =	vst v0  }
0x35: {  	[tilespmem:$0x1180] =	vst v0  }
0x36: {  	[tilespmem:$0x1190] =	vst v0  }
0x37: {  	[tilespmem:$0x11A0] =	vst v0  }
0x38: {  	[tilespmem:$0x11B0] =	vst v0  }
0x39: {  	[tilespmem:$0x11C0] =	vst v0  }
0x3a: {  	[tilespmem:$0x11D0] =	vst v0  }
0x3b: {  	[tilespmem:$0x11E0] =	vst v0  }
0x3c: {  	[tilespmem:$0x11F0] =	vst v0  }
0x3d: {  	[tilespmem:$0x1200] =	vst v0  }
0x3e: {  	[tilespmem:$0x1210] =	vst v0  }
0x3f: {  	[tilespmem:$0x1220] =	vst v0  }
0x40: {  	[tilespmem:$0x1230] =	vst v0  }
0x41: {  	[tilespmem:$0x1240] =	vst v0  }
0x42: {  	[tilespmem:$0x1250] =	vst v0  }
0x43: {  	[tilespmem:$0x1260] =	vst v0  }
0x44: {  	[dreg:$0x14] =	wrdreg s1;
	[tilespmem:$0x1270] =	vst v0;
	s0 =	simm.s32 $0x1000  }
0x45: {  	[spmem:s4] =	stream.linear.scatter [tilespmem:s0], [sflag:$0x3], $0x280, $0x38;
	[tilespmem:$0x1500] =	vst v63  }
0x46: {  	_ =	swait.ge [sflag:s8], $0x280  }
0x47: {  	[sflag:s8] =	ssyncset.done $0x0  }
0x48: {  	[sflag:s8] =	ssyncadd.s32 $0xFFFFFD80  }
0x49: {  	[bflag:$0x0] =	sbarrier.arrive $0xFFFF  }
0x4a: {  	s6 =	rddreg [dreg:$0x4]  }
0x4b: {  	s0 =	sadd.s32 $0x0, s6  }
0x4c: {  	[tilespmem:s3], [sflag:$0x3] =	stream.linear.gather [hbm4b:s0+s3], $0x400, $0x38;
	[tilespmem:$0x1500] =	vst v63  }
0x4d: {  	_ =	swait.ge [sflag:s8], $0x400  }
0x4e: {  	s7 =	rddreg [dreg:$0x5];
	[sflag:s8] =	ssyncset.done $0x0  }
0x4f: {  	[sflag:s8] =	ssyncadd.s32 $0xFFFFFC00;
	s1 =	sadd.s32 $0x0, s7  }
0x50: {  	[tilespmem:s9], [sflag:$0x3] =	stream.linear.gather [hbm4b:s1+s3], $0x400, $0x38;
	[tilespmem:$0x1500] =	vst v63  }
0x51: {  	_ =	swait.ge [sflag:s8], $0x400  }
0x52: {  	s5 =	rddreg [dreg:$0x7]  }
0x53: {  	[sflag:s8] =	ssyncset.done $0x0;
	s6 =	rddreg [dreg:$0x6]  }
0x54: {  	s4 =	rddreg [dreg:$0x8];
	[sflag:s8] =	ssyncadd.s32 $0xFFFFFC00  }
0x55: {  	[spmem:s2] =	stream.indirect.scatter.add.f32 [tilespmem:s9], [sflag:$0x1], $0x1, s3, s10, $0xb8;
	[tilespmem:$0x1500] =	vst v63  }
0x56: {  	s7 =	rddreg [dreg:$0xa]  }
0x57: {  	[spmem:s2] =	stream.indirect.scatter.add.f32 [tilespmem:s6], [sflag:$0x1], $0x1, s10, s10, $0xb8;
	[tilespmem:$0x1500] =	vst v63  }
0x58: {  	s6 =	rddreg [dreg:$0x9]  }
0x59: {  	[spmem:s2] =	stream.indirect.scatter.add.f32 [tilespmem:s4], [sflag:$0x1], $0x1, s5, s10, $0xb8;
	[tilespmem:$0x1500] =	vst v63  }
0x5a: {  	s4 =	rddreg [dreg:$0xc]  }
0x5b: {  	s5 =	rddreg [dreg:$0xb]  }
0x5c: {  	[spmem:s2] =	stream.indirect.scatter.add.f32 [tilespmem:s7], [sflag:$0x1], $0x1, s6, s10, $0xb8;
	[tilespmem:$0x1500] =	vst v63  }
0x5d: {  	s6 =	rddreg [dreg:$0xe]  }
0x5e: {  	s7 =	rddreg [dreg:$0xd]  }
0x5f: {  	[spmem:s2] =	stream.indirect.scatter.add.f32 [tilespmem:s4], [sflag:$0x1], $0x1, s5, s10, $0xb8;
	[tilespmem:$0x1500] =	vst v63  }
0x60: {  	s4 =	rddreg [dreg:$0x10]  }
0x61: {  	[spmem:s2] =	stream.indirect.scatter.add.f32 [tilespmem:s6], [sflag:$0x1], $0x1, s7, s10, $0xb8;
	[tilespmem:$0x1500] =	vst v63  }
0x62: {  	s5 =	rddreg [dreg:$0xf]  }
0x63: {  	[spmem:s2] =	stream.indirect.scatter.add.f32 [tilespmem:s4], [sflag:$0x1], $0x1, s5, s10, $0xb8;
	[tilespmem:$0x1500] =	vst v63  }
0x64: {  	_ = 	snop  }
0x65: {  	[spmem:s2] =	stream.indirect.scatter.add.f32 [tilespmem:s12], [sflag:$0x1], $0x1, s11, s10, $0xb8;
	[tilespmem:$0x1500] =	vst v63  }
0x66: {  	s0 =	sadd.s32 $0x80, s0  }
0x67: {  	[tilespmem:s13], [sflag:$0x3] =	stream.linear.gather [hbm4b:s0+s3], $0x400, $0x38;
	[tilespmem:$0x1500] =	vst v63  }
0x68: {  	_ =	swait.ge [sflag:s8], $0x400  }
0x69: {  	[sflag:s8] =	ssyncset.done $0x0  }
0x6a: {  	s12 =	sadd.s32 $0x80, s1;
	[sflag:s8] =	ssyncadd.s32 $0xFFFFFC00  }
0x6b: {  	[tilespmem:s14], [sflag:$0x3] =	stream.linear.gather [hbm4b:s12+s3], $0x400, $0x38;
	[tilespmem:$0x1500] =	vst v63  }
0x6c: {  	_ =	swait.ge [sflag:s8], $0x400  }
0x6d: {  	[sflag:s8] =	ssyncset.done $0x0  }
0x6e: {  	[sflag:s8] =	ssyncadd.s32 $0xFFFFFC00  }
0x6f: {  	[spmem:s2] =	stream.indirect.scatter.add.f32 [tilespmem:s14], [sflag:$0x2], $0x1, s13, s10, $0xb8;
	[tilespmem:$0x1500] =	vst v63  }
0x70: {  	_ = 	snop  }
0x71: {  	[spmem:s2] =	stream.indirect.scatter.add.f32 [tilespmem:s16], [sflag:$0x2], $0x1, s15, s10, $0xb8;
	[tilespmem:$0x1500] =	vst v63  }
0x72: {  	_ = 	snop  }
0x73: {  	[spmem:s2] =	stream.indirect.scatter.add.f32 [tilespmem:s18], [sflag:$0x2], $0x1, s17, s10, $0xb8;
	[tilespmem:$0x1500] =	vst v63  }
0x74: {  	_ = 	snop  }
0x75: {  	[spmem:s2] =	stream.indirect.scatter.add.f32 [tilespmem:s20], [sflag:$0x2], $0x1, s19, s10, $0xb8;
	[tilespmem:$0x1500] =	vst v63  }
0x76: {  	_ = 	snop  }
0x77: {  	[spmem:s2] =	stream.indirect.scatter.add.f32 [tilespmem:s22], [sflag:$0x2], $0x1, s21, s10, $0xb8;
	[tilespmem:$0x1500] =	vst v63  }
0x78: {  	_ = 	snop  }
0x79: {  	[spmem:s2] =	stream.indirect.scatter.add.f32 [tilespmem:s24], [sflag:$0x2], $0x1, s23, s10, $0xb8;
	[tilespmem:$0x1500] =	vst v63  }
0x7a: {  	_ = 	snop  }
0x7b: {  	[spmem:s2] =	stream.indirect.scatter.add.f32 [tilespmem:s26], [sflag:$0x2], $0x1, s25, s10, $0xb8;
	[tilespmem:$0x1500] =	vst v63  }
0x7c: {  	_ = 	snop  }
0x7d: {  	[spmem:s2] =	stream.indirect.scatter.add.f32 [tilespmem:s29], [sflag:$0x2], $0x1, s28, s10, $0xb8;
	[tilespmem:$0x1500] =	vst v63  }
0x7e: {  	_ =	swait.ge [sflag:s30], $0x80  }
0x7f: {  	[sflag:s30] =	ssyncset.done $0x0  }
0x80: {  	[sflag:s30] =	ssyncadd.s32 $0xFFFFFF80  }
0x81: {  	_ =	swait.ge [sflag:s30], $0x80  }
0x82: {  	[sflag:s30] =	ssyncset.done $0x0  }
0x83: {  	[sflag:s30] =	ssyncadd.s32 $0xFFFFFF80  }
0x84: {  	_ =	swait.ge [sflag:s30], $0x80  }
0x85: {  	[sflag:s30] =	ssyncset.done $0x0  }
0x86: {  	[sflag:s30] =	ssyncadd.s32 $0xFFFFFF80  }
0x87: {  	_ =	swait.ge [sflag:s30], $0x80  }
0x88: {  	[sflag:s30] =	ssyncset.done $0x0  }
0x89: {  	[sflag:s30] =	ssyncadd.s32 $0xFFFFFF80  }
0x8a: {  	_ =	swait.ge [sflag:s30], $0x80  }
0x8b: {  	[sflag:s30] =	ssyncset.done $0x0  }
0x8c: {  	[sflag:s30] =	ssyncadd.s32 $0xFFFFFF80  }
0x8d: {  	_ =	swait.ge [sflag:s30], $0x80  }
0x8e: {  	[sflag:s30] =	ssyncset.done $0x0  }
0x8f: {  	[sflag:s30] =	ssyncadd.s32 $0xFFFFFF80  }
0x90: {  	_ =	swait.ge [sflag:s30], $0x80  }
0x91: {  	[sflag:s30] =	ssyncset.done $0x0  }
0x92: {  	[sflag:s30] =	ssyncadd.s32 $0xFFFFFF80  }
0x93: {  	_ =	swait.ge [sflag:s30], $0x80  }
0x94: {  	[sflag:s30] =	ssyncset.done $0x0  }
0x95: {  	[sflag:s30] =	ssyncadd.s32 $0xFFFFFF80  }
0x96: {  	_ =	swait.ge [sflag:s31], $0x80  }
0x97: {  	[sflag:s31] =	ssyncset.done $0x0  }
0x98: {  	[sflag:s31] =	ssyncadd.s32 $0xFFFFFF80  }
0x99: {  	_ =	swait.ge [sflag:s31], $0x80  }
0x9a: {  	[sflag:s31] =	ssyncset.done $0x0  }
0x9b: {  	[sflag:s31] =	ssyncadd.s32 $0xFFFFFF80  }
0x9c: {  	_ =	swait.ge [sflag:s31], $0x80  }
0x9d: {  	[sflag:s31] =	ssyncset.done $0x0  }
0x9e: {  	[sflag:s31] =	ssyncadd.s32 $0xFFFFFF80  }
0x9f: {  	_ =	swait.ge [sflag:s31], $0x80  }
0xa0: {  	[sflag:s31] =	ssyncset.done $0x0  }
0xa1: {  	[sflag:s31] =	ssyncadd.s32 $0xFFFFFF80  }
0xa2: {  	_ =	swait.ge [sflag:s31], $0x80  }
0xa3: {  	[sflag:s31] =	ssyncset.done $0x0  }
0xa4: {  	[sflag:s31] =	ssyncadd.s32 $0xFFFFFF80  }
0xa5: {  	_ =	swait.ge [sflag:s31], $0x80  }
0xa6: {  	[sflag:s31] =	ssyncset.done $0x0  }
0xa7: {  	[sflag:s31] =	ssyncadd.s32 $0xFFFFFF80  }
0xa8: {  	s0 =	simm.s32 $0x100;
	_ =	swait.ge [sflag:s31], $0x80  }
.LBB2_2:
0xa9: {  	[sflag:s31] =	ssyncset.done $0x0  }
0xaa: {  	[sflag:s31] =	ssyncadd.s32 $0xFFFFFF80  }
0xab: {  	_ =	swait.ge [sflag:s31], $0x80  }
0xac: {  	s1 =	smov.u32 s0;
	s4 =	rddreg [dreg:$0x4];
	[sflag:s31] =	ssyncset.done $0x0  }
0xad: {  	[sflag:s31] =	ssyncadd.s32 $0xFFFFFF80;
	s4 =	sadd.s32 s1, s4  }
0xae: {  	[tilespmem:s3], [sflag:$0x3] =	stream.linear.gather [hbm4b:s4+s3], $0x400, $0x38;
	[tilespmem:$0x1500] =	vst v63  }
0xaf: {  	_ =	swait.ge [sflag:s8], $0x400  }
0xb0: {  	s5 =	rddreg [dreg:$0x5];
	[sflag:s8] =	ssyncset.done $0x0  }
0xb1: {  	[sflag:s8] =	ssyncadd.s32 $0xFFFFFC00;
	s1 =	sadd.s32 s1, s5  }
0xb2: {  	[tilespmem:s9], [sflag:$0x3] =	stream.linear.gather [hbm4b:s1+s3], $0x400, $0x38;
	[tilespmem:$0x1500] =	vst v63  }
0xb3: {  	_ =	swait.ge [sflag:s8], $0x400  }
0xb4: {  	s5 =	rddreg [dreg:$0x10]  }
0xb5: {  	s6 =	rddreg [dreg:$0xe]  }
0xb6: {  	s7 =	rddreg [dreg:$0xc]  }
0xb7: {  	[sflag:s8] =	ssyncset.done $0x0;
	s11 =	rddreg [dreg:$0x7]  }
0xb8: {  	s12 =	rddreg [dreg:$0x6];
	[sflag:s8] =	ssyncadd.s32 $0xFFFFFC00  }
0xb9: {  	[spmem:s2] =	stream.indirect.scatter.add.f32 [tilespmem:s9], [sflag:$0x1], $0x1, s3, s10, $0xb8;
	[tilespmem:$0x1500] =	vst v63  }
0xba: {  	s15 =	rddreg [dreg:$0x8]  }
0xbb: {  	[spmem:s2] =	stream.indirect.scatter.add.f32 [tilespmem:s12], [sflag:$0x1], $0x1, s10, s10, $0xb8;
	[tilespmem:$0x1500] =	vst v63  }
0xbc: {  	s16 =	rddreg [dreg:$0xa]  }
0xbd: {  	[spmem:s2] =	stream.indirect.scatter.add.f32 [tilespmem:s15], [sflag:$0x1], $0x1, s11, s10, $0xb8;
	[tilespmem:$0x1500] =	vst v63  }
0xbe: {  	s12 =	rddreg [dreg:$0x9]  }
0xbf: {  	[spmem:s2] =	stream.indirect.scatter.add.f32 [tilespmem:s16], [sflag:$0x1], $0x1, s12, s10, $0xb8;
	[tilespmem:$0x1500] =	vst v63  }
0xc0: {  	s11 =	rddreg [dreg:$0xb]  }
0xc1: {  	[spmem:s2] =	stream.indirect.scatter.add.f32 [tilespmem:s7], [sflag:$0x1], $0x1, s11, s10, $0xb8;
	[tilespmem:$0x1500] =	vst v63  }
0xc2: {  	s12 =	rddreg [dreg:$0xd]  }
0xc3: {  	[spmem:s2] =	stream.indirect.scatter.add.f32 [tilespmem:s6], [sflag:$0x1], $0x1, s12, s10, $0xb8;
	[tilespmem:$0x1500] =	vst v63  }
0xc4: {  	s7 =	rddreg [dreg:$0xf]  }
0xc5: {  	[spmem:s2] =	stream.indirect.scatter.add.f32 [tilespmem:s5], [sflag:$0x1], $0x1, s7, s10, $0xb8;
	[tilespmem:$0x1500] =	vst v63  }
0xc6: {  	s11 =	simm.s32 $0x380;
	s12 =	simm.s32 $0x780  }
0xc7: {  	[spmem:s2] =	stream.indirect.scatter.add.f32 [tilespmem:s12], [sflag:$0x1], $0x1, s11, s10, $0xb8;
	[tilespmem:$0x1500] =	vst v63  }
0xc8: {  	s4 =	sadd.s32 $0x80, s4  }
0xc9: {  	[tilespmem:s13], [sflag:$0x3] =	stream.linear.gather [hbm4b:s4+s3], $0x400, $0x38;
	[tilespmem:$0x1500] =	vst v63  }
0xca: {  	_ =	swait.ge [sflag:s8], $0x400  }
0xcb: {  	[sflag:s8] =	ssyncset.done $0x0  }
0xcc: {  	s1 =	sadd.s32 $0x80, s1;
	[sflag:s8] =	ssyncadd.s32 $0xFFFFFC00  }
0xcd: {  	[tilespmem:s14], [sflag:$0x3] =	stream.linear.gather [hbm4b:s1+s3], $0x400, $0x38;
	[tilespmem:$0x1500] =	vst v63  }
0xce: {  	_ =	swait.ge [sflag:s8], $0x400  }
0xcf: {  	[sflag:s8] =	ssyncset.done $0x0  }
0xd0: {  	[sflag:s8] =	ssyncadd.s32 $0xFFFFFC00  }
0xd1: {  	[spmem:s2] =	stream.indirect.scatter.add.f32 [tilespmem:s14], [sflag:$0x2], $0x1, s13, s10, $0xb8;
	[tilespmem:$0x1500] =	vst v63  }
0xd2: {  	s15 =	simm.s32 $0x880;
	s16 =	simm.s32 $0xC80  }
0xd3: {  	[spmem:s2] =	stream.indirect.scatter.add.f32 [tilespmem:s16], [sflag:$0x2], $0x1, s15, s10, $0xb8;
	[tilespmem:$0x1500] =	vst v63  }
0xd4: {  	_ = 	snop  }
0xd5: {  	[spmem:s2] =	stream.indirect.scatter.add.f32 [tilespmem:s18], [sflag:$0x2], $0x1, s17, s10, $0xb8;
	[tilespmem:$0x1500] =	vst v63  }
0xd6: {  	_ = 	snop  }
0xd7: {  	[spmem:s2] =	stream.indirect.scatter.add.f32 [tilespmem:s20], [sflag:$0x2], $0x1, s19, s10, $0xb8;
	[tilespmem:$0x1500] =	vst v63  }
0xd8: {  	_ = 	snop  }
0xd9: {  	[spmem:s2] =	stream.indirect.scatter.add.f32 [tilespmem:s22], [sflag:$0x2], $0x1, s21, s10, $0xb8;
	[tilespmem:$0x1500] =	vst v63  }
0xda: {  	_ = 	snop  }
0xdb: {  	[spmem:s2] =	stream.indirect.scatter.add.f32 [tilespmem:s24], [sflag:$0x2], $0x1, s23, s10, $0xb8;
	[tilespmem:$0x1500] =	vst v63  }
0xdc: {  	_ = 	snop  }
0xdd: {  	[spmem:s2] =	stream.indirect.scatter.add.f32 [tilespmem:s26], [sflag:$0x2], $0x1, s25, s10, $0xb8;
	[tilespmem:$0x1500] =	vst v63  }
0xde: {  	_ = 	snop  }
0xdf: {  	[spmem:s2] =	stream.indirect.scatter.add.f32 [tilespmem:s29], [sflag:$0x2], $0x1, s28, s10, $0xb8;
	[tilespmem:$0x1500] =	vst v63  }
0xe0: {  	_ =	swait.ge [sflag:s30], $0x80  }
0xe1: {  	[sflag:s30] =	ssyncset.done $0x0  }
0xe2: {  	[sflag:s30] =	ssyncadd.s32 $0xFFFFFF80  }
0xe3: {  	_ =	swait.ge [sflag:s30], $0x80  }
0xe4: {  	[sflag:s30] =	ssyncset.done $0x0  }
0xe5: {  	[sflag:s30] =	ssyncadd.s32 $0xFFFFFF80  }
0xe6: {  	_ =	swait.ge [sflag:s30], $0x80  }
0xe7: {  	[sflag:s30] =	ssyncset.done $0x0  }
0xe8: {  	[sflag:s30] =	ssyncadd.s32 $0xFFFFFF80  }
0xe9: {  	_ =	swait.ge [sflag:s30], $0x80  }
0xea: {  	[sflag:s30] =	ssyncset.done $0x0  }
0xeb: {  	[sflag:s30] =	ssyncadd.s32 $0xFFFFFF80  }
0xec: {  	_ =	swait.ge [sflag:s30], $0x80  }
0xed: {  	[sflag:s30] =	ssyncset.done $0x0  }
0xee: {  	[sflag:s30] =	ssyncadd.s32 $0xFFFFFF80  }
0xef: {  	_ =	swait.ge [sflag:s30], $0x80  }
0xf0: {  	[sflag:s30] =	ssyncset.done $0x0  }
0xf1: {  	[sflag:s30] =	ssyncadd.s32 $0xFFFFFF80  }
0xf2: {  	_ =	swait.ge [sflag:s30], $0x80  }
0xf3: {  	[sflag:s30] =	ssyncset.done $0x0  }
0xf4: {  	[sflag:s30] =	ssyncadd.s32 $0xFFFFFF80  }
0xf5: {  	_ =	swait.ge [sflag:s30], $0x80  }
0xf6: {  	[sflag:s30] =	ssyncset.done $0x0  }
0xf7: {  	[sflag:s30] =	ssyncadd.s32 $0xFFFFFF80  }
0xf8: {  	_ =	swait.ge [sflag:s31], $0x80  }
0xf9: {  	[sflag:s31] =	ssyncset.done $0x0  }
0xfa: {  	[sflag:s31] =	ssyncadd.s32 $0xFFFFFF80  }
0xfb: {  	_ =	swait.ge [sflag:s31], $0x80  }
0xfc: {  	[sflag:s31] =	ssyncset.done $0x0  }
0xfd: {  	[sflag:s31] =	ssyncadd.s32 $0xFFFFFF80  }
0xfe: {  	_ =	swait.ge [sflag:s31], $0x80  }
0xff: {  	[sflag:s31] =	ssyncset.done $0x0  }
0x100: {  	[sflag:s31] =	ssyncadd.s32 $0xFFFFFF80  }
0x101: {  	_ =	swait.ge [sflag:s31], $0x80  }
0x102: {  	[sflag:s31] =	ssyncset.done $0x0  }
0x103: {  	[sflag:s31] =	ssyncadd.s32 $0xFFFFFF80  }
0x104: {  	_ =	swait.ge [sflag:s31], $0x80  }
0x105: {  	p0 =	sne.s32 s0, $0x400;
	[sflag:s31] =	ssyncset.done $0x0  }
.Ltmp0:
0x106: {  	[sflag:s31] =	ssyncadd.s32 $0xFFFFFF80;
	(pc) =	sbr.rel @p0 .LBB2_2-.Ltmp0, $4  }
0x107: {  	_ =	swait.ge [sflag:s31], $0x80  }
0x108: {  	[sflag:s31] =	ssyncset.done $0x0  }
0x109: {  	[sflag:s31] =	ssyncadd.s32 $0xFFFFFF80  }
0x10a: {  	s0 =	sadd.s32 $0x100, s0;
	_ =	swait.ge [sflag:s31], $0x80  }
0x10b: {  	[sflag:s31] =	ssyncset.done $0x0  }
0x10c: {  	[sflag:s31] =	ssyncadd.s32 $0xFFFFFF80  }
0x10d: {  	_ =	swait.ge [sflag:s31], $0x80  }
0x10e: {  	[sflag:s31] =	ssyncset.done $0x0  }
0x10f: {  	[sflag:s31] =	ssyncadd.s32 $0xFFFFFF80  }
0x110: {  	s0 =	stileid.u32;
	s6 =	simm.s32 $0x20;
	[bflag:$0x0] =	sbarrier.arrive $0xFFFF  }
0x111: {  	s7 =	simm.s32 $0x10;
	s0 =	sshll.u32 s0, $0x6;
	s4 =	rddreg [dreg:$0x11]  }
0x112: {  	s0 =	sor.u32 $0x1C03, s0;
	s5 =	rddreg [dreg:$0x12];
	s1 =	sshrl.u32 s4, $0x3  }
0x113: {  	[hbm:s5@s6], [sflag:s0] =	dma.strided [spmem:s1@s7], $0x50, s30, $0x10   }
0x114: {  	_ =	swait.ge [sflag:s8], $0x50  }
0x115: {  	s6 =	rddreg [dreg:$0x14]  }
0x116: {  	s7 =	rddreg [dreg:$0x13];
	s1 =	sadd.s32 $0x1, s6  }
0x117: {  	p0 =	sne.s32 s1, s7  }
.Ltmp1:
0x118: {  	_ = 	snop;
	(pc) =	sbr.rel @p0 .LBB2_1-.Ltmp1, $3  }
0x119: {  	_ =	sdelay $0x1  }
0x11a: {  	[sflag:s8] =	ssyncset.done $0x0  }
0x11b: {  	[sflag:s8] =	ssyncadd.s32 $0xFFFFFFB0  }
0x11c: {  	_ =	sfence.sel $0x180000  }
0x11d: {  	[bflag:$0x0] =	sbarrier.arrive $0xFFFF  }
0x11e: {  	_ =	strace $0x90000047  }
0x11f: {  	s0 =	stileid.u32;
	[bflag:$0x2] =	sbarrier.arrive $0xFFFF  }
0x120: {  	p0 =	sne.s32 s0, $0x0;
	s0 =	rddreg [dreg:$0x3]  }
0x121: {  	s0 =	sadd.s32 @!p0 $0x100000, s0  }
0x122: {  	[sflag:s0] =	ssyncadd.tile.s32 @!p0 $0x1;
	_ =	shalt  }
.Lfunc_end2:
_tile_overlayer_lowered:
.L_overlay_start_2:
0x123: {  	(tag) =	ssettag $0x2  }
0x124: {  	s0 =	rddreg [dreg:$0x0];
	s2 =	stileid.u32  }
0x125: {  	s1 =	rddreg [dreg:$0x1];
	p0 =	sne.s32 s2, $0x0  }
0x126: {  	s3 =	rddreg [dreg:$0x2];
	[bflag:$0x3] =	sbarrier.arrive $0xFFFF;
	s2 =	simm.s32 @!p0 $0x1C03  }
0x127: {  	[timem:s3], [sflag:s2] =	dma.local @!p0 [hbm:s0], s1  }
0x128: {  	s0 =	simm.s32 @!p0 $0x3  }
0x129: {  	_ =	swait.ge @!p0 [sflag:s0], s1  }
0x12a: {  	s1 =	ssub.s32 @!p0 $0x0, s1;
	[sflag:s0] =	ssyncset.done @!p0 $0x0  }
0x12b: {  	[sflag:s0] =	ssyncadd.s32 @!p0 s1  }
0x12c: {  	[bflag:$0x3] =	sbarrier.arrive $0xFFFF  }
0x12d: {  	_ =	shalt  }

// kernel: kernel.9.cloned.1.call-start
scs
__scs_entry_jumppad:
0x0: {  	(pc) =	sbr.rel $0x88, $3  }
0x1: {  	(tag) =	ssettag $0x0;
	lr =	simm.s32 $0x1  }
0x2: {  	[smem:$0x3F9B] =	sst lr;
	_ =	strace $0xD0000000  }
0x3: {  	_ = 	snop  }
0x4: {  	_ = 	snop  }
0x5: {  	_ = 	snop  }
0x6: {  	_ = 	snop  }
0x7: {  	_ = 	snop  }
__scs_overlays_trampoline_lowered:
0x8: {  	[smem:$0x3FAA] =	sst s0  }
0x9: {  	[smem:$0x3FAB] =	sst s1  }
0xa: {  	[smem:$0x3FAC] =	sst s2  }
0xb: {  	[smem:$0x3FAD] =	sst s3  }
0xc: {  	[smem:$0x3FAE] =	sst s4  }
0xd: {  	[smem:$0x3FAF] =	sst s5  }
0xe: {  	[smem:$0x3FB0] =	sst s6  }
0xf: {  	[smem:$0x3FB1] =	sst s7  }
0x10: {  	[smem:$0x3FB2] =	sst s8  }
0x11: {  	[smem:$0x3FB3] =	sst s9;
	s0 =	simm.s32 @!p0 $0x0  }
0x12: {  	s1 =	sld [smem:$0x3F99];
	s0 =	simm.s32 @p0 $0x1  }
0x13: {  	[smem:$0x3FB4] =	sst s0;
	s0 =	simm.s32 @!p1 $0x0  }
0x14: {  	s2 =	sld [smem:$0x3F98];
	s0 =	simm.s32 @p1 $0x1  }
0x15: {  	[smem:$0x3FB5] =	sst s0;
	s0 =	simm.s32 @!p2 $0x0  }
0x16: {  	s3 =	sld [smem:$0x3FDB];
	s0 =	simm.s32 @p2 $0x1  }
0x17: {  	s4 =	simm.s32 $0x1BF5;
	[smem:$0x3FB7] =	sst s0  }
0x18: {  	s0 =	sld [smem:$0x3F9A];
	_ =	swait.ge [sflag:s4], $0x0  }
0x19: {  	s7 =	sld [smem:$0x3F9B]  }
0x1a: {  	s8 =	sadd.s32 $0xFFFFE003, lr  }
0x1b: {  	s9 =	sadd.s32 $0xFFFFFEF7, lr;
	s5 =	simm.s32 $0xFFFFFFFF;
	p2 =	slt.u32 s8, $0xFFFFF086  }
0x1c: {  	p1 =	slt.u32 s9, $0xF7A;
	s5 =	simm.s32 @!p2 $0x0  }
0x1d: {  	s5 =	simm.s32 @p1 $0x1;
	p0 =	seq.s32 s7, s2  }
0x1e: {  	s7 =	smul.u32 @!p0 $0xF7A, s2;
	p2 =	seq.s32 @!p0 s5, $0x0  }
0x1f: {  	s9 =	smul.u32 $0xF7A, s1;
	s8 =	simm.s32 @!p0 $0x1BF5;
	p2 =	por !p2, p0  }
0x20: {  	[sflag:s8] =	ssyncset.s32 @!p0 $0xFFFFF086;
	s6 =	sadd.s32 @!p0 s3, s7;
	s7 =	simm.s32 @!p0 $0x108  }
0x21: {  	s3 =	sadd.s32 s3, s9;
	s6 =	sadd.s32 @!p0 $0x88, s6;
	s7 =	simm.s32 @p2 $0x1082  }
0x22: {  	[simem:s7], [sflag:s8] =	dma.local @!p0 [hbm:s6], $0xF7A  }
0x23: {  	s9 =	sor.u32 $0xD0000000, s2;
	s6 =	simm.s32 $0x108;
	_ =	swait.ge @!p0 [sflag:s8], $0x0  }
0x24: {  	s3 =	sadd.s32 $0x88, s3;
	s6 =	simm.s32 @!p1 $0x1082;
	[sflag:s4] =	ssyncset.s32 $0xFFFFF086  }
0x25: {  	[simem:s6], [sflag:s4] =	dma.local [hbm:s3], $0xF7A  }
0x26: {  	[smem:$0x3F9B] =	sst s1;
	(tag) =	ssettag s2;
	_ =	strace s9  }
0x27: {  	s1 =	sld [smem:$0x3FAB]  }
0x28: {  	s2 =	sld [smem:$0x3FAC]  }
0x29: {  	s4 =	sld [smem:$0x3FAE]  }
0x2a: {  	p0 =	seq.s32 s5, $0x0;
	s5 =	sld [smem:$0x3FAF]  }
0x2b: {  	s6 =	sld [smem:$0x3FB0]  }
0x2c: {  	s7 =	sld [smem:$0x3FB1]  }
0x2d: {  	s3 =	simm.s32 $0x108;
	s8 =	sld [smem:$0x3FB2]  }
0x2e: {  	s3 =	simm.s32 @!p0 $0x1082;
	s9 =	sld [smem:$0x3FB3]  }
0x2f: {  	lr =	sadd.s32 s0, s3;
	s0 =	sld [smem:$0x3FAA]  }
0x30: {  	s3 =	sld [smem:$0x3FAD]  }
0x31: {  	[smem:$0x3FB6] =	sst s10  }
0x32: {  	s10 =	sld [smem:$0x3FB4];
	_ =	sdelay $0x3  }
0x33: {  	p0 =	seq.s32 s10, $0x1;
	s10 =	sld [smem:$0x3FB6];
	_ =	sdelay $0x3  }
0x34: {  	[smem:$0x3FB6] =	sst s10  }
0x35: {  	s10 =	sld [smem:$0x3FB5];
	_ =	sdelay $0x3  }
0x36: {  	p1 =	seq.s32 s10, $0x1;
	s10 =	sld [smem:$0x3FB6];
	_ =	sdelay $0x3  }
0x37: {  	[smem:$0x3FB6] =	sst s10  }
0x38: {  	s10 =	sld [smem:$0x3FB7]  }
0x39: {  	_ = 	snop;
	(pc) =	sbr.ind lr, $3  }
0x3a: {  	_ = 	snop  }
0x3b: {  	_ = 	snop  }
0x3c: {  	p2 =	seq.s32 s10, $0x1;
	s10 =	sld [smem:$0x3FB6]  }
0x3d: {  	_ =	shalt  }
0x3e: {  	_ =	shalt  }
0x3f: {  	_ =	shalt  }
0x40: {  	_ =	shalt  }
0x41: {  	_ =	shalt  }
0x42: {  	_ =	shalt  }
0x43: {  	_ =	shalt  }
0x44: {  	_ =	shalt  }
0x45: {  	_ =	shalt  }
0x46: {  	_ =	shalt  }
0x47: {  	_ =	shalt  }
0x48: {  	_ =	shalt  }
0x49: {  	_ =	shalt  }
0x4a: {  	_ =	shalt  }
0x4b: {  	_ =	shalt  }
0x4c: {  	_ =	shalt  }
0x4d: {  	_ =	shalt  }
0x4e: {  	_ =	shalt  }
0x4f: {  	_ =	shalt  }
0x50: {  	_ =	shalt  }
0x51: {  	_ =	shalt  }
0x52: {  	_ =	shalt  }
0x53: {  	_ =	shalt  }
0x54: {  	_ =	shalt  }
0x55: {  	_ =	shalt  }
0x56: {  	_ =	shalt  }
0x57: {  	_ =	shalt  }
0x58: {  	_ =	shalt  }
0x59: {  	_ =	shalt  }
0x5a: {  	_ =	shalt  }
0x5b: {  	_ =	shalt  }
0x5c: {  	_ =	shalt  }
0x5d: {  	_ =	shalt  }
0x5e: {  	_ =	shalt  }
0x5f: {  	_ =	shalt  }
0x60: {  	_ =	shalt  }
0x61: {  	_ =	shalt  }
0x62: {  	_ =	shalt  }
0x63: {  	_ =	shalt  }
0x64: {  	_ =	shalt  }
0x65: {  	_ =	shalt  }
0x66: {  	_ =	shalt  }
0x67: {  	_ =	shalt  }
0x68: {  	_ =	shalt  }
0x69: {  	_ =	shalt  }
0x6a: {  	_ =	shalt  }
0x6b: {  	_ =	shalt  }
0x6c: {  	_ =	shalt  }
0x6d: {  	_ =	shalt  }
0x6e: {  	_ =	shalt  }
0x6f: {  	_ =	shalt  }
0x70: {  	_ =	shalt  }
0x71: {  	_ =	shalt  }
0x72: {  	_ =	shalt  }
0x73: {  	_ =	shalt  }
0x74: {  	_ =	shalt  }
0x75: {  	_ =	shalt  }
0x76: {  	_ =	shalt  }
0x77: {  	_ =	shalt  }
0x78: {  	_ =	shalt  }
0x79: {  	_ =	shalt  }
0x7a: {  	_ =	shalt  }
0x7b: {  	_ =	shalt  }
0x7c: {  	_ =	shalt  }
0x7d: {  	_ =	shalt  }
0x7e: {  	_ =	shalt  }
0x7f: {  	_ =	shalt  }
0x80: {  	_ =	shalt  }
0x81: {  	_ =	shalt  }
0x82: {  	_ =	shalt  }
0x83: {  	_ =	shalt  }
0x84: {  	_ =	shalt  }
0x85: {  	_ =	shalt  }
0x86: {  	_ =	shalt  }
0x87: {  	_ =	shalt  }
.Lfunc_end0:
.L_simem_size_0:
called_computation.1_lowered:
.L_overlay_start_0:
0x88: {  	s2 =	sld [smem:$0x3FD9]  }
0x89: {  	s3 =	sld [smem:$0x3FFE];
	_ =	sdelay $0x1  }
0x8a: {  	s1 =	srdreg.scid  }
0x8b: {  	s0 =	sand.u32 $0x1, s1  }
0x8c: {  	s16 =	sshll.u32 s0, $0xA;
	s2 =	sadd.s32 s3, s2  }
0x8d: {  	s2 =	sadd.s32 s2, s16  }
0x8e: {  	[smem:$0x3FC2] =	sst s2  }
0x8f: {  	_ = 	snop  }
0x90: {  	(tm) =	ssettm $0x1  }
0x91: {  	s17 =	sld [smem:$0x3FFB];
	_ =	sdelay $0x3  }
0x92: {  	_ =	strace s17  }
0x93: {  	s2 =	sld [smem:$0x3FFC];
	_ =	sdelay $0x3  }
0x94: {  	_ =	strace s2  }
0x95: {  	s2 =	sld [smem:$0x3FFD];
	_ =	sdelay $0x3  }
0x96: {  	_ =	strace s2  }
0x97: {  	_ =	strace $0x8FFFFFFF  }
0x98: {  	s18 =	sld [smem:$0x3FDB];
	_ =	sdelay $0x1  }
0x99: {  	s19 =	simm.s32 $_scs_section_size  }
0x9a: {  	s4 =	simm.s32 $_size__tile_overlayer_lowered;
	s5 =	simm.s32 $_tile_overlayer_lowered  }
0x9b: {  	s22 =	simm.s32 $0x1BFF;
	s21 =	sshll.u32 s5, $0x1;
	s2 =	sadd.s32 s19, s18  }
0x9c: {  	s6 =	simm.s32 $0x0;
	s20 =	sshll.u32 s4, $0x1;
	s4 =	sadd.s32 s21, s2  }
0x9d: {  	[timem:s6], [sflag:s22] =	dma.local [hbm:s4], s20  }
0x9e: {  	_ =	swait.ge [sflag:s22], s20  }
0x9f: {  	s3 =	ssub.s32 $0x0, s20;
	[sflag:s22] =	ssyncset.done $0x0  }
0xa0: {  	[sflag:s22] =	ssyncadd.s32 s3;
	_ =	sdelay $0x1  }
0xa1: {  	s23 =	simm.s32 $0x1B8B  }
0xa2: {  	_ =	swait.ge [sflag:s23], $0x1  }
0xa3: {  	[sflag:s23] =	ssyncset.done $0x0  }
0xa4: {  	s25 =	simm.s32 $0x1B8E;
	s24 =	sld [smem:$0x3FFE];
	[sflag:s23] =	ssyncadd.s32 $0xFFFFFFFF  }
0xa5: {  	s26 =	simm.s32 $execute0_lowered;
	[smem:$0x3FD2] =	sst s25  }
0xa6: {  	s4 =	sshll.u32 s26, $0x1;
	_ =	strace $0x80000049;
	[dreg:$0x1] =	wrdreg $0xFFFFFFFF  }
0xa7: {  	s28 =	simm.s32 $_size_execute0_lowered;
	s2 =	sadd.s32 s2, s4;
	[dreg:$0x0] =	wrdreg $0x0  }
0xa8: {  	s4 =	sshll.u32 s28, $0x1;
	[dreg:$0x2] =	wrdreg s2  }
0xa9: {  	[dreg:$0x3] =	wrdreg s4  }
0xaa: {  	[dreg:$0x4] =	wrdreg $0xC0  }
0xab: {  	_ =	task [dreg:s6], $0x5FFFF  }
0xac: {  	[dreg:$0x1] =	wrdreg $0xFFFFFFFF  }
0xad: {  	[dreg:$0x0] =	wrdreg $0x60  }
0xae: {  	[dreg:$0x2] =	wrdreg s24  }
0xaf: {  	[dreg:$0x3] =	wrdreg $0x84000  }
0xb0: {  	[dreg:$0x4] =	wrdreg $0x9  }
0xb1: {  	_ =	task.clear_ibuf [dreg:s6], $0x5FFFF;
	_ =	strace $0x90000049  }
0xb2: {  	s29 =	simm.s32 $0x9;
	_ =	strace $0x8000004B  }
0xb3: {  	_ =	swait.ge [sflag:s29], $0x1  }
0xb4: {  	[sflag:s29] =	ssyncadd.s32 $0xFFFFFFFF  }
0xb5: {  	_ =	strace $0x9000004B  }
0xb6: {  	_ =	sfence  }
0xb7: {  	s30 =	sld [smem:$0x0];
	_ =	sdelay $0x2  }
0xb8: {  	s31 =	sshll.u32 s1, $0xD;
	s1 =	sshrl.u32 s1, $0x2  }
0xb9: {  	s3 =	sand.u32 $0x4000, s31;
	s1 =	sadd.s32 s1, s30  }
0xba: {  	s0 =	sor.u32 s3, s0;
	s1 =	sshll.u32 s1, $0x11  }
0xbb: {  	s0 =	sor.u32 s1, s0  }
0xbc: {  	s0 =	sadd.s32 $0x8F2B, s0  }
0xbd: {  	[sflag:s0] =	ssyncadd.remote.s32 $0x1  }
0xbe: {  	_ =	sfence.sel $0xFFFF  }
0xbf: {  	[dreg:$0x0] =	wrdreg $0xFFFFFFFF;
	(pc) =	sbr.abs _section_cstart, $3  }
0xc0: {  	[dreg:$0x1] =	wrdreg $0xFFFFFFFF  }
0xc1: {  	_ =	task.clear_ibuf [dreg:s6], $0x2FFFF;
	_ =	strace $0x9FFFFFFF  }
0xc2: {  	(tm) =	ssettm $0x7FFFFFFF  }
0xc3: {  	_ =	shalt  }
tec
execute0_lowered:
.L_overlay_start_1:
0x0: {  	(tag) =	ssettag $0x1  }
0x1: {  	s0 =	rddreg [dreg:$0x0];
	s1 =	srdreg.scid  }
0x2: {  	s2 =	rddreg [dreg:$0x1];
	s10 =	stileid.u32;
	s3 =	simm.s32 $0x0  }
0x3: {  	s19 =	simm.s32 $0x400;
	s20 =	simm.s32 $0x3;
	s21 =	simm.s32 $0x80  }
0x4: {  	s28 =	simm.s32 $0x300;
	s29 =	simm.s32 $0x280;
	s6 =	smul.u32 $0x14000, s10  }
0x5: {  	s1 =	sand.u32 $0x1, s1;
	[smem:$0x7FF] =	sst s3;
	s8 =	smul.u32 $0x50000, s10  }
0x6: {  	s4 =	sadd.s32 $0x34800, s0;
	s23 =	sshll.u32 s10, $0x4;
	s5 =	smul.u32 $0x140000, s1  }
0x7: {  	_ =	strace $0x8000004A;
	s7 =	ssub.s32 $0x2, s1;
	p0 =	seq.s32 s1, $0x0  }
0x8: {  	s1 =	smul.u32 $0x90, s10;
	s10 =	sor.u32 $0x900, s23;
	s23 =	simm.s32 $0x4400  }
0x9: {  	s22 =	sshrl.u32 s7, $0x1;
	s8 =	sshrl.u32 s8, $0x2;
	s6 =	sadd.s32 s6, s5  }
0xa: {  	s5 =	sadd.s32 $0xC800, s0;
	s9 =	ssub.s32 s7, s22;
	s7 =	sadd.s32 s8, s2  }
0xb: {  	s10 =	smov.u32 @p0 s1;
	s6 =	sshrl.u32 s6, $0x3;
	s24 =	sadd.s32 $0x4000, s7  }
0xc: {  	s25 =	sadd.s32 $0x8000, s7;
	s26 =	sadd.s32 $0xC000, s7;
	s30 =	sshll.u32 s10, $0x6  }
0xd: {  	s12 =	sadd.s32 $0x10000, s7;
	s31 =	sshll.u32 s10, $0x9;
	[dreg:$0x3] =	wrdreg s24  }
0xe: {  	s18 =	smax.u32 s9, $0x1;
	s0 =	sadd.s32 s6, s0;
	[dreg:$0x4] =	wrdreg s25  }
0xf: {  	s6 =	simm.s32 $0x48;
	[dreg:$0x5] =	wrdreg s26;
	s13 =	sadd.s32 s5, s30  }
0x10: {  	s15 =	sor.u32 $0x400, s31;
	s16 =	sor.u32 $0x600, s31;
	s24 =	simm.s32 $0x1  }
0x11: {  	s25 =	simm.s32 $0x100;
	s26 =	simm.s32 $0x2;
	s6 =	simm.s32 @!p0 $0x8  }
0x12: {  	v0 =	vimm.f32 $0.0e+00;
	s14 =	sadd.s32 $0x40, s13;
	s17 =	sadd.s32 $0x5C800, s0;
	s8 =	sadd.s32 $0xFFFFFFFF, s6  }
.LBB2_1:
0x13: {  	s0 =	simm.s32 $0x0;
	s1 =	simm.s32 $0x200  }
.LBB2_2:
0x14: {  	p0 =	sne.s32 s1, $0xFE00;
	[tilespmem:s0+$0x470] =	vst v0  }
0x15: {  	[tilespmem:s0+$0x400] =	vst v0  }
0x16: {  	[tilespmem:s0+$0x410] =	vst v0  }
.Ltmp0:
0x17: {  	[tilespmem:s0+$0x420] =	vst v0;
	(pc) =	sbr.rel @p0 .LBB2_2-.Ltmp0, $4  }
0x18: {  	[tilespmem:s0+$0x430] =	vst v0  }
0x19: {  	[tilespmem:s0+$0x440] =	vst v0  }
0x1a: {  	[tilespmem:s0+$0x450] =	vst v0  }
0x1b: {  	[tilespmem:s0+$0x460] =	vst v0;
	s0 =	sshra.s32 s1, $0x2;
	s1 =	sadd.s32 $0x200, s1  }
0x1c: {  	[tilespmem:s0+$0x470] =	vst v0  }
0x1d: {  	[tilespmem:s0+$0x400] =	vst v0  }
0x1e: {  	[tilespmem:s0+$0x410] =	vst v0  }
0x1f: {  	[tilespmem:s0+$0x420] =	vst v0  }
0x20: {  	[tilespmem:s0+$0x430] =	vst v0  }
0x21: {  	[tilespmem:s0+$0x440] =	vst v0  }
0x22: {  	[tilespmem:s0+$0x450] =	vst v0  }
0x23: {  	[tilespmem:s0+$0x460] =	vst v0  }
0x24: {  	[spmem:s7] =	stream.linear.scatter [tilespmem:s19], [sflag:$0x3], $0x4000, $0x38;
	[tilespmem:$0x1C400] =	vst v63  }
0x25: {  	_ =	swait.ge [sflag:s20], $0x4000  }
0x26: {  	[sflag:s20] =	ssyncset.done $0x0  }
0x27: {  	s10 =	rddreg [dreg:$0x3];
	[sflag:s20] =	ssyncadd.s32 $0xFFFFC000  }
0x28: {  	[spmem:s10] =	stream.linear.scatter [tilespmem:s19], [sflag:$0x3], $0x4000, $0x38;
	[tilespmem:$0x1C400] =	vst v63  }
0x29: {  	_ =	swait.ge [sflag:s20], $0x4000  }
0x2a: {  	[sflag:s20] =	ssyncset.done $0x0  }
0x2b: {  	s11 =	rddreg [dreg:$0x4];
	[sflag:s20] =	ssyncadd.s32 $0xFFFFC000  }
0x2c: {  	[spmem:s11] =	stream.linear.scatter [tilespmem:s19], [sflag:$0x3], $0x4000, $0x38;
	[tilespmem:$0x1C400] =	vst v63  }
0x2d: {  	_ =	swait.ge [sflag:s20], $0x4000  }
0x2e: {  	[sflag:s20] =	ssyncset.done $0x0  }
0x2f: {  	s22 =	rddreg [dreg:$0x5];
	[sflag:s20] =	ssyncadd.s32 $0xFFFFC000  }
0x30: {  	[spmem:s22] =	stream.linear.scatter [tilespmem:s19], [sflag:$0x3], $0x4000, $0x38;
	[tilespmem:$0x1C400] =	vst v63  }
0x31: {  	_ =	swait.ge [sflag:s20], $0x4000  }
0x32: {  	[sflag:s20] =	ssyncset.done $0x0  }
0x33: {  	[sflag:s20] =	ssyncadd.s32 $0xFFFFC000  }
0x34: {  	[spmem:s12] =	stream.linear.scatter [tilespmem:s19], [sflag:$0x3], $0x4000, $0x38;
	[tilespmem:$0x1C400] =	vst v63  }
0x35: {  	_ =	swait.ge [sflag:s20], $0x4000  }
0x36: {  	[sflag:s20] =	ssyncset.done $0x0  }
0x37: {  	[sflag:s20] =	ssyncadd.s32 $0xFFFFC000  }
0x38: {  	s30 =	simm.s32 $0x0;
	[bflag:$0x0] =	sbarrier.arrive $0xFFFF  }
0x39: {  	[tilespmem:s30], [sflag:$0x3] =	stream.linear.gather [hbm4b:s13+s30], $0x180, $0x38;
	[tilespmem:$0x1C400] =	vst v63  }
0x3a: {  	_ =	swait.ge [sflag:s20], $0x180  }
0x3b: {  	[sflag:s20] =	ssyncset.done $0x0  }
0x3c: {  	[sflag:s20] =	ssyncadd.s32 $0xFFFFFE80  }
0x3d: {  	[tilespmem:s19], [sflag:$0x1] =	stream.indirect.gather [hbm4b:s4+s21], $0x80, s30, s21, $0xb8;
	[tilespmem:$0x1C400] =	vst v63  }
0x3e: {  	s31 =	simm.s32 $0x200  }
0x3f: {  	[tilespmem:s31], [sflag:$0x3] =	stream.linear.gather [hbm4b:s14+s30], $0x180, $0x38;
	[tilespmem:$0x1C400] =	vst v63  }
0x40: {  	_ =	swait.ge [sflag:s20], $0x180  }
0x41: {  	[sflag:s20] =	ssyncset.done $0x0  }
0x42: {  	[sflag:s20] =	ssyncadd.s32 $0xFFFFFE80  }
0x43: {  	[tilespmem:s23], [sflag:$0x2] =	stream.indirect.gather [hbm4b:s4+s21], $0x80, s31, s21, $0xb8;
	[tilespmem:$0x1C400] =	vst v63  }
.LBB2_4:
0x44: {  	s0 =	simm.s32 $0x0  }
0x45: {  	v1 =	vmov s0  }
0x46: {  	v1 =	vand.u32 $0xFFFFFFF8, v1  }
0x47: {  	v1 =	vbroadcast v1, $0x0;
	_ =	sdelay $0x1  }
0x48: {  	_ =	swait.ge [sflag:s24], $0x4000  }
0x49: {  	[sflag:s24] =	ssyncset.done $0x0  }
0x4a: {  	s31 =	simm.s32 $0x600;
	[sflag:s24] =	ssyncadd.s32 $0xFFFFC000  }
0x4b: {  	v3 =	vld [tilespmem:s31+$0xFFFFFE70]  }
0x4c: {  	v1 =	vld.idx.msk [tilespmem:v1+s25+$0x0], $0xffff  }
0x4d: {  	v4 =	vld [tilespmem:s31+$0xFFFFFE00]  }
0x4e: {  	v5 =	vld [tilespmem:s31+$0xFFFFFE20]  }
0x4f: {  	v6 =	vld [tilespmem:s31+$0xFFFFFE30]  }
0x50: {  	v2 =	vld [tilespmem:s31+$0xFFFFFE50]  }
0x51: {  	v8 =	vld [tilespmem:s31+$0xFFFFFE10];
	v3 =	vmul.f32 v1, v3  }
0x52: {  	s9 =	simm.s32 $0x1;
	v7 =	vld [tilespmem:s31+$0xFFFFFE60];
	v4 =	vmul.f32 v1, v4  }
0x53: {  	v9 =	vld [tilespmem:s31+$0xFFFFFE40];
	v5 =	vmul.f32 v1, v5;
	[tilespmem:s31+$0xFFFFFE70] =	vst v3;
	v3 =	vmov s9  }
0x54: {  	v6 =	vmul.f32 v1, v6;
	[tilespmem:s31+$0xFFFFFE00] =	vst v4;
	v3 =	vand.u32 $0xFFFFFFF9, v3  }
0x55: {  	v2 =	vmul.f32 v1, v2;
	[tilespmem:s31+$0xFFFFFE20] =	vst v5;
	v3 =	vbroadcast v3, $0x0  }
0x56: {  	v4 =	vmul.f32 v1, v8;
	[tilespmem:s31+$0xFFFFFE30] =	vst v6  }
0x57: {  	v5 =	vmul.f32 v1, v7;
	[tilespmem:s31+$0xFFFFFE50] =	vst v2  }
0x58: {  	v1 =	vmul.f32 v1, v9;
	[tilespmem:s31+$0xFFFFFE10] =	vst v4  }
0x59: {  	[tilespmem:s31+$0xFFFFFE60] =	vst v5  }
0x5a: {  	[tilespmem:s31+$0xFFFFFE40] =	vst v1  }
0x5b: {  	v1 =	vld.idx.msk [tilespmem:v3+s25+$0x0], $0xffff  }
0x5c: {  	v3 =	vld [tilespmem:s31+$0xFFFFFE90]  }
0x5d: {  	v4 =	vld [tilespmem:s31+$0xFFFFFEC0]  }
0x5e: {  	v5 =	vld [tilespmem:s31+$0xFFFFFE80]  }
0x5f: {  	v6 =	vld [tilespmem:s31+$0xFFFFFED0]  }
0x60: {  	v2 =	vld [tilespmem:s31+$0xFFFFFEF0]  }
0x61: {  	v7 =	vld [tilespmem:s31+$0xFFFFFEE0];
	v3 =	vmul.f32 v1, v3  }
0x62: {  	s10 =	simm.s32 $0x2;
	v8 =	vld [tilespmem:s31+$0xFFFFFEB0];
	v4 =	vmul.f32 v1, v4  }
0x63: {  	v9 =	vld [tilespmem:s31+$0xFFFFFEA0];
	v5 =	vmul.f32 v1, v5;
	[tilespmem:s31+$0xFFFFFE90] =	vst v3;
	v3 =	vmov s10  }
0x64: {  	v6 =	vmul.f32 v1, v6;
	[tilespmem:s31+$0xFFFFFEC0] =	vst v4;
	v3 =	vand.u32 $0xFFFFFFFA, v3  }
0x65: {  	v2 =	vmul.f32 v1, v2;
	[tilespmem:s31+$0xFFFFFE80] =	vst v5;
	v3 =	vbroadcast v3, $0x0  }
0x66: {  	v4 =	vmul.f32 v1, v7;
	[tilespmem:s31+$0xFFFFFED0] =	vst v6  }
0x67: {  	v5 =	vmul.f32 v1, v8;
	[tilespmem:s31+$0xFFFFFEF0] =	vst v2  }
0x68: {  	v1 =	vmul.f32 v1, v9;
	[tilespmem:s31+$0xFFFFFEE0] =	vst v4  }
0x69: {  	[tilespmem:s31+$0xFFFFFEB0] =	vst v5  }
0x6a: {  	v2 =	vld [tilespmem:s31+$0xFFFFFF00];
	[tilespmem:s31+$0xFFFFFEA0] =	vst v1  }
0x6b: {  	v1 =	vld.idx.msk [tilespmem:v3+s25+$0x0], $0xffff  }
0x6c: {  	v3 =	vld [tilespmem:s31+$0xFFFFFF60]  }
0x6d: {  	v4 =	vld [tilespmem:s31+$0xFFFFFF10]  }
0x6e: {  	v5 =	vld [tilespmem:s31+$0xFFFFFF50]  }
0x6f: {  	v6 =	vld [tilespmem:s31+$0xFFFFFF70]  }
0x70: {  	v7 =	vld [tilespmem:s31+$0xFFFFFF20];
	v2 =	vmul.f32 v1, v2  }
0x71: {  	s11 =	simm.s32 $0x3;
	v8 =	vld [tilespmem:s31+$0xFFFFFF30];
	v3 =	vmul.f32 v1, v3  }
0x72: {  	v9 =	vld [tilespmem:s31+$0xFFFFFF40];
	v4 =	vmul.f32 v1, v4;
	[tilespmem:s31+$0xFFFFFF00] =	vst v2;
	v2 =	vmov s11  }
0x73: {  	v5 =	vmul.f32 v1, v5;
	[tilespmem:s31+$0xFFFFFF60] =	vst v3;
	v2 =	vand.u32 $0xFFFFFFFB, v2  }
0x74: {  	v3 =	vmul.f32 v1, v6;
	[tilespmem:s31+$0xFFFFFF10] =	vst v4;
	v2 =	vbroadcast v2, $0x0  }
0x75: {  	v4 =	vmul.f32 v1, v7;
	[tilespmem:s31+$0xFFFFFF50] =	vst v5  }
0x76: {  	v5 =	vmul.f32 v1, v8;
	[tilespmem:s31+$0xFFFFFF70] =	vst v3  }
0x77: {  	v1 =	vmul.f32 v1, v9;
	[tilespmem:s31+$0xFFFFFF20] =	vst v4  }
0x78: {  	[tilespmem:s31+$0xFFFFFF30] =	vst v5  }
0x79: {  	[tilespmem:s31+$0xFFFFFF40] =	vst v1  }
0x7a: {  	v1 =	vld.idx.msk [tilespmem:v2+s25+$0x0], $0xffff  }
0x7b: {  	v2 =	vld [tilespmem:s31+$0xFFFFFFB0]  }
0x7c: {  	v4 =	vld [tilespmem:s31+$0xFFFFFFE0]  }
0x7d: {  	v5 =	vld [tilespmem:s31+$0xFFFFFF80]  }
0x7e: {  	v6 =	vld [tilespmem:s31+$0xFFFFFFD0]  }
0x7f: {  	v3 =	vld [tilespmem:s31+$0xFFFFFFF0]  }
0x80: {  	v8 =	vld [tilespmem:s31+$0xFFFFFFA0];
	v2 =	vmul.f32 v1, v2  }
0x81: {  	s22 =	simm.s32 $0x4;
	v7 =	vld [tilespmem:s31+$0xFFFFFF90];
	v4 =	vmul.f32 v1, v4  }
0x82: {  	v9 =	vld [tilespmem:s31+$0xFFFFFFC0];
	v5 =	vmul.f32 v1, v5;
	[tilespmem:s31+$0xFFFFFFB0] =	vst v2;
	v2 =	vmov s22  }
0x83: {  	v6 =	vmul.f32 v1, v6;
	[tilespmem:s31+$0xFFFFFFE0] =	vst v4;
	v2 =	vand.u32 $0xFFFFFFFC, v2  }
0x84: {  	v3 =	vmul.f32 v1, v3;
	[tilespmem:s31+$0xFFFFFF80] =	vst v5;
	v2 =	vbroadcast v2, $0x0  }
0x85: {  	v10 =	vld [tilespmem:s31+$0x40];
	v4 =	vmul.f32 v1, v8;
	[tilespmem:s31+$0xFFFFFFD0] =	vst v6  }
0x86: {  	v5 =	vmul.f32 v1, v7;
	[tilespmem:s31+$0xFFFFFFF0] =	vst v3;
	v8 =	vld [tilespmem:s31+$0x0]  }
0x87: {  	v3 =	vmul.f32 v1, v9;
	v1 =	vld [tilespmem:s31+$0x70];
	[tilespmem:s31+$0xFFFFFFA0] =	vst v4  }
0x88: {  	v7 =	vld [tilespmem:s31+$0x20];
	[tilespmem:s31+$0xFFFFFF90] =	vst v5  }
0x89: {  	v6 =	vld [tilespmem:s31+$0x30];
	[tilespmem:s31+$0xFFFFFFC0] =	vst v3  }
0x8a: {  	v2 =	vld.idx.msk [tilespmem:v2+s25+$0x0], $0xffff  }
0x8b: {  	v3 =	vld [tilespmem:s31+$0x50]  }
0x8c: {  	v4 =	vld [tilespmem:s31+$0x10]  }
0x8d: {  	v5 =	vld [tilespmem:s31+$0x60];
	_ =	sdelay $0x1  }
0x8e: {  	s1 =	simm.s32 $0x7;
	s0 =	simm.s32 $0x600;
	s22 =	simm.s32 $0xF;
	v9 =	vmul.f32 v2, v8;
	v8 =	vmul.f32 v2, v10  }
.LBB2_5:
0x8f: {  	p0 =	sne.s32 s22, $0x7F;
	v7 =	vmul.f32 v2, v7;
	v6 =	vmul.f32 v2, v6;
	s9 =	sadd.s32 $0xFFFFFFFE, s1;
	s31 =	sadd.s32 $0x400, s31  }
0x90: {  	v3 =	vmul.f32 v2, v3;
	[tilespmem:s0+$0x0] =	vst v9;
	v4 =	vmul.f32 v2, v4;
	v9 =	vmov s9;
	s9 =	smov.u32 s22;
	s22 =	sadd.s32 $0x8, s22  }
0x91: {  	v1 =	vmul.f32 v2, v1;
	[tilespmem:s0+$0x40] =	vst v8;
	v5 =	vmul.f32 v2, v5;
	v2 =	vand.u32 $0xFFFFFFFD, v9  }
0x92: {  	[tilespmem:s0+$0x20] =	vst v7;
	v2 =	vbroadcast v2, $0x0  }
0x93: {  	[tilespmem:s0+$0x50] =	vst v3  }
0x94: {  	[tilespmem:s0+$0x70] =	vst v1;
	v1 =	vld [tilespmem:s0+$0xA0]  }
0x95: {  	[tilespmem:s0+$0x30] =	vst v6;
	v3 =	vld [tilespmem:s0+$0x80]  }
0x96: {  	[tilespmem:s0+$0x60] =	vst v5;
	v5 =	vld [tilespmem:s0+$0xD0]  }
0x97: {  	[tilespmem:s0+$0x10] =	vst v4;
	v4 =	vld [tilespmem:s0+$0xF0]  }
0x98: {  	v2 =	vld.idx.msk [tilespmem:v2+s25+$0x0], $0xffff  }
0x99: {  	v6 =	vld [tilespmem:s0+$0xC0]  }
0x9a: {  	v7 =	vld [tilespmem:s0+$0xB0]  }
0x9b: {  	v8 =	vld [tilespmem:s0+$0x90]  }
0x9c: {  	v9 =	vld [tilespmem:s0+$0xE0];
	_ =	sdelay $0x1  }
0x9d: {  	v3 =	vmul.f32 v2, v3;
	v6 =	vmul.f32 v2, v6  }
0x9e: {  	s10 =	sadd.s32 $0xFFFFFFFF, s1;
	v1 =	vmul.f32 v2, v1;
	v7 =	vmul.f32 v2, v7  }
0x9f: {  	v5 =	vmul.f32 v2, v5;
	[tilespmem:s0+$0x80] =	vst v3;
	v3 =	vmul.f32 v2, v8;
	v8 =	vmov s10  }
0xa0: {  	[tilespmem:s0+$0xA0] =	vst v1;
	v1 =	vmul.f32 v2, v9;
	v2 =	vmul.f32 v2, v4;
	v4 =	vand.u32 $0xFFFFFFFE, v8  }
0xa1: {  	[tilespmem:s0+$0xD0] =	vst v5;
	v4 =	vbroadcast v4, $0x0  }
0xa2: {  	[tilespmem:s0+$0xC0] =	vst v6  }
0xa3: {  	[tilespmem:s0+$0xF0] =	vst v2;
	v2 =	vld [tilespmem:s0+$0x120]  }
0xa4: {  	[tilespmem:s0+$0xB0] =	vst v7;
	v5 =	vld [tilespmem:s0+$0x100]  }
0xa5: {  	[tilespmem:s0+$0x90] =	vst v3;
	v3 =	vld [tilespmem:s0+$0x140]  }
0xa6: {  	[tilespmem:s0+$0xE0] =	vst v1;
	v1 =	vld [tilespmem:s0+$0x130]  }
0xa7: {  	v4 =	vld.idx.msk [tilespmem:v4+s25+$0x0], $0xffff  }
0xa8: {  	v6 =	vld [tilespmem:s0+$0x110]  }
0xa9: {  	v7 =	vld [tilespmem:s0+$0x160]  }
0xaa: {  	v8 =	vld [tilespmem:s0+$0x150]  }
0xab: {  	v9 =	vld [tilespmem:s0+$0x170];
	_ =	sdelay $0x1  }
0xac: {  	v5 =	vmul.f32 v4, v5;
	v6 =	vmul.f32 v4, v6  }
0xad: {  	v2 =	vmul.f32 v4, v2;
	v1 =	vmul.f32 v4, v1  }
0xae: {  	v3 =	vmul.f32 v4, v3;
	[tilespmem:s0+$0x100] =	vst v5;
	v5 =	vmul.f32 v4, v8  }
0xaf: {  	[tilespmem:s0+$0x120] =	vst v2;
	v2 =	vmul.f32 v4, v7;
	v4 =	vmul.f32 v4, v9  }
0xb0: {  	[tilespmem:s0+$0x130] =	vst v1  }
0xb1: {  	v1 =	vmov s1;
	s1 =	smov.u32 s9;
	[tilespmem:s0+$0x140] =	vst v3  }
0xb2: {  	[tilespmem:s0+$0x160] =	vst v2;
	v2 =	vld [tilespmem:s0+$0x180]  }
0xb3: {  	[tilespmem:s0+$0x110] =	vst v6;
	v3 =	vld [tilespmem:s0+$0x1A0]  }
0xb4: {  	[tilespmem:s0+$0x150] =	vst v5;
	v5 =	vld [tilespmem:s0+$0x1F0]  }
0xb5: {  	[tilespmem:s0+$0x170] =	vst v4;
	v4 =	vld [tilespmem:s0+$0x1D0]  }
0xb6: {  	v1 =	vld.idx.msk [tilespmem:v1+s25+$0x0], $0xffff  }
0xb7: {  	v6 =	vld [tilespmem:s0+$0x190]  }
0xb8: {  	v7 =	vld [tilespmem:s0+$0x1B0]  }
0xb9: {  	v8 =	vld [tilespmem:s0+$0x1C0]  }
0xba: {  	v9 =	vld [tilespmem:s0+$0x1E0];
	_ =	sdelay $0x1  }
0xbb: {  	v2 =	vmul.f32 v1, v2;
	v6 =	vmul.f32 v1, v6  }
0xbc: {  	s9 =	sadd.s32 $0xFFFFFFF9, s1;
	v3 =	vmul.f32 v1, v3;
	v7 =	vmul.f32 v1, v7  }
0xbd: {  	v10 =	vmov s9;
	v4 =	vmul.f32 v1, v4;
	[tilespmem:s0+$0x180] =	vst v2;
	v2 =	vmul.f32 v1, v8  }
0xbe: {  	v8 =	vand.u32 $0xFFFFFFF8, v10;
	[tilespmem:s0+$0x190] =	vst v6;
	v6 =	vmul.f32 v1, v9;
	v1 =	vmul.f32 v1, v5  }
0xbf: {  	v5 =	vbroadcast v8, $0x0;
	[tilespmem:s0+$0x1A0] =	vst v3  }
0xc0: {  	[tilespmem:s0+$0x1F0] =	vst v1  }
0xc1: {  	v1 =	vld [tilespmem:s31+$0xFFFFFE50];
	[tilespmem:s0+$0x1D0] =	vst v4  }
0xc2: {  	v3 =	vld [tilespmem:s31+$0xFFFFFE30];
	[tilespmem:s0+$0x1B0] =	vst v7  }
0xc3: {  	v4 =	vld [tilespmem:s31+$0xFFFFFE60];
	[tilespmem:s0+$0x1E0] =	vst v6  }
0xc4: {  	v6 =	vld [tilespmem:s31+$0xFFFFFE70];
	[tilespmem:s0+$0x1C0] =	vst v2;
	s0 =	smov.u32 s31  }
0xc5: {  	v2 =	vld.idx.msk [tilespmem:v5+s25+$0x0], $0xffff  }
0xc6: {  	v5 =	vld [tilespmem:s31+$0xFFFFFE00]  }
0xc7: {  	v7 =	vld [tilespmem:s31+$0xFFFFFE20]  }
0xc8: {  	v8 =	vld [tilespmem:s31+$0xFFFFFE10]  }
0xc9: {  	v9 =	vld [tilespmem:s31+$0xFFFFFE40];
	_ =	sdelay $0x1  }
0xca: {  	v6 =	vmul.f32 v2, v6;
	v5 =	vmul.f32 v2, v5  }
0xcb: {  	s9 =	sadd.s32 $0xFFFFFFFA, s1;
	v4 =	vmul.f32 v2, v4;
	v7 =	vmul.f32 v2, v7  }
0xcc: {  	v3 =	vmul.f32 v2, v3;
	v8 =	vmul.f32 v2, v8;
	[tilespmem:s31+$0xFFFFFE70] =	vst v6;
	v6 =	vmov s9  }
0xcd: {  	v1 =	vmul.f32 v2, v1;
	[tilespmem:s31+$0xFFFFFE00] =	vst v5;
	v5 =	vmul.f32 v2, v9;
	v2 =	vand.u32 $0xFFFFFFF9, v6  }
0xce: {  	[tilespmem:s31+$0xFFFFFE20] =	vst v7;
	v2 =	vbroadcast v2, $0x0  }
0xcf: {  	[tilespmem:s31+$0xFFFFFE30] =	vst v3  }
0xd0: {  	[tilespmem:s31+$0xFFFFFE50] =	vst v1;
	v1 =	vld [tilespmem:s31+$0xFFFFFEF0]  }
0xd1: {  	[tilespmem:s31+$0xFFFFFE10] =	vst v8;
	v3 =	vld [tilespmem:s31+$0xFFFFFED0]  }
0xd2: {  	[tilespmem:s31+$0xFFFFFE60] =	vst v4;
	v4 =	vld [tilespmem:s31+$0xFFFFFEB0]  }
0xd3: {  	[tilespmem:s31+$0xFFFFFE40] =	vst v5;
	v5 =	vld [tilespmem:s31+$0xFFFFFEC0]  }
0xd4: {  	v2 =	vld.idx.msk [tilespmem:v2+s25+$0x0], $0xffff  }
0xd5: {  	v6 =	vld [tilespmem:s31+$0xFFFFFE90]  }
0xd6: {  	v7 =	vld [tilespmem:s31+$0xFFFFFE80]  }
0xd7: {  	v8 =	vld [tilespmem:s31+$0xFFFFFEA0]  }
0xd8: {  	v9 =	vld [tilespmem:s31+$0xFFFFFEE0];
	_ =	sdelay $0x1  }
0xd9: {  	v5 =	vmul.f32 v2, v5;
	v6 =	vmul.f32 v2, v6  }
0xda: {  	s9 =	sadd.s32 $0xFFFFFFFB, s1;
	v4 =	vmul.f32 v2, v4;
	v7 =	vmul.f32 v2, v7  }
0xdb: {  	v3 =	vmul.f32 v2, v3;
	[tilespmem:s31+$0xFFFFFE90] =	vst v6;
	v6 =	vmul.f32 v2, v8;
	v8 =	vmov s9  }
0xdc: {  	v1 =	vmul.f32 v2, v1;
	[tilespmem:s31+$0xFFFFFEC0] =	vst v5;
	v5 =	vmul.f32 v2, v9;
	v2 =	vand.u32 $0xFFFFFFFA, v8  }
0xdd: {  	[tilespmem:s31+$0xFFFFFE80] =	vst v7;
	v2 =	vbroadcast v2, $0x0  }
0xde: {  	[tilespmem:s31+$0xFFFFFED0] =	vst v3  }
0xdf: {  	[tilespmem:s31+$0xFFFFFEE0] =	vst v5;
	v3 =	vld [tilespmem:s31+$0xFFFFFF70]  }
0xe0: {  	[tilespmem:s31+$0xFFFFFEB0] =	vst v4;
	v4 =	vld [tilespmem:s31+$0xFFFFFF50]  }
0xe1: {  	[tilespmem:s31+$0xFFFFFEF0] =	vst v1;
	v1 =	vld [tilespmem:s31+$0xFFFFFF20]  }
0xe2: {  	[tilespmem:s31+$0xFFFFFEA0] =	vst v6;
	v5 =	vld [tilespmem:s31+$0xFFFFFF60]  }
0xe3: {  	v2 =	vld.idx.msk [tilespmem:v2+s25+$0x0], $0xffff  }
0xe4: {  	v6 =	vld [tilespmem:s31+$0xFFFFFF00]  }
0xe5: {  	v7 =	vld [tilespmem:s31+$0xFFFFFF10]  }
0xe6: {  	v8 =	vld [tilespmem:s31+$0xFFFFFF40]  }
0xe7: {  	v9 =	vld [tilespmem:s31+$0xFFFFFF30];
	_ =	sdelay $0x1  }
0xe8: {  	v5 =	vmul.f32 v2, v5;
	v6 =	vmul.f32 v2, v6  }
0xe9: {  	s9 =	sadd.s32 $0xFFFFFFFC, s1;
	v1 =	vmul.f32 v2, v1;
	v7 =	vmul.f32 v2, v7  }
0xea: {  	v4 =	vmul.f32 v2, v4;
	[tilespmem:s31+$0xFFFFFF00] =	vst v6;
	v6 =	vmul.f32 v2, v8;
	v8 =	vmov s9  }
0xeb: {  	v9 =	vmul.f32 v2, v9;
	[tilespmem:s31+$0xFFFFFF60] =	vst v5;
	v2 =	vmul.f32 v2, v3;
	v3 =	vand.u32 $0xFFFFFFFB, v8  }
0xec: {  	[tilespmem:s31+$0xFFFFFF10] =	vst v7;
	v3 =	vbroadcast v3, $0x0  }
0xed: {  	[tilespmem:s31+$0xFFFFFF50] =	vst v4  }
0xee: {  	[tilespmem:s31+$0xFFFFFF70] =	vst v2;
	v2 =	vld [tilespmem:s31+$0xFFFFFFF0]  }
0xef: {  	[tilespmem:s31+$0xFFFFFF20] =	vst v1;
	v1 =	vld [tilespmem:s31+$0xFFFFFFD0]  }
0xf0: {  	[tilespmem:s31+$0xFFFFFF30] =	vst v9;
	v4 =	vld [tilespmem:s31+$0xFFFFFF90]  }
0xf1: {  	[tilespmem:s31+$0xFFFFFF40] =	vst v6;
	v5 =	vld [tilespmem:s31+$0xFFFFFFE0]  }
0xf2: {  	v3 =	vld.idx.msk [tilespmem:v3+s25+$0x0], $0xffff  }
0xf3: {  	v6 =	vld [tilespmem:s31+$0xFFFFFFB0]  }
0xf4: {  	v7 =	vld [tilespmem:s31+$0xFFFFFF80]  }
0xf5: {  	v8 =	vld [tilespmem:s31+$0xFFFFFFC0]  }
0xf6: {  	v9 =	vld [tilespmem:s31+$0xFFFFFFA0];
	_ =	sdelay $0x1  }
0xf7: {  	v5 =	vmul.f32 v3, v5;
	v6 =	vmul.f32 v3, v6  }
0xf8: {  	s9 =	sadd.s32 $0xFFFFFFFD, s1;
	v4 =	vmul.f32 v3, v4;
	v7 =	vmul.f32 v3, v7  }
0xf9: {  	v1 =	vmul.f32 v3, v1;
	[tilespmem:s31+$0xFFFFFFB0] =	vst v6;
	v6 =	vmul.f32 v3, v8;
	v8 =	vmov s9  }
0xfa: {  	v2 =	vmul.f32 v3, v2;
	v9 =	vmul.f32 v3, v9;
	[tilespmem:s31+$0xFFFFFFE0] =	vst v5;
	v3 =	vand.u32 $0xFFFFFFFC, v8  }
0xfb: {  	[tilespmem:s31+$0xFFFFFF80] =	vst v7;
	v5 =	vbroadcast v3, $0x0  }
0xfc: {  	[tilespmem:s31+$0xFFFFFFD0] =	vst v1  }
0xfd: {  	[tilespmem:s31+$0xFFFFFFF0] =	vst v2;
	v8 =	vld [tilespmem:s31+$0x0]  }
0xfe: {  	[tilespmem:s31+$0xFFFFFFA0] =	vst v9;
	v1 =	vld [tilespmem:s31+$0x70]  }
0xff: {  	[tilespmem:s31+$0xFFFFFF90] =	vst v4;
	v3 =	vld [tilespmem:s31+$0x50]  }
0x100: {  	[tilespmem:s31+$0xFFFFFFC0] =	vst v6;
	v7 =	vld [tilespmem:s31+$0x20]  }
0x101: {  	v2 =	vld.idx.msk [tilespmem:v5+s25+$0x0], $0xffff  }
0x102: {  	v10 =	vld [tilespmem:s31+$0x40]  }
.Ltmp1:
0x103: {  	v6 =	vld [tilespmem:s31+$0x30];
	(pc) =	sbr.rel @p0 .LBB2_5-.Ltmp1, $3  }
0x104: {  	v4 =	vld [tilespmem:s31+$0x10]  }
0x105: {  	v5 =	vld [tilespmem:s31+$0x60];
	_ =	sdelay $0x1  }
0x106: {  	v9 =	vmul.f32 v2, v8;
	v8 =	vmul.f32 v2, v10  }
0x107: {  	s9 =	sadd.s32 $0xFFFFFFFE, s1  }
0x108: {  	v7 =	vmul.f32 v2, v7;
	[tilespmem:s0+$0x0] =	vst v9;
	v9 =	vmov s9  }
0x109: {  	v3 =	vmul.f32 v2, v3;
	[tilespmem:s0+$0x40] =	vst v8;
	v8 =	vand.u32 $0xFFFFFFFD, v9  }
0x10a: {  	v1 =	vmul.f32 v2, v1;
	[tilespmem:s0+$0x20] =	vst v7;
	v7 =	vbroadcast v8, $0x0  }
0x10b: {  	v6 =	vmul.f32 v2, v6;
	[tilespmem:s0+$0x50] =	vst v3  }
0x10c: {  	v3 =	vmul.f32 v2, v5;
	[tilespmem:s0+$0x70] =	vst v1  }
0x10d: {  	v1 =	vmul.f32 v2, v4;
	[tilespmem:s0+$0x30] =	vst v6  }
0x10e: {  	[tilespmem:s0+$0x60] =	vst v3  }
0x10f: {  	v2 =	vld [tilespmem:s0+$0x80];
	[tilespmem:s0+$0x10] =	vst v1  }
0x110: {  	v1 =	vld.idx.msk [tilespmem:v7+s25+$0x0], $0xffff  }
0x111: {  	v3 =	vld [tilespmem:s0+$0xA0]  }
0x112: {  	v5 =	vld [tilespmem:s0+$0xC0]  }
0x113: {  	v4 =	vld [tilespmem:s0+$0xD0];
	_ =	sdelay $0x1  }
0x114: {  	v8 =	vld [tilespmem:s0+$0x90];
	v2 =	vmul.f32 v1, v2  }
0x115: {  	v6 =	vld [tilespmem:s0+$0xF0];
	v3 =	vmul.f32 v1, v3  }
0x116: {  	s11 =	sadd.s32 $0xFFFFFFFF, s1;
	v7 =	vld [tilespmem:s0+$0xB0];
	v5 =	vmul.f32 v1, v5;
	[tilespmem:s0+$0x80] =	vst v2  }
0x117: {  	v9 =	vld [tilespmem:s0+$0xE0];
	v2 =	vmul.f32 v1, v4;
	v4 =	vmov s11;
	[tilespmem:s0+$0xA0] =	vst v3  }
0x118: {  	[tilespmem:s0+$0xC0] =	vst v5;
	v3 =	vand.u32 $0xFFFFFFFE, v4  }
0x119: {  	v5 =	vmul.f32 v1, v8;
	[tilespmem:s0+$0xD0] =	vst v2;
	v2 =	vbroadcast v3, $0x0  }
0x11a: {  	v4 =	vmul.f32 v1, v6  }
0x11b: {  	v3 =	vmul.f32 v1, v7;
	[tilespmem:s0+$0x90] =	vst v5  }
0x11c: {  	v1 =	vmul.f32 v1, v9;
	[tilespmem:s0+$0xF0] =	vst v4  }
0x11d: {  	[tilespmem:s0+$0xB0] =	vst v3  }
0x11e: {  	v3 =	vld [tilespmem:s0+$0x100];
	[tilespmem:s0+$0xE0] =	vst v1  }
0x11f: {  	v1 =	vld.idx.msk [tilespmem:v2+s25+$0x0], $0xffff  }
0x120: {  	v2 =	vld [tilespmem:s0+$0x120]  }
0x121: {  	v4 =	vld [tilespmem:s0+$0x130]  }
0x122: {  	v5 =	vld [tilespmem:s0+$0x140]  }
0x123: {  	v6 =	vld [tilespmem:s0+$0x160]  }
0x124: {  	v7 =	vld [tilespmem:s0+$0x110];
	v3 =	vmul.f32 v1, v3  }
0x125: {  	v8 =	vld [tilespmem:s0+$0x150];
	v2 =	vmul.f32 v1, v2  }
0x126: {  	v9 =	vld [tilespmem:s0+$0x170];
	v4 =	vmul.f32 v1, v4;
	[tilespmem:s0+$0x100] =	vst v3  }
0x127: {  	v3 =	vmul.f32 v1, v5;
	[tilespmem:s0+$0x120] =	vst v2  }
0x128: {  	v2 =	vmul.f32 v1, v6;
	[tilespmem:s0+$0x130] =	vst v4  }
0x129: {  	v4 =	vmul.f32 v1, v7;
	[tilespmem:s0+$0x140] =	vst v3;
	v3 =	vmov s1  }
0x12a: {  	v5 =	vmul.f32 v1, v8;
	[tilespmem:s0+$0x160] =	vst v2  }
0x12b: {  	v1 =	vmul.f32 v1, v9;
	[tilespmem:s0+$0x110] =	vst v4  }
0x12c: {  	[tilespmem:s0+$0x150] =	vst v5  }
0x12d: {  	v2 =	vld [tilespmem:s0+$0x180];
	[tilespmem:s0+$0x170] =	vst v1  }
0x12e: {  	v1 =	vld.idx.msk [tilespmem:v3+s25+$0x0], $0xffff  }
0x12f: {  	v3 =	vld [tilespmem:s0+$0x190]  }
0x130: {  	v4 =	vld [tilespmem:s0+$0x1A0]  }
0x131: {  	v5 =	vld [tilespmem:s0+$0x1F0]  }
0x132: {  	v6 =	vld [tilespmem:s0+$0x1D0]  }
0x133: {  	v7 =	vld [tilespmem:s0+$0x1B0];
	v2 =	vmul.f32 v1, v2  }
0x134: {  	v8 =	vld [tilespmem:s0+$0x1E0];
	v3 =	vmul.f32 v1, v3  }
0x135: {  	v9 =	vld [tilespmem:s0+$0x1C0];
	v4 =	vmul.f32 v1, v4;
	[tilespmem:s0+$0x180] =	vst v2  }
0x136: {  	[tilespmem:s0+$0x190] =	vst v3;
	v2 =	vmul.f32 v1, v5  }
0x137: {  	v3 =	vmul.f32 v1, v6;
	[tilespmem:s0+$0x1A0] =	vst v4  }
0x138: {  	v4 =	vmul.f32 v1, v7;
	[tilespmem:s0+$0x1F0] =	vst v2  }
0x139: {  	v2 =	vmul.f32 v1, v8;
	[tilespmem:s0+$0x1D0] =	vst v3  }
0x13a: {  	v1 =	vmul.f32 v1, v9;
	[tilespmem:s0+$0x1B0] =	vst v4  }
0x13b: {  	p0 =	sge.u32 s30, s8;
	[tilespmem:s0+$0x1E0] =	vst v2  }
0x13c: {  	s31 =	sshll.u32 @!p0 s30, $0xA;
	[tilespmem:s0+$0x1C0] =	vst v1  }
0x13d: {  	[spmem:s2] =	stream.indirect.scatter.add.f32 [tilespmem:s19], [sflag:$0x3], $0x80, s21, s21, $0xb8;
	[tilespmem:$0x1C400] =	vst v63  }
0x13e: {  	s0 =	sadd.s32 @!p0 s31, s15;
	_ =	swait.ge [sflag:s20], $0x4000  }
0x13f: {  	s0 =	sshrl.u32 @!p0 s0, $0x3;
	[sflag:s20] =	ssyncset.done $0x0  }
0x140: {  	s1 =	simm.s32 @!p0 $0x0;
	s0 =	sadd.s32 @!p0 s5, s0;
	[sflag:s20] =	ssyncadd.s32 $0xFFFFC000  }
0x141: {  	[tilespmem:s1], [sflag:$0x3] =	stream.linear.gather @!p0 [hbm4b:s0+s1], $0x180, $0x38;
	[tilespmem:$0x1C400] =	vst v63  }
0x142: {  	s22 =	simm.s32 $0x0;
	s0 =	simm.s32 @!p0 $0x3  }
0x143: {  	v1 =	vmov s22;
	_ =	swait.ge @!p0 [sflag:s0], $0x180  }
0x144: {  	v1 =	vand.u32 $0xFFFFFFF8, v1;
	[sflag:s0] =	ssyncset.done @!p0 $0x0  }
0x145: {  	s9 =	simm.s32 @!p0 $0x400;
	v1 =	vbroadcast v1, $0x0;
	[sflag:s0] =	ssyncadd.s32 @!p0 $0xFFFFFE80;
	s0 =	simm.s32 @!p0 $0x80  }
0x146: {  	[tilespmem:s9], [sflag:$0x1] =	stream.indirect.gather @!p0 [hbm4b:s4+s0], $0x80, s1, s0, $0xb8;
	[tilespmem:$0x1C400] =	vst v63  }
0x147: {  	_ =	swait.ge [sflag:s26], $0x4000  }
0x148: {  	[sflag:s26] =	ssyncset.done $0x0  }
0x149: {  	s0 =	simm.s32 $0x4600;
	[sflag:s26] =	ssyncadd.s32 $0xFFFFC000  }
0x14a: {  	v3 =	vld [tilespmem:s0+$0xFFFFFE70]  }
0x14b: {  	v1 =	vld.idx.msk [tilespmem:v1+s28+$0x0], $0xffff  }
0x14c: {  	v4 =	vld [tilespmem:s0+$0xFFFFFE00]  }
0x14d: {  	v5 =	vld [tilespmem:s0+$0xFFFFFE20]  }
0x14e: {  	v6 =	vld [tilespmem:s0+$0xFFFFFE30]  }
0x14f: {  	v2 =	vld [tilespmem:s0+$0xFFFFFE50]  }
0x150: {  	v8 =	vld [tilespmem:s0+$0xFFFFFE10];
	v3 =	vmul.f32 v1, v3  }
0x151: {  	s9 =	simm.s32 $0x1;
	v7 =	vld [tilespmem:s0+$0xFFFFFE60];
	v4 =	vmul.f32 v1, v4  }
0x152: {  	v9 =	vld [tilespmem:s0+$0xFFFFFE40];
	v5 =	vmul.f32 v1, v5;
	[tilespmem:s0+$0xFFFFFE70] =	vst v3;
	v3 =	vmov s9  }
0x153: {  	v6 =	vmul.f32 v1, v6;
	[tilespmem:s0+$0xFFFFFE00] =	vst v4;
	v3 =	vand.u32 $0xFFFFFFF9, v3  }
0x154: {  	v2 =	vmul.f32 v1, v2;
	[tilespmem:s0+$0xFFFFFE20] =	vst v5;
	v3 =	vbroadcast v3, $0x0  }
0x155: {  	v4 =	vmul.f32 v1, v8;
	[tilespmem:s0+$0xFFFFFE30] =	vst v6  }
0x156: {  	v5 =	vmul.f32 v1, v7;
	[tilespmem:s0+$0xFFFFFE50] =	vst v2  }
0x157: {  	v1 =	vmul.f32 v1, v9;
	[tilespmem:s0+$0xFFFFFE10] =	vst v4  }
0x158: {  	[tilespmem:s0+$0xFFFFFE60] =	vst v5  }
0x159: {  	[tilespmem:s0+$0xFFFFFE40] =	vst v1  }
0x15a: {  	v1 =	vld.idx.msk [tilespmem:v3+s28+$0x0], $0xffff  }
0x15b: {  	v3 =	vld [tilespmem:s0+$0xFFFFFE90]  }
0x15c: {  	v4 =	vld [tilespmem:s0+$0xFFFFFEC0]  }
0x15d: {  	v5 =	vld [tilespmem:s0+$0xFFFFFE80]  }
0x15e: {  	v6 =	vld [tilespmem:s0+$0xFFFFFED0]  }
0x15f: {  	v2 =	vld [tilespmem:s0+$0xFFFFFEF0]  }
0x160: {  	v7 =	vld [tilespmem:s0+$0xFFFFFEE0];
	v3 =	vmul.f32 v1, v3  }
0x161: {  	s10 =	simm.s32 $0x2;
	v8 =	vld [tilespmem:s0+$0xFFFFFEB0];
	v4 =	vmul.f32 v1, v4  }
0x162: {  	v9 =	vld [tilespmem:s0+$0xFFFFFEA0];
	v5 =	vmul.f32 v1, v5;
	[tilespmem:s0+$0xFFFFFE90] =	vst v3;
	v3 =	vmov s10  }
0x163: {  	v6 =	vmul.f32 v1, v6;
	[tilespmem:s0+$0xFFFFFEC0] =	vst v4;
	v3 =	vand.u32 $0xFFFFFFFA, v3  }
0x164: {  	v2 =	vmul.f32 v1, v2;
	[tilespmem:s0+$0xFFFFFE80] =	vst v5;
	v3 =	vbroadcast v3, $0x0  }
0x165: {  	v4 =	vmul.f32 v1, v7;
	[tilespmem:s0+$0xFFFFFED0] =	vst v6  }
0x166: {  	v5 =	vmul.f32 v1, v8;
	[tilespmem:s0+$0xFFFFFEF0] =	vst v2  }
0x167: {  	v1 =	vmul.f32 v1, v9;
	[tilespmem:s0+$0xFFFFFEE0] =	vst v4  }
0x168: {  	[tilespmem:s0+$0xFFFFFEB0] =	vst v5  }
0x169: {  	v2 =	vld [tilespmem:s0+$0xFFFFFF00];
	[tilespmem:s0+$0xFFFFFEA0] =	vst v1  }
0x16a: {  	v1 =	vld.idx.msk [tilespmem:v3+s28+$0x0], $0xffff  }
0x16b: {  	v3 =	vld [tilespmem:s0+$0xFFFFFF60]  }
0x16c: {  	v4 =	vld [tilespmem:s0+$0xFFFFFF10]  }
0x16d: {  	v5 =	vld [tilespmem:s0+$0xFFFFFF50]  }
0x16e: {  	v6 =	vld [tilespmem:s0+$0xFFFFFF70]  }
0x16f: {  	v7 =	vld [tilespmem:s0+$0xFFFFFF20];
	v2 =	vmul.f32 v1, v2  }
0x170: {  	s11 =	simm.s32 $0x3;
	v8 =	vld [tilespmem:s0+$0xFFFFFF30];
	v3 =	vmul.f32 v1, v3  }
0x171: {  	v9 =	vld [tilespmem:s0+$0xFFFFFF40];
	v4 =	vmul.f32 v1, v4;
	[tilespmem:s0+$0xFFFFFF00] =	vst v2;
	v2 =	vmov s11  }
0x172: {  	v5 =	vmul.f32 v1, v5;
	[tilespmem:s0+$0xFFFFFF60] =	vst v3;
	v2 =	vand.u32 $0xFFFFFFFB, v2  }
0x173: {  	v3 =	vmul.f32 v1, v6;
	[tilespmem:s0+$0xFFFFFF10] =	vst v4;
	v2 =	vbroadcast v2, $0x0  }
0x174: {  	v4 =	vmul.f32 v1, v7;
	[tilespmem:s0+$0xFFFFFF50] =	vst v5  }
0x175: {  	v5 =	vmul.f32 v1, v8;
	[tilespmem:s0+$0xFFFFFF70] =	vst v3  }
0x176: {  	v1 =	vmul.f32 v1, v9;
	[tilespmem:s0+$0xFFFFFF20] =	vst v4  }
0x177: {  	[tilespmem:s0+$0xFFFFFF30] =	vst v5  }
0x178: {  	[tilespmem:s0+$0xFFFFFF40] =	vst v1  }
0x179: {  	v1 =	vld.idx.msk [tilespmem:v2+s28+$0x0], $0xffff  }
0x17a: {  	v2 =	vld [tilespmem:s0+$0xFFFFFFB0]  }
0x17b: {  	v4 =	vld [tilespmem:s0+$0xFFFFFFE0]  }
0x17c: {  	v5 =	vld [tilespmem:s0+$0xFFFFFF80]  }
0x17d: {  	v6 =	vld [tilespmem:s0+$0xFFFFFFD0]  }
0x17e: {  	v3 =	vld [tilespmem:s0+$0xFFFFFFF0]  }
0x17f: {  	v8 =	vld [tilespmem:s0+$0xFFFFFFA0];
	v2 =	vmul.f32 v1, v2  }
0x180: {  	s22 =	simm.s32 $0x4;
	v7 =	vld [tilespmem:s0+$0xFFFFFF90];
	v4 =	vmul.f32 v1, v4  }
0x181: {  	v9 =	vld [tilespmem:s0+$0xFFFFFFC0];
	v5 =	vmul.f32 v1, v5;
	[tilespmem:s0+$0xFFFFFFB0] =	vst v2;
	v2 =	vmov s22  }
0x182: {  	v6 =	vmul.f32 v1, v6;
	[tilespmem:s0+$0xFFFFFFE0] =	vst v4;
	v2 =	vand.u32 $0xFFFFFFFC, v2  }
0x183: {  	v3 =	vmul.f32 v1, v3;
	[tilespmem:s0+$0xFFFFFF80] =	vst v5;
	v2 =	vbroadcast v2, $0x0  }
0x184: {  	v10 =	vld [tilespmem:s0+$0x40];
	v4 =	vmul.f32 v1, v8;
	[tilespmem:s0+$0xFFFFFFD0] =	vst v6  }
0x185: {  	v5 =	vmul.f32 v1, v7;
	[tilespmem:s0+$0xFFFFFFF0] =	vst v3;
	v8 =	vld [tilespmem:s0+$0x0]  }
0x186: {  	v3 =	vmul.f32 v1, v9;
	v1 =	vld [tilespmem:s0+$0x70];
	[tilespmem:s0+$0xFFFFFFA0] =	vst v4  }
0x187: {  	v7 =	vld [tilespmem:s0+$0x20];
	[tilespmem:s0+$0xFFFFFF90] =	vst v5  }
0x188: {  	v6 =	vld [tilespmem:s0+$0x30];
	[tilespmem:s0+$0xFFFFFFC0] =	vst v3  }
0x189: {  	v2 =	vld.idx.msk [tilespmem:v2+s28+$0x0], $0xffff  }
0x18a: {  	v3 =	vld [tilespmem:s0+$0x50]  }
0x18b: {  	v4 =	vld [tilespmem:s0+$0x10]  }
0x18c: {  	v5 =	vld [tilespmem:s0+$0x60];
	_ =	sdelay $0x1  }
0x18d: {  	s1 =	simm.s32 $0x4600;
	s9 =	simm.s32 $0xF;
	s22 =	simm.s32 $0x7;
	v9 =	vmul.f32 v2, v8;
	v8 =	vmul.f32 v2, v10  }
.LBB2_7:
0x18e: {  	p1 =	sne.s32 s9, $0x7F;
	v7 =	vmul.f32 v2, v7;
	v6 =	vmul.f32 v2, v6;
	s10 =	sadd.s32 $0xFFFFFFFE, s22;
	s0 =	sadd.s32 $0x400, s0  }
0x18f: {  	v3 =	vmul.f32 v2, v3;
	[tilespmem:s1+$0x0] =	vst v9;
	v4 =	vmul.f32 v2, v4;
	v9 =	vmov s10;
	s10 =	smov.u32 s9;
	s9 =	sadd.s32 $0x8, s9  }
0x190: {  	v1 =	vmul.f32 v2, v1;
	[tilespmem:s1+$0x40] =	vst v8;
	v5 =	vmul.f32 v2, v5;
	v2 =	vand.u32 $0xFFFFFFFD, v9  }
0x191: {  	[tilespmem:s1+$0x20] =	vst v7;
	v2 =	vbroadcast v2, $0x0  }
0x192: {  	[tilespmem:s1+$0x50] =	vst v3  }
0x193: {  	[tilespmem:s1+$0x70] =	vst v1;
	v1 =	vld [tilespmem:s1+$0xA0]  }
0x194: {  	[tilespmem:s1+$0x30] =	vst v6;
	v3 =	vld [tilespmem:s1+$0x80]  }
0x195: {  	[tilespmem:s1+$0x60] =	vst v5;
	v5 =	vld [tilespmem:s1+$0xD0]  }
0x196: {  	[tilespmem:s1+$0x10] =	vst v4;
	v4 =	vld [tilespmem:s1+$0xF0]  }
0x197: {  	v2 =	vld.idx.msk [tilespmem:v2+s28+$0x0], $0xffff  }
0x198: {  	v6 =	vld [tilespmem:s1+$0xC0]  }
0x199: {  	v7 =	vld [tilespmem:s1+$0xB0]  }
0x19a: {  	v8 =	vld [tilespmem:s1+$0x90]  }
0x19b: {  	v9 =	vld [tilespmem:s1+$0xE0];
	_ =	sdelay $0x1  }
0x19c: {  	v3 =	vmul.f32 v2, v3;
	v6 =	vmul.f32 v2, v6  }
0x19d: {  	s11 =	sadd.s32 $0xFFFFFFFF, s22;
	v1 =	vmul.f32 v2, v1;
	v7 =	vmul.f32 v2, v7  }
0x19e: {  	v5 =	vmul.f32 v2, v5;
	[tilespmem:s1+$0x80] =	vst v3;
	v3 =	vmul.f32 v2, v8;
	v8 =	vmov s11  }
0x19f: {  	[tilespmem:s1+$0xA0] =	vst v1;
	v1 =	vmul.f32 v2, v9;
	v2 =	vmul.f32 v2, v4;
	v4 =	vand.u32 $0xFFFFFFFE, v8  }
0x1a0: {  	[tilespmem:s1+$0xD0] =	vst v5;
	v4 =	vbroadcast v4, $0x0  }
0x1a1: {  	[tilespmem:s1+$0xC0] =	vst v6  }
0x1a2: {  	[tilespmem:s1+$0xF0] =	vst v2;
	v2 =	vld [tilespmem:s1+$0x120]  }
0x1a3: {  	[tilespmem:s1+$0xB0] =	vst v7;
	v5 =	vld [tilespmem:s1+$0x100]  }
0x1a4: {  	[tilespmem:s1+$0x90] =	vst v3;
	v3 =	vld [tilespmem:s1+$0x140]  }
0x1a5: {  	[tilespmem:s1+$0xE0] =	vst v1;
	v1 =	vld [tilespmem:s1+$0x130]  }
0x1a6: {  	v4 =	vld.idx.msk [tilespmem:v4+s28+$0x0], $0xffff  }
0x1a7: {  	v6 =	vld [tilespmem:s1+$0x110]  }
0x1a8: {  	v7 =	vld [tilespmem:s1+$0x160]  }
0x1a9: {  	v8 =	vld [tilespmem:s1+$0x150]  }
0x1aa: {  	v9 =	vld [tilespmem:s1+$0x170];
	_ =	sdelay $0x1  }
0x1ab: {  	v5 =	vmul.f32 v4, v5;
	v6 =	vmul.f32 v4, v6  }
0x1ac: {  	v2 =	vmul.f32 v4, v2;
	v1 =	vmul.f32 v4, v1  }
0x1ad: {  	v3 =	vmul.f32 v4, v3;
	[tilespmem:s1+$0x100] =	vst v5;
	v5 =	vmul.f32 v4, v8  }
0x1ae: {  	[tilespmem:s1+$0x120] =	vst v2;
	v2 =	vmul.f32 v4, v7;
	v4 =	vmul.f32 v4, v9  }
0x1af: {  	[tilespmem:s1+$0x130] =	vst v1  }
0x1b0: {  	v1 =	vmov s22;
	s22 =	smov.u32 s10;
	[tilespmem:s1+$0x140] =	vst v3  }
0x1b1: {  	[tilespmem:s1+$0x160] =	vst v2;
	v2 =	vld [tilespmem:s1+$0x180]  }
0x1b2: {  	[tilespmem:s1+$0x110] =	vst v6;
	v3 =	vld [tilespmem:s1+$0x1A0]  }
0x1b3: {  	[tilespmem:s1+$0x150] =	vst v5;
	v5 =	vld [tilespmem:s1+$0x1F0]  }
0x1b4: {  	[tilespmem:s1+$0x170] =	vst v4;
	v4 =	vld [tilespmem:s1+$0x1D0]  }
0x1b5: {  	v1 =	vld.idx.msk [tilespmem:v1+s28+$0x0], $0xffff  }
0x1b6: {  	v6 =	vld [tilespmem:s1+$0x190]  }
0x1b7: {  	v7 =	vld [tilespmem:s1+$0x1B0]  }
0x1b8: {  	v8 =	vld [tilespmem:s1+$0x1C0]  }
0x1b9: {  	v9 =	vld [tilespmem:s1+$0x1E0];
	_ =	sdelay $0x1  }
0x1ba: {  	v2 =	vmul.f32 v1, v2;
	v6 =	vmul.f32 v1, v6  }
0x1bb: {  	s10 =	sadd.s32 $0xFFFFFFF9, s22;
	v3 =	vmul.f32 v1, v3;
	v7 =	vmul.f32 v1, v7  }
0x1bc: {  	v10 =	vmov s10;
	v4 =	vmul.f32 v1, v4;
	[tilespmem:s1+$0x180] =	vst v2;
	v2 =	vmul.f32 v1, v8  }
0x1bd: {  	v8 =	vand.u32 $0xFFFFFFF8, v10;
	[tilespmem:s1+$0x190] =	vst v6;
	v6 =	vmul.f32 v1, v9;
	v1 =	vmul.f32 v1, v5  }
0x1be: {  	v5 =	vbroadcast v8, $0x0;
	[tilespmem:s1+$0x1A0] =	vst v3  }
0x1bf: {  	[tilespmem:s1+$0x1F0] =	vst v1  }
0x1c0: {  	v1 =	vld [tilespmem:s0+$0xFFFFFE50];
	[tilespmem:s1+$0x1D0] =	vst v4  }
0x1c1: {  	v3 =	vld [tilespmem:s0+$0xFFFFFE30];
	[tilespmem:s1+$0x1B0] =	vst v7  }
0x1c2: {  	v4 =	vld [tilespmem:s0+$0xFFFFFE60];
	[tilespmem:s1+$0x1E0] =	vst v6  }
0x1c3: {  	v6 =	vld [tilespmem:s0+$0xFFFFFE70];
	[tilespmem:s1+$0x1C0] =	vst v2;
	s1 =	smov.u32 s0  }
0x1c4: {  	v2 =	vld.idx.msk [tilespmem:v5+s28+$0x0], $0xffff  }
0x1c5: {  	v5 =	vld [tilespmem:s0+$0xFFFFFE00]  }
0x1c6: {  	v7 =	vld [tilespmem:s0+$0xFFFFFE20]  }
0x1c7: {  	v8 =	vld [tilespmem:s0+$0xFFFFFE10]  }
0x1c8: {  	v9 =	vld [tilespmem:s0+$0xFFFFFE40];
	_ =	sdelay $0x1  }
0x1c9: {  	v6 =	vmul.f32 v2, v6;
	v5 =	vmul.f32 v2, v5  }
0x1ca: {  	s10 =	sadd.s32 $0xFFFFFFFA, s22;
	v4 =	vmul.f32 v2, v4;
	v7 =	vmul.f32 v2, v7  }
0x1cb: {  	v3 =	vmul.f32 v2, v3;
	v8 =	vmul.f32 v2, v8;
	[tilespmem:s0+$0xFFFFFE70] =	vst v6;
	v6 =	vmov s10  }
0x1cc: {  	v1 =	vmul.f32 v2, v1;
	[tilespmem:s0+$0xFFFFFE00] =	vst v5;
	v5 =	vmul.f32 v2, v9;
	v2 =	vand.u32 $0xFFFFFFF9, v6  }
0x1cd: {  	[tilespmem:s0+$0xFFFFFE20] =	vst v7;
	v2 =	vbroadcast v2, $0x0  }
0x1ce: {  	[tilespmem:s0+$0xFFFFFE30] =	vst v3  }
0x1cf: {  	[tilespmem:s0+$0xFFFFFE50] =	vst v1;
	v1 =	vld [tilespmem:s0+$0xFFFFFEF0]  }
0x1d0: {  	[tilespmem:s0+$0xFFFFFE10] =	vst v8;
	v3 =	vld [tilespmem:s0+$0xFFFFFED0]  }
0x1d1: {  	[tilespmem:s0+$0xFFFFFE60] =	vst v4;
	v4 =	vld [tilespmem:s0+$0xFFFFFEB0]  }
0x1d2: {  	[tilespmem:s0+$0xFFFFFE40] =	vst v5;
	v5 =	vld [tilespmem:s0+$0xFFFFFEC0]  }
0x1d3: {  	v2 =	vld.idx.msk [tilespmem:v2+s28+$0x0], $0xffff  }
0x1d4: {  	v6 =	vld [tilespmem:s0+$0xFFFFFE90]  }
0x1d5: {  	v7 =	vld [tilespmem:s0+$0xFFFFFE80]  }
0x1d6: {  	v8 =	vld [tilespmem:s0+$0xFFFFFEA0]  }
0x1d7: {  	v9 =	vld [tilespmem:s0+$0xFFFFFEE0];
	_ =	sdelay $0x1  }
0x1d8: {  	v5 =	vmul.f32 v2, v5;
	v6 =	vmul.f32 v2, v6  }
0x1d9: {  	s10 =	sadd.s32 $0xFFFFFFFB, s22;
	v4 =	vmul.f32 v2, v4;
	v7 =	vmul.f32 v2, v7  }
0x1da: {  	v3 =	vmul.f32 v2, v3;
	[tilespmem:s0+$0xFFFFFE90] =	vst v6;
	v6 =	vmul.f32 v2, v8;
	v8 =	vmov s10  }
0x1db: {  	v1 =	vmul.f32 v2, v1;
	[tilespmem:s0+$0xFFFFFEC0] =	vst v5;
	v5 =	vmul.f32 v2, v9;
	v2 =	vand.u32 $0xFFFFFFFA, v8  }
0x1dc: {  	[tilespmem:s0+$0xFFFFFE80] =	vst v7;
	v2 =	vbroadcast v2, $0x0  }
0x1dd: {  	[tilespmem:s0+$0xFFFFFED0] =	vst v3  }
0x1de: {  	[tilespmem:s0+$0xFFFFFEE0] =	vst v5;
	v3 =	vld [tilespmem:s0+$0xFFFFFF70]  }
0x1df: {  	[tilespmem:s0+$0xFFFFFEB0] =	vst v4;
	v4 =	vld [tilespmem:s0+$0xFFFFFF50]  }
0x1e0: {  	[tilespmem:s0+$0xFFFFFEF0] =	vst v1;
	v1 =	vld [tilespmem:s0+$0xFFFFFF20]  }
0x1e1: {  	[tilespmem:s0+$0xFFFFFEA0] =	vst v6;
	v5 =	vld [tilespmem:s0+$0xFFFFFF60]  }
0x1e2: {  	v2 =	vld.idx.msk [tilespmem:v2+s28+$0x0], $0xffff  }
0x1e3: {  	v6 =	vld [tilespmem:s0+$0xFFFFFF00]  }
0x1e4: {  	v7 =	vld [tilespmem:s0+$0xFFFFFF10]  }
0x1e5: {  	v8 =	vld [tilespmem:s0+$0xFFFFFF40]  }
0x1e6: {  	v9 =	vld [tilespmem:s0+$0xFFFFFF30];
	_ =	sdelay $0x1  }
0x1e7: {  	v5 =	vmul.f32 v2, v5;
	v6 =	vmul.f32 v2, v6  }
0x1e8: {  	s10 =	sadd.s32 $0xFFFFFFFC, s22;
	v1 =	vmul.f32 v2, v1;
	v7 =	vmul.f32 v2, v7  }
0x1e9: {  	v4 =	vmul.f32 v2, v4;
	[tilespmem:s0+$0xFFFFFF00] =	vst v6;
	v6 =	vmul.f32 v2, v8;
	v8 =	vmov s10  }
0x1ea: {  	v9 =	vmul.f32 v2, v9;
	[tilespmem:s0+$0xFFFFFF60] =	vst v5;
	v2 =	vmul.f32 v2, v3;
	v3 =	vand.u32 $0xFFFFFFFB, v8  }
0x1eb: {  	[tilespmem:s0+$0xFFFFFF10] =	vst v7;
	v3 =	vbroadcast v3, $0x0  }
0x1ec: {  	[tilespmem:s0+$0xFFFFFF50] =	vst v4  }
0x1ed: {  	[tilespmem:s0+$0xFFFFFF70] =	vst v2;
	v2 =	vld [tilespmem:s0+$0xFFFFFFF0]  }
0x1ee: {  	[tilespmem:s0+$0xFFFFFF20] =	vst v1;
	v1 =	vld [tilespmem:s0+$0xFFFFFFD0]  }
0x1ef: {  	[tilespmem:s0+$0xFFFFFF30] =	vst v9;
	v4 =	vld [tilespmem:s0+$0xFFFFFF90]  }
0x1f0: {  	[tilespmem:s0+$0xFFFFFF40] =	vst v6;
	v5 =	vld [tilespmem:s0+$0xFFFFFFE0]  }
0x1f1: {  	v3 =	vld.idx.msk [tilespmem:v3+s28+$0x0], $0xffff  }
0x1f2: {  	v6 =	vld [tilespmem:s0+$0xFFFFFFB0]  }
0x1f3: {  	v7 =	vld [tilespmem:s0+$0xFFFFFF80]  }
0x1f4: {  	v8 =	vld [tilespmem:s0+$0xFFFFFFC0]  }
0x1f5: {  	v9 =	vld [tilespmem:s0+$0xFFFFFFA0];
	_ =	sdelay $0x1  }
0x1f6: {  	v5 =	vmul.f32 v3, v5;
	v6 =	vmul.f32 v3, v6  }
0x1f7: {  	s10 =	sadd.s32 $0xFFFFFFFD, s22;
	v4 =	vmul.f32 v3, v4;
	v7 =	vmul.f32 v3, v7  }
0x1f8: {  	v1 =	vmul.f32 v3, v1;
	[tilespmem:s0+$0xFFFFFFB0] =	vst v6;
	v6 =	vmul.f32 v3, v8;
	v8 =	vmov s10  }
0x1f9: {  	v2 =	vmul.f32 v3, v2;
	v9 =	vmul.f32 v3, v9;
	[tilespmem:s0+$0xFFFFFFE0] =	vst v5;
	v3 =	vand.u32 $0xFFFFFFFC, v8  }
0x1fa: {  	[tilespmem:s0+$0xFFFFFF80] =	vst v7;
	v5 =	vbroadcast v3, $0x0  }
0x1fb: {  	[tilespmem:s0+$0xFFFFFFD0] =	vst v1  }
0x1fc: {  	[tilespmem:s0+$0xFFFFFFF0] =	vst v2;
	v8 =	vld [tilespmem:s0+$0x0]  }
0x1fd: {  	[tilespmem:s0+$0xFFFFFFA0] =	vst v9;
	v1 =	vld [tilespmem:s0+$0x70]  }
0x1fe: {  	[tilespmem:s0+$0xFFFFFF90] =	vst v4;
	v3 =	vld [tilespmem:s0+$0x50]  }
0x1ff: {  	[tilespmem:s0+$0xFFFFFFC0] =	vst v6;
	v7 =	vld [tilespmem:s0+$0x20]  }
0x200: {  	v2 =	vld.idx.msk [tilespmem:v5+s28+$0x0], $0xffff  }
0x201: {  	v10 =	vld [tilespmem:s0+$0x40]  }
.Ltmp2:
0x202: {  	v6 =	vld [tilespmem:s0+$0x30];
	(pc) =	sbr.rel @p1 .LBB2_7-.Ltmp2, $3  }
0x203: {  	v4 =	vld [tilespmem:s0+$0x10]  }
0x204: {  	v5 =	vld [tilespmem:s0+$0x60];
	_ =	sdelay $0x1  }
0x205: {  	v9 =	vmul.f32 v2, v8;
	v8 =	vmul.f32 v2, v10  }
0x206: {  	s0 =	sadd.s32 $0xFFFFFFFE, s22  }
0x207: {  	v7 =	vmul.f32 v2, v7;
	[tilespmem:s1+$0x0] =	vst v9;
	v37 =	vmov s0  }
0x208: {  	v3 =	vmul.f32 v2, v3;
	[tilespmem:s1+$0x40] =	vst v8;
	v38 =	vand.u32 $0xFFFFFFFD, v37  }
0x209: {  	v1 =	vmul.f32 v2, v1;
	[tilespmem:s1+$0x20] =	vst v7;
	v39 =	vbroadcast v38, $0x0  }
0x20a: {  	v6 =	vmul.f32 v2, v6;
	[tilespmem:s1+$0x50] =	vst v3  }
0x20b: {  	v3 =	vmul.f32 v2, v5;
	[tilespmem:s1+$0x70] =	vst v1  }
0x20c: {  	v1 =	vmul.f32 v2, v4;
	[tilespmem:s1+$0x30] =	vst v6  }
0x20d: {  	[tilespmem:s1+$0x60] =	vst v3  }
0x20e: {  	v2 =	vld [tilespmem:s1+$0x80];
	[tilespmem:s1+$0x10] =	vst v1  }
0x20f: {  	v1 =	vld.idx.msk [tilespmem:v39+s28+$0x0], $0xffff  }
0x210: {  	v3 =	vld [tilespmem:s1+$0xA0]  }
0x211: {  	v40 =	vld [tilespmem:s1+$0xD0]  }
0x212: {  	v41 =	vld [tilespmem:s1+$0xC0]  }
0x213: {  	v42 =	vld [tilespmem:s1+$0xF0]  }
0x214: {  	v44 =	vld [tilespmem:s1+$0x90];
	v2 =	vmul.f32 v1, v2  }
0x215: {  	v43 =	vld [tilespmem:s1+$0xB0];
	s11 =	sadd.s32 $0xFFFFFFFF, s22;
	v3 =	vmul.f32 v1, v3  }
0x216: {  	v45 =	vld [tilespmem:s1+$0xE0];
	v46 =	vmov s11;
	[tilespmem:s1+$0x80] =	vst v2;
	v2 =	vmul.f32 v1, v40  }
0x217: {  	v5 =	vmul.f32 v1, v41;
	[tilespmem:s1+$0xA0] =	vst v3;
	v3 =	vand.u32 $0xFFFFFFFE, v46  }
0x218: {  	v47 =	vmul.f32 v1, v42;
	[tilespmem:s1+$0xD0] =	vst v2;
	v2 =	vbroadcast v3, $0x0  }
0x219: {  	v48 =	vmul.f32 v1, v44;
	[tilespmem:s1+$0xC0] =	vst v5  }
0x21a: {  	[tilespmem:s1+$0xF0] =	vst v47;
	v3 =	vmul.f32 v1, v43  }
0x21b: {  	[tilespmem:s1+$0x90] =	vst v48;
	v1 =	vmul.f32 v1, v45  }
0x21c: {  	[tilespmem:s1+$0xB0] =	vst v3  }
0x21d: {  	v3 =	vld [tilespmem:s1+$0x100];
	[tilespmem:s1+$0xE0] =	vst v1  }
0x21e: {  	v1 =	vld.idx.msk [tilespmem:v2+s28+$0x0], $0xffff  }
0x21f: {  	v2 =	vld [tilespmem:s1+$0x120]  }
0x220: {  	v49 =	vld [tilespmem:s1+$0x130]  }
0x221: {  	v50 =	vld [tilespmem:s1+$0x140]  }
0x222: {  	v52 =	vld [tilespmem:s1+$0x110]  }
0x223: {  	v53 =	vld [tilespmem:s1+$0x150];
	v3 =	vmul.f32 v1, v3  }
0x224: {  	v51 =	vld [tilespmem:s1+$0x160];
	v2 =	vmul.f32 v1, v2  }
0x225: {  	v54 =	vld [tilespmem:s1+$0x170];
	v4 =	vmul.f32 v1, v49;
	[tilespmem:s1+$0x100] =	vst v3  }
0x226: {  	v3 =	vmul.f32 v1, v50;
	[tilespmem:s1+$0x120] =	vst v2  }
0x227: {  	v55 =	vmul.f32 v1, v52;
	[tilespmem:s1+$0x130] =	vst v4  }
0x228: {  	v56 =	vmul.f32 v1, v53;
	[tilespmem:s1+$0x140] =	vst v3;
	v3 =	vmov s22  }
0x229: {  	v2 =	vmul.f32 v1, v51;
	[tilespmem:s1+$0x110] =	vst v55  }
0x22a: {  	v1 =	vmul.f32 v1, v54;
	[tilespmem:s1+$0x150] =	vst v56  }
0x22b: {  	[tilespmem:s1+$0x160] =	vst v2  }
0x22c: {  	v2 =	vld [tilespmem:s1+$0x180];
	[tilespmem:s1+$0x170] =	vst v1  }
0x22d: {  	v1 =	vld.idx.msk [tilespmem:v3+s28+$0x0], $0xffff  }
0x22e: {  	v3 =	vld [tilespmem:s1+$0x190]  }
0x22f: {  	v57 =	vld [tilespmem:s1+$0x1A0]  }
0x230: {  	v60 =	vld [tilespmem:s1+$0x1B0]  }
0x231: {  	v58 =	vld [tilespmem:s1+$0x1F0]  }
0x232: {  	v59 =	vld [tilespmem:s1+$0x1D0];
	v2 =	vmul.f32 v1, v2  }
0x233: {  	v61 =	vld [tilespmem:s1+$0x1E0];
	v3 =	vmul.f32 v1, v3  }
0x234: {  	v62 =	vld [tilespmem:s1+$0x1C0];
	v4 =	vmul.f32 v1, v57;
	[tilespmem:s1+$0x180] =	vst v2  }
0x235: {  	v63 =	vmul.f32 v1, v60;
	[tilespmem:s1+$0x190] =	vst v3  }
0x236: {  	v2 =	vmul.f32 v1, v58;
	[tilespmem:s1+$0x1A0] =	vst v4  }
0x237: {  	v3 =	vmul.f32 v1, v59;
	[tilespmem:s1+$0x1B0] =	vst v63  }
0x238: {  	[tilespmem:s1+$0x1F0] =	vst v2;
	v2 =	vmul.f32 v1, v61  }
0x239: {  	[tilespmem:s1+$0x1D0] =	vst v3;
	v1 =	vmul.f32 v1, v62  }
0x23a: {  	[tilespmem:s1+$0x1E0] =	vst v2  }
0x23b: {  	[tilespmem:s1+$0x1C0] =	vst v1  }
0x23c: {  	[spmem:s2] =	stream.indirect.scatter.add.f32 [tilespmem:s23], [sflag:$0x3], $0x80, s29, s21, $0xb8;
	[tilespmem:$0x1C400] =	vst v63  }
0x23d: {  	s0 =	sadd.s32 @!p0 s31, s16;
	_ =	swait.ge [sflag:s20], $0x4000  }
0x23e: {  	s9 =	simm.s32 @!p0 $0x200;
	s0 =	sshrl.u32 @!p0 s0, $0x3;
	[sflag:s20] =	ssyncset.done $0x0  }
0x23f: {  	s0 =	sadd.s32 @!p0 s5, s0;
	s1 =	simm.s32 @!p0 $0x0;
	[sflag:s20] =	ssyncadd.s32 $0xFFFFC000  }
0x240: {  	[tilespmem:s9], [sflag:$0x3] =	stream.linear.gather @!p0 [hbm4b:s0+s1], $0x180, $0x38;
	[tilespmem:$0x1C400] =	vst v63  }
0x241: {  	s0 =	simm.s32 @!p0 $0x3  }
0x242: {  	_ =	swait.ge @!p0 [sflag:s0], $0x180  }
0x243: {  	s30 =	sadd.s32 $0x1, s30;
	[sflag:s0] =	ssyncset.done @!p0 $0x0  }
0x244: {  	s1 =	simm.s32 @!p0 $0x4400;
	[sflag:s0] =	ssyncadd.s32 @!p0 $0xFFFFFE80;
	s0 =	simm.s32 @!p0 $0x80  }
0x245: {  	[tilespmem:s1], [sflag:$0x2] =	stream.indirect.gather @!p0 [hbm4b:s4+s0], $0x80, s9, s0, $0xb8;
	[tilespmem:$0x1C400] =	vst v63  }
0x246: {  	p0 =	sne.s32 s30, s6  }
.Ltmp3:
0x247: {  	_ = 	snop;
	(pc) =	sbr.rel @p0 .LBB2_4-.Ltmp3, $1  }
0x248: {  	_ =	sdelay $0x3  }
0x249: {  	s0 =	stileid.u32;
	s3 =	sadd.s32 $0x1, s3  }
0x24a: {  	[bflag:$0x0] =	sbarrier.arrive $0xFFFF;
	s0 =	sshll.u32 s0, $0x6;
	p0 =	sne.s32 s3, s18  }
.Ltmp4:
0x24b: {  	s1 =	sshrl.u32 s7, $0x3;
	s0 =	sor.u32 $0x1C03, s0;
	(pc) =	sbr.rel @p0 .LBB2_1-.Ltmp4, $4  }
0x24c: {  	[hbm:s17], [sflag:s0] =	dma.local [spmem:s1], $0x2800  }
0x24d: {  	_ =	swait.ge [sflag:s20], $0x2800  }
0x24e: {  	[sflag:s20] =	ssyncset.done $0x0  }
0x24f: {  	[sflag:s20] =	ssyncadd.s32 $0xFFFFD800  }
0x250: {  	_ =	sfence.sel $0x180000  }
0x251: {  	[bflag:$0x0] =	sbarrier.arrive $0xFFFF  }
0x252: {  	_ =	strace $0x9000004A  }
0x253: {  	s0 =	stileid.u32;
	[bflag:$0x2] =	sbarrier.arrive $0xFFFF  }
0x254: {  	p0 =	sne.s32 s0, $0x0;
	s0 =	rddreg [dreg:$0x2]  }
0x255: {  	s0 =	sadd.s32 @!p0 $0x100000, s0  }
0x256: {  	[sflag:s0] =	ssyncadd.tile.s32 @!p0 $0x1;
	_ =	shalt  }
.Lfunc_end2:
_tile_overlayer_lowered:
.L_overlay_start_2:
0x257: {  	(tag) =	ssettag $0x2  }
0x258: {  	s0 =	rddreg [dreg:$0x0];
	s2 =	stileid.u32  }
0x259: {  	s1 =	rddreg [dreg:$0x1];
	p0 =	sne.s32 s2, $0x0  }
0x25a: {  	s3 =	rddreg [dreg:$0x2];
	[bflag:$0x3] =	sbarrier.arrive $0xFFFF;
	s2 =	simm.s32 @!p0 $0x1C03  }
0x25b: {  	[timem:s3], [sflag:s2] =	dma.local @!p0 [hbm:s0], s1  }
0x25c: {  	s0 =	simm.s32 @!p0 $0x3  }
0x25d: {  	_ =	swait.ge @!p0 [sflag:s0], s1  }
0x25e: {  	s1 =	ssub.s32 @!p0 $0x0, s1;
	[sflag:s0] =	ssyncset.done @!p0 $0x0  }
0x25f: {  	[sflag:s0] =	ssyncadd.s32 @!p0 s1  }
0x260: {  	[bflag:$0x3] =	sbarrier.arrive $0xFFFF  }
0x261: {  	_ =	shalt  }

</sc_bundles>
